<compile_context>
chip_gen: v7x
topology: tpu7x:2x2x1
jax: 0.10.2.dev20260603
libtpu: 0.0.44.dev20260713+nightly
codegen_flags: <defaults>
</compile_context>

<pallas_src>
import functools

import jax
import jax.numpy as jnp
from jax import lax
from jax.experimental import pallas as pl
from jax.experimental.pallas import tpu as pltpu
from jax.experimental.pallas import tpu_sc as plsc

N = 10000
E = 320000
D = 128
R = 32
NC, NS = 2, 16
NW = NC * NS
CH = 80
CHG = 128

N_PAD = 10240
ROWS_PER_TILE = N_PAD // NS
NODE_PAD = NW * 3 * CHG
E_PAD = NW * 126 * CH
NCHUNK = E_PAD // (NW * CH)
DUMMY = N

_mesh = plsc.VectorSubcoreMesh(core_axis_name="c", subcore_axis_name="s")


def _zero_rows(buf, ncols):
    z = jnp.zeros((16,), jnp.float32)

    def row(i, _):
        for d in range(ncols // 16):
            buf[i, pl.ds(d * 16, 16)] = z
        return 0

    lax.fori_loop(0, buf.shape[0], row, 0)


@functools.partial(
    pl.kernel,
    out_type=(
        jax.ShapeDtypeStruct((NODE_PAD, D), jnp.float32),
        jax.ShapeDtypeStruct((NC, N_PAD, D), jnp.float32),
    ),
    mesh=_mesh,
    scratch_types=[
        pltpu.VMEM((CHG,), jnp.int32),
        pltpu.VMEM((CHG,), jnp.int32),
        pltpu.VMEM((CHG, D), jnp.float32),
        pltpu.VMEM((CHG, D), jnp.float32),
        pltpu.VMEM((CH,), jnp.int32),
        pltpu.VMEM((CH,), jnp.int32),
        pltpu.VMEM((CH, D), jnp.float32),
        pltpu.VMEM_SHARED((N_PAD, D), jnp.float32),
        pltpu.SemaphoreType.DMA,
        pltpu.SemaphoreType.DMA,
        pltpu.SemaphoreType.DMA,
        pltpu.SemaphoreType.DMA,
    ],
)
def _prep(table_hbm, nidx_hbm, idx_hbm, out_hbm, deg_out,
          i0, i1, r0, r1, d0, d1, ones, deg_s, g0, g1, s0, s1):
    c = lax.axis_index("c")
    s = lax.axis_index("s")
    wid = c * NS + s
    base = s * ROWS_PER_TILE

    _zero_rows(ones, D)
    for k in range(ROWS_PER_TILE // CH):
        pltpu.sync_copy(ones, deg_s.at[pl.ds(base + k * CH, CH)])
    o = jnp.full((16,), 1.0, jnp.float32)

    def onesrow(i, _):
        ones[i, pl.ds(0, 16)] = o
        return 0

    lax.fori_loop(0, CH, onesrow, 0)
    plsc.subcore_barrier()

    idx = (i0, i1)
    rows = (r0, r1)
    gsem = (g0, g1)
    nch = NODE_PAD // (NW * CHG)
    gbase = wid * nch
    pltpu.sync_copy(nidx_hbm.at[gbase], i0)
    pltpu.async_copy(table_hbm.at[i0], r0, g0)
    for j in range(nch):
        b = j % 2
        if j + 1 < nch:
            b2 = (j + 1) % 2
            pltpu.sync_copy(nidx_hbm.at[gbase + j + 1], idx[b2])
            pltpu.async_copy(table_hbm.at[idx[b2]], rows[b2], gsem[b2])
        pltpu.make_async_copy(table_hbm.at[idx[b]], rows[b], gsem[b]).wait()
        pltpu.sync_copy(rows[b], out_hbm.at[pl.ds((gbase + j) * CHG, CHG)])

    didx = (d0, d1)
    sems = (s0, s1)
    row0 = wid * NCHUNK

    def pair(p, _):
        for b in range(2):
            t = 2 * p + b

            @pl.when(p >= 1)
            def _():
                pltpu.make_async_copy(ones, deg_s.at[didx[b]], sems[b]).wait()

            pltpu.sync_copy(idx_hbm.at[row0 + t, 1], didx[b])
            pltpu.async_copy(ones, deg_s.at[didx[b]], sems[b], add=True)
        return 0

    lax.fori_loop(0, NCHUNK // 2, pair, 0)
    for b in range(2):
        pltpu.make_async_copy(ones, deg_s.at[didx[b]], sems[b]).wait()
    plsc.subcore_barrier()

    for k in range(ROWS_PER_TILE // CH):
        sl = pl.ds(base + k * CH, CH)
        pltpu.sync_copy(deg_s.at[sl], deg_out.at[c, sl])


@functools.partial(
    pl.kernel,
    out_type=jax.ShapeDtypeStruct((NC, N_PAD, D), jnp.float32),
    mesh=_mesh,
    scratch_types=[
        pltpu.VMEM((3, CH), jnp.int32),
        pltpu.VMEM((3, CH), jnp.int32),
        pltpu.VMEM((CH, D), jnp.float32),
        pltpu.VMEM((CH, D), jnp.float32),
        pltpu.VMEM((CH, D), jnp.float32),
        pltpu.VMEM((CH, D), jnp.float32),
        pltpu.VMEM_SHARED((R, D), jnp.float32),
        pltpu.VMEM_SHARED((N_PAD, D), jnp.float32),
        pltpu.SemaphoreType.DMA,
        pltpu.SemaphoreType.DMA,
        pltpu.SemaphoreType.DMA,
        pltpu.SemaphoreType.DMA,
        pltpu.SemaphoreType.DMA,
        pltpu.SemaphoreType.DMA,
    ],
)
def _edge_agg(h_hbm, rel_hbm, idx_hbm, agg_out,
              ib0, ib1, hb0, hb1, wb0, wb1, rel_s, agg_s,
              hs0, hs1, ws0, ws1, ss0, ss1):
    c = lax.axis_index("c")
    s = lax.axis_index("s")
    wid = c * NS + s
    base = s * ROWS_PER_TILE

    _zero_rows(hb0, D)
    for k in range(ROWS_PER_TILE // CH):
        pltpu.sync_copy(hb0, agg_s.at[pl.ds(base + k * CH, CH)])

    @pl.when(s == 0)
    def _():
        pltpu.sync_copy(rel_hbm, rel_s)

    plsc.subcore_barrier()

    ib = (ib0, ib1)
    hb = (hb0, hb1)
    wb = (wb0, wb1)
    hs = (hs0, hs1)
    ws = (ws0, ws1)
    ss = (ss0, ss1)
    row0 = wid * NCHUNK

    pltpu.sync_copy(idx_hbm.at[row0], ib0)
    pltpu.async_copy(h_hbm.at[ib0.at[0]], hb0, hs0)
    pltpu.async_copy(rel_s.at[ib0.at[2]], wb0, ws0)

    def pair(p, _):
        for b in range(2):
            t = 2 * p + b
            b2 = 1 - b
            pltpu.make_async_copy(h_hbm.at[ib[b].at[0]], hb[b], hs[b]).wait()
            pltpu.make_async_copy(rel_s.at[ib[b].at[2]], wb[b], ws[b]).wait()

            @pl.when(t >= 1)
            def _():
                pltpu.make_async_copy(hb[b2], agg_s.at[ib[b2].at[1]], ss[b2]).wait()

            @pl.when(t + 1 < NCHUNK)
            def _():
                pltpu.sync_copy(idx_hbm.at[row0 + t + 1], ib[b2])
                pltpu.async_copy(h_hbm.at[ib[b2].at[0]], hb[b2], hs[b2])
                pltpu.async_copy(rel_s.at[ib[b2].at[2]], wb[b2], ws[b2])

            @plsc.parallel_loop(0, CH, unroll=4)
            def _(i):
                for d in range(D // 16):
                    sl = pl.ds(d * 16, 16)
                    hb[b][i, sl] = hb[b][i, sl] * wb[b][i, sl]

            pltpu.async_copy(hb[b], agg_s.at[ib[b].at[1]], ss[b], add=True)
        return 0

    lax.fori_loop(0, NCHUNK // 2, pair, 0)
    pltpu.make_async_copy(hb1, agg_s.at[ib1.at[1]], ss1).wait()
    plsc.subcore_barrier()

    for k in range(ROWS_PER_TILE // CH):
        sl = pl.ds(base + k * CH, CH)
        pltpu.sync_copy(agg_s.at[sl], agg_out.at[c, sl])


N_BLK = 2000


def _make_mm_body(relu):
    def body(agg_ref, deg_ref, h_ref, ws_ref, wn_ref, b_ref, o_ref):
        agg = agg_ref[0] + agg_ref[1]
        d = deg_ref[0, :, :1] + deg_ref[1, :, :1]
        hn = agg / jnp.maximum(d, 1.0)
        acc = jnp.dot(h_ref[...], ws_ref[...], preferred_element_type=jnp.float32)
        acc += jnp.dot(hn, wn_ref[...], preferred_element_type=jnp.float32)
        acc += b_ref[...]
        o_ref[...] = jnp.maximum(acc, 0.0) if relu else acc

    return body


def _sage_mm(aggp, degp, h, Ws, Wn, b, relu):
    return pl.pallas_call(
        _make_mm_body(relu),
        grid=(N // N_BLK,),
        in_specs=[
            pl.BlockSpec((NC, N_BLK, D), lambda i: (0, i, 0)),
            pl.BlockSpec((NC, N_BLK, 8), lambda i: (0, i, 0)),
            pl.BlockSpec((N_BLK, D), lambda i: (i, 0)),
            pl.BlockSpec((D, D), lambda i: (0, 0)),
            pl.BlockSpec((D, D), lambda i: (0, 0)),
            pl.BlockSpec((1, D), lambda i: (0, 0)),
        ],
        out_specs=pl.BlockSpec((N_BLK, D), lambda i: (i, 0)),
        out_shape=jax.ShapeDtypeStruct((N, D), jnp.float32),
    )(aggp, degp, h, Ws, Wn, b.reshape(1, D))


@jax.jit
def _run(node_idx, src, dst, etype, pre_embed, rel_weght,
         W_self0, W_neigh0, b0, W_self1, W_neigh1, b1):
    i32 = jnp.int32
    nidx = jnp.concatenate(
        [node_idx.astype(i32), jnp.zeros((NODE_PAD - N,), i32)]
    ).reshape(NODE_PAD // CHG, CHG)
    src_p = jnp.concatenate(
        [src.astype(i32), jnp.zeros((E_PAD - E,), i32)]
    ).reshape(E_PAD // CH, CH)
    dst_p = jnp.concatenate(
        [dst.astype(i32), jnp.full((E_PAD - E,), DUMMY, i32)]
    ).reshape(E_PAD // CH, CH)
    typ_p = jnp.concatenate(
        [etype.astype(i32), jnp.zeros((E_PAD - E,), i32)]
    ).reshape(E_PAD // CH, CH)
    idx_p = jnp.stack([src_p, dst_p, typ_p], axis=1)

    h0p, degf = _prep(pre_embed, nidx, idx_p)
    h0 = h0p[:N]
    degp = degf[:, :, :8]

    agg0 = _edge_agg(h0, rel_weght, idx_p)
    h1 = _sage_mm(agg0, degp, h0, W_self0, W_neigh0, b0, True)

    agg1 = _edge_agg(h1, rel_weght, idx_p)
    h2 = _sage_mm(agg1, degp, h1, W_self1, W_neigh1, b1, False)
    return h2


def kernel(node_idx, edge_index, edge_type, pre_embed, rel_weght,
           W_self0, W_neigh0, b0, W_self1, W_neigh1, b1):
    return _run(node_idx, edge_index[0], edge_index[1], edge_type,
                pre_embed, rel_weght,
                W_self0, W_neigh0, b0, W_self1, W_neigh1, b1)

# --- scband reference (transcript-rebuilt; emitter-appended) ---
"""Pipeline reference for scband-graph-sage-9552007266919 (READ-ONLY COPY).

The authoritative reference and input builder live on the scoring server;
editing this copy changes nothing except your own understanding.
"""

import jax, jax.numpy as jnp
import numpy as np

N_GRAPH = 10000
N_EDGES = 320000
NUM_NODES = 100000
NUM_RELS = 32
EMB_DIM = 128


def setup_inputs(seed: int = 0):
    key = jax.random.key(seed)
    ks = jax.random.split(key, 12)
    node_idx = jax.random.randint(ks[0], (N_GRAPH,), 0, NUM_NODES, dtype=jnp.int64 if jax.config.jax_enable_x64 else jnp.int32)
    edge_index = jax.random.randint(ks[1], (2, N_EDGES), 0, N_GRAPH, dtype=jnp.int64 if jax.config.jax_enable_x64 else jnp.int32)
    edge_type = jax.random.randint(ks[2], (N_EDGES,), 0, NUM_RELS, dtype=jnp.int64 if jax.config.jax_enable_x64 else jnp.int32)
    # xavier_uniform with relu gain for embedding-like params
    gain = float(np.sqrt(2.0))
    def xavier(k, shape):
        fan_in, fan_out = shape[0], shape[1]
        bound = gain * np.sqrt(6.0 / (fan_in + fan_out))
        return jax.random.uniform(k, shape, jnp.float32, -bound, bound)
    pre_embed = xavier(ks[3], (NUM_NODES, EMB_DIM))
    rel_weght = xavier(ks[4], (NUM_RELS, EMB_DIM))
    W_self0 = xavier(ks[5], (EMB_DIM, EMB_DIM))
    W_neigh0 = xavier(ks[6], (EMB_DIM, EMB_DIM))
    b0 = jnp.zeros((EMB_DIM,), jnp.float32)
    W_self1 = xavier(ks[7], (EMB_DIM, EMB_DIM))
    W_neigh1 = xavier(ks[8], (EMB_DIM, EMB_DIM))
    b1 = jnp.zeros((EMB_DIM,), jnp.float32)
    return {"node_idx": node_idx, "edge_index": edge_index, "edge_type": edge_type,
            "pre_embed": pre_embed, "rel_weght": rel_weght,
            "W_self0": W_self0, "W_neigh0": W_neigh0, "b0": b0,
            "W_self1": W_self1, "W_neigh1": W_neigh1, "b1": b1}


def reference(node_idx, edge_index, edge_type, pre_embed, rel_weght,
              W_self0, W_neigh0, b0, W_self1, W_neigh1, b1):
    # GraphSAGE forward (dropout=0.0 -> identity). 2 SAGEConv layers, mean aggregator,
    # per-edge vector edge_weight = rel_weght[edge_type] (broadcast u_mul_e).
    src = edge_index[0]
    dst = edge_index[1]
    n = node_idx.shape[0]
    e = src.shape[0]
    h = jnp.take(pre_embed, node_idx, axis=0)            # [N, d] gather
    ew = jnp.take(rel_weght, edge_type, axis=0)          # [E, d] gather
    deg = jax.ops.segment_sum(jnp.ones((e,), h.dtype), dst, num_segments=n)
    deg = jnp.maximum(deg, 1.0)

    def sage_layer(hh, Ws, Wn, bb):
        m = jnp.take(hh, src, axis=0) * ew               # message = h_src * edge_weight
        agg = jax.ops.segment_sum(m, dst, num_segments=n)  # scatter-add to dst
        h_neigh = agg / deg[:, None]                     # mean aggregation
        return hh @ Ws + h_neigh @ Wn + bb               # fc_self + fc_neigh + bias

    h = sage_layer(h, W_self0, W_neigh0, b0)
    h = jax.nn.relu(h)                                   # activation between layers
    h = sage_layer(h, W_self1, W_neigh1, b1)             # last layer: no activation
    return h

if __name__ == "__main__":
    import jax
    _d = setup_inputs()
    print(jax.jit(kernel)(*tuple(_d.values())))

</pallas_src>

<mosaic_0001>
#map = affine_map<(d0, d1) -> (0, 0)>
#map1 = affine_map<(d0, d1) -> (0, 0, 0)>
module attributes {stable_mosaic.version = 14 : i64} {
  func.func @_edge_agg(%arg0: i32, %arg1: i32, %arg2: memref<10000x128xf32, #tpu.memory_space<hbm>>, %arg3: memref<32x128xf32, #tpu.memory_space<hbm>>, %arg4: memref<4032x3x80xi32, #tpu.memory_space<hbm>>, %arg5: memref<2x10240x128xf32, #tpu.memory_space<hbm>>, %arg6: memref<3x80xi32, #tpu.memory_space<vmem>>, %arg7: memref<3x80xi32, #tpu.memory_space<vmem>>, %arg8: memref<80x128xf32, #tpu.memory_space<vmem>>, %arg9: memref<80x128xf32, #tpu.memory_space<vmem>>, %arg10: memref<80x128xf32, #tpu.memory_space<vmem>>, %arg11: memref<80x128xf32, #tpu.memory_space<vmem>>, %arg12: memref<32x128xf32, #tpu.memory_space<vmem_shared>>, %arg13: memref<10240x128xf32, #tpu.memory_space<vmem_shared>>, %arg14: memref<!tpu.dma_semaphore, #tpu.memory_space<semaphore_mem>>, %arg15: memref<!tpu.dma_semaphore, #tpu.memory_space<semaphore_mem>>, %arg16: memref<!tpu.dma_semaphore, #tpu.memory_space<semaphore_mem>>, %arg17: memref<!tpu.dma_semaphore, #tpu.memory_space<semaphore_mem>>, %arg18: memref<!tpu.dma_semaphore, #tpu.memory_space<semaphore_mem>>, %arg19: memref<!tpu.dma_semaphore, #tpu.memory_space<semaphore_mem>>) attributes {dimension_semantics = [#tpu.dimension_semantics<core_parallel>, #tpu.dimension_semantics<subcore_parallel>], iteration_bounds = array<i64: 2, 16>, scalar_prefetch = 0 : i64, scratch_operands = 14 : i64, tpu.core_type = #tpu.core_type<sc_vector_subcore>, window_params = [{transform_indices = #map}, {transform_indices = #map}, {transform_indices = #map1}, {transform_indices = #map1}]} {
    %mul3A = arith.constant 16 : i32
    %mul3A_0 = arith.muli %arg0, %mul3A : i32
    %add3A = arith.addi %mul3A_0, %arg1 : i32
    %mul3A_1 = arith.constant 640 : i32
    %mul3A_2 = arith.muli %arg1, %mul3A_1 : i32
    %broadcast_in_dim3A = arith.constant 0.000000e+00 : f32
    %broadcast_in_dim3A_3 = vector.broadcast %broadcast_in_dim3A : f32 to vector<16xf32>
    %scan3A = arith.constant 0 : i32
    %scan3A_4 = arith.constant 0 : i32
    %scan3A_5 = arith.constant 80 : i32
    %scan3A_6 = arith.addi %scan3A_4, %scan3A_5 : i32
    %scan3A_7 = arith.constant 1 : i32
    %scan3A_8 = scf.for %scan3A_73 = %scan3A_4 to %scan3A_6 step %scan3A_7 iter_args(%scan3A_74 = %scan3A) -> (i32)  : i32 {
      %swap3A = arith.index_cast %scan3A_73 : i32 to index
      %swap3A_75 = arith.constant 0 : index
      %swap3A_76 = tpu.vector_load %arg8[%swap3A, %swap3A_75] {strides = array<i32>} : memref<80x128xf32, #tpu.memory_space<vmem>>, vector<1x16xf32>,
      %swap3A_77 = vector.shape_cast %swap3A_76 : vector<1x16xf32> to vector<16xf32>
      %swap3A_78 = vector.shape_cast %broadcast_in_dim3A_3 : vector<16xf32> to vector<1x16xf32>
      tpu.vector_store %arg8[%swap3A, %swap3A_75], %swap3A_78 {strides = array<i32>} : memref<80x128xf32, #tpu.memory_space<vmem>>, vector<1x16xf32>,
      %swap3A_79 = arith.index_cast %scan3A_73 : i32 to index
      %swap3A_80 = arith.constant 16 : index
      %swap3A_81 = tpu.vector_load %arg8[%swap3A_79, %swap3A_80] {strides = array<i32>} : memref<80x128xf32, #tpu.memory_space<vmem>>, vector<1x16xf32>,
      %swap3A_82 = vector.shape_cast %swap3A_81 : vector<1x16xf32> to vector<16xf32>
      %swap3A_83 = vector.shape_cast %broadcast_in_dim3A_3 : vector<16xf32> to vector<1x16xf32>
      tpu.vector_store %arg8[%swap3A_79, %swap3A_80], %swap3A_83 {strides = array<i32>} : memref<80x128xf32, #tpu.memory_space<vmem>>, vector<1x16xf32>,
      %swap3A_84 = arith.index_cast %scan3A_73 : i32 to index
      %swap3A_85 = arith.constant 32 : index
      %swap3A_86 = tpu.vector_load %arg8[%swap3A_84, %swap3A_85] {strides = array<i32>} : memref<80x128xf32, #tpu.memory_space<vmem>>, vector<1x16xf32>,
      %swap3A_87 = vector.shape_cast %swap3A_86 : vector<1x16xf32> to vector<16xf32>
      %swap3A_88 = vector.shape_cast %broadcast_in_dim3A_3 : vector<16xf32> to vector<1x16xf32>
      tpu.vector_store %arg8[%swap3A_84, %swap3A_85], %swap3A_88 {strides = array<i32>} : memref<80x128xf32, #tpu.memory_space<vmem>>, vector<1x16xf32>,
      %swap3A_89 = arith.index_cast %scan3A_73 : i32 to index
      %swap3A_90 = arith.constant 48 : index
      %swap3A_91 = tpu.vector_load %arg8[%swap3A_89, %swap3A_90] {strides = array<i32>} : memref<80x128xf32, #tpu.memory_space<vmem>>, vector<1x16xf32>,
      %swap3A_92 = vector.shape_cast %swap3A_91 : vector<1x16xf32> to vector<16xf32>
      %swap3A_93 = vector.shape_cast %broadcast_in_dim3A_3 : vector<16xf32> to vector<1x16xf32>
      tpu.vector_store %arg8[%swap3A_89, %swap3A_90], %swap3A_93 {strides = array<i32>} : memref<80x128xf32, #tpu.memory_space<vmem>>, vector<1x16xf32>,
      %swap3A_94 = arith.index_cast %scan3A_73 : i32 to index
      %swap3A_95 = arith.constant 64 : index
      %swap3A_96 = tpu.vector_load %arg8[%swap3A_94, %swap3A_95] {strides = array<i32>} : memref<80x128xf32, #tpu.memory_space<vmem>>, vector<1x16xf32>,
      %swap3A_97 = vector.shape_cast %swap3A_96 : vector<1x16xf32> to vector<16xf32>
      %swap3A_98 = vector.shape_cast %broadcast_in_dim3A_3 : vector<16xf32> to vector<1x16xf32>
      tpu.vector_store %arg8[%swap3A_94, %swap3A_95], %swap3A_98 {strides = array<i32>} : memref<80x128xf32, #tpu.memory_space<vmem>>, vector<1x16xf32>,
      %swap3A_99 = arith.index_cast %scan3A_73 : i32 to index
      %swap3A_100 = arith.constant 80 : index
      %swap3A_101 = tpu.vector_load %arg8[%swap3A_99, %swap3A_100] {strides = array<i32>} : memref<80x128xf32, #tpu.memory_space<vmem>>, vector<1x16xf32>,
      %swap3A_102 = vector.shape_cast %swap3A_101 : vector<1x16xf32> to vector<16xf32>
      %swap3A_103 = vector.shape_cast %broadcast_in_dim3A_3 : vector<16xf32> to vector<1x16xf32>
      tpu.vector_store %arg8[%swap3A_99, %swap3A_100], %swap3A_103 {strides = array<i32>} : memref<80x128xf32, #tpu.memory_space<vmem>>, vector<1x16xf32>,
      %swap3A_104 = arith.index_cast %scan3A_73 : i32 to index
      %swap3A_105 = arith.constant 96 : index
      %swap3A_106 = tpu.vector_load %arg8[%swap3A_104, %swap3A_105] {strides = array<i32>} : memref<80x128xf32, #tpu.memory_space<vmem>>, vector<1x16xf32>,
      %swap3A_107 = vector.shape_cast %swap3A_106 : vector<1x16xf32> to vector<16xf32>
      %swap3A_108 = vector.shape_cast %broadcast_in_dim3A_3 : vector<16xf32> to vector<1x16xf32>
      tpu.vector_store %arg8[%swap3A_104, %swap3A_105], %swap3A_108 {strides = array<i32>} : memref<80x128xf32, #tpu.memory_space<vmem>>, vector<1x16xf32>,
      %swap3A_109 = arith.index_cast %scan3A_73 : i32 to index
      %swap3A_110 = arith.constant 112 : index
      %swap3A_111 = tpu.vector_load %arg8[%swap3A_109, %swap3A_110] {strides = array<i32>} : memref<80x128xf32, #tpu.memory_space<vmem>>, vector<1x16xf32>,
      %swap3A_112 = vector.shape_cast %swap3A_111 : vector<1x16xf32> to vector<16xf32>
      %swap3A_113 = vector.shape_cast %broadcast_in_dim3A_3 : vector<16xf32> to vector<1x16xf32>
      tpu.vector_store %arg8[%swap3A_109, %swap3A_110], %swap3A_113 {strides = array<i32>} : memref<80x128xf32, #tpu.memory_space<vmem>>, vector<1x16xf32>,
      %scan3A_114 = arith.constant 0 : i32
      scf.yield %scan3A_114 : i32
    }
    %scan3A_9 = arith.constant 80 : i32
    %add3A_10 = arith.constant 0 : i32
    %add3A_11 = arith.addi %mul3A_2, %add3A_10 : i32
    "tpu.region"() ({
      %run_scoped3A = tpu.sem_alloc : memref<!tpu.dma_semaphore, #tpu.memory_space<semaphore_mem>>
      %dma_start3A_73 = arith.constant 0 : i32
      %dma_start3A_74 = tpu.memref_slice %arg13[%add3A_11, %dma_start3A_73] : memref<10240x128xf32, #tpu.memory_space<vmem_shared>> -> memref<80x128xf32, #tpu.memory_space<vmem_shared>>
      %dma_start3A_75 = arith.constant 0 : i32
      %dma_start3A_76 = tpu.memref_slice %arg13[%add3A_11, %dma_start3A_75] : memref<10240x128xf32, #tpu.memory_space<vmem_shared>> -> memref<80x128xf32, #tpu.memory_space<vmem_shared>>
      tpu.enqueue_dma source(%arg8 : memref<80x128xf32, #tpu.memory_space<vmem>>) target(%dma_start3A_76 : memref<80x128xf32, #tpu.memory_space<vmem_shared>>) target_semaphore(%run_scoped3A : memref<!tpu.dma_semaphore, #tpu.memory_space<semaphore_mem>>)
      %dma_wait3A_77 = arith.constant 0 : i32
      %dma_wait3A_78 = tpu.memref_slice %arg13[%add3A_11, %dma_wait3A_77] : memref<10240x128xf32, #tpu.memory_space<vmem_shared>> -> memref<80x128xf32, #tpu.memory_space<vmem_shared>>
      %dma_wait3A_79 = arith.constant 0 : i32
      %dma_wait3A_80 = tpu.memref_slice %arg13[%add3A_11, %dma_wait3A_79] : memref<10240x128xf32, #tpu.memory_space<vmem_shared>> -> memref<80x128xf32, #tpu.memory_space<vmem_shared>>
      tpu.wait_dma2 semaphore(%run_scoped3A : memref<!tpu.dma_semaphore, #tpu.memory_space<semaphore_mem>>) src(%arg8 : memref<80x128xf32, #tpu.memory_space<vmem>>) dst(%dma_wait3A_80 : memref<80x128xf32, #tpu.memory_space<vmem_shared>>)
      tpu.yield
    }) : () -> ()
    %add3A_12 = arith.constant 80 : i32
    %add3A_13 = arith.addi %mul3A_2, %add3A_12 : i32
    "tpu.region"() ({
      %run_scoped3A = tpu.sem_alloc : memref<!tpu.dma_semaphore, #tpu.memory_space<semaphore_mem>>
      %dma_start3A_73 = arith.constant 0 : i32
      %dma_start3A_74 = tpu.memref_slice %arg13[%add3A_13, %dma_start3A_73] : memref<10240x128xf32, #tpu.memory_space<vmem_shared>> -> memref<80x128xf32, #tpu.memory_space<vmem_shared>>
      %dma_start3A_75 = arith.constant 0 : i32
      %dma_start3A_76 = tpu.memref_slice %arg13[%add3A_13, %dma_start3A_75] : memref<10240x128xf32, #tpu.memory_space<vmem_shared>> -> memref<80x128xf32, #tpu.memory_space<vmem_shared>>
      tpu.enqueue_dma source(%arg8 : memref<80x128xf32, #tpu.memory_space<vmem>>) target(%dma_start3A_76 : memref<80x128xf32, #tpu.memory_space<vmem_shared>>) target_semaphore(%run_scoped3A : memref<!tpu.dma_semaphore, #tpu.memory_space<semaphore_mem>>)
      %dma_wait3A_77 = arith.constant 0 : i32
      %dma_wait3A_78 = tpu.memref_slice %arg13[%add3A_13, %dma_wait3A_77] : memref<10240x128xf32, #tpu.memory_space<vmem_shared>> -> memref<80x128xf32, #tpu.memory_space<vmem_shared>>
      %dma_wait3A_79 = arith.constant 0 : i32
      %dma_wait3A_80 = tpu.memref_slice %arg13[%add3A_13, %dma_wait3A_79] : memref<10240x128xf32, #tpu.memory_space<vmem_shared>> -> memref<80x128xf32, #tpu.memory_space<vmem_shared>>
      tpu.wait_dma2 semaphore(%run_scoped3A : memref<!tpu.dma_semaphore, #tpu.memory_space<semaphore_mem>>) src(%arg8 : memref<80x128xf32, #tpu.memory_space<vmem>>) dst(%dma_wait3A_80 : memref<80x128xf32, #tpu.memory_space<vmem_shared>>)
      tpu.yield
    }) : () -> ()
    %add3A_14 = arith.constant 160 : i32
    %add3A_15 = arith.addi %mul3A_2, %add3A_14 : i32
    "tpu.region"() ({
      %run_scoped3A = tpu.sem_alloc : memref<!tpu.dma_semaphore, #tpu.memory_space<semaphore_mem>>
      %dma_start3A_73 = arith.constant 0 : i32
      %dma_start3A_74 = tpu.memref_slice %arg13[%add3A_15, %dma_start3A_73] : memref<10240x128xf32, #tpu.memory_space<vmem_shared>> -> memref<80x128xf32, #tpu.memory_space<vmem_shared>>
      %dma_start3A_75 = arith.constant 0 : i32
      %dma_start3A_76 = tpu.memref_slice %arg13[%add3A_15, %dma_start3A_75] : memref<10240x128xf32, #tpu.memory_space<vmem_shared>> -> memref<80x128xf32, #tpu.memory_space<vmem_shared>>
      tpu.enqueue_dma source(%arg8 : memref<80x128xf32, #tpu.memory_space<vmem>>) target(%dma_start3A_76 : memref<80x128xf32, #tpu.memory_space<vmem_shared>>) target_semaphore(%run_scoped3A : memref<!tpu.dma_semaphore, #tpu.memory_space<semaphore_mem>>)
      %dma_wait3A_77 = arith.constant 0 : i32
      %dma_wait3A_78 = tpu.memref_slice %arg13[%add3A_15, %dma_wait3A_77] : memref<10240x128xf32, #tpu.memory_space<vmem_shared>> -> memref<80x128xf32, #tpu.memory_space<vmem_shared>>
      %dma_wait3A_79 = arith.constant 0 : i32
      %dma_wait3A_80 = tpu.memref_slice %arg13[%add3A_15, %dma_wait3A_79] : memref<10240x128xf32, #tpu.memory_space<vmem_shared>> -> memref<80x128xf32, #tpu.memory_space<vmem_shared>>
      tpu.wait_dma2 semaphore(%run_scoped3A : memref<!tpu.dma_semaphore, #tpu.memory_space<semaphore_mem>>) src(%arg8 : memref<80x128xf32, #tpu.memory_space<vmem>>) dst(%dma_wait3A_80 : memref<80x128xf32, #tpu.memory_space<vmem_shared>>)
      tpu.yield
    }) : () -> ()
    %add3A_16 = arith.constant 240 : i32
    %add3A_17 = arith.addi %mul3A_2, %add3A_16 : i32
    "tpu.region"() ({
      %run_scoped3A = tpu.sem_alloc : memref<!tpu.dma_semaphore, #tpu.memory_space<semaphore_mem>>
      %dma_start3A_73 = arith.constant 0 : i32
      %dma_start3A_74 = tpu.memref_slice %arg13[%add3A_17, %dma_start3A_73] : memref<10240x128xf32, #tpu.memory_space<vmem_shared>> -> memref<80x128xf32, #tpu.memory_space<vmem_shared>>
      %dma_start3A_75 = arith.constant 0 : i32
      %dma_start3A_76 = tpu.memref_slice %arg13[%add3A_17, %dma_start3A_75] : memref<10240x128xf32, #tpu.memory_space<vmem_shared>> -> memref<80x128xf32, #tpu.memory_space<vmem_shared>>
      tpu.enqueue_dma source(%arg8 : memref<80x128xf32, #tpu.memory_space<vmem>>) target(%dma_start3A_76 : memref<80x128xf32, #tpu.memory_space<vmem_shared>>) target_semaphore(%run_scoped3A : memref<!tpu.dma_semaphore, #tpu.memory_space<semaphore_mem>>)
      %dma_wait3A_77 = arith.constant 0 : i32
      %dma_wait3A_78 = tpu.memref_slice %arg13[%add3A_17, %dma_wait3A_77] : memref<10240x128xf32, #tpu.memory_space<vmem_shared>> -> memref<80x128xf32, #tpu.memory_space<vmem_shared>>
      %dma_wait3A_79 = arith.constant 0 : i32
      %dma_wait3A_80 = tpu.memref_slice %arg13[%add3A_17, %dma_wait3A_79] : memref<10240x128xf32, #tpu.memory_space<vmem_shared>> -> memref<80x128xf32, #tpu.memory_space<vmem_shared>>
      tpu.wait_dma2 semaphore(%run_scoped3A : memref<!tpu.dma_semaphore, #tpu.memory_space<semaphore_mem>>) src(%arg8 : memref<80x128xf32, #tpu.memory_space<vmem>>) dst(%dma_wait3A_80 : memref<80x128xf32, #tpu.memory_space<vmem_shared>>)
      tpu.yield
    }) : () -> ()
    %add3A_18 = arith.constant 320 : i32
    %add3A_19 = arith.addi %mul3A_2, %add3A_18 : i32
    "tpu.region"() ({
      %run_scoped3A = tpu.sem_alloc : memref<!tpu.dma_semaphore, #tpu.memory_space<semaphore_mem>>
      %dma_start3A_73 = arith.constant 0 : i32
      %dma_start3A_74 = tpu.memref_slice %arg13[%add3A_19, %dma_start3A_73] : memref<10240x128xf32, #tpu.memory_space<vmem_shared>> -> memref<80x128xf32, #tpu.memory_space<vmem_shared>>
      %dma_start3A_75 = arith.constant 0 : i32
      %dma_start3A_76 = tpu.memref_slice %arg13[%add3A_19, %dma_start3A_75] : memref<10240x128xf32, #tpu.memory_space<vmem_shared>> -> memref<80x128xf32, #tpu.memory_space<vmem_shared>>
      tpu.enqueue_dma source(%arg8 : memref<80x128xf32, #tpu.memory_space<vmem>>) target(%dma_start3A_76 : memref<80x128xf32, #tpu.memory_space<vmem_shared>>) target_semaphore(%run_scoped3A : memref<!tpu.dma_semaphore, #tpu.memory_space<semaphore_mem>>)
      %dma_wait3A_77 = arith.constant 0 : i32
      %dma_wait3A_78 = tpu.memref_slice %arg13[%add3A_19, %dma_wait3A_77] : memref<10240x128xf32, #tpu.memory_space<vmem_shared>> -> memref<80x128xf32, #tpu.memory_space<vmem_shared>>
      %dma_wait3A_79 = arith.constant 0 : i32
      %dma_wait3A_80 = tpu.memref_slice %arg13[%add3A_19, %dma_wait3A_79] : memref<10240x128xf32, #tpu.memory_space<vmem_shared>> -> memref<80x128xf32, #tpu.memory_space<vmem_shared>>
      tpu.wait_dma2 semaphore(%run_scoped3A : memref<!tpu.dma_semaphore, #tpu.memory_space<semaphore_mem>>) src(%arg8 : memref<80x128xf32, #tpu.memory_space<vmem>>) dst(%dma_wait3A_80 : memref<80x128xf32, #tpu.memory_space<vmem_shared>>)
      tpu.yield
    }) : () -> ()
    %add3A_20 = arith.constant 400 : i32
    %add3A_21 = arith.addi %mul3A_2, %add3A_20 : i32
    "tpu.region"() ({
      %run_scoped3A = tpu.sem_alloc : memref<!tpu.dma_semaphore, #tpu.memory_space<semaphore_mem>>
      %dma_start3A_73 = arith.constant 0 : i32
      %dma_start3A_74 = tpu.memref_slice %arg13[%add3A_21, %dma_start3A_73] : memref<10240x128xf32, #tpu.memory_space<vmem_shared>> -> memref<80x128xf32, #tpu.memory_space<vmem_shared>>
      %dma_start3A_75 = arith.constant 0 : i32
      %dma_start3A_76 = tpu.memref_slice %arg13[%add3A_21, %dma_start3A_75] : memref<10240x128xf32, #tpu.memory_space<vmem_shared>> -> memref<80x128xf32, #tpu.memory_space<vmem_shared>>
      tpu.enqueue_dma source(%arg8 : memref<80x128xf32, #tpu.memory_space<vmem>>) target(%dma_start3A_76 : memref<80x128xf32, #tpu.memory_space<vmem_shared>>) target_semaphore(%run_scoped3A : memref<!tpu.dma_semaphore, #tpu.memory_space<semaphore_mem>>)
      %dma_wait3A_77 = arith.constant 0 : i32
      %dma_wait3A_78 = tpu.memref_slice %arg13[%add3A_21, %dma_wait3A_77] : memref<10240x128xf32, #tpu.memory_space<vmem_shared>> -> memref<80x128xf32, #tpu.memory_space<vmem_shared>>
      %dma_wait3A_79 = arith.constant 0 : i32
      %dma_wait3A_80 = tpu.memref_slice %arg13[%add3A_21, %dma_wait3A_79] : memref<10240x128xf32, #tpu.memory_space<vmem_shared>> -> memref<80x128xf32, #tpu.memory_space<vmem_shared>>
      tpu.wait_dma2 semaphore(%run_scoped3A : memref<!tpu.dma_semaphore, #tpu.memory_space<semaphore_mem>>) src(%arg8 : memref<80x128xf32, #tpu.memory_space<vmem>>) dst(%dma_wait3A_80 : memref<80x128xf32, #tpu.memory_space<vmem_shared>>)
      tpu.yield
    }) : () -> ()
    %add3A_22 = arith.constant 480 : i32
    %add3A_23 = arith.addi %mul3A_2, %add3A_22 : i32
    "tpu.region"() ({
      %run_scoped3A = tpu.sem_alloc : memref<!tpu.dma_semaphore, #tpu.memory_space<semaphore_mem>>
      %dma_start3A_73 = arith.constant 0 : i32
      %dma_start3A_74 = tpu.memref_slice %arg13[%add3A_23, %dma_start3A_73] : memref<10240x128xf32, #tpu.memory_space<vmem_shared>> -> memref<80x128xf32, #tpu.memory_space<vmem_shared>>
      %dma_start3A_75 = arith.constant 0 : i32
      %dma_start3A_76 = tpu.memref_slice %arg13[%add3A_23, %dma_start3A_75] : memref<10240x128xf32, #tpu.memory_space<vmem_shared>> -> memref<80x128xf32, #tpu.memory_space<vmem_shared>>
      tpu.enqueue_dma source(%arg8 : memref<80x128xf32, #tpu.memory_space<vmem>>) target(%dma_start3A_76 : memref<80x128xf32, #tpu.memory_space<vmem_shared>>) target_semaphore(%run_scoped3A : memref<!tpu.dma_semaphore, #tpu.memory_space<semaphore_mem>>)
      %dma_wait3A_77 = arith.constant 0 : i32
      %dma_wait3A_78 = tpu.memref_slice %arg13[%add3A_23, %dma_wait3A_77] : memref<10240x128xf32, #tpu.memory_space<vmem_shared>> -> memref<80x128xf32, #tpu.memory_space<vmem_shared>>
      %dma_wait3A_79 = arith.constant 0 : i32
      %dma_wait3A_80 = tpu.memref_slice %arg13[%add3A_23, %dma_wait3A_79] : memref<10240x128xf32, #tpu.memory_space<vmem_shared>> -> memref<80x128xf32, #tpu.memory_space<vmem_shared>>
      tpu.wait_dma2 semaphore(%run_scoped3A : memref<!tpu.dma_semaphore, #tpu.memory_space<semaphore_mem>>) src(%arg8 : memref<80x128xf32, #tpu.memory_space<vmem>>) dst(%dma_wait3A_80 : memref<80x128xf32, #tpu.memory_space<vmem_shared>>)
      tpu.yield
    }) : () -> ()
    %add3A_24 = arith.constant 560 : i32
    %add3A_25 = arith.addi %mul3A_2, %add3A_24 : i32
    "tpu.region"() ({
      %run_scoped3A = tpu.sem_alloc : memref<!tpu.dma_semaphore, #tpu.memory_space<semaphore_mem>>
      %dma_start3A_73 = arith.constant 0 : i32
      %dma_start3A_74 = tpu.memref_slice %arg13[%add3A_25, %dma_start3A_73] : memref<10240x128xf32, #tpu.memory_space<vmem_shared>> -> memref<80x128xf32, #tpu.memory_space<vmem_shared>>
      %dma_start3A_75 = arith.constant 0 : i32
      %dma_start3A_76 = tpu.memref_slice %arg13[%add3A_25, %dma_start3A_75] : memref<10240x128xf32, #tpu.memory_space<vmem_shared>> -> memref<80x128xf32, #tpu.memory_space<vmem_shared>>
      tpu.enqueue_dma source(%arg8 : memref<80x128xf32, #tpu.memory_space<vmem>>) target(%dma_start3A_76 : memref<80x128xf32, #tpu.memory_space<vmem_shared>>) target_semaphore(%run_scoped3A : memref<!tpu.dma_semaphore, #tpu.memory_space<semaphore_mem>>)
      %dma_wait3A_77 = arith.constant 0 : i32
      %dma_wait3A_78 = tpu.memref_slice %arg13[%add3A_25, %dma_wait3A_77] : memref<10240x128xf32, #tpu.memory_space<vmem_shared>> -> memref<80x128xf32, #tpu.memory_space<vmem_shared>>
      %dma_wait3A_79 = arith.constant 0 : i32
      %dma_wait3A_80 = tpu.memref_slice %arg13[%add3A_25, %dma_wait3A_79] : memref<10240x128xf32, #tpu.memory_space<vmem_shared>> -> memref<80x128xf32, #tpu.memory_space<vmem_shared>>
      tpu.wait_dma2 semaphore(%run_scoped3A : memref<!tpu.dma_semaphore, #tpu.memory_space<semaphore_mem>>) src(%arg8 : memref<80x128xf32, #tpu.memory_space<vmem>>) dst(%dma_wait3A_80 : memref<80x128xf32, #tpu.memory_space<vmem_shared>>)
      tpu.yield
    }) : () -> ()
    %eq3A = arith.constant 0 : i32
    %eq3A_26 = arith.cmpi eq, %arg1, %eq3A : i32
    %convert_element_type3A = arith.extui %eq3A_26 : i1 to i32
    %cond3A = arith.constant 0 : i32
    %cond3A_27 = arith.cmpi ne, %convert_element_type3A, %cond3A : i32
    scf.if %cond3A_27 {
      "tpu.region"() ({
        %run_scoped3A = tpu.sem_alloc : memref<!tpu.dma_semaphore, #tpu.memory_space<semaphore_mem>>
        tpu.enqueue_dma source(%arg3 : memref<32x128xf32, #tpu.memory_space<hbm>>) target(%arg12 : memref<32x128xf32, #tpu.memory_space<vmem_shared>>) target_semaphore(%run_scoped3A : memref<!tpu.dma_semaphore, #tpu.memory_space<semaphore_mem>>)
        tpu.wait_dma2 semaphore(%run_scoped3A : memref<!tpu.dma_semaphore, #tpu.memory_space<semaphore_mem>>) src(%arg3 : memref<32x128xf32, #tpu.memory_space<hbm>>) dst(%arg12 : memref<32x128xf32, #tpu.memory_space<vmem_shared>>)
        tpu.yield
      }) : () -> ()
    } else {
    }
    %barrier3A = arith.constant 0 : index
    tpu.barrier barrier_id(%barrier3A)
    %mul3A_28 = arith.constant 126 : i32
    %mul3A_29 = arith.muli %add3A, %mul3A_28 : i32
    "tpu.region"() ({
      %run_scoped3A = tpu.sem_alloc : memref<!tpu.dma_semaphore, #tpu.memory_space<semaphore_mem>>
      %dma_start3A_73 = arith.constant 0 : i32
      %dma_start3A_74 = arith.constant 0 : i32
      %dma_start3A_75 = tpu.memref_slice %arg4[%mul3A_29, %dma_start3A_73, %dma_start3A_74] : memref<4032x3x80xi32, #tpu.memory_space<hbm>> -> memref<1x3x80xi32, #tpu.memory_space<hbm>>
      %dma_start3A_76 = tpu.memref_squeeze %dma_start3A_75 : memref<1x3x80xi32, #tpu.memory_space<hbm>> -> memref<3x80xi32, #tpu.memory_space<hbm>>
      %dma_start3A_77 = arith.constant 0 : i32
      %dma_start3A_78 = arith.constant 0 : i32
      %dma_start3A_79 = tpu.memref_slice %arg4[%mul3A_29, %dma_start3A_77, %dma_start3A_78] : memref<4032x3x80xi32, #tpu.memory_space<hbm>> -> memref<1x3x80xi32, #tpu.memory_space<hbm>>
      %dma_start3A_80 = tpu.memref_squeeze %dma_start3A_79 : memref<1x3x80xi32, #tpu.memory_space<hbm>> -> memref<3x80xi32, #tpu.memory_space<hbm>>
      tpu.enqueue_dma source(%dma_start3A_80 : memref<3x80xi32, #tpu.memory_space<hbm>>) target(%arg6 : memref<3x80xi32, #tpu.memory_space<vmem>>) target_semaphore(%run_scoped3A : memref<!tpu.dma_semaphore, #tpu.memory_space<semaphore_mem>>)
      %dma_wait3A_81 = arith.constant 0 : i32
      %dma_wait3A_82 = arith.constant 0 : i32
      %dma_wait3A_83 = tpu.memref_slice %arg4[%mul3A_29, %dma_wait3A_81, %dma_wait3A_82] : memref<4032x3x80xi32, #tpu.memory_space<hbm>> -> memref<1x3x80xi32, #tpu.memory_space<hbm>>
      %dma_wait3A_84 = tpu.memref_squeeze %dma_wait3A_83 : memref<1x3x80xi32, #tpu.memory_space<hbm>> -> memref<3x80xi32, #tpu.memory_space<hbm>>
      %dma_wait3A_85 = arith.constant 0 : i32
      %dma_wait3A_86 = arith.constant 0 : i32
      %dma_wait3A_87 = tpu.memref_slice %arg4[%mul3A_29, %dma_wait3A_85, %dma_wait3A_86] : memref<4032x3x80xi32, #tpu.memory_space<hbm>> -> memref<1x3x80xi32, #tpu.memory_space<hbm>>
      %dma_wait3A_88 = tpu.memref_squeeze %dma_wait3A_87 : memref<1x3x80xi32, #tpu.memory_space<hbm>> -> memref<3x80xi32, #tpu.memory_space<hbm>>
      tpu.wait_dma2 semaphore(%run_scoped3A : memref<!tpu.dma_semaphore, #tpu.memory_space<semaphore_mem>>) src(%dma_wait3A_88 : memref<3x80xi32, #tpu.memory_space<hbm>>) dst(%arg6 : memref<3x80xi32, #tpu.memory_space<vmem>>)
      tpu.yield
    }) : () -> ()
    %dma_start3A = arith.constant 0 : i32
    %dma_start3A_30 = arith.constant 0 : i32
    %dma_start3A_31 = tpu.memref_slice %arg6[%dma_start3A, %dma_start3A_30] : memref<3x80xi32, #tpu.memory_space<vmem>> -> memref<1x80xi32, #tpu.memory_space<vmem>>
    %dma_start3A_32 = tpu.memref_squeeze %dma_start3A_31 : memref<1x80xi32, #tpu.memory_space<vmem>> -> memref<80xi32, #tpu.memory_space<vmem>>
    %dma_start3A_33 = arith.constant 0 : i32
    %dma_start3A_34 = arith.constant 0 : i32
    %dma_start3A_35 = tpu.memref_slice %arg2[%dma_start3A_33, %dma_start3A_34] : memref<10000x128xf32, #tpu.memory_space<hbm>> -> memref<10000x128xf32, #tpu.memory_space<hbm>>
    tpu.enqueue_indirect_dma source(%dma_start3A_35 : memref<10000x128xf32, #tpu.memory_space<hbm>>) target(%arg8 : memref<80x128xf32, #tpu.memory_space<vmem>>) offsets(%dma_start3A_32 : memref<80xi32, #tpu.memory_space<vmem>>) semaphore(%arg14 : memref<!tpu.dma_semaphore, #tpu.memory_space<semaphore_mem>>)
    %dma_start3A_36 = arith.constant 2 : i32
    %dma_start3A_37 = arith.constant 0 : i32
    %dma_start3A_38 = tpu.memref_slice %arg6[%dma_start3A_36, %dma_start3A_37] : memref<3x80xi32, #tpu.memory_space<vmem>> -> memref<1x80xi32, #tpu.memory_space<vmem>>
    %dma_start3A_39 = tpu.memref_squeeze %dma_start3A_38 : memref<1x80xi32, #tpu.memory_space<vmem>> -> memref<80xi32, #tpu.memory_space<vmem>>
    %dma_start3A_40 = arith.constant 0 : i32
    %dma_start3A_41 = arith.constant 0 : i32
    %dma_start3A_42 = tpu.memref_slice %arg12[%dma_start3A_40, %dma_start3A_41] : memref<32x128xf32, #tpu.memory_space<vmem_shared>> -> memref<32x128xf32, #tpu.memory_space<vmem_shared>>
    tpu.enqueue_indirect_dma source(%dma_start3A_42 : memref<32x128xf32, #tpu.memory_space<vmem_shared>>) target(%arg10 : memref<80x128xf32, #tpu.memory_space<vmem>>) offsets(%dma_start3A_39 : memref<80xi32, #tpu.memory_space<vmem>>) semaphore(%arg16 : memref<!tpu.dma_semaphore, #tpu.memory_space<semaphore_mem>>)
    %scan3A_43 = arith.constant 0 : i32
    %scan3A_44 = arith.constant 0 : i32
    %scan3A_45 = arith.constant 63 : i32
    %scan3A_46 = arith.addi %scan3A_44, %scan3A_45 : i32
    %scan3A_47 = arith.constant 1 : i32
    %scan3A_48 = scf.for %scan3A_73 = %scan3A_44 to %scan3A_46 step %scan3A_47 iter_args(%scan3A_74 = %scan3A_43) -> (i32)  : i32 {
      %mul3A_75 = arith.constant 2 : i32
      %mul3A_76 = arith.muli %mul3A_75, %scan3A_73 : i32
      %add3A_77 = arith.constant 0 : i32
      %add3A_78 = arith.addi %mul3A_76, %add3A_77 : i32
      %dma_wait3A_79 = arith.constant 0 : i32
      %dma_wait3A_80 = arith.constant 0 : i32
      %dma_wait3A_81 = tpu.memref_slice %arg6[%dma_wait3A_79, %dma_wait3A_80] : memref<3x80xi32, #tpu.memory_space<vmem>> -> memref<1x80xi32, #tpu.memory_space<vmem>>
      %dma_wait3A_82 = tpu.memref_squeeze %dma_wait3A_81 : memref<1x80xi32, #tpu.memory_space<vmem>> -> memref<80xi32, #tpu.memory_space<vmem>>
      %dma_wait3A_83 = arith.constant 0 : i32
      %dma_wait3A_84 = arith.constant 0 : i32
      %dma_wait3A_85 = tpu.memref_slice %arg2[%dma_wait3A_83, %dma_wait3A_84] : memref<10000x128xf32, #tpu.memory_space<hbm>> -> memref<10000x128xf32, #tpu.memory_space<hbm>>
      tpu.wait_indirect_dma semaphore(%arg14 : memref<!tpu.dma_semaphore, #tpu.memory_space<semaphore_mem>>) src(%dma_wait3A_85 : memref<10000x128xf32, #tpu.memory_space<hbm>>) dst(%arg8 : memref<80x128xf32, #tpu.memory_space<vmem>>)
      %dma_wait3A_86 = arith.constant 2 : i32
      %dma_wait3A_87 = arith.constant 0 : i32
      %dma_wait3A_88 = tpu.memref_slice %arg6[%dma_wait3A_86, %dma_wait3A_87] : memref<3x80xi32, #tpu.memory_space<vmem>> -> memref<1x80xi32, #tpu.memory_space<vmem>>
      %dma_wait3A_89 = tpu.memref_squeeze %dma_wait3A_88 : memref<1x80xi32, #tpu.memory_space<vmem>> -> memref<80xi32, #tpu.memory_space<vmem>>
      %dma_wait3A_90 = arith.constant 0 : i32
      %dma_wait3A_91 = arith.constant 0 : i32
      %dma_wait3A_92 = tpu.memref_slice %arg12[%dma_wait3A_90, %dma_wait3A_91] : memref<32x128xf32, #tpu.memory_space<vmem_shared>> -> memref<32x128xf32, #tpu.memory_space<vmem_shared>>
      tpu.wait_indirect_dma semaphore(%arg16 : memref<!tpu.dma_semaphore, #tpu.memory_space<semaphore_mem>>) src(%dma_wait3A_92 : memref<32x128xf32, #tpu.memory_space<vmem_shared>>) dst(%arg10 : memref<80x128xf32, #tpu.memory_space<vmem>>)
      %ge3A = arith.constant 1 : i32
      %ge3A_93 = arith.cmpi sge, %add3A_78, %ge3A : i32
      %convert_element_type3A_94 = arith.extui %ge3A_93 : i1 to i32
      %cond3A_95 = arith.constant 0 : i32
      %cond3A_96 = arith.cmpi ne, %convert_element_type3A_94, %cond3A_95 : i32
      scf.if %cond3A_96 {
        %dma_wait3A_153 = arith.constant 1 : i32
        %dma_wait3A_154 = arith.constant 0 : i32
        %dma_wait3A_155 = tpu.memref_slice %arg7[%dma_wait3A_153, %dma_wait3A_154] : memref<3x80xi32, #tpu.memory_space<vmem>> -> memref<1x80xi32, #tpu.memory_space<vmem>>
        %dma_wait3A_156 = tpu.memref_squeeze %dma_wait3A_155 : memref<1x80xi32, #tpu.memory_space<vmem>> -> memref<80xi32, #tpu.memory_space<vmem>>
        %dma_wait3A_157 = arith.constant 0 : i32
        %dma_wait3A_158 = arith.constant 0 : i32
        %dma_wait3A_159 = tpu.memref_slice %arg13[%dma_wait3A_157, %dma_wait3A_158] : memref<10240x128xf32, #tpu.memory_space<vmem_shared>> -> memref<10240x128xf32, #tpu.memory_space<vmem_shared>>
        tpu.wait_indirect_dma semaphore(%arg19 : memref<!tpu.dma_semaphore, #tpu.memory_space<semaphore_mem>>) src(%arg9 : memref<80x128xf32, #tpu.memory_space<vmem>>) dst(%dma_wait3A_159 : memref<10240x128xf32, #tpu.memory_space<vmem_shared>>)
      } else {
      }
      %add3A_97 = arith.constant 1 : i32
      %add3A_98 = arith.addi %add3A_78, %add3A_97 : i32
      %lt3A = arith.constant 126 : i32
      %lt3A_99 = arith.cmpi slt, %add3A_98, %lt3A : i32
      %convert_element_type3A_100 = arith.extui %lt3A_99 : i1 to i32
      %cond3A_101 = arith.constant 0 : i32
      %cond3A_102 = arith.cmpi ne, %convert_element_type3A_100, %cond3A_101 : i32
      scf.if %cond3A_102 {
        %add3A_153 = arith.addi %mul3A_29, %add3A_78 : i32
        %add3A_154 = arith.constant 1 : i32
        %add3A_155 = arith.addi %add3A_153, %add3A_154 : i32
        "tpu.region"() ({
          %run_scoped3A = tpu.sem_alloc : memref<!tpu.dma_semaphore, #tpu.memory_space<semaphore_mem>>
          %dma_start3A_170 = arith.constant 0 : i32
          %dma_start3A_171 = arith.constant 0 : i32
          %dma_start3A_172 = tpu.memref_slice %arg4[%add3A_155, %dma_start3A_170, %dma_start3A_171] : memref<4032x3x80xi32, #tpu.memory_space<hbm>> -> memref<1x3x80xi32, #tpu.memory_space<hbm>>
          %dma_start3A_173 = tpu.memref_squeeze %dma_start3A_172 : memref<1x3x80xi32, #tpu.memory_space<hbm>> -> memref<3x80xi32, #tpu.memory_space<hbm>>
          %dma_start3A_174 = arith.constant 0 : i32
          %dma_start3A_175 = arith.constant 0 : i32
          %dma_start3A_176 = tpu.memref_slice %arg4[%add3A_155, %dma_start3A_174, %dma_start3A_175] : memref<4032x3x80xi32, #tpu.memory_space<hbm>> -> memref<1x3x80xi32, #tpu.memory_space<hbm>>
          %dma_start3A_177 = tpu.memref_squeeze %dma_start3A_176 : memref<1x3x80xi32, #tpu.memory_space<hbm>> -> memref<3x80xi32, #tpu.memory_space<hbm>>
          tpu.enqueue_dma source(%dma_start3A_177 : memref<3x80xi32, #tpu.memory_space<hbm>>) target(%arg7 : memref<3x80xi32, #tpu.memory_space<vmem>>) target_semaphore(%run_scoped3A : memref<!tpu.dma_semaphore, #tpu.memory_space<semaphore_mem>>)
          %dma_wait3A_178 = arith.constant 0 : i32
          %dma_wait3A_179 = arith.constant 0 : i32
          %dma_wait3A_180 = tpu.memref_slice %arg4[%add3A_155, %dma_wait3A_178, %dma_wait3A_179] : memref<4032x3x80xi32, #tpu.memory_space<hbm>> -> memref<1x3x80xi32, #tpu.memory_space<hbm>>
          %dma_wait3A_181 = tpu.memref_squeeze %dma_wait3A_180 : memref<1x3x80xi32, #tpu.memory_space<hbm>> -> memref<3x80xi32, #tpu.memory_space<hbm>>
          %dma_wait3A_182 = arith.constant 0 : i32
          %dma_wait3A_183 = arith.constant 0 : i32
          %dma_wait3A_184 = tpu.memref_slice %arg4[%add3A_155, %dma_wait3A_182, %dma_wait3A_183] : memref<4032x3x80xi32, #tpu.memory_space<hbm>> -> memref<1x3x80xi32, #tpu.memory_space<hbm>>
          %dma_wait3A_185 = tpu.memref_squeeze %dma_wait3A_184 : memref<1x3x80xi32, #tpu.memory_space<hbm>> -> memref<3x80xi32, #tpu.memory_space<hbm>>
          tpu.wait_dma2 semaphore(%run_scoped3A : memref<!tpu.dma_semaphore, #tpu.memory_space<semaphore_mem>>) src(%dma_wait3A_185 : memref<3x80xi32, #tpu.memory_space<hbm>>) dst(%arg7 : memref<3x80xi32, #tpu.memory_space<vmem>>)
          tpu.yield
        }) : () -> ()
        %dma_start3A_156 = arith.constant 0 : i32
        %dma_start3A_157 = arith.constant 0 : i32
        %dma_start3A_158 = tpu.memref_slice %arg7[%dma_start3A_156, %dma_start3A_157] : memref<3x80xi32, #tpu.memory_space<vmem>> -> memref<1x80xi32, #tpu.memory_space<vmem>>
        %dma_start3A_159 = tpu.memref_squeeze %dma_start3A_158 : memref<1x80xi32, #tpu.memory_space<vmem>> -> memref<80xi32, #tpu.memory_space<vmem>>
        %dma_start3A_160 = arith.constant 0 : i32
        %dma_start3A_161 = arith.constant 0 : i32
        %dma_start3A_162 = tpu.memref_slice %arg2[%dma_start3A_160, %dma_start3A_161] : memref<10000x128xf32, #tpu.memory_space<hbm>> -> memref<10000x128xf32, #tpu.memory_space<hbm>>
        tpu.enqueue_indirect_dma source(%dma_start3A_162 : memref<10000x128xf32, #tpu.memory_space<hbm>>) target(%arg9 : memref<80x128xf32, #tpu.memory_space<vmem>>) offsets(%dma_start3A_159 : memref<80xi32, #tpu.memory_space<vmem>>) semaphore(%arg15 : memref<!tpu.dma_semaphore, #tpu.memory_space<semaphore_mem>>)
        %dma_start3A_163 = arith.constant 2 : i32
        %dma_start3A_164 = arith.constant 0 : i32
        %dma_start3A_165 = tpu.memref_slice %arg7[%dma_start3A_163, %dma_start3A_164] : memref<3x80xi32, #tpu.memory_space<vmem>> -> memref<1x80xi32, #tpu.memory_space<vmem>>
        %dma_start3A_166 = tpu.memref_squeeze %dma_start3A_165 : memref<1x80xi32, #tpu.memory_space<vmem>> -> memref<80xi32, #tpu.memory_space<vmem>>
        %dma_start3A_167 = arith.constant 0 : i32
        %dma_start3A_168 = arith.constant 0 : i32
        %dma_start3A_169 = tpu.memref_slice %arg12[%dma_start3A_167, %dma_start3A_168] : memref<32x128xf32, #tpu.memory_space<vmem_shared>> -> memref<32x128xf32, #tpu.memory_space<vmem_shared>>
        tpu.enqueue_indirect_dma source(%dma_start3A_169 : memref<32x128xf32, #tpu.memory_space<vmem_shared>>) target(%arg11 : memref<80x128xf32, #tpu.memory_space<vmem>>) offsets(%dma_start3A_166 : memref<80xi32, #tpu.memory_space<vmem>>) semaphore(%arg17 : memref<!tpu.dma_semaphore, #tpu.memory_space<semaphore_mem>>)
      } else {
      }
      %parallel_loop3A = arith.constant 0 : i32
      %parallel_loop3A_103 = arith.constant 80 : i32
      %parallel_loop3A_104 = arith.constant 1 : i32
      scf.for %parallel_loop3A_153 = %parallel_loop3A to %parallel_loop3A_103 step %parallel_loop3A_104  : i32 {
        %parallel_loop3A_154 = arith.index_cast %parallel_loop3A_153 : i32 to index
        %parallel_loop3A_155 = arith.constant 0 : index
        %parallel_loop3A_156 = tpu.vector_load %arg8[%parallel_loop3A_154, %parallel_loop3A_155] {strides = array<i32>} : memref<80x128xf32, #tpu.memory_space<vmem>>, vector<1x16xf32>,
        %parallel_loop3A_157 = vector.shape_cast %parallel_loop3A_156 : vector<1x16xf32> to vector<16xf32>
        %parallel_loop3A_158 = arith.index_cast %parallel_loop3A_153 : i32 to index
        %parallel_loop3A_159 = arith.constant 0 : index
        %parallel_loop3A_160 = tpu.vector_load %arg10[%parallel_loop3A_158, %parallel_loop3A_159] {strides = array<i32>} : memref<80x128xf32, #tpu.memory_space<vmem>>, vector<1x16xf32>,
        %parallel_loop3A_161 = vector.shape_cast %parallel_loop3A_160 : vector<1x16xf32> to vector<16xf32>
        %parallel_loop3A_162 = arith.mulf %parallel_loop3A_157, %parallel_loop3A_161 : vector<16xf32>
        %parallel_loop3A_163 = arith.index_cast %parallel_loop3A_153 : i32 to index
        %parallel_loop3A_164 = arith.constant 0 : index
        %parallel_loop3A_165 = tpu.vector_load %arg8[%parallel_loop3A_163, %parallel_loop3A_164] {strides = array<i32>} : memref<80x128xf32, #tpu.memory_space<vmem>>, vector<1x16xf32>,
        %parallel_loop3A_166 = vector.shape_cast %parallel_loop3A_165 : vector<1x16xf32> to vector<16xf32>
        %parallel_loop3A_167 = vector.shape_cast %parallel_loop3A_162 : vector<16xf32> to vector<1x16xf32>
        tpu.vector_store %arg8[%parallel_loop3A_163, %parallel_loop3A_164], %parallel_loop3A_167 {strides = array<i32>} : memref<80x128xf32, #tpu.memory_space<vmem>>, vector<1x16xf32>,
        %parallel_loop3A_168 = arith.index_cast %parallel_loop3A_153 : i32 to index
        %parallel_loop3A_169 = arith.constant 16 : index
        %parallel_loop3A_170 = tpu.vector_load %arg8[%parallel_loop3A_168, %parallel_loop3A_169] {strides = array<i32>} : memref<80x128xf32, #tpu.memory_space<vmem>>, vector<1x16xf32>,
        %parallel_loop3A_171 = vector.shape_cast %parallel_loop3A_170 : vector<1x16xf32> to vector<16xf32>
        %parallel_loop3A_172 = arith.index_cast %parallel_loop3A_153 : i32 to index
        %parallel_loop3A_173 = arith.constant 16 : index
        %parallel_loop3A_174 = tpu.vector_load %arg10[%parallel_loop3A_172, %parallel_loop3A_173] {strides = array<i32>} : memref<80x128xf32, #tpu.memory_space<vmem>>, vector<1x16xf32>,
        %parallel_loop3A_175 = vector.shape_cast %parallel_loop3A_174 : vector<1x16xf32> to vector<16xf32>
        %parallel_loop3A_176 = arith.mulf %parallel_loop3A_171, %parallel_loop3A_175 : vector<16xf32>
        %parallel_loop3A_177 = arith.index_cast %parallel_loop3A_153 : i32 to index
        %parallel_loop3A_178 = arith.constant 16 : index
        %parallel_loop3A_179 = tpu.vector_load %arg8[%parallel_loop3A_177, %parallel_loop3A_178] {strides = array<i32>} : memref<80x128xf32, #tpu.memory_space<vmem>>, vector<1x16xf32>,
        %parallel_loop3A_180 = vector.shape_cast %parallel_loop3A_179 : vector<1x16xf32> to vector<16xf32>
        %parallel_loop3A_181 = vector.shape_cast %parallel_loop3A_176 : vector<16xf32> to vector<1x16xf32>
        tpu.vector_store %arg8[%parallel_loop3A_177, %parallel_loop3A_178], %parallel_loop3A_181 {strides = array<i32>} : memref<80x128xf32, #tpu.memory_space<vmem>>, vector<1x16xf32>,
        %parallel_loop3A_182 = arith.index_cast %parallel_loop3A_153 : i32 to index
        %parallel_loop3A_183 = arith.constant 32 : index
        %parallel_loop3A_184 = tpu.vector_load %arg8[%parallel_loop3A_182, %parallel_loop3A_183] {strides = array<i32>} : memref<80x128xf32, #tpu.memory_space<vmem>>, vector<1x16xf32>,
        %parallel_loop3A_185 = vector.shape_cast %parallel_loop3A_184 : vector<1x16xf32> to vector<16xf32>
        %parallel_loop3A_186 = arith.index_cast %parallel_loop3A_153 : i32 to index
        %parallel_loop3A_187 = arith.constant 32 : index
        %parallel_loop3A_188 = tpu.vector_load %arg10[%parallel_loop3A_186, %parallel_loop3A_187] {strides = array<i32>} : memref<80x128xf32, #tpu.memory_space<vmem>>, vector<1x16xf32>,
        %parallel_loop3A_189 = vector.shape_cast %parallel_loop3A_188 : vector<1x16xf32> to vector<16xf32>
        %parallel_loop3A_190 = arith.mulf %parallel_loop3A_185, %parallel_loop3A_189 : vector<16xf32>
        %parallel_loop3A_191 = arith.index_cast %parallel_loop3A_153 : i32 to index
        %parallel_loop3A_192 = arith.constant 32 : index
        %parallel_loop3A_193 = tpu.vector_load %arg8[%parallel_loop3A_191, %parallel_loop3A_192] {strides = array<i32>} : memref<80x128xf32, #tpu.memory_space<vmem>>, vector<1x16xf32>,
        %parallel_loop3A_194 = vector.shape_cast %parallel_loop3A_193 : vector<1x16xf32> to vector<16xf32>
        %parallel_loop3A_195 = vector.shape_cast %parallel_loop3A_190 : vector<16xf32> to vector<1x16xf32>
        tpu.vector_store %arg8[%parallel_loop3A_191, %parallel_loop3A_192], %parallel_loop3A_195 {strides = array<i32>} : memref<80x128xf32, #tpu.memory_space<vmem>>, vector<1x16xf32>,
        %parallel_loop3A_196 = arith.index_cast %parallel_loop3A_153 : i32 to index
        %parallel_loop3A_197 = arith.constant 48 : index
        %parallel_loop3A_198 = tpu.vector_load %arg8[%parallel_loop3A_196, %parallel_loop3A_197] {strides = array<i32>} : memref<80x128xf32, #tpu.memory_space<vmem>>, vector<1x16xf32>,
        %parallel_loop3A_199 = vector.shape_cast %parallel_loop3A_198 : vector<1x16xf32> to vector<16xf32>
        %parallel_loop3A_200 = arith.index_cast %parallel_loop3A_153 : i32 to index
        %parallel_loop3A_201 = arith.constant 48 : index
        %parallel_loop3A_202 = tpu.vector_load %arg10[%parallel_loop3A_200, %parallel_loop3A_201] {strides = array<i32>} : memref<80x128xf32, #tpu.memory_space<vmem>>, vector<1x16xf32>,
        %parallel_loop3A_203 = vector.shape_cast %parallel_loop3A_202 : vector<1x16xf32> to vector<16xf32>
        %parallel_loop3A_204 = arith.mulf %parallel_loop3A_199, %parallel_loop3A_203 : vector<16xf32>
        %parallel_loop3A_205 = arith.index_cast %parallel_loop3A_153 : i32 to index
        %parallel_loop3A_206 = arith.constant 48 : index
        %parallel_loop3A_207 = tpu.vector_load %arg8[%parallel_loop3A_205, %parallel_loop3A_206] {strides = array<i32>} : memref<80x128xf32, #tpu.memory_space<vmem>>, vector<1x16xf32>,
        %parallel_loop3A_208 = vector.shape_cast %parallel_loop3A_207 : vector<1x16xf32> to vector<16xf32>
        %parallel_loop3A_209 = vector.shape_cast %parallel_loop3A_204 : vector<16xf32> to vector<1x16xf32>
        tpu.vector_store %arg8[%parallel_loop3A_205, %parallel_loop3A_206], %parallel_loop3A_209 {strides = array<i32>} : memref<80x128xf32, #tpu.memory_space<vmem>>, vector<1x16xf32>,
        %parallel_loop3A_210 = arith.index_cast %parallel_loop3A_153 : i32 to index
        %parallel_loop3A_211 = arith.constant 64 : index
        %parallel_loop3A_212 = tpu.vector_load %arg8[%parallel_loop3A_210, %parallel_loop3A_211] {strides = array<i32>} : memref<80x128xf32, #tpu.memory_space<vmem>>, vector<1x16xf32>,
        %parallel_loop3A_213 = vector.shape_cast %parallel_loop3A_212 : vector<1x16xf32> to vector<16xf32>
        %parallel_loop3A_214 = arith.index_cast %parallel_loop3A_153 : i32 to index
        %parallel_loop3A_215 = arith.constant 64 : index
        %parallel_loop3A_216 = tpu.vector_load %arg10[%parallel_loop3A_214, %parallel_loop3A_215] {strides = array<i32>} : memref<80x128xf32, #tpu.memory_space<vmem>>, vector<1x16xf32>,
        %parallel_loop3A_217 = vector.shape_cast %parallel_loop3A_216 : vector<1x16xf32> to vector<16xf32>
        %parallel_loop3A_218 = arith.mulf %parallel_loop3A_213, %parallel_loop3A_217 : vector<16xf32>
        %parallel_loop3A_219 = arith.index_cast %parallel_loop3A_153 : i32 to index
        %parallel_loop3A_220 = arith.constant 64 : index
        %parallel_loop3A_221 = tpu.vector_load %arg8[%parallel_loop3A_219, %parallel_loop3A_220] {strides = array<i32>} : memref<80x128xf32, #tpu.memory_space<vmem>>, vector<1x16xf32>,
        %parallel_loop3A_222 = vector.shape_cast %parallel_loop3A_221 : vector<1x16xf32> to vector<16xf32>
        %parallel_loop3A_223 = vector.shape_cast %parallel_loop3A_218 : vector<16xf32> to vector<1x16xf32>
        tpu.vector_store %arg8[%parallel_loop3A_219, %parallel_loop3A_220], %parallel_loop3A_223 {strides = array<i32>} : memref<80x128xf32, #tpu.memory_space<vmem>>, vector<1x16xf32>,
        %parallel_loop3A_224 = arith.index_cast %parallel_loop3A_153 : i32 to index
        %parallel_loop3A_225 = arith.constant 80 : index
        %parallel_loop3A_226 = tpu.vector_load %arg8[%parallel_loop3A_224, %parallel_loop3A_225] {strides = array<i32>} : memref<80x128xf32, #tpu.memory_space<vmem>>, vector<1x16xf32>,
        %parallel_loop3A_227 = vector.shape_cast %parallel_loop3A_226 : vector<1x16xf32> to vector<16xf32>
        %parallel_loop3A_228 = arith.index_cast %parallel_loop3A_153 : i32 to index
        %parallel_loop3A_229 = arith.constant 80 : index
        %parallel_loop3A_230 = tpu.vector_load %arg10[%parallel_loop3A_228, %parallel_loop3A_229] {strides = array<i32>} : memref<80x128xf32, #tpu.memory_space<vmem>>, vector<1x16xf32>,
        %parallel_loop3A_231 = vector.shape_cast %parallel_loop3A_230 : vector<1x16xf32> to vector<16xf32>
        %parallel_loop3A_232 = arith.mulf %parallel_loop3A_227, %parallel_loop3A_231 : vector<16xf32>
        %parallel_loop3A_233 = arith.index_cast %parallel_loop3A_153 : i32 to index
        %parallel_loop3A_234 = arith.constant 80 : index
        %parallel_loop3A_235 = tpu.vector_load %arg8[%parallel_loop3A_233, %parallel_loop3A_234] {strides = array<i32>} : memref<80x128xf32, #tpu.memory_space<vmem>>, vector<1x16xf32>,
        %parallel_loop3A_236 = vector.shape_cast %parallel_loop3A_235 : vector<1x16xf32> to vector<16xf32>
        %parallel_loop3A_237 = vector.shape_cast %parallel_loop3A_232 : vector<16xf32> to vector<1x16xf32>
        tpu.vector_store %arg8[%parallel_loop3A_233, %parallel_loop3A_234], %parallel_loop3A_237 {strides = array<i32>} : memref<80x128xf32, #tpu.memory_space<vmem>>, vector<1x16xf32>,
        %parallel_loop3A_238 = arith.index_cast %parallel_loop3A_153 : i32 to index
        %parallel_loop3A_239 = arith.constant 96 : index
        %parallel_loop3A_240 = tpu.vector_load %arg8[%parallel_loop3A_238, %parallel_loop3A_239] {strides = array<i32>} : memref<80x128xf32, #tpu.memory_space<vmem>>, vector<1x16xf32>,
        %parallel_loop3A_241 = vector.shape_cast %parallel_loop3A_240 : vector<1x16xf32> to vector<16xf32>
        %parallel_loop3A_242 = arith.index_cast %parallel_loop3A_153 : i32 to index
        %parallel_loop3A_243 = arith.constant 96 : index
        %parallel_loop3A_244 = tpu.vector_load %arg10[%parallel_loop3A_242, %parallel_loop3A_243] {strides = array<i32>} : memref<80x128xf32, #tpu.memory_space<vmem>>, vector<1x16xf32>,
        %parallel_loop3A_245 = vector.shape_cast %parallel_loop3A_244 : vector<1x16xf32> to vector<16xf32>
        %parallel_loop3A_246 = arith.mulf %parallel_loop3A_241, %parallel_loop3A_245 : vector<16xf32>
        %parallel_loop3A_247 = arith.index_cast %parallel_loop3A_153 : i32 to index
        %parallel_loop3A_248 = arith.constant 96 : index
        %parallel_loop3A_249 = tpu.vector_load %arg8[%parallel_loop3A_247, %parallel_loop3A_248] {strides = array<i32>} : memref<80x128xf32, #tpu.memory_space<vmem>>, vector<1x16xf32>,
        %parallel_loop3A_250 = vector.shape_cast %parallel_loop3A_249 : vector<1x16xf32> to vector<16xf32>
        %parallel_loop3A_251 = vector.shape_cast %parallel_loop3A_246 : vector<16xf32> to vector<1x16xf32>
        tpu.vector_store %arg8[%parallel_loop3A_247, %parallel_loop3A_248], %parallel_loop3A_251 {strides = array<i32>} : memref<80x128xf32, #tpu.memory_space<vmem>>, vector<1x16xf32>,
        %parallel_loop3A_252 = arith.index_cast %parallel_loop3A_153 : i32 to index
        %parallel_loop3A_253 = arith.constant 112 : index
        %parallel_loop3A_254 = tpu.vector_load %arg8[%parallel_loop3A_252, %parallel_loop3A_253] {strides = array<i32>} : memref<80x128xf32, #tpu.memory_space<vmem>>, vector<1x16xf32>,
        %parallel_loop3A_255 = vector.shape_cast %parallel_loop3A_254 : vector<1x16xf32> to vector<16xf32>
        %parallel_loop3A_256 = arith.index_cast %parallel_loop3A_153 : i32 to index
        %parallel_loop3A_257 = arith.constant 112 : index
        %parallel_loop3A_258 = tpu.vector_load %arg10[%parallel_loop3A_256, %parallel_loop3A_257] {strides = array<i32>} : memref<80x128xf32, #tpu.memory_space<vmem>>, vector<1x16xf32>,
        %parallel_loop3A_259 = vector.shape_cast %parallel_loop3A_258 : vector<1x16xf32> to vector<16xf32>
        %parallel_loop3A_260 = arith.mulf %parallel_loop3A_255, %parallel_loop3A_259 : vector<16xf32>
        %parallel_loop3A_261 = arith.index_cast %parallel_loop3A_153 : i32 to index
        %parallel_loop3A_262 = arith.constant 112 : index
        %parallel_loop3A_263 = tpu.vector_load %arg8[%parallel_loop3A_261, %parallel_loop3A_262] {strides = array<i32>} : memref<80x128xf32, #tpu.memory_space<vmem>>, vector<1x16xf32>,
        %parallel_loop3A_264 = vector.shape_cast %parallel_loop3A_263 : vector<1x16xf32> to vector<16xf32>
        %parallel_loop3A_265 = vector.shape_cast %parallel_loop3A_260 : vector<16xf32> to vector<1x16xf32>
        tpu.vector_store %arg8[%parallel_loop3A_261, %parallel_loop3A_262], %parallel_loop3A_265 {strides = array<i32>} : memref<80x128xf32, #tpu.memory_space<vmem>>, vector<1x16xf32>,
      } {sc.loop_unroll_factor = 4 : i64, sc.parallel_access}
      %dma_start3A_105 = arith.constant 1 : i32
      %dma_start3A_106 = arith.constant 0 : i32
      %dma_start3A_107 = tpu.memref_slice %arg6[%dma_start3A_105, %dma_start3A_106] : memref<3x80xi32, #tpu.memory_space<vmem>> -> memref<1x80xi32, #tpu.memory_space<vmem>>
      %dma_start3A_108 = tpu.memref_squeeze %dma_start3A_107 : memref<1x80xi32, #tpu.memory_space<vmem>> -> memref<80xi32, #tpu.memory_space<vmem>>
      %dma_start3A_109 = arith.constant 0 : i32
      %dma_start3A_110 = arith.constant 0 : i32
      %dma_start3A_111 = tpu.memref_slice %arg13[%dma_start3A_109, %dma_start3A_110] : memref<10240x128xf32, #tpu.memory_space<vmem_shared>> -> memref<10240x128xf32, #tpu.memory_space<vmem_shared>>
      tpu.enqueue_indirect_dma source(%arg8 : memref<80x128xf32, #tpu.memory_space<vmem>>) target(%dma_start3A_111 : memref<10240x128xf32, #tpu.memory_space<vmem_shared>>) offsets(%dma_start3A_108 : memref<80xi32, #tpu.memory_space<vmem>>) semaphore(%arg18 : memref<!tpu.dma_semaphore, #tpu.memory_space<semaphore_mem>>) {add = true}
      %mul3A_112 = arith.constant 2 : i32
      %mul3A_113 = arith.muli %mul3A_112, %scan3A_73 : i32
      %add3A_114 = arith.constant 1 : i32
      %add3A_115 = arith.addi %mul3A_113, %add3A_114 : i32
      %dma_wait3A_116 = arith.constant 0 : i32
      %dma_wait3A_117 = arith.constant 0 : i32
      %dma_wait3A_118 = tpu.memref_slice %arg7[%dma_wait3A_116, %dma_wait3A_117] : memref<3x80xi32, #tpu.memory_space<vmem>> -> memref<1x80xi32, #tpu.memory_space<vmem>>
      %dma_wait3A_119 = tpu.memref_squeeze %dma_wait3A_118 : memref<1x80xi32, #tpu.memory_space<vmem>> -> memref<80xi32, #tpu.memory_space<vmem>>
      %dma_wait3A_120 = arith.constant 0 : i32
      %dma_wait3A_121 = arith.constant 0 : i32
      %dma_wait3A_122 = tpu.memref_slice %arg2[%dma_wait3A_120, %dma_wait3A_121] : memref<10000x128xf32, #tpu.memory_space<hbm>> -> memref<10000x128xf32, #tpu.memory_space<hbm>>
      tpu.wait_indirect_dma semaphore(%arg15 : memref<!tpu.dma_semaphore, #tpu.memory_space<semaphore_mem>>) src(%dma_wait3A_122 : memref<10000x128xf32, #tpu.memory_space<hbm>>) dst(%arg9 : memref<80x128xf32, #tpu.memory_space<vmem>>)
      %dma_wait3A_123 = arith.constant 2 : i32
      %dma_wait3A_124 = arith.constant 0 : i32
      %dma_wait3A_125 = tpu.memref_slice %arg7[%dma_wait3A_123, %dma_wait3A_124] : memref<3x80xi32, #tpu.memory_space<vmem>> -> memref<1x80xi32, #tpu.memory_space<vmem>>
      %dma_wait3A_126 = tpu.memref_squeeze %dma_wait3A_125 : memref<1x80xi32, #tpu.memory_space<vmem>> -> memref<80xi32, #tpu.memory_space<vmem>>
      %dma_wait3A_127 = arith.constant 0 : i32
      %dma_wait3A_128 = arith.constant 0 : i32
      %dma_wait3A_129 = tpu.memref_slice %arg12[%dma_wait3A_127, %dma_wait3A_128] : memref<32x128xf32, #tpu.memory_space<vmem_shared>> -> memref<32x128xf32, #tpu.memory_space<vmem_shared>>
      tpu.wait_indirect_dma semaphore(%arg17 : memref<!tpu.dma_semaphore, #tpu.memory_space<semaphore_mem>>) src(%dma_wait3A_129 : memref<32x128xf32, #tpu.memory_space<vmem_shared>>) dst(%arg11 : memref<80x128xf32, #tpu.memory_space<vmem>>)
      %ge3A_130 = arith.constant 1 : i32
      %ge3A_131 = arith.cmpi sge, %add3A_115, %ge3A_130 : i32
      %convert_element_type3A_132 = arith.extui %ge3A_131 : i1 to i32
      %cond3A_133 = arith.constant 0 : i32
      %cond3A_134 = arith.cmpi ne, %convert_element_type3A_132, %cond3A_133 : i32
      scf.if %cond3A_134 {
        %dma_wait3A_153 = arith.constant 1 : i32
        %dma_wait3A_154 = arith.constant 0 : i32
        %dma_wait3A_155 = tpu.memref_slice %arg6[%dma_wait3A_153, %dma_wait3A_154] : memref<3x80xi32, #tpu.memory_space<vmem>> -> memref<1x80xi32, #tpu.memory_space<vmem>>
        %dma_wait3A_156 = tpu.memref_squeeze %dma_wait3A_155 : memref<1x80xi32, #tpu.memory_space<vmem>> -> memref<80xi32, #tpu.memory_space<vmem>>
        %dma_wait3A_157 = arith.constant 0 : i32
        %dma_wait3A_158 = arith.constant 0 : i32
        %dma_wait3A_159 = tpu.memref_slice %arg13[%dma_wait3A_157, %dma_wait3A_158] : memref<10240x128xf32, #tpu.memory_space<vmem_shared>> -> memref<10240x128xf32, #tpu.memory_space<vmem_shared>>
        tpu.wait_indirect_dma semaphore(%arg18 : memref<!tpu.dma_semaphore, #tpu.memory_space<semaphore_mem>>) src(%arg8 : memref<80x128xf32, #tpu.memory_space<vmem>>) dst(%dma_wait3A_159 : memref<10240x128xf32, #tpu.memory_space<vmem_shared>>)
      } else {
      }
      %add3A_135 = arith.constant 1 : i32
      %add3A_136 = arith.addi %add3A_115, %add3A_135 : i32
      %lt3A_137 = arith.constant 126 : i32
      %lt3A_138 = arith.cmpi slt, %add3A_136, %lt3A_137 : i32
      %convert_element_type3A_139 = arith.extui %lt3A_138 : i1 to i32
      %cond3A_140 = arith.constant 0 : i32
      %cond3A_141 = arith.cmpi ne, %convert_element_type3A_139, %cond3A_140 : i32
      scf.if %cond3A_141 {
        %add3A_153 = arith.addi %mul3A_29, %add3A_115 : i32
        %add3A_154 = arith.constant 1 : i32
        %add3A_155 = arith.addi %add3A_153, %add3A_154 : i32
        "tpu.region"() ({
          %run_scoped3A = tpu.sem_alloc : memref<!tpu.dma_semaphore, #tpu.memory_space<semaphore_mem>>
          %dma_start3A_170 = arith.constant 0 : i32
          %dma_start3A_171 = arith.constant 0 : i32
          %dma_start3A_172 = tpu.memref_slice %arg4[%add3A_155, %dma_start3A_170, %dma_start3A_171] : memref<4032x3x80xi32, #tpu.memory_space<hbm>> -> memref<1x3x80xi32, #tpu.memory_space<hbm>>
          %dma_start3A_173 = tpu.memref_squeeze %dma_start3A_172 : memref<1x3x80xi32, #tpu.memory_space<hbm>> -> memref<3x80xi32, #tpu.memory_space<hbm>>
          %dma_start3A_174 = arith.constant 0 : i32
          %dma_start3A_175 = arith.constant 0 : i32
          %dma_start3A_176 = tpu.memref_slice %arg4[%add3A_155, %dma_start3A_174, %dma_start3A_175] : memref<4032x3x80xi32, #tpu.memory_space<hbm>> -> memref<1x3x80xi32, #tpu.memory_space<hbm>>
          %dma_start3A_177 = tpu.memref_squeeze %dma_start3A_176 : memref<1x3x80xi32, #tpu.memory_space<hbm>> -> memref<3x80xi32, #tpu.memory_space<hbm>>
          tpu.enqueue_dma source(%dma_start3A_177 : memref<3x80xi32, #tpu.memory_space<hbm>>) target(%arg6 : memref<3x80xi32, #tpu.memory_space<vmem>>) target_semaphore(%run_scoped3A : memref<!tpu.dma_semaphore, #tpu.memory_space<semaphore_mem>>)
          %dma_wait3A_178 = arith.constant 0 : i32
          %dma_wait3A_179 = arith.constant 0 : i32
          %dma_wait3A_180 = tpu.memref_slice %arg4[%add3A_155, %dma_wait3A_178, %dma_wait3A_179] : memref<4032x3x80xi32, #tpu.memory_space<hbm>> -> memref<1x3x80xi32, #tpu.memory_space<hbm>>
          %dma_wait3A_181 = tpu.memref_squeeze %dma_wait3A_180 : memref<1x3x80xi32, #tpu.memory_space<hbm>> -> memref<3x80xi32, #tpu.memory_space<hbm>>
          %dma_wait3A_182 = arith.constant 0 : i32
          %dma_wait3A_183 = arith.constant 0 : i32
          %dma_wait3A_184 = tpu.memref_slice %arg4[%add3A_155, %dma_wait3A_182, %dma_wait3A_183] : memref<4032x3x80xi32, #tpu.memory_space<hbm>> -> memref<1x3x80xi32, #tpu.memory_space<hbm>>
          %dma_wait3A_185 = tpu.memref_squeeze %dma_wait3A_184 : memref<1x3x80xi32, #tpu.memory_space<hbm>> -> memref<3x80xi32, #tpu.memory_space<hbm>>
          tpu.wait_dma2 semaphore(%run_scoped3A : memref<!tpu.dma_semaphore, #tpu.memory_space<semaphore_mem>>) src(%dma_wait3A_185 : memref<3x80xi32, #tpu.memory_space<hbm>>) dst(%arg6 : memref<3x80xi32, #tpu.memory_space<vmem>>)
          tpu.yield
        }) : () -> ()
        %dma_start3A_156 = arith.constant 0 : i32
        %dma_start3A_157 = arith.constant 0 : i32
        %dma_start3A_158 = tpu.memref_slice %arg6[%dma_start3A_156, %dma_start3A_157] : memref<3x80xi32, #tpu.memory_space<vmem>> -> memref<1x80xi32, #tpu.memory_space<vmem>>
        %dma_start3A_159 = tpu.memref_squeeze %dma_start3A_158 : memref<1x80xi32, #tpu.memory_space<vmem>> -> memref<80xi32, #tpu.memory_space<vmem>>
        %dma_start3A_160 = arith.constant 0 : i32
        %dma_start3A_161 = arith.constant 0 : i32
        %dma_start3A_162 = tpu.memref_slice %arg2[%dma_start3A_160, %dma_start3A_161] : memref<10000x128xf32, #tpu.memory_space<hbm>> -> memref<10000x128xf32, #tpu.memory_space<hbm>>
        tpu.enqueue_indirect_dma source(%dma_start3A_162 : memref<10000x128xf32, #tpu.memory_space<hbm>>) target(%arg8 : memref<80x128xf32, #tpu.memory_space<vmem>>) offsets(%dma_start3A_159 : memref<80xi32, #tpu.memory_space<vmem>>) semaphore(%arg14 : memref<!tpu.dma_semaphore, #tpu.memory_space<semaphore_mem>>)
        %dma_start3A_163 = arith.constant 2 : i32
        %dma_start3A_164 = arith.constant 0 : i32
        %dma_start3A_165 = tpu.memref_slice %arg6[%dma_start3A_163, %dma_start3A_164] : memref<3x80xi32, #tpu.memory_space<vmem>> -> memref<1x80xi32, #tpu.memory_space<vmem>>
        %dma_start3A_166 = tpu.memref_squeeze %dma_start3A_165 : memref<1x80xi32, #tpu.memory_space<vmem>> -> memref<80xi32, #tpu.memory_space<vmem>>
        %dma_start3A_167 = arith.constant 0 : i32
        %dma_start3A_168 = arith.constant 0 : i32
        %dma_start3A_169 = tpu.memref_slice %arg12[%dma_start3A_167, %dma_start3A_168] : memref<32x128xf32, #tpu.memory_space<vmem_shared>> -> memref<32x128xf32, #tpu.memory_space<vmem_shared>>
        tpu.enqueue_indirect_dma source(%dma_start3A_169 : memref<32x128xf32, #tpu.memory_space<vmem_shared>>) target(%arg10 : memref<80x128xf32, #tpu.memory_space<vmem>>) offsets(%dma_start3A_166 : memref<80xi32, #tpu.memory_space<vmem>>) semaphore(%arg16 : memref<!tpu.dma_semaphore, #tpu.memory_space<semaphore_mem>>)
      } else {
      }
      %parallel_loop3A_142 = arith.constant 0 : i32
      %parallel_loop3A_143 = arith.constant 80 : i32
      %parallel_loop3A_144 = arith.constant 1 : i32
      scf.for %parallel_loop3A_153 = %parallel_loop3A_142 to %parallel_loop3A_143 step %parallel_loop3A_144  : i32 {
        %parallel_loop3A_154 = arith.index_cast %parallel_loop3A_153 : i32 to index
        %parallel_loop3A_155 = arith.constant 0 : index
        %parallel_loop3A_156 = tpu.vector_load %arg9[%parallel_loop3A_154, %parallel_loop3A_155] {strides = array<i32>} : memref<80x128xf32, #tpu.memory_space<vmem>>, vector<1x16xf32>,
        %parallel_loop3A_157 = vector.shape_cast %parallel_loop3A_156 : vector<1x16xf32> to vector<16xf32>
        %parallel_loop3A_158 = arith.index_cast %parallel_loop3A_153 : i32 to index
        %parallel_loop3A_159 = arith.constant 0 : index
        %parallel_loop3A_160 = tpu.vector_load %arg11[%parallel_loop3A_158, %parallel_loop3A_159] {strides = array<i32>} : memref<80x128xf32, #tpu.memory_space<vmem>>, vector<1x16xf32>,
        %parallel_loop3A_161 = vector.shape_cast %parallel_loop3A_160 : vector<1x16xf32> to vector<16xf32>
        %parallel_loop3A_162 = arith.mulf %parallel_loop3A_157, %parallel_loop3A_161 : vector<16xf32>
        %parallel_loop3A_163 = arith.index_cast %parallel_loop3A_153 : i32 to index
        %parallel_loop3A_164 = arith.constant 0 : index
        %parallel_loop3A_165 = tpu.vector_load %arg9[%parallel_loop3A_163, %parallel_loop3A_164] {strides = array<i32>} : memref<80x128xf32, #tpu.memory_space<vmem>>, vector<1x16xf32>,
        %parallel_loop3A_166 = vector.shape_cast %parallel_loop3A_165 : vector<1x16xf32> to vector<16xf32>
        %parallel_loop3A_167 = vector.shape_cast %parallel_loop3A_162 : vector<16xf32> to vector<1x16xf32>
        tpu.vector_store %arg9[%parallel_loop3A_163, %parallel_loop3A_164], %parallel_loop3A_167 {strides = array<i32>} : memref<80x128xf32, #tpu.memory_space<vmem>>, vector<1x16xf32>,
        %parallel_loop3A_168 = arith.index_cast %parallel_loop3A_153 : i32 to index
        %parallel_loop3A_169 = arith.constant 16 : index
        %parallel_loop3A_170 = tpu.vector_load %arg9[%parallel_loop3A_168, %parallel_loop3A_169] {strides = array<i32>} : memref<80x128xf32, #tpu.memory_space<vmem>>, vector<1x16xf32>,
        %parallel_loop3A_171 = vector.shape_cast %parallel_loop3A_170 : vector<1x16xf32> to vector<16xf32>
        %parallel_loop3A_172 = arith.index_cast %parallel_loop3A_153 : i32 to index
        %parallel_loop3A_173 = arith.constant 16 : index
        %parallel_loop3A_174 = tpu.vector_load %arg11[%parallel_loop3A_172, %parallel_loop3A_173] {strides = array<i32>} : memref<80x128xf32, #tpu.memory_space<vmem>>, vector<1x16xf32>,
        %parallel_loop3A_175 = vector.shape_cast %parallel_loop3A_174 : vector<1x16xf32> to vector<16xf32>
        %parallel_loop3A_176 = arith.mulf %parallel_loop3A_171, %parallel_loop3A_175 : vector<16xf32>
        %parallel_loop3A_177 = arith.index_cast %parallel_loop3A_153 : i32 to index
        %parallel_loop3A_178 = arith.constant 16 : index
        %parallel_loop3A_179 = tpu.vector_load %arg9[%parallel_loop3A_177, %parallel_loop3A_178] {strides = array<i32>} : memref<80x128xf32, #tpu.memory_space<vmem>>, vector<1x16xf32>,
        %parallel_loop3A_180 = vector.shape_cast %parallel_loop3A_179 : vector<1x16xf32> to vector<16xf32>
        %parallel_loop3A_181 = vector.shape_cast %parallel_loop3A_176 : vector<16xf32> to vector<1x16xf32>
        tpu.vector_store %arg9[%parallel_loop3A_177, %parallel_loop3A_178], %parallel_loop3A_181 {strides = array<i32>} : memref<80x128xf32, #tpu.memory_space<vmem>>, vector<1x16xf32>,
        %parallel_loop3A_182 = arith.index_cast %parallel_loop3A_153 : i32 to index
        %parallel_loop3A_183 = arith.constant 32 : index
        %parallel_loop3A_184 = tpu.vector_load %arg9[%parallel_loop3A_182, %parallel_loop3A_183] {strides = array<i32>} : memref<80x128xf32, #tpu.memory_space<vmem>>, vector<1x16xf32>,
        %parallel_loop3A_185 = vector.shape_cast %parallel_loop3A_184 : vector<1x16xf32> to vector<16xf32>
        %parallel_loop3A_186 = arith.index_cast %parallel_loop3A_153 : i32 to index
        %parallel_loop3A_187 = arith.constant 32 : index
        %parallel_loop3A_188 = tpu.vector_load %arg11[%parallel_loop3A_186, %parallel_loop3A_187] {strides = array<i32>} : memref<80x128xf32, #tpu.memory_space<vmem>>, vector<1x16xf32>,
        %parallel_loop3A_189 = vector.shape_cast %parallel_loop3A_188 : vector<1x16xf32> to vector<16xf32>
        %parallel_loop3A_190 = arith.mulf %parallel_loop3A_185, %parallel_loop3A_189 : vector<16xf32>
        %parallel_loop3A_191 = arith.index_cast %parallel_loop3A_153 : i32 to index
        %parallel_loop3A_192 = arith.constant 32 : index
        %parallel_loop3A_193 = tpu.vector_load %arg9[%parallel_loop3A_191, %parallel_loop3A_192] {strides = array<i32>} : memref<80x128xf32, #tpu.memory_space<vmem>>, vector<1x16xf32>,
        %parallel_loop3A_194 = vector.shape_cast %parallel_loop3A_193 : vector<1x16xf32> to vector<16xf32>
        %parallel_loop3A_195 = vector.shape_cast %parallel_loop3A_190 : vector<16xf32> to vector<1x16xf32>
        tpu.vector_store %arg9[%parallel_loop3A_191, %parallel_loop3A_192], %parallel_loop3A_195 {strides = array<i32>} : memref<80x128xf32, #tpu.memory_space<vmem>>, vector<1x16xf32>,
        %parallel_loop3A_196 = arith.index_cast %parallel_loop3A_153 : i32 to index
        %parallel_loop3A_197 = arith.constant 48 : index
        %parallel_loop3A_198 = tpu.vector_load %arg9[%parallel_loop3A_196, %parallel_loop3A_197] {strides = array<i32>} : memref<80x128xf32, #tpu.memory_space<vmem>>, vector<1x16xf32>,
        %parallel_loop3A_199 = vector.shape_cast %parallel_loop3A_198 : vector<1x16xf32> to vector<16xf32>
        %parallel_loop3A_200 = arith.index_cast %parallel_loop3A_153 : i32 to index
        %parallel_loop3A_201 = arith.constant 48 : index
        %parallel_loop3A_202 = tpu.vector_load %arg11[%parallel_loop3A_200, %parallel_loop3A_201] {strides = array<i32>} : memref<80x128xf32, #tpu.memory_space<vmem>>, vector<1x16xf32>,
        %parallel_loop3A_203 = vector.shape_cast %parallel_loop3A_202 : vector<1x16xf32> to vector<16xf32>
        %parallel_loop3A_204 = arith.mulf %parallel_loop3A_199, %parallel_loop3A_203 : vector<16xf32>
        %parallel_loop3A_205 = arith.index_cast %parallel_loop3A_153 : i32 to index
        %parallel_loop3A_206 = arith.constant 48 : index
        %parallel_loop3A_207 = tpu.vector_load %arg9[%parallel_loop3A_205, %parallel_loop3A_206] {strides = array<i32>} : memref<80x128xf32, #tpu.memory_space<vmem>>, vector<1x16xf32>,
        %parallel_loop3A_208 = vector.shape_cast %parallel_loop3A_207 : vector<1x16xf32> to vector<16xf32>
        %parallel_loop3A_209 = vector.shape_cast %parallel_loop3A_204 : vector<16xf32> to vector<1x16xf32>
        tpu.vector_store %arg9[%parallel_loop3A_205, %parallel_loop3A_206], %parallel_loop3A_209 {strides = array<i32>} : memref<80x128xf32, #tpu.memory_space<vmem>>, vector<1x16xf32>,
        %parallel_loop3A_210 = arith.index_cast %parallel_loop3A_153 : i32 to index
        %parallel_loop3A_211 = arith.constant 64 : index
        %parallel_loop3A_212 = tpu.vector_load %arg9[%parallel_loop3A_210, %parallel_loop3A_211] {strides = array<i32>} : memref<80x128xf32, #tpu.memory_space<vmem>>, vector<1x16xf32>,
        %parallel_loop3A_213 = vector.shape_cast %parallel_loop3A_212 : vector<1x16xf32> to vector<16xf32>
        %parallel_loop3A_214 = arith.index_cast %parallel_loop3A_153 : i32 to index
        %parallel_loop3A_215 = arith.constant 64 : index
        %parallel_loop3A_216 = tpu.vector_load %arg11[%parallel_loop3A_214, %parallel_loop3A_215] {strides = array<i32>} : memref<80x128xf32, #tpu.memory_space<vmem>>, vector<1x16xf32>,
        %parallel_loop3A_217 = vector.shape_cast %parallel_loop3A_216 : vector<1x16xf32> to vector<16xf32>
        %parallel_loop3A_218 = arith.mulf %parallel_loop3A_213, %parallel_loop3A_217 : vector<16xf32>
        %parallel_loop3A_219 = arith.index_cast %parallel_loop3A_153 : i32 to index
        %parallel_loop3A_220 = arith.constant 64 : index
        %parallel_loop3A_221 = tpu.vector_load %arg9[%parallel_loop3A_219, %parallel_loop3A_220] {strides = array<i32>} : memref<80x128xf32, #tpu.memory_space<vmem>>, vector<1x16xf32>,
        %parallel_loop3A_222 = vector.shape_cast %parallel_loop3A_221 : vector<1x16xf32> to vector<16xf32>
        %parallel_loop3A_223 = vector.shape_cast %parallel_loop3A_218 : vector<16xf32> to vector<1x16xf32>
        tpu.vector_store %arg9[%parallel_loop3A_219, %parallel_loop3A_220], %parallel_loop3A_223 {strides = array<i32>} : memref<80x128xf32, #tpu.memory_space<vmem>>, vector<1x16xf32>,
        %parallel_loop3A_224 = arith.index_cast %parallel_loop3A_153 : i32 to index
        %parallel_loop3A_225 = arith.constant 80 : index
        %parallel_loop3A_226 = tpu.vector_load %arg9[%parallel_loop3A_224, %parallel_loop3A_225] {strides = array<i32>} : memref<80x128xf32, #tpu.memory_space<vmem>>, vector<1x16xf32>,
        %parallel_loop3A_227 = vector.shape_cast %parallel_loop3A_226 : vector<1x16xf32> to vector<16xf32>
        %parallel_loop3A_228 = arith.index_cast %parallel_loop3A_153 : i32 to index
        %parallel_loop3A_229 = arith.constant 80 : index
        %parallel_loop3A_230 = tpu.vector_load %arg11[%parallel_loop3A_228, %parallel_loop3A_229] {strides = array<i32>} : memref<80x128xf32, #tpu.memory_space<vmem>>, vector<1x16xf32>,
        %parallel_loop3A_231 = vector.shape_cast %parallel_loop3A_230 : vector<1x16xf32> to vector<16xf32>
        %parallel_loop3A_232 = arith.mulf %parallel_loop3A_227, %parallel_loop3A_231 : vector<16xf32>
        %parallel_loop3A_233 = arith.index_cast %parallel_loop3A_153 : i32 to index
        %parallel_loop3A_234 = arith.constant 80 : index
        %parallel_loop3A_235 = tpu.vector_load %arg9[%parallel_loop3A_233, %parallel_loop3A_234] {strides = array<i32>} : memref<80x128xf32, #tpu.memory_space<vmem>>, vector<1x16xf32>,
        %parallel_loop3A_236 = vector.shape_cast %parallel_loop3A_235 : vector<1x16xf32> to vector<16xf32>
        %parallel_loop3A_237 = vector.shape_cast %parallel_loop3A_232 : vector<16xf32> to vector<1x16xf32>
        tpu.vector_store %arg9[%parallel_loop3A_233, %parallel_loop3A_234], %parallel_loop3A_237 {strides = array<i32>} : memref<80x128xf32, #tpu.memory_space<vmem>>, vector<1x16xf32>,
        %parallel_loop3A_238 = arith.index_cast %parallel_loop3A_153 : i32 to index
        %parallel_loop3A_239 = arith.constant 96 : index
        %parallel_loop3A_240 = tpu.vector_load %arg9[%parallel_loop3A_238, %parallel_loop3A_239] {strides = array<i32>} : memref<80x128xf32, #tpu.memory_space<vmem>>, vector<1x16xf32>,
        %parallel_loop3A_241 = vector.shape_cast %parallel_loop3A_240 : vector<1x16xf32> to vector<16xf32>
        %parallel_loop3A_242 = arith.index_cast %parallel_loop3A_153 : i32 to index
        %parallel_loop3A_243 = arith.constant 96 : index
        %parallel_loop3A_244 = tpu.vector_load %arg11[%parallel_loop3A_242, %parallel_loop3A_243] {strides = array<i32>} : memref<80x128xf32, #tpu.memory_space<vmem>>, vector<1x16xf32>,
        %parallel_loop3A_245 = vector.shape_cast %parallel_loop3A_244 : vector<1x16xf32> to vector<16xf32>
        %parallel_loop3A_246 = arith.mulf %parallel_loop3A_241, %parallel_loop3A_245 : vector<16xf32>
        %parallel_loop3A_247 = arith.index_cast %parallel_loop3A_153 : i32 to index
        %parallel_loop3A_248 = arith.constant 96 : index
        %parallel_loop3A_249 = tpu.vector_load %arg9[%parallel_loop3A_247, %parallel_loop3A_248] {strides = array<i32>} : memref<80x128xf32, #tpu.memory_space<vmem>>, vector<1x16xf32>,
        %parallel_loop3A_250 = vector.shape_cast %parallel_loop3A_249 : vector<1x16xf32> to vector<16xf32>
        %parallel_loop3A_251 = vector.shape_cast %parallel_loop3A_246 : vector<16xf32> to vector<1x16xf32>
        tpu.vector_store %arg9[%parallel_loop3A_247, %parallel_loop3A_248], %parallel_loop3A_251 {strides = array<i32>} : memref<80x128xf32, #tpu.memory_space<vmem>>, vector<1x16xf32>,
        %parallel_loop3A_252 = arith.index_cast %parallel_loop3A_153 : i32 to index
        %parallel_loop3A_253 = arith.constant 112 : index
        %parallel_loop3A_254 = tpu.vector_load %arg9[%parallel_loop3A_252, %parallel_loop3A_253] {strides = array<i32>} : memref<80x128xf32, #tpu.memory_space<vmem>>, vector<1x16xf32>,
        %parallel_loop3A_255 = vector.shape_cast %parallel_loop3A_254 : vector<1x16xf32> to vector<16xf32>
        %parallel_loop3A_256 = arith.index_cast %parallel_loop3A_153 : i32 to index
        %parallel_loop3A_257 = arith.constant 112 : index
        %parallel_loop3A_258 = tpu.vector_load %arg11[%parallel_loop3A_256, %parallel_loop3A_257] {strides = array<i32>} : memref<80x128xf32, #tpu.memory_space<vmem>>, vector<1x16xf32>,
        %parallel_loop3A_259 = vector.shape_cast %parallel_loop3A_258 : vector<1x16xf32> to vector<16xf32>
        %parallel_loop3A_260 = arith.mulf %parallel_loop3A_255, %parallel_loop3A_259 : vector<16xf32>
        %parallel_loop3A_261 = arith.index_cast %parallel_loop3A_153 : i32 to index
        %parallel_loop3A_262 = arith.constant 112 : index
        %parallel_loop3A_263 = tpu.vector_load %arg9[%parallel_loop3A_261, %parallel_loop3A_262] {strides = array<i32>} : memref<80x128xf32, #tpu.memory_space<vmem>>, vector<1x16xf32>,
        %parallel_loop3A_264 = vector.shape_cast %parallel_loop3A_263 : vector<1x16xf32> to vector<16xf32>
        %parallel_loop3A_265 = vector.shape_cast %parallel_loop3A_260 : vector<16xf32> to vector<1x16xf32>
        tpu.vector_store %arg9[%parallel_loop3A_261, %parallel_loop3A_262], %parallel_loop3A_265 {strides = array<i32>} : memref<80x128xf32, #tpu.memory_space<vmem>>, vector<1x16xf32>,
      } {sc.loop_unroll_factor = 4 : i64, sc.parallel_access}
      %dma_start3A_145 = arith.constant 1 : i32
      %dma_start3A_146 = arith.constant 0 : i32
      %dma_start3A_147 = tpu.memref_slice %arg7[%dma_start3A_145, %dma_start3A_146] : memref<3x80xi32, #tpu.memory_space<vmem>> -> memref<1x80xi32, #tpu.memory_space<vmem>>
      %dma_start3A_148 = tpu.memref_squeeze %dma_start3A_147 : memref<1x80xi32, #tpu.memory_space<vmem>> -> memref<80xi32, #tpu.memory_space<vmem>>
      %dma_start3A_149 = arith.constant 0 : i32
      %dma_start3A_150 = arith.constant 0 : i32
      %dma_start3A_151 = tpu.memref_slice %arg13[%dma_start3A_149, %dma_start3A_150] : memref<10240x128xf32, #tpu.memory_space<vmem_shared>> -> memref<10240x128xf32, #tpu.memory_space<vmem_shared>>
      tpu.enqueue_indirect_dma source(%arg9 : memref<80x128xf32, #tpu.memory_space<vmem>>) target(%dma_start3A_151 : memref<10240x128xf32, #tpu.memory_space<vmem_shared>>) offsets(%dma_start3A_148 : memref<80xi32, #tpu.memory_space<vmem>>) semaphore(%arg19 : memref<!tpu.dma_semaphore, #tpu.memory_space<semaphore_mem>>) {add = true}
      %scan3A_152 = arith.constant 0 : i32
      scf.yield %scan3A_152 : i32
    }
    %scan3A_49 = arith.constant 63 : i32
    %dma_wait3A = arith.constant 1 : i32
    %dma_wait3A_50 = arith.constant 0 : i32
    %dma_wait3A_51 = tpu.memref_slice %arg7[%dma_wait3A, %dma_wait3A_50] : memref<3x80xi32, #tpu.memory_space<vmem>> -> memref<1x80xi32, #tpu.memory_space<vmem>>
    %dma_wait3A_52 = tpu.memref_squeeze %dma_wait3A_51 : memref<1x80xi32, #tpu.memory_space<vmem>> -> memref<80xi32, #tpu.memory_space<vmem>>
    %dma_wait3A_53 = arith.constant 0 : i32
    %dma_wait3A_54 = arith.constant 0 : i32
    %dma_wait3A_55 = tpu.memref_slice %arg13[%dma_wait3A_53, %dma_wait3A_54] : memref<10240x128xf32, #tpu.memory_space<vmem_shared>> -> memref<10240x128xf32, #tpu.memory_space<vmem_shared>>
    tpu.wait_indirect_dma semaphore(%arg19 : memref<!tpu.dma_semaphore, #tpu.memory_space<semaphore_mem>>) src(%arg9 : memref<80x128xf32, #tpu.memory_space<vmem>>) dst(%dma_wait3A_55 : memref<10240x128xf32, #tpu.memory_space<vmem_shared>>)
    %barrier3A_56 = arith.constant 0 : index
    tpu.barrier barrier_id(%barrier3A_56)
    %add3A_57 = arith.constant 0 : i32
    %add3A_58 = arith.addi %mul3A_2, %add3A_57 : i32
    "tpu.region"() ({
      %run_scoped3A = tpu.sem_alloc : memref<!tpu.dma_semaphore, #tpu.memory_space<semaphore_mem>>
      %dma_start3A_73 = arith.constant 0 : i32
      %dma_start3A_74 = tpu.memref_slice %arg5[%arg0, %add3A_58, %dma_start3A_73] : memref<2x10240x128xf32, #tpu.memory_space<hbm>> -> memref<1x80x128xf32, #tpu.memory_space<hbm>>
      %dma_start3A_75 = tpu.memref_squeeze %dma_start3A_74 : memref<1x80x128xf32, #tpu.memory_space<hbm>> -> memref<80x128xf32, #tpu.memory_space<hbm>>
      %dma_start3A_76 = arith.constant 0 : i32
      %dma_start3A_77 = tpu.memref_slice %arg13[%add3A_58, %dma_start3A_76] : memref<10240x128xf32, #tpu.memory_space<vmem_shared>> -> memref<80x128xf32, #tpu.memory_space<vmem_shared>>
      tpu.enqueue_dma source(%dma_start3A_77 : memref<80x128xf32, #tpu.memory_space<vmem_shared>>) target(%dma_start3A_75 : memref<80x128xf32, #tpu.memory_space<hbm>>) target_semaphore(%run_scoped3A : memref<!tpu.dma_semaphore, #tpu.memory_space<semaphore_mem>>)
      %dma_wait3A_78 = arith.constant 0 : i32
      %dma_wait3A_79 = tpu.memref_slice %arg5[%arg0, %add3A_58, %dma_wait3A_78] : memref<2x10240x128xf32, #tpu.memory_space<hbm>> -> memref<1x80x128xf32, #tpu.memory_space<hbm>>
      %dma_wait3A_80 = tpu.memref_squeeze %dma_wait3A_79 : memref<1x80x128xf32, #tpu.memory_space<hbm>> -> memref<80x128xf32, #tpu.memory_space<hbm>>
      %dma_wait3A_81 = arith.constant 0 : i32
      %dma_wait3A_82 = tpu.memref_slice %arg13[%add3A_58, %dma_wait3A_81] : memref<10240x128xf32, #tpu.memory_space<vmem_shared>> -> memref<80x128xf32, #tpu.memory_space<vmem_shared>>
      tpu.wait_dma2 semaphore(%run_scoped3A : memref<!tpu.dma_semaphore, #tpu.memory_space<semaphore_mem>>) src(%dma_wait3A_82 : memref<80x128xf32, #tpu.memory_space<vmem_shared>>) dst(%dma_wait3A_80 : memref<80x128xf32, #tpu.memory_space<hbm>>)
      tpu.yield
    }) : () -> ()
    %add3A_59 = arith.constant 80 : i32
    %add3A_60 = arith.addi %mul3A_2, %add3A_59 : i32
    "tpu.region"() ({
      %run_scoped3A = tpu.sem_alloc : memref<!tpu.dma_semaphore, #tpu.memory_space<semaphore_mem>>
      %dma_start3A_73 = arith.constant 0 : i32
      %dma_start3A_74 = tpu.memref_slice %arg5[%arg0, %add3A_60, %dma_start3A_73] : memref<2x10240x128xf32, #tpu.memory_space<hbm>> -> memref<1x80x128xf32, #tpu.memory_space<hbm>>
      %dma_start3A_75 = tpu.memref_squeeze %dma_start3A_74 : memref<1x80x128xf32, #tpu.memory_space<hbm>> -> memref<80x128xf32, #tpu.memory_space<hbm>>
      %dma_start3A_76 = arith.constant 0 : i32
      %dma_start3A_77 = tpu.memref_slice %arg13[%add3A_60, %dma_start3A_76] : memref<10240x128xf32, #tpu.memory_space<vmem_shared>> -> memref<80x128xf32, #tpu.memory_space<vmem_shared>>
      tpu.enqueue_dma source(%dma_start3A_77 : memref<80x128xf32, #tpu.memory_space<vmem_shared>>) target(%dma_start3A_75 : memref<80x128xf32, #tpu.memory_space<hbm>>) target_semaphore(%run_scoped3A : memref<!tpu.dma_semaphore, #tpu.memory_space<semaphore_mem>>)
      %dma_wait3A_78 = arith.constant 0 : i32
      %dma_wait3A_79 = tpu.memref_slice %arg5[%arg0, %add3A_60, %dma_wait3A_78] : memref<2x10240x128xf32, #tpu.memory_space<hbm>> -> memref<1x80x128xf32, #tpu.memory_space<hbm>>
      %dma_wait3A_80 = tpu.memref_squeeze %dma_wait3A_79 : memref<1x80x128xf32, #tpu.memory_space<hbm>> -> memref<80x128xf32, #tpu.memory_space<hbm>>
      %dma_wait3A_81 = arith.constant 0 : i32
      %dma_wait3A_82 = tpu.memref_slice %arg13[%add3A_60, %dma_wait3A_81] : memref<10240x128xf32, #tpu.memory_space<vmem_shared>> -> memref<80x128xf32, #tpu.memory_space<vmem_shared>>
      tpu.wait_dma2 semaphore(%run_scoped3A : memref<!tpu.dma_semaphore, #tpu.memory_space<semaphore_mem>>) src(%dma_wait3A_82 : memref<80x128xf32, #tpu.memory_space<vmem_shared>>) dst(%dma_wait3A_80 : memref<80x128xf32, #tpu.memory_space<hbm>>)
      tpu.yield
    }) : () -> ()
    %add3A_61 = arith.constant 160 : i32
    %add3A_62 = arith.addi %mul3A_2, %add3A_61 : i32
    "tpu.region"() ({
      %run_scoped3A = tpu.sem_alloc : memref<!tpu.dma_semaphore, #tpu.memory_space<semaphore_mem>>
      %dma_start3A_73 = arith.constant 0 : i32
      %dma_start3A_74 = tpu.memref_slice %arg5[%arg0, %add3A_62, %dma_start3A_73] : memref<2x10240x128xf32, #tpu.memory_space<hbm>> -> memref<1x80x128xf32, #tpu.memory_space<hbm>>
      %dma_start3A_75 = tpu.memref_squeeze %dma_start3A_74 : memref<1x80x128xf32, #tpu.memory_space<hbm>> -> memref<80x128xf32, #tpu.memory_space<hbm>>
      %dma_start3A_76 = arith.constant 0 : i32
      %dma_start3A_77 = tpu.memref_slice %arg13[%add3A_62, %dma_start3A_76] : memref<10240x128xf32, #tpu.memory_space<vmem_shared>> -> memref<80x128xf32, #tpu.memory_space<vmem_shared>>
      tpu.enqueue_dma source(%dma_start3A_77 : memref<80x128xf32, #tpu.memory_space<vmem_shared>>) target(%dma_start3A_75 : memref<80x128xf32, #tpu.memory_space<hbm>>) target_semaphore(%run_scoped3A : memref<!tpu.dma_semaphore, #tpu.memory_space<semaphore_mem>>)
      %dma_wait3A_78 = arith.constant 0 : i32
      %dma_wait3A_79 = tpu.memref_slice %arg5[%arg0, %add3A_62, %dma_wait3A_78] : memref<2x10240x128xf32, #tpu.memory_space<hbm>> -> memref<1x80x128xf32, #tpu.memory_space<hbm>>
      %dma_wait3A_80 = tpu.memref_squeeze %dma_wait3A_79 : memref<1x80x128xf32, #tpu.memory_space<hbm>> -> memref<80x128xf32, #tpu.memory_space<hbm>>
      %dma_wait3A_81 = arith.constant 0 : i32
      %dma_wait3A_82 = tpu.memref_slice %arg13[%add3A_62, %dma_wait3A_81] : memref<10240x128xf32, #tpu.memory_space<vmem_shared>> -> memref<80x128xf32, #tpu.memory_space<vmem_shared>>
      tpu.wait_dma2 semaphore(%run_scoped3A : memref<!tpu.dma_semaphore, #tpu.memory_space<semaphore_mem>>) src(%dma_wait3A_82 : memref<80x128xf32, #tpu.memory_space<vmem_shared>>) dst(%dma_wait3A_80 : memref<80x128xf32, #tpu.memory_space<hbm>>)
      tpu.yield
    }) : () -> ()
    %add3A_63 = arith.constant 240 : i32
    %add3A_64 = arith.addi %mul3A_2, %add3A_63 : i32
    "tpu.region"() ({
      %run_scoped3A = tpu.sem_alloc : memref<!tpu.dma_semaphore, #tpu.memory_space<semaphore_mem>>
      %dma_start3A_73 = arith.constant 0 : i32
      %dma_start3A_74 = tpu.memref_slice %arg5[%arg0, %add3A_64, %dma_start3A_73] : memref<2x10240x128xf32, #tpu.memory_space<hbm>> -> memref<1x80x128xf32, #tpu.memory_space<hbm>>
      %dma_start3A_75 = tpu.memref_squeeze %dma_start3A_74 : memref<1x80x128xf32, #tpu.memory_space<hbm>> -> memref<80x128xf32, #tpu.memory_space<hbm>>
      %dma_start3A_76 = arith.constant 0 : i32
      %dma_start3A_77 = tpu.memref_slice %arg13[%add3A_64, %dma_start3A_76] : memref<10240x128xf32, #tpu.memory_space<vmem_shared>> -> memref<80x128xf32, #tpu.memory_space<vmem_shared>>
      tpu.enqueue_dma source(%dma_start3A_77 : memref<80x128xf32, #tpu.memory_space<vmem_shared>>) target(%dma_start3A_75 : memref<80x128xf32, #tpu.memory_space<hbm>>) target_semaphore(%run_scoped3A : memref<!tpu.dma_semaphore, #tpu.memory_space<semaphore_mem>>)
      %dma_wait3A_78 = arith.constant 0 : i32
      %dma_wait3A_79 = tpu.memref_slice %arg5[%arg0, %add3A_64, %dma_wait3A_78] : memref<2x10240x128xf32, #tpu.memory_space<hbm>> -> memref<1x80x128xf32, #tpu.memory_space<hbm>>
      %dma_wait3A_80 = tpu.memref_squeeze %dma_wait3A_79 : memref<1x80x128xf32, #tpu.memory_space<hbm>> -> memref<80x128xf32, #tpu.memory_space<hbm>>
      %dma_wait3A_81 = arith.constant 0 : i32
      %dma_wait3A_82 = tpu.memref_slice %arg13[%add3A_64, %dma_wait3A_81] : memref<10240x128xf32, #tpu.memory_space<vmem_shared>> -> memref<80x128xf32, #tpu.memory_space<vmem_shared>>
      tpu.wait_dma2 semaphore(%run_scoped3A : memref<!tpu.dma_semaphore, #tpu.memory_space<semaphore_mem>>) src(%dma_wait3A_82 : memref<80x128xf32, #tpu.memory_space<vmem_shared>>) dst(%dma_wait3A_80 : memref<80x128xf32, #tpu.memory_space<hbm>>)
      tpu.yield
    }) : () -> ()
    %add3A_65 = arith.constant 320 : i32
    %add3A_66 = arith.addi %mul3A_2, %add3A_65 : i32
    "tpu.region"() ({
      %run_scoped3A = tpu.sem_alloc : memref<!tpu.dma_semaphore, #tpu.memory_space<semaphore_mem>>
      %dma_start3A_73 = arith.constant 0 : i32
      %dma_start3A_74 = tpu.memref_slice %arg5[%arg0, %add3A_66, %dma_start3A_73] : memref<2x10240x128xf32, #tpu.memory_space<hbm>> -> memref<1x80x128xf32, #tpu.memory_space<hbm>>
      %dma_start3A_75 = tpu.memref_squeeze %dma_start3A_74 : memref<1x80x128xf32, #tpu.memory_space<hbm>> -> memref<80x128xf32, #tpu.memory_space<hbm>>
      %dma_start3A_76 = arith.constant 0 : i32
      %dma_start3A_77 = tpu.memref_slice %arg13[%add3A_66, %dma_start3A_76] : memref<10240x128xf32, #tpu.memory_space<vmem_shared>> -> memref<80x128xf32, #tpu.memory_space<vmem_shared>>
      tpu.enqueue_dma source(%dma_start3A_77 : memref<80x128xf32, #tpu.memory_space<vmem_shared>>) target(%dma_start3A_75 : memref<80x128xf32, #tpu.memory_space<hbm>>) target_semaphore(%run_scoped3A : memref<!tpu.dma_semaphore, #tpu.memory_space<semaphore_mem>>)
      %dma_wait3A_78 = arith.constant 0 : i32
      %dma_wait3A_79 = tpu.memref_slice %arg5[%arg0, %add3A_66, %dma_wait3A_78] : memref<2x10240x128xf32, #tpu.memory_space<hbm>> -> memref<1x80x128xf32, #tpu.memory_space<hbm>>
      %dma_wait3A_80 = tpu.memref_squeeze %dma_wait3A_79 : memref<1x80x128xf32, #tpu.memory_space<hbm>> -> memref<80x128xf32, #tpu.memory_space<hbm>>
      %dma_wait3A_81 = arith.constant 0 : i32
      %dma_wait3A_82 = tpu.memref_slice %arg13[%add3A_66, %dma_wait3A_81] : memref<10240x128xf32, #tpu.memory_space<vmem_shared>> -> memref<80x128xf32, #tpu.memory_space<vmem_shared>>
      tpu.wait_dma2 semaphore(%run_scoped3A : memref<!tpu.dma_semaphore, #tpu.memory_space<semaphore_mem>>) src(%dma_wait3A_82 : memref<80x128xf32, #tpu.memory_space<vmem_shared>>) dst(%dma_wait3A_80 : memref<80x128xf32, #tpu.memory_space<hbm>>)
      tpu.yield
    }) : () -> ()
    %add3A_67 = arith.constant 400 : i32
    %add3A_68 = arith.addi %mul3A_2, %add3A_67 : i32
    "tpu.region"() ({
      %run_scoped3A = tpu.sem_alloc : memref<!tpu.dma_semaphore, #tpu.memory_space<semaphore_mem>>
      %dma_start3A_73 = arith.constant 0 : i32
      %dma_start3A_74 = tpu.memref_slice %arg5[%arg0, %add3A_68, %dma_start3A_73] : memref<2x10240x128xf32, #tpu.memory_space<hbm>> -> memref<1x80x128xf32, #tpu.memory_space<hbm>>
      %dma_start3A_75 = tpu.memref_squeeze %dma_start3A_74 : memref<1x80x128xf32, #tpu.memory_space<hbm>> -> memref<80x128xf32, #tpu.memory_space<hbm>>
      %dma_start3A_76 = arith.constant 0 : i32
      %dma_start3A_77 = tpu.memref_slice %arg13[%add3A_68, %dma_start3A_76] : memref<10240x128xf32, #tpu.memory_space<vmem_shared>> -> memref<80x128xf32, #tpu.memory_space<vmem_shared>>
      tpu.enqueue_dma source(%dma_start3A_77 : memref<80x128xf32, #tpu.memory_space<vmem_shared>>) target(%dma_start3A_75 : memref<80x128xf32, #tpu.memory_space<hbm>>) target_semaphore(%run_scoped3A : memref<!tpu.dma_semaphore, #tpu.memory_space<semaphore_mem>>)
      %dma_wait3A_78 = arith.constant 0 : i32
      %dma_wait3A_79 = tpu.memref_slice %arg5[%arg0, %add3A_68, %dma_wait3A_78] : memref<2x10240x128xf32, #tpu.memory_space<hbm>> -> memref<1x80x128xf32, #tpu.memory_space<hbm>>
      %dma_wait3A_80 = tpu.memref_squeeze %dma_wait3A_79 : memref<1x80x128xf32, #tpu.memory_space<hbm>> -> memref<80x128xf32, #tpu.memory_space<hbm>>
      %dma_wait3A_81 = arith.constant 0 : i32
      %dma_wait3A_82 = tpu.memref_slice %arg13[%add3A_68, %dma_wait3A_81] : memref<10240x128xf32, #tpu.memory_space<vmem_shared>> -> memref<80x128xf32, #tpu.memory_space<vmem_shared>>
      tpu.wait_dma2 semaphore(%run_scoped3A : memref<!tpu.dma_semaphore, #tpu.memory_space<semaphore_mem>>) src(%dma_wait3A_82 : memref<80x128xf32, #tpu.memory_space<vmem_shared>>) dst(%dma_wait3A_80 : memref<80x128xf32, #tpu.memory_space<hbm>>)
      tpu.yield
    }) : () -> ()
    %add3A_69 = arith.constant 480 : i32
    %add3A_70 = arith.addi %mul3A_2, %add3A_69 : i32
    "tpu.region"() ({
      %run_scoped3A = tpu.sem_alloc : memref<!tpu.dma_semaphore, #tpu.memory_space<semaphore_mem>>
      %dma_start3A_73 = arith.constant 0 : i32
      %dma_start3A_74 = tpu.memref_slice %arg5[%arg0, %add3A_70, %dma_start3A_73] : memref<2x10240x128xf32, #tpu.memory_space<hbm>> -> memref<1x80x128xf32, #tpu.memory_space<hbm>>
      %dma_start3A_75 = tpu.memref_squeeze %dma_start3A_74 : memref<1x80x128xf32, #tpu.memory_space<hbm>> -> memref<80x128xf32, #tpu.memory_space<hbm>>
      %dma_start3A_76 = arith.constant 0 : i32
      %dma_start3A_77 = tpu.memref_slice %arg13[%add3A_70, %dma_start3A_76] : memref<10240x128xf32, #tpu.memory_space<vmem_shared>> -> memref<80x128xf32, #tpu.memory_space<vmem_shared>>
      tpu.enqueue_dma source(%dma_start3A_77 : memref<80x128xf32, #tpu.memory_space<vmem_shared>>) target(%dma_start3A_75 : memref<80x128xf32, #tpu.memory_space<hbm>>) target_semaphore(%run_scoped3A : memref<!tpu.dma_semaphore, #tpu.memory_space<semaphore_mem>>)
      %dma_wait3A_78 = arith.constant 0 : i32
      %dma_wait3A_79 = tpu.memref_slice %arg5[%arg0, %add3A_70, %dma_wait3A_78] : memref<2x10240x128xf32, #tpu.memory_space<hbm>> -> memref<1x80x128xf32, #tpu.memory_space<hbm>>
      %dma_wait3A_80 = tpu.memref_squeeze %dma_wait3A_79 : memref<1x80x128xf32, #tpu.memory_space<hbm>> -> memref<80x128xf32, #tpu.memory_space<hbm>>
      %dma_wait3A_81 = arith.constant 0 : i32
      %dma_wait3A_82 = tpu.memref_slice %arg13[%add3A_70, %dma_wait3A_81] : memref<10240x128xf32, #tpu.memory_space<vmem_shared>> -> memref<80x128xf32, #tpu.memory_space<vmem_shared>>
      tpu.wait_dma2 semaphore(%run_scoped3A : memref<!tpu.dma_semaphore, #tpu.memory_space<semaphore_mem>>) src(%dma_wait3A_82 : memref<80x128xf32, #tpu.memory_space<vmem_shared>>) dst(%dma_wait3A_80 : memref<80x128xf32, #tpu.memory_space<hbm>>)
      tpu.yield
    }) : () -> ()
    %add3A_71 = arith.constant 560 : i32
    %add3A_72 = arith.addi %mul3A_2, %add3A_71 : i32
    "tpu.region"() ({
      %run_scoped3A = tpu.sem_alloc : memref<!tpu.dma_semaphore, #tpu.memory_space<semaphore_mem>>
      %dma_start3A_73 = arith.constant 0 : i32
      %dma_start3A_74 = tpu.memref_slice %arg5[%arg0, %add3A_72, %dma_start3A_73] : memref<2x10240x128xf32, #tpu.memory_space<hbm>> -> memref<1x80x128xf32, #tpu.memory_space<hbm>>
      %dma_start3A_75 = tpu.memref_squeeze %dma_start3A_74 : memref<1x80x128xf32, #tpu.memory_space<hbm>> -> memref<80x128xf32, #tpu.memory_space<hbm>>
      %dma_start3A_76 = arith.constant 0 : i32
      %dma_start3A_77 = tpu.memref_slice %arg13[%add3A_72, %dma_start3A_76] : memref<10240x128xf32, #tpu.memory_space<vmem_shared>> -> memref<80x128xf32, #tpu.memory_space<vmem_shared>>
      tpu.enqueue_dma source(%dma_start3A_77 : memref<80x128xf32, #tpu.memory_space<vmem_shared>>) target(%dma_start3A_75 : memref<80x128xf32, #tpu.memory_space<hbm>>) target_semaphore(%run_scoped3A : memref<!tpu.dma_semaphore, #tpu.memory_space<semaphore_mem>>)
      %dma_wait3A_78 = arith.constant 0 : i32
      %dma_wait3A_79 = tpu.memref_slice %arg5[%arg0, %add3A_72, %dma_wait3A_78] : memref<2x10240x128xf32, #tpu.memory_space<hbm>> -> memref<1x80x128xf32, #tpu.memory_space<hbm>>
      %dma_wait3A_80 = tpu.memref_squeeze %dma_wait3A_79 : memref<1x80x128xf32, #tpu.memory_space<hbm>> -> memref<80x128xf32, #tpu.memory_space<hbm>>
      %dma_wait3A_81 = arith.constant 0 : i32
      %dma_wait3A_82 = tpu.memref_slice %arg13[%add3A_72, %dma_wait3A_81] : memref<10240x128xf32, #tpu.memory_space<vmem_shared>> -> memref<80x128xf32, #tpu.memory_space<vmem_shared>>
      tpu.wait_dma2 semaphore(%run_scoped3A : memref<!tpu.dma_semaphore, #tpu.memory_space<semaphore_mem>>) src(%dma_wait3A_82 : memref<80x128xf32, #tpu.memory_space<vmem_shared>>) dst(%dma_wait3A_80 : memref<80x128xf32, #tpu.memory_space<hbm>>)
      tpu.yield
    }) : () -> ()
    return
  }
}

#map = affine_map<(d0, d1) -> (0, 0)>
#map1 = affine_map<(d0, d1) -> (0, 0, 0)>
module attributes {stable_mosaic.version = 14 : i64} {
  func.func @_prep(%arg0: i32, %arg1: i32, %arg2: memref<100000x128xf32, #tpu.memory_space<hbm>>, %arg3: memref<96x128xi32, #tpu.memory_space<hbm>>, %arg4: memref<4032x3x80xi32, #tpu.memory_space<hbm>>, %arg5: memref<12288x128xf32, #tpu.memory_space<hbm>>, %arg6: memref<2x10240x128xf32, #tpu.memory_space<hbm>>, %arg7: memref<128xi32, #tpu.memory_space<vmem>>, %arg8: memref<128xi32, #tpu.memory_space<vmem>>, %arg9: memref<128x128xf32, #tpu.memory_space<vmem>>, %arg10: memref<128x128xf32, #tpu.memory_space<vmem>>, %arg11: memref<80xi32, #tpu.memory_space<vmem>>, %arg12: memref<80xi32, #tpu.memory_space<vmem>>, %arg13: memref<80x128xf32, #tpu.memory_space<vmem>>, %arg14: memref<10240x128xf32, #tpu.memory_space<vmem_shared>>, %arg15: memref<!tpu.dma_semaphore, #tpu.memory_space<semaphore_mem>>, %arg16: memref<!tpu.dma_semaphore, #tpu.memory_space<semaphore_mem>>, %arg17: memref<!tpu.dma_semaphore, #tpu.memory_space<semaphore_mem>>, %arg18: memref<!tpu.dma_semaphore, #tpu.memory_space<semaphore_mem>>) attributes {dimension_semantics = [#tpu.dimension_semantics<core_parallel>, #tpu.dimension_semantics<subcore_parallel>], iteration_bounds = array<i64: 2, 16>, scalar_prefetch = 0 : i64, scratch_operands = 12 : i64, tpu.core_type = #tpu.core_type<sc_vector_subcore>, window_params = [{transform_indices = #map}, {transform_indices = #map}, {transform_indices = #map1}, {transform_indices = #map}, {transform_indices = #map1}]} {
    %mul3A = arith.constant 16 : i32
    %mul3A_0 = arith.muli %arg0, %mul3A : i32
    %add3A = arith.addi %mul3A_0, %arg1 : i32
    %mul3A_1 = arith.constant 640 : i32
    %mul3A_2 = arith.muli %arg1, %mul3A_1 : i32
    %broadcast_in_dim3A = arith.constant 0.000000e+00 : f32
    %broadcast_in_dim3A_3 = vector.broadcast %broadcast_in_dim3A : f32 to vector<16xf32>
    %scan3A = arith.constant 0 : i32
    %scan3A_4 = arith.constant 0 : i32
    %scan3A_5 = arith.constant 80 : i32
    %scan3A_6 = arith.addi %scan3A_4, %scan3A_5 : i32
    %scan3A_7 = arith.constant 1 : i32
    %scan3A_8 = scf.for %scan3A_105 = %scan3A_4 to %scan3A_6 step %scan3A_7 iter_args(%scan3A_106 = %scan3A) -> (i32)  : i32 {
      %swap3A = arith.index_cast %scan3A_105 : i32 to index
      %swap3A_107 = arith.constant 0 : index
      %swap3A_108 = tpu.vector_load %arg13[%swap3A, %swap3A_107] {strides = array<i32>} : memref<80x128xf32, #tpu.memory_space<vmem>>, vector<1x16xf32>,
      %swap3A_109 = vector.shape_cast %swap3A_108 : vector<1x16xf32> to vector<16xf32>
      %swap3A_110 = vector.shape_cast %broadcast_in_dim3A_3 : vector<16xf32> to vector<1x16xf32>
      tpu.vector_store %arg13[%swap3A, %swap3A_107], %swap3A_110 {strides = array<i32>} : memref<80x128xf32, #tpu.memory_space<vmem>>, vector<1x16xf32>,
      %swap3A_111 = arith.index_cast %scan3A_105 : i32 to index
      %swap3A_112 = arith.constant 16 : index
      %swap3A_113 = tpu.vector_load %arg13[%swap3A_111, %swap3A_112] {strides = array<i32>} : memref<80x128xf32, #tpu.memory_space<vmem>>, vector<1x16xf32>,
      %swap3A_114 = vector.shape_cast %swap3A_113 : vector<1x16xf32> to vector<16xf32>
      %swap3A_115 = vector.shape_cast %broadcast_in_dim3A_3 : vector<16xf32> to vector<1x16xf32>
      tpu.vector_store %arg13[%swap3A_111, %swap3A_112], %swap3A_115 {strides = array<i32>} : memref<80x128xf32, #tpu.memory_space<vmem>>, vector<1x16xf32>,
      %swap3A_116 = arith.index_cast %scan3A_105 : i32 to index
      %swap3A_117 = arith.constant 32 : index
      %swap3A_118 = tpu.vector_load %arg13[%swap3A_116, %swap3A_117] {strides = array<i32>} : memref<80x128xf32, #tpu.memory_space<vmem>>, vector<1x16xf32>,
      %swap3A_119 = vector.shape_cast %swap3A_118 : vector<1x16xf32> to vector<16xf32>
      %swap3A_120 = vector.shape_cast %broadcast_in_dim3A_3 : vector<16xf32> to vector<1x16xf32>
      tpu.vector_store %arg13[%swap3A_116, %swap3A_117], %swap3A_120 {strides = array<i32>} : memref<80x128xf32, #tpu.memory_space<vmem>>, vector<1x16xf32>,
      %swap3A_121 = arith.index_cast %scan3A_105 : i32 to index
      %swap3A_122 = arith.constant 48 : index
      %swap3A_123 = tpu.vector_load %arg13[%swap3A_121, %swap3A_122] {strides = array<i32>} : memref<80x128xf32, #tpu.memory_space<vmem>>, vector<1x16xf32>,
      %swap3A_124 = vector.shape_cast %swap3A_123 : vector<1x16xf32> to vector<16xf32>
      %swap3A_125 = vector.shape_cast %broadcast_in_dim3A_3 : vector<16xf32> to vector<1x16xf32>
      tpu.vector_store %arg13[%swap3A_121, %swap3A_122], %swap3A_125 {strides = array<i32>} : memref<80x128xf32, #tpu.memory_space<vmem>>, vector<1x16xf32>,
      %swap3A_126 = arith.index_cast %scan3A_105 : i32 to index
      %swap3A_127 = arith.constant 64 : index
      %swap3A_128 = tpu.vector_load %arg13[%swap3A_126, %swap3A_127] {strides = array<i32>} : memref<80x128xf32, #tpu.memory_space<vmem>>, vector<1x16xf32>,
      %swap3A_129 = vector.shape_cast %swap3A_128 : vector<1x16xf32> to vector<16xf32>
      %swap3A_130 = vector.shape_cast %broadcast_in_dim3A_3 : vector<16xf32> to vector<1x16xf32>
      tpu.vector_store %arg13[%swap3A_126, %swap3A_127], %swap3A_130 {strides = array<i32>} : memref<80x128xf32, #tpu.memory_space<vmem>>, vector<1x16xf32>,
      %swap3A_131 = arith.index_cast %scan3A_105 : i32 to index
      %swap3A_132 = arith.constant 80 : index
      %swap3A_133 = tpu.vector_load %arg13[%swap3A_131, %swap3A_132] {strides = array<i32>} : memref<80x128xf32, #tpu.memory_space<vmem>>, vector<1x16xf32>,
      %swap3A_134 = vector.shape_cast %swap3A_133 : vector<1x16xf32> to vector<16xf32>
      %swap3A_135 = vector.shape_cast %broadcast_in_dim3A_3 : vector<16xf32> to vector<1x16xf32>
      tpu.vector_store %arg13[%swap3A_131, %swap3A_132], %swap3A_135 {strides = array<i32>} : memref<80x128xf32, #tpu.memory_space<vmem>>, vector<1x16xf32>,
      %swap3A_136 = arith.index_cast %scan3A_105 : i32 to index
      %swap3A_137 = arith.constant 96 : index
      %swap3A_138 = tpu.vector_load %arg13[%swap3A_136, %swap3A_137] {strides = array<i32>} : memref<80x128xf32, #tpu.memory_space<vmem>>, vector<1x16xf32>,
      %swap3A_139 = vector.shape_cast %swap3A_138 : vector<1x16xf32> to vector<16xf32>
      %swap3A_140 = vector.shape_cast %broadcast_in_dim3A_3 : vector<16xf32> to vector<1x16xf32>
      tpu.vector_store %arg13[%swap3A_136, %swap3A_137], %swap3A_140 {strides = array<i32>} : memref<80x128xf32, #tpu.memory_space<vmem>>, vector<1x16xf32>,
      %swap3A_141 = arith.index_cast %scan3A_105 : i32 to index
      %swap3A_142 = arith.constant 112 : index
      %swap3A_143 = tpu.vector_load %arg13[%swap3A_141, %swap3A_142] {strides = array<i32>} : memref<80x128xf32, #tpu.memory_space<vmem>>, vector<1x16xf32>,
      %swap3A_144 = vector.shape_cast %swap3A_143 : vector<1x16xf32> to vector<16xf32>
      %swap3A_145 = vector.shape_cast %broadcast_in_dim3A_3 : vector<16xf32> to vector<1x16xf32>
      tpu.vector_store %arg13[%swap3A_141, %swap3A_142], %swap3A_145 {strides = array<i32>} : memref<80x128xf32, #tpu.memory_space<vmem>>, vector<1x16xf32>,
      %scan3A_146 = arith.constant 0 : i32
      scf.yield %scan3A_146 : i32
    }
    %scan3A_9 = arith.constant 80 : i32
    %add3A_10 = arith.constant 0 : i32
    %add3A_11 = arith.addi %mul3A_2, %add3A_10 : i32
    "tpu.region"() ({
      %run_scoped3A = tpu.sem_alloc : memref<!tpu.dma_semaphore, #tpu.memory_space<semaphore_mem>>
      %dma_start3A_105 = arith.constant 0 : i32
      %dma_start3A_106 = tpu.memref_slice %arg14[%add3A_11, %dma_start3A_105] : memref<10240x128xf32, #tpu.memory_space<vmem_shared>> -> memref<80x128xf32, #tpu.memory_space<vmem_shared>>
      %dma_start3A_107 = arith.constant 0 : i32
      %dma_start3A_108 = tpu.memref_slice %arg14[%add3A_11, %dma_start3A_107] : memref<10240x128xf32, #tpu.memory_space<vmem_shared>> -> memref<80x128xf32, #tpu.memory_space<vmem_shared>>
      tpu.enqueue_dma source(%arg13 : memref<80x128xf32, #tpu.memory_space<vmem>>) target(%dma_start3A_108 : memref<80x128xf32, #tpu.memory_space<vmem_shared>>) target_semaphore(%run_scoped3A : memref<!tpu.dma_semaphore, #tpu.memory_space<semaphore_mem>>)
      %dma_wait3A_109 = arith.constant 0 : i32
      %dma_wait3A_110 = tpu.memref_slice %arg14[%add3A_11, %dma_wait3A_109] : memref<10240x128xf32, #tpu.memory_space<vmem_shared>> -> memref<80x128xf32, #tpu.memory_space<vmem_shared>>
      %dma_wait3A_111 = arith.constant 0 : i32
      %dma_wait3A_112 = tpu.memref_slice %arg14[%add3A_11, %dma_wait3A_111] : memref<10240x128xf32, #tpu.memory_space<vmem_shared>> -> memref<80x128xf32, #tpu.memory_space<vmem_shared>>
      tpu.wait_dma2 semaphore(%run_scoped3A : memref<!tpu.dma_semaphore, #tpu.memory_space<semaphore_mem>>) src(%arg13 : memref<80x128xf32, #tpu.memory_space<vmem>>) dst(%dma_wait3A_112 : memref<80x128xf32, #tpu.memory_space<vmem_shared>>)
      tpu.yield
    }) : () -> ()
    %add3A_12 = arith.constant 80 : i32
    %add3A_13 = arith.addi %mul3A_2, %add3A_12 : i32
    "tpu.region"() ({
      %run_scoped3A = tpu.sem_alloc : memref<!tpu.dma_semaphore, #tpu.memory_space<semaphore_mem>>
      %dma_start3A_105 = arith.constant 0 : i32
      %dma_start3A_106 = tpu.memref_slice %arg14[%add3A_13, %dma_start3A_105] : memref<10240x128xf32, #tpu.memory_space<vmem_shared>> -> memref<80x128xf32, #tpu.memory_space<vmem_shared>>
      %dma_start3A_107 = arith.constant 0 : i32
      %dma_start3A_108 = tpu.memref_slice %arg14[%add3A_13, %dma_start3A_107] : memref<10240x128xf32, #tpu.memory_space<vmem_shared>> -> memref<80x128xf32, #tpu.memory_space<vmem_shared>>
      tpu.enqueue_dma source(%arg13 : memref<80x128xf32, #tpu.memory_space<vmem>>) target(%dma_start3A_108 : memref<80x128xf32, #tpu.memory_space<vmem_shared>>) target_semaphore(%run_scoped3A : memref<!tpu.dma_semaphore, #tpu.memory_space<semaphore_mem>>)
      %dma_wait3A_109 = arith.constant 0 : i32
      %dma_wait3A_110 = tpu.memref_slice %arg14[%add3A_13, %dma_wait3A_109] : memref<10240x128xf32, #tpu.memory_space<vmem_shared>> -> memref<80x128xf32, #tpu.memory_space<vmem_shared>>
      %dma_wait3A_111 = arith.constant 0 : i32
      %dma_wait3A_112 = tpu.memref_slice %arg14[%add3A_13, %dma_wait3A_111] : memref<10240x128xf32, #tpu.memory_space<vmem_shared>> -> memref<80x128xf32, #tpu.memory_space<vmem_shared>>
      tpu.wait_dma2 semaphore(%run_scoped3A : memref<!tpu.dma_semaphore, #tpu.memory_space<semaphore_mem>>) src(%arg13 : memref<80x128xf32, #tpu.memory_space<vmem>>) dst(%dma_wait3A_112 : memref<80x128xf32, #tpu.memory_space<vmem_shared>>)
      tpu.yield
    }) : () -> ()
    %add3A_14 = arith.constant 160 : i32
    %add3A_15 = arith.addi %mul3A_2, %add3A_14 : i32
    "tpu.region"() ({
      %run_scoped3A = tpu.sem_alloc : memref<!tpu.dma_semaphore, #tpu.memory_space<semaphore_mem>>
      %dma_start3A_105 = arith.constant 0 : i32
      %dma_start3A_106 = tpu.memref_slice %arg14[%add3A_15, %dma_start3A_105] : memref<10240x128xf32, #tpu.memory_space<vmem_shared>> -> memref<80x128xf32, #tpu.memory_space<vmem_shared>>
      %dma_start3A_107 = arith.constant 0 : i32
      %dma_start3A_108 = tpu.memref_slice %arg14[%add3A_15, %dma_start3A_107] : memref<10240x128xf32, #tpu.memory_space<vmem_shared>> -> memref<80x128xf32, #tpu.memory_space<vmem_shared>>
      tpu.enqueue_dma source(%arg13 : memref<80x128xf32, #tpu.memory_space<vmem>>) target(%dma_start3A_108 : memref<80x128xf32, #tpu.memory_space<vmem_shared>>) target_semaphore(%run_scoped3A : memref<!tpu.dma_semaphore, #tpu.memory_space<semaphore_mem>>)
      %dma_wait3A_109 = arith.constant 0 : i32
      %dma_wait3A_110 = tpu.memref_slice %arg14[%add3A_15, %dma_wait3A_109] : memref<10240x128xf32, #tpu.memory_space<vmem_shared>> -> memref<80x128xf32, #tpu.memory_space<vmem_shared>>
      %dma_wait3A_111 = arith.constant 0 : i32
      %dma_wait3A_112 = tpu.memref_slice %arg14[%add3A_15, %dma_wait3A_111] : memref<10240x128xf32, #tpu.memory_space<vmem_shared>> -> memref<80x128xf32, #tpu.memory_space<vmem_shared>>
      tpu.wait_dma2 semaphore(%run_scoped3A : memref<!tpu.dma_semaphore, #tpu.memory_space<semaphore_mem>>) src(%arg13 : memref<80x128xf32, #tpu.memory_space<vmem>>) dst(%dma_wait3A_112 : memref<80x128xf32, #tpu.memory_space<vmem_shared>>)
      tpu.yield
    }) : () -> ()
    %add3A_16 = arith.constant 240 : i32
    %add3A_17 = arith.addi %mul3A_2, %add3A_16 : i32
    "tpu.region"() ({
      %run_scoped3A = tpu.sem_alloc : memref<!tpu.dma_semaphore, #tpu.memory_space<semaphore_mem>>
      %dma_start3A_105 = arith.constant 0 : i32
      %dma_start3A_106 = tpu.memref_slice %arg14[%add3A_17, %dma_start3A_105] : memref<10240x128xf32, #tpu.memory_space<vmem_shared>> -> memref<80x128xf32, #tpu.memory_space<vmem_shared>>
      %dma_start3A_107 = arith.constant 0 : i32
      %dma_start3A_108 = tpu.memref_slice %arg14[%add3A_17, %dma_start3A_107] : memref<10240x128xf32, #tpu.memory_space<vmem_shared>> -> memref<80x128xf32, #tpu.memory_space<vmem_shared>>
      tpu.enqueue_dma source(%arg13 : memref<80x128xf32, #tpu.memory_space<vmem>>) target(%dma_start3A_108 : memref<80x128xf32, #tpu.memory_space<vmem_shared>>) target_semaphore(%run_scoped3A : memref<!tpu.dma_semaphore, #tpu.memory_space<semaphore_mem>>)
      %dma_wait3A_109 = arith.constant 0 : i32
      %dma_wait3A_110 = tpu.memref_slice %arg14[%add3A_17, %dma_wait3A_109] : memref<10240x128xf32, #tpu.memory_space<vmem_shared>> -> memref<80x128xf32, #tpu.memory_space<vmem_shared>>
      %dma_wait3A_111 = arith.constant 0 : i32
      %dma_wait3A_112 = tpu.memref_slice %arg14[%add3A_17, %dma_wait3A_111] : memref<10240x128xf32, #tpu.memory_space<vmem_shared>> -> memref<80x128xf32, #tpu.memory_space<vmem_shared>>
      tpu.wait_dma2 semaphore(%run_scoped3A : memref<!tpu.dma_semaphore, #tpu.memory_space<semaphore_mem>>) src(%arg13 : memref<80x128xf32, #tpu.memory_space<vmem>>) dst(%dma_wait3A_112 : memref<80x128xf32, #tpu.memory_space<vmem_shared>>)
      tpu.yield
    }) : () -> ()
    %add3A_18 = arith.constant 320 : i32
    %add3A_19 = arith.addi %mul3A_2, %add3A_18 : i32
    "tpu.region"() ({
      %run_scoped3A = tpu.sem_alloc : memref<!tpu.dma_semaphore, #tpu.memory_space<semaphore_mem>>
      %dma_start3A_105 = arith.constant 0 : i32
      %dma_start3A_106 = tpu.memref_slice %arg14[%add3A_19, %dma_start3A_105] : memref<10240x128xf32, #tpu.memory_space<vmem_shared>> -> memref<80x128xf32, #tpu.memory_space<vmem_shared>>
      %dma_start3A_107 = arith.constant 0 : i32
      %dma_start3A_108 = tpu.memref_slice %arg14[%add3A_19, %dma_start3A_107] : memref<10240x128xf32, #tpu.memory_space<vmem_shared>> -> memref<80x128xf32, #tpu.memory_space<vmem_shared>>
      tpu.enqueue_dma source(%arg13 : memref<80x128xf32, #tpu.memory_space<vmem>>) target(%dma_start3A_108 : memref<80x128xf32, #tpu.memory_space<vmem_shared>>) target_semaphore(%run_scoped3A : memref<!tpu.dma_semaphore, #tpu.memory_space<semaphore_mem>>)
      %dma_wait3A_109 = arith.constant 0 : i32
      %dma_wait3A_110 = tpu.memref_slice %arg14[%add3A_19, %dma_wait3A_109] : memref<10240x128xf32, #tpu.memory_space<vmem_shared>> -> memref<80x128xf32, #tpu.memory_space<vmem_shared>>
      %dma_wait3A_111 = arith.constant 0 : i32
      %dma_wait3A_112 = tpu.memref_slice %arg14[%add3A_19, %dma_wait3A_111] : memref<10240x128xf32, #tpu.memory_space<vmem_shared>> -> memref<80x128xf32, #tpu.memory_space<vmem_shared>>
      tpu.wait_dma2 semaphore(%run_scoped3A : memref<!tpu.dma_semaphore, #tpu.memory_space<semaphore_mem>>) src(%arg13 : memref<80x128xf32, #tpu.memory_space<vmem>>) dst(%dma_wait3A_112 : memref<80x128xf32, #tpu.memory_space<vmem_shared>>)
      tpu.yield
    }) : () -> ()
    %add3A_20 = arith.constant 400 : i32
    %add3A_21 = arith.addi %mul3A_2, %add3A_20 : i32
    "tpu.region"() ({
      %run_scoped3A = tpu.sem_alloc : memref<!tpu.dma_semaphore, #tpu.memory_space<semaphore_mem>>
      %dma_start3A_105 = arith.constant 0 : i32
      %dma_start3A_106 = tpu.memref_slice %arg14[%add3A_21, %dma_start3A_105] : memref<10240x128xf32, #tpu.memory_space<vmem_shared>> -> memref<80x128xf32, #tpu.memory_space<vmem_shared>>
      %dma_start3A_107 = arith.constant 0 : i32
      %dma_start3A_108 = tpu.memref_slice %arg14[%add3A_21, %dma_start3A_107] : memref<10240x128xf32, #tpu.memory_space<vmem_shared>> -> memref<80x128xf32, #tpu.memory_space<vmem_shared>>
      tpu.enqueue_dma source(%arg13 : memref<80x128xf32, #tpu.memory_space<vmem>>) target(%dma_start3A_108 : memref<80x128xf32, #tpu.memory_space<vmem_shared>>) target_semaphore(%run_scoped3A : memref<!tpu.dma_semaphore, #tpu.memory_space<semaphore_mem>>)
      %dma_wait3A_109 = arith.constant 0 : i32
      %dma_wait3A_110 = tpu.memref_slice %arg14[%add3A_21, %dma_wait3A_109] : memref<10240x128xf32, #tpu.memory_space<vmem_shared>> -> memref<80x128xf32, #tpu.memory_space<vmem_shared>>
      %dma_wait3A_111 = arith.constant 0 : i32
      %dma_wait3A_112 = tpu.memref_slice %arg14[%add3A_21, %dma_wait3A_111] : memref<10240x128xf32, #tpu.memory_space<vmem_shared>> -> memref<80x128xf32, #tpu.memory_space<vmem_shared>>
      tpu.wait_dma2 semaphore(%run_scoped3A : memref<!tpu.dma_semaphore, #tpu.memory_space<semaphore_mem>>) src(%arg13 : memref<80x128xf32, #tpu.memory_space<vmem>>) dst(%dma_wait3A_112 : memref<80x128xf32, #tpu.memory_space<vmem_shared>>)
      tpu.yield
    }) : () -> ()
    %add3A_22 = arith.constant 480 : i32
    %add3A_23 = arith.addi %mul3A_2, %add3A_22 : i32
    "tpu.region"() ({
      %run_scoped3A = tpu.sem_alloc : memref<!tpu.dma_semaphore, #tpu.memory_space<semaphore_mem>>
      %dma_start3A_105 = arith.constant 0 : i32
      %dma_start3A_106 = tpu.memref_slice %arg14[%add3A_23, %dma_start3A_105] : memref<10240x128xf32, #tpu.memory_space<vmem_shared>> -> memref<80x128xf32, #tpu.memory_space<vmem_shared>>
      %dma_start3A_107 = arith.constant 0 : i32
      %dma_start3A_108 = tpu.memref_slice %arg14[%add3A_23, %dma_start3A_107] : memref<10240x128xf32, #tpu.memory_space<vmem_shared>> -> memref<80x128xf32, #tpu.memory_space<vmem_shared>>
      tpu.enqueue_dma source(%arg13 : memref<80x128xf32, #tpu.memory_space<vmem>>) target(%dma_start3A_108 : memref<80x128xf32, #tpu.memory_space<vmem_shared>>) target_semaphore(%run_scoped3A : memref<!tpu.dma_semaphore, #tpu.memory_space<semaphore_mem>>)
      %dma_wait3A_109 = arith.constant 0 : i32
      %dma_wait3A_110 = tpu.memref_slice %arg14[%add3A_23, %dma_wait3A_109] : memref<10240x128xf32, #tpu.memory_space<vmem_shared>> -> memref<80x128xf32, #tpu.memory_space<vmem_shared>>
      %dma_wait3A_111 = arith.constant 0 : i32
      %dma_wait3A_112 = tpu.memref_slice %arg14[%add3A_23, %dma_wait3A_111] : memref<10240x128xf32, #tpu.memory_space<vmem_shared>> -> memref<80x128xf32, #tpu.memory_space<vmem_shared>>
      tpu.wait_dma2 semaphore(%run_scoped3A : memref<!tpu.dma_semaphore, #tpu.memory_space<semaphore_mem>>) src(%arg13 : memref<80x128xf32, #tpu.memory_space<vmem>>) dst(%dma_wait3A_112 : memref<80x128xf32, #tpu.memory_space<vmem_shared>>)
      tpu.yield
    }) : () -> ()
    %add3A_24 = arith.constant 560 : i32
    %add3A_25 = arith.addi %mul3A_2, %add3A_24 : i32
    "tpu.region"() ({
      %run_scoped3A = tpu.sem_alloc : memref<!tpu.dma_semaphore, #tpu.memory_space<semaphore_mem>>
      %dma_start3A_105 = arith.constant 0 : i32
      %dma_start3A_106 = tpu.memref_slice %arg14[%add3A_25, %dma_start3A_105] : memref<10240x128xf32, #tpu.memory_space<vmem_shared>> -> memref<80x128xf32, #tpu.memory_space<vmem_shared>>
      %dma_start3A_107 = arith.constant 0 : i32
      %dma_start3A_108 = tpu.memref_slice %arg14[%add3A_25, %dma_start3A_107] : memref<10240x128xf32, #tpu.memory_space<vmem_shared>> -> memref<80x128xf32, #tpu.memory_space<vmem_shared>>
      tpu.enqueue_dma source(%arg13 : memref<80x128xf32, #tpu.memory_space<vmem>>) target(%dma_start3A_108 : memref<80x128xf32, #tpu.memory_space<vmem_shared>>) target_semaphore(%run_scoped3A : memref<!tpu.dma_semaphore, #tpu.memory_space<semaphore_mem>>)
      %dma_wait3A_109 = arith.constant 0 : i32
      %dma_wait3A_110 = tpu.memref_slice %arg14[%add3A_25, %dma_wait3A_109] : memref<10240x128xf32, #tpu.memory_space<vmem_shared>> -> memref<80x128xf32, #tpu.memory_space<vmem_shared>>
      %dma_wait3A_111 = arith.constant 0 : i32
      %dma_wait3A_112 = tpu.memref_slice %arg14[%add3A_25, %dma_wait3A_111] : memref<10240x128xf32, #tpu.memory_space<vmem_shared>> -> memref<80x128xf32, #tpu.memory_space<vmem_shared>>
      tpu.wait_dma2 semaphore(%run_scoped3A : memref<!tpu.dma_semaphore, #tpu.memory_space<semaphore_mem>>) src(%arg13 : memref<80x128xf32, #tpu.memory_space<vmem>>) dst(%dma_wait3A_112 : memref<80x128xf32, #tpu.memory_space<vmem_shared>>)
      tpu.yield
    }) : () -> ()
    %broadcast_in_dim3A_26 = arith.constant 1.000000e+00 : f32
    %broadcast_in_dim3A_27 = vector.broadcast %broadcast_in_dim3A_26 : f32 to vector<16xf32>
    %scan3A_28 = arith.constant 0 : i32
    %scan3A_29 = arith.constant 0 : i32
    %scan3A_30 = arith.constant 80 : i32
    %scan3A_31 = arith.addi %scan3A_29, %scan3A_30 : i32
    %scan3A_32 = arith.constant 1 : i32
    %scan3A_33 = scf.for %scan3A_105 = %scan3A_29 to %scan3A_31 step %scan3A_32 iter_args(%scan3A_106 = %scan3A_28) -> (i32)  : i32 {
      %swap3A = arith.index_cast %scan3A_105 : i32 to index
      %swap3A_107 = arith.constant 0 : index
      %swap3A_108 = tpu.vector_load %arg13[%swap3A, %swap3A_107] {strides = array<i32>} : memref<80x128xf32, #tpu.memory_space<vmem>>, vector<1x16xf32>,
      %swap3A_109 = vector.shape_cast %swap3A_108 : vector<1x16xf32> to vector<16xf32>
      %swap3A_110 = vector.shape_cast %broadcast_in_dim3A_27 : vector<16xf32> to vector<1x16xf32>
      tpu.vector_store %arg13[%swap3A, %swap3A_107], %swap3A_110 {strides = array<i32>} : memref<80x128xf32, #tpu.memory_space<vmem>>, vector<1x16xf32>,
      %scan3A_111 = arith.constant 0 : i32
      scf.yield %scan3A_111 : i32
    }
    %scan3A_34 = arith.constant 80 : i32
    %barrier3A = arith.constant 0 : index
    tpu.barrier barrier_id(%barrier3A)
    %mul3A_35 = arith.constant 3 : i32
    %mul3A_36 = arith.muli %add3A, %mul3A_35 : i32
    "tpu.region"() ({
      %run_scoped3A = tpu.sem_alloc : memref<!tpu.dma_semaphore, #tpu.memory_space<semaphore_mem>>
      %dma_start3A_105 = arith.constant 0 : i32
      %dma_start3A_106 = tpu.memref_slice %arg3[%mul3A_36, %dma_start3A_105] : memref<96x128xi32, #tpu.memory_space<hbm>> -> memref<1x128xi32, #tpu.memory_space<hbm>>
      %dma_start3A_107 = tpu.memref_squeeze %dma_start3A_106 : memref<1x128xi32, #tpu.memory_space<hbm>> -> memref<128xi32, #tpu.memory_space<hbm>>
      %dma_start3A_108 = arith.constant 0 : i32
      %dma_start3A_109 = tpu.memref_slice %arg3[%mul3A_36, %dma_start3A_108] : memref<96x128xi32, #tpu.memory_space<hbm>> -> memref<1x128xi32, #tpu.memory_space<hbm>>
      %dma_start3A_110 = tpu.memref_squeeze %dma_start3A_109 : memref<1x128xi32, #tpu.memory_space<hbm>> -> memref<128xi32, #tpu.memory_space<hbm>>
      tpu.enqueue_dma source(%dma_start3A_110 : memref<128xi32, #tpu.memory_space<hbm>>) target(%arg7 : memref<128xi32, #tpu.memory_space<vmem>>) target_semaphore(%run_scoped3A : memref<!tpu.dma_semaphore, #tpu.memory_space<semaphore_mem>>)
      %dma_wait3A_111 = arith.constant 0 : i32
      %dma_wait3A_112 = tpu.memref_slice %arg3[%mul3A_36, %dma_wait3A_111] : memref<96x128xi32, #tpu.memory_space<hbm>> -> memref<1x128xi32, #tpu.memory_space<hbm>>
      %dma_wait3A_113 = tpu.memref_squeeze %dma_wait3A_112 : memref<1x128xi32, #tpu.memory_space<hbm>> -> memref<128xi32, #tpu.memory_space<hbm>>
      %dma_wait3A_114 = arith.constant 0 : i32
      %dma_wait3A_115 = tpu.memref_slice %arg3[%mul3A_36, %dma_wait3A_114] : memref<96x128xi32, #tpu.memory_space<hbm>> -> memref<1x128xi32, #tpu.memory_space<hbm>>
      %dma_wait3A_116 = tpu.memref_squeeze %dma_wait3A_115 : memref<1x128xi32, #tpu.memory_space<hbm>> -> memref<128xi32, #tpu.memory_space<hbm>>
      tpu.wait_dma2 semaphore(%run_scoped3A : memref<!tpu.dma_semaphore, #tpu.memory_space<semaphore_mem>>) src(%dma_wait3A_116 : memref<128xi32, #tpu.memory_space<hbm>>) dst(%arg7 : memref<128xi32, #tpu.memory_space<vmem>>)
      tpu.yield
    }) : () -> ()
    %dma_start3A = arith.constant 0 : i32
    %dma_start3A_37 = arith.constant 0 : i32
    %dma_start3A_38 = tpu.memref_slice %arg2[%dma_start3A, %dma_start3A_37] : memref<100000x128xf32, #tpu.memory_space<hbm>> -> memref<100000x128xf32, #tpu.memory_space<hbm>>
    tpu.enqueue_indirect_dma source(%dma_start3A_38 : memref<100000x128xf32, #tpu.memory_space<hbm>>) target(%arg9 : memref<128x128xf32, #tpu.memory_space<vmem>>) offsets(%arg7 : memref<128xi32, #tpu.memory_space<vmem>>) semaphore(%arg15 : memref<!tpu.dma_semaphore, #tpu.memory_space<semaphore_mem>>)
    %add3A_39 = arith.constant 0 : i32
    %add3A_40 = arith.addi %mul3A_36, %add3A_39 : i32
    %add3A_41 = arith.constant 1 : i32
    %add3A_42 = arith.addi %add3A_40, %add3A_41 : i32
    "tpu.region"() ({
      %run_scoped3A = tpu.sem_alloc : memref<!tpu.dma_semaphore, #tpu.memory_space<semaphore_mem>>
      %dma_start3A_105 = arith.constant 0 : i32
      %dma_start3A_106 = tpu.memref_slice %arg3[%add3A_42, %dma_start3A_105] : memref<96x128xi32, #tpu.memory_space<hbm>> -> memref<1x128xi32, #tpu.memory_space<hbm>>
      %dma_start3A_107 = tpu.memref_squeeze %dma_start3A_106 : memref<1x128xi32, #tpu.memory_space<hbm>> -> memref<128xi32, #tpu.memory_space<hbm>>
      %dma_start3A_108 = arith.constant 0 : i32
      %dma_start3A_109 = tpu.memref_slice %arg3[%add3A_42, %dma_start3A_108] : memref<96x128xi32, #tpu.memory_space<hbm>> -> memref<1x128xi32, #tpu.memory_space<hbm>>
      %dma_start3A_110 = tpu.memref_squeeze %dma_start3A_109 : memref<1x128xi32, #tpu.memory_space<hbm>> -> memref<128xi32, #tpu.memory_space<hbm>>
      tpu.enqueue_dma source(%dma_start3A_110 : memref<128xi32, #tpu.memory_space<hbm>>) target(%arg8 : memref<128xi32, #tpu.memory_space<vmem>>) target_semaphore(%run_scoped3A : memref<!tpu.dma_semaphore, #tpu.memory_space<semaphore_mem>>)
      %dma_wait3A_111 = arith.constant 0 : i32
      %dma_wait3A_112 = tpu.memref_slice %arg3[%add3A_42, %dma_wait3A_111] : memref<96x128xi32, #tpu.memory_space<hbm>> -> memref<1x128xi32, #tpu.memory_space<hbm>>
      %dma_wait3A_113 = tpu.memref_squeeze %dma_wait3A_112 : memref<1x128xi32, #tpu.memory_space<hbm>> -> memref<128xi32, #tpu.memory_space<hbm>>
      %dma_wait3A_114 = arith.constant 0 : i32
      %dma_wait3A_115 = tpu.memref_slice %arg3[%add3A_42, %dma_wait3A_114] : memref<96x128xi32, #tpu.memory_space<hbm>> -> memref<1x128xi32, #tpu.memory_space<hbm>>
      %dma_wait3A_116 = tpu.memref_squeeze %dma_wait3A_115 : memref<1x128xi32, #tpu.memory_space<hbm>> -> memref<128xi32, #tpu.memory_space<hbm>>
      tpu.wait_dma2 semaphore(%run_scoped3A : memref<!tpu.dma_semaphore, #tpu.memory_space<semaphore_mem>>) src(%dma_wait3A_116 : memref<128xi32, #tpu.memory_space<hbm>>) dst(%arg8 : memref<128xi32, #tpu.memory_space<vmem>>)
      tpu.yield
    }) : () -> ()
    %dma_start3A_43 = arith.constant 0 : i32
    %dma_start3A_44 = arith.constant 0 : i32
    %dma_start3A_45 = tpu.memref_slice %arg2[%dma_start3A_43, %dma_start3A_44] : memref<100000x128xf32, #tpu.memory_space<hbm>> -> memref<100000x128xf32, #tpu.memory_space<hbm>>
    tpu.enqueue_indirect_dma source(%dma_start3A_45 : memref<100000x128xf32, #tpu.memory_space<hbm>>) target(%arg10 : memref<128x128xf32, #tpu.memory_space<vmem>>) offsets(%arg8 : memref<128xi32, #tpu.memory_space<vmem>>) semaphore(%arg16 : memref<!tpu.dma_semaphore, #tpu.memory_space<semaphore_mem>>)
    %dma_wait3A = arith.constant 0 : i32
    %dma_wait3A_46 = arith.constant 0 : i32
    %dma_wait3A_47 = tpu.memref_slice %arg2[%dma_wait3A, %dma_wait3A_46] : memref<100000x128xf32, #tpu.memory_space<hbm>> -> memref<100000x128xf32, #tpu.memory_space<hbm>>
    tpu.wait_indirect_dma semaphore(%arg15 : memref<!tpu.dma_semaphore, #tpu.memory_space<semaphore_mem>>) src(%dma_wait3A_47 : memref<100000x128xf32, #tpu.memory_space<hbm>>) dst(%arg9 : memref<128x128xf32, #tpu.memory_space<vmem>>)
    %add3A_48 = arith.constant 0 : i32
    %add3A_49 = arith.addi %mul3A_36, %add3A_48 : i32
    %mul3A_50 = arith.constant 128 : i32
    %mul3A_51 = arith.muli %add3A_49, %mul3A_50 : i32
    "tpu.region"() ({
      %run_scoped3A = tpu.sem_alloc : memref<!tpu.dma_semaphore, #tpu.memory_space<semaphore_mem>>
      %dma_start3A_105 = arith.constant 0 : i32
      %dma_start3A_106 = tpu.memref_slice %arg5[%mul3A_51, %dma_start3A_105] : memref<12288x128xf32, #tpu.memory_space<hbm>> -> memref<128x128xf32, #tpu.memory_space<hbm>>
      %dma_start3A_107 = arith.constant 0 : i32
      %dma_start3A_108 = tpu.memref_slice %arg5[%mul3A_51, %dma_start3A_107] : memref<12288x128xf32, #tpu.memory_space<hbm>> -> memref<128x128xf32, #tpu.memory_space<hbm>>
      tpu.enqueue_dma source(%arg9 : memref<128x128xf32, #tpu.memory_space<vmem>>) target(%dma_start3A_108 : memref<128x128xf32, #tpu.memory_space<hbm>>) target_semaphore(%run_scoped3A : memref<!tpu.dma_semaphore, #tpu.memory_space<semaphore_mem>>)
      %dma_wait3A_109 = arith.constant 0 : i32
      %dma_wait3A_110 = tpu.memref_slice %arg5[%mul3A_51, %dma_wait3A_109] : memref<12288x128xf32, #tpu.memory_space<hbm>> -> memref<128x128xf32, #tpu.memory_space<hbm>>
      %dma_wait3A_111 = arith.constant 0 : i32
      %dma_wait3A_112 = tpu.memref_slice %arg5[%mul3A_51, %dma_wait3A_111] : memref<12288x128xf32, #tpu.memory_space<hbm>> -> memref<128x128xf32, #tpu.memory_space<hbm>>
      tpu.wait_dma2 semaphore(%run_scoped3A : memref<!tpu.dma_semaphore, #tpu.memory_space<semaphore_mem>>) src(%arg9 : memref<128x128xf32, #tpu.memory_space<vmem>>) dst(%dma_wait3A_112 : memref<128x128xf32, #tpu.memory_space<hbm>>)
      tpu.yield
    }) : () -> ()
    %add3A_52 = arith.constant 1 : i32
    %add3A_53 = arith.addi %mul3A_36, %add3A_52 : i32
    %add3A_54 = arith.constant 1 : i32
    %add3A_55 = arith.addi %add3A_53, %add3A_54 : i32
    "tpu.region"() ({
      %run_scoped3A = tpu.sem_alloc : memref<!tpu.dma_semaphore, #tpu.memory_space<semaphore_mem>>
      %dma_start3A_105 = arith.constant 0 : i32
      %dma_start3A_106 = tpu.memref_slice %arg3[%add3A_55, %dma_start3A_105] : memref<96x128xi32, #tpu.memory_space<hbm>> -> memref<1x128xi32, #tpu.memory_space<hbm>>
      %dma_start3A_107 = tpu.memref_squeeze %dma_start3A_106 : memref<1x128xi32, #tpu.memory_space<hbm>> -> memref<128xi32, #tpu.memory_space<hbm>>
      %dma_start3A_108 = arith.constant 0 : i32
      %dma_start3A_109 = tpu.memref_slice %arg3[%add3A_55, %dma_start3A_108] : memref<96x128xi32, #tpu.memory_space<hbm>> -> memref<1x128xi32, #tpu.memory_space<hbm>>
      %dma_start3A_110 = tpu.memref_squeeze %dma_start3A_109 : memref<1x128xi32, #tpu.memory_space<hbm>> -> memref<128xi32, #tpu.memory_space<hbm>>
      tpu.enqueue_dma source(%dma_start3A_110 : memref<128xi32, #tpu.memory_space<hbm>>) target(%arg7 : memref<128xi32, #tpu.memory_space<vmem>>) target_semaphore(%run_scoped3A : memref<!tpu.dma_semaphore, #tpu.memory_space<semaphore_mem>>)
      %dma_wait3A_111 = arith.constant 0 : i32
      %dma_wait3A_112 = tpu.memref_slice %arg3[%add3A_55, %dma_wait3A_111] : memref<96x128xi32, #tpu.memory_space<hbm>> -> memref<1x128xi32, #tpu.memory_space<hbm>>
      %dma_wait3A_113 = tpu.memref_squeeze %dma_wait3A_112 : memref<1x128xi32, #tpu.memory_space<hbm>> -> memref<128xi32, #tpu.memory_space<hbm>>
      %dma_wait3A_114 = arith.constant 0 : i32
      %dma_wait3A_115 = tpu.memref_slice %arg3[%add3A_55, %dma_wait3A_114] : memref<96x128xi32, #tpu.memory_space<hbm>> -> memref<1x128xi32, #tpu.memory_space<hbm>>
      %dma_wait3A_116 = tpu.memref_squeeze %dma_wait3A_115 : memref<1x128xi32, #tpu.memory_space<hbm>> -> memref<128xi32, #tpu.memory_space<hbm>>
      tpu.wait_dma2 semaphore(%run_scoped3A : memref<!tpu.dma_semaphore, #tpu.memory_space<semaphore_mem>>) src(%dma_wait3A_116 : memref<128xi32, #tpu.memory_space<hbm>>) dst(%arg7 : memref<128xi32, #tpu.memory_space<vmem>>)
      tpu.yield
    }) : () -> ()
    %dma_start3A_56 = arith.constant 0 : i32
    %dma_start3A_57 = arith.constant 0 : i32
    %dma_start3A_58 = tpu.memref_slice %arg2[%dma_start3A_56, %dma_start3A_57] : memref<100000x128xf32, #tpu.memory_space<hbm>> -> memref<100000x128xf32, #tpu.memory_space<hbm>>
    tpu.enqueue_indirect_dma source(%dma_start3A_58 : memref<100000x128xf32, #tpu.memory_space<hbm>>) target(%arg9 : memref<128x128xf32, #tpu.memory_space<vmem>>) offsets(%arg7 : memref<128xi32, #tpu.memory_space<vmem>>) semaphore(%arg15 : memref<!tpu.dma_semaphore, #tpu.memory_space<semaphore_mem>>)
    %dma_wait3A_59 = arith.constant 0 : i32
    %dma_wait3A_60 = arith.constant 0 : i32
    %dma_wait3A_61 = tpu.memref_slice %arg2[%dma_wait3A_59, %dma_wait3A_60] : memref<100000x128xf32, #tpu.memory_space<hbm>> -> memref<100000x128xf32, #tpu.memory_space<hbm>>
    tpu.wait_indirect_dma semaphore(%arg16 : memref<!tpu.dma_semaphore, #tpu.memory_space<semaphore_mem>>) src(%dma_wait3A_61 : memref<100000x128xf32, #tpu.memory_space<hbm>>) dst(%arg10 : memref<128x128xf32, #tpu.memory_space<vmem>>)
    %add3A_62 = arith.constant 1 : i32
    %add3A_63 = arith.addi %mul3A_36, %add3A_62 : i32
    %mul3A_64 = arith.constant 128 : i32
    %mul3A_65 = arith.muli %add3A_63, %mul3A_64 : i32
    "tpu.region"() ({
      %run_scoped3A = tpu.sem_alloc : memref<!tpu.dma_semaphore, #tpu.memory_space<semaphore_mem>>
      %dma_start3A_105 = arith.constant 0 : i32
      %dma_start3A_106 = tpu.memref_slice %arg5[%mul3A_65, %dma_start3A_105] : memref<12288x128xf32, #tpu.memory_space<hbm>> -> memref<128x128xf32, #tpu.memory_space<hbm>>
      %dma_start3A_107 = arith.constant 0 : i32
      %dma_start3A_108 = tpu.memref_slice %arg5[%mul3A_65, %dma_start3A_107] : memref<12288x128xf32, #tpu.memory_space<hbm>> -> memref<128x128xf32, #tpu.memory_space<hbm>>
      tpu.enqueue_dma source(%arg10 : memref<128x128xf32, #tpu.memory_space<vmem>>) target(%dma_start3A_108 : memref<128x128xf32, #tpu.memory_space<hbm>>) target_semaphore(%run_scoped3A : memref<!tpu.dma_semaphore, #tpu.memory_space<semaphore_mem>>)
      %dma_wait3A_109 = arith.constant 0 : i32
      %dma_wait3A_110 = tpu.memref_slice %arg5[%mul3A_65, %dma_wait3A_109] : memref<12288x128xf32, #tpu.memory_space<hbm>> -> memref<128x128xf32, #tpu.memory_space<hbm>>
      %dma_wait3A_111 = arith.constant 0 : i32
      %dma_wait3A_112 = tpu.memref_slice %arg5[%mul3A_65, %dma_wait3A_111] : memref<12288x128xf32, #tpu.memory_space<hbm>> -> memref<128x128xf32, #tpu.memory_space<hbm>>
      tpu.wait_dma2 semaphore(%run_scoped3A : memref<!tpu.dma_semaphore, #tpu.memory_space<semaphore_mem>>) src(%arg10 : memref<128x128xf32, #tpu.memory_space<vmem>>) dst(%dma_wait3A_112 : memref<128x128xf32, #tpu.memory_space<hbm>>)
      tpu.yield
    }) : () -> ()
    %dma_wait3A_66 = arith.constant 0 : i32
    %dma_wait3A_67 = arith.constant 0 : i32
    %dma_wait3A_68 = tpu.memref_slice %arg2[%dma_wait3A_66, %dma_wait3A_67] : memref<100000x128xf32, #tpu.memory_space<hbm>> -> memref<100000x128xf32, #tpu.memory_space<hbm>>
    tpu.wait_indirect_dma semaphore(%arg15 : memref<!tpu.dma_semaphore, #tpu.memory_space<semaphore_mem>>) src(%dma_wait3A_68 : memref<100000x128xf32, #tpu.memory_space<hbm>>) dst(%arg9 : memref<128x128xf32, #tpu.memory_space<vmem>>)
    %add3A_69 = arith.constant 2 : i32
    %add3A_70 = arith.addi %mul3A_36, %add3A_69 : i32
    %mul3A_71 = arith.constant 128 : i32
    %mul3A_72 = arith.muli %add3A_70, %mul3A_71 : i32
    "tpu.region"() ({
      %run_scoped3A = tpu.sem_alloc : memref<!tpu.dma_semaphore, #tpu.memory_space<semaphore_mem>>
      %dma_start3A_105 = arith.constant 0 : i32
      %dma_start3A_106 = tpu.memref_slice %arg5[%mul3A_72, %dma_start3A_105] : memref<12288x128xf32, #tpu.memory_space<hbm>> -> memref<128x128xf32, #tpu.memory_space<hbm>>
      %dma_start3A_107 = arith.constant 0 : i32
      %dma_start3A_108 = tpu.memref_slice %arg5[%mul3A_72, %dma_start3A_107] : memref<12288x128xf32, #tpu.memory_space<hbm>> -> memref<128x128xf32, #tpu.memory_space<hbm>>
      tpu.enqueue_dma source(%arg9 : memref<128x128xf32, #tpu.memory_space<vmem>>) target(%dma_start3A_108 : memref<128x128xf32, #tpu.memory_space<hbm>>) target_semaphore(%run_scoped3A : memref<!tpu.dma_semaphore, #tpu.memory_space<semaphore_mem>>)
      %dma_wait3A_109 = arith.constant 0 : i32
      %dma_wait3A_110 = tpu.memref_slice %arg5[%mul3A_72, %dma_wait3A_109] : memref<12288x128xf32, #tpu.memory_space<hbm>> -> memref<128x128xf32, #tpu.memory_space<hbm>>
      %dma_wait3A_111 = arith.constant 0 : i32
      %dma_wait3A_112 = tpu.memref_slice %arg5[%mul3A_72, %dma_wait3A_111] : memref<12288x128xf32, #tpu.memory_space<hbm>> -> memref<128x128xf32, #tpu.memory_space<hbm>>
      tpu.wait_dma2 semaphore(%run_scoped3A : memref<!tpu.dma_semaphore, #tpu.memory_space<semaphore_mem>>) src(%arg9 : memref<128x128xf32, #tpu.memory_space<vmem>>) dst(%dma_wait3A_112 : memref<128x128xf32, #tpu.memory_space<hbm>>)
      tpu.yield
    }) : () -> ()
    %mul3A_73 = arith.constant 126 : i32
    %mul3A_74 = arith.muli %add3A, %mul3A_73 : i32
    %scan3A_75 = arith.constant 0 : i32
    %scan3A_76 = arith.constant 0 : i32
    %scan3A_77 = arith.constant 63 : i32
    %scan3A_78 = arith.addi %scan3A_76, %scan3A_77 : i32
    %scan3A_79 = arith.constant 1 : i32
    %scan3A_80 = scf.for %scan3A_105 = %scan3A_76 to %scan3A_78 step %scan3A_79 iter_args(%scan3A_106 = %scan3A_75) -> (i32)  : i32 {
      %mul3A_107 = arith.constant 2 : i32
      %mul3A_108 = arith.muli %mul3A_107, %scan3A_105 : i32
      %add3A_109 = arith.constant 0 : i32
      %add3A_110 = arith.addi %mul3A_108, %add3A_109 : i32
      %ge3A = arith.constant 1 : i32
      %ge3A_111 = arith.cmpi sge, %scan3A_105, %ge3A : i32
      %convert_element_type3A = arith.extui %ge3A_111 : i1 to i32
      %cond3A = arith.constant 0 : i32
      %cond3A_112 = arith.cmpi ne, %convert_element_type3A, %cond3A : i32
      scf.if %cond3A_112 {
        %dma_wait3A_132 = arith.constant 0 : i32
        %dma_wait3A_133 = arith.constant 0 : i32
        %dma_wait3A_134 = tpu.memref_slice %arg14[%dma_wait3A_132, %dma_wait3A_133] : memref<10240x128xf32, #tpu.memory_space<vmem_shared>> -> memref<10240x128xf32, #tpu.memory_space<vmem_shared>>
        tpu.wait_indirect_dma semaphore(%arg17 : memref<!tpu.dma_semaphore, #tpu.memory_space<semaphore_mem>>) src(%arg13 : memref<80x128xf32, #tpu.memory_space<vmem>>) dst(%dma_wait3A_134 : memref<10240x128xf32, #tpu.memory_space<vmem_shared>>)
      } else {
      }
      %add3A_113 = arith.addi %mul3A_74, %add3A_110 : i32
      %run_scoped3A = arith.constant 1 : i32
      "tpu.region"() ({
        %run_scoped3A_132 = tpu.sem_alloc : memref<!tpu.dma_semaphore, #tpu.memory_space<semaphore_mem>>
        %dma_start3A_133 = arith.constant 0 : i32
        %dma_start3A_134 = tpu.memref_slice %arg4[%add3A_113, %run_scoped3A, %dma_start3A_133] : memref<4032x3x80xi32, #tpu.memory_space<hbm>> -> memref<1x1x80xi32, #tpu.memory_space<hbm>>
        %dma_start3A_135 = tpu.memref_squeeze %dma_start3A_134 : memref<1x1x80xi32, #tpu.memory_space<hbm>> -> memref<80xi32, #tpu.memory_space<hbm>>
        %dma_start3A_136 = arith.constant 0 : i32
        %dma_start3A_137 = tpu.memref_slice %arg4[%add3A_113, %run_scoped3A, %dma_start3A_136] : memref<4032x3x80xi32, #tpu.memory_space<hbm>> -> memref<1x1x80xi32, #tpu.memory_space<hbm>>
        %dma_start3A_138 = tpu.memref_squeeze %dma_start3A_137 : memref<1x1x80xi32, #tpu.memory_space<hbm>> -> memref<80xi32, #tpu.memory_space<hbm>>
        tpu.enqueue_dma source(%dma_start3A_138 : memref<80xi32, #tpu.memory_space<hbm>>) target(%arg11 : memref<80xi32, #tpu.memory_space<vmem>>) target_semaphore(%run_scoped3A_132 : memref<!tpu.dma_semaphore, #tpu.memory_space<semaphore_mem>>)
        %dma_wait3A_139 = arith.constant 0 : i32
        %dma_wait3A_140 = tpu.memref_slice %arg4[%add3A_113, %run_scoped3A, %dma_wait3A_139] : memref<4032x3x80xi32, #tpu.memory_space<hbm>> -> memref<1x1x80xi32, #tpu.memory_space<hbm>>
        %dma_wait3A_141 = tpu.memref_squeeze %dma_wait3A_140 : memref<1x1x80xi32, #tpu.memory_space<hbm>> -> memref<80xi32, #tpu.memory_space<hbm>>
        %dma_wait3A_142 = arith.constant 0 : i32
        %dma_wait3A_143 = tpu.memref_slice %arg4[%add3A_113, %run_scoped3A, %dma_wait3A_142] : memref<4032x3x80xi32, #tpu.memory_space<hbm>> -> memref<1x1x80xi32, #tpu.memory_space<hbm>>
        %dma_wait3A_144 = tpu.memref_squeeze %dma_wait3A_143 : memref<1x1x80xi32, #tpu.memory_space<hbm>> -> memref<80xi32, #tpu.memory_space<hbm>>
        tpu.wait_dma2 semaphore(%run_scoped3A_132 : memref<!tpu.dma_semaphore, #tpu.memory_space<semaphore_mem>>) src(%dma_wait3A_144 : memref<80xi32, #tpu.memory_space<hbm>>) dst(%arg11 : memref<80xi32, #tpu.memory_space<vmem>>)
        tpu.yield
      }) : () -> ()
      %dma_start3A_114 = arith.constant 0 : i32
      %dma_start3A_115 = arith.constant 0 : i32
      %dma_start3A_116 = tpu.memref_slice %arg14[%dma_start3A_114, %dma_start3A_115] : memref<10240x128xf32, #tpu.memory_space<vmem_shared>> -> memref<10240x128xf32, #tpu.memory_space<vmem_shared>>
      tpu.enqueue_indirect_dma source(%arg13 : memref<80x128xf32, #tpu.memory_space<vmem>>) target(%dma_start3A_116 : memref<10240x128xf32, #tpu.memory_space<vmem_shared>>) offsets(%arg11 : memref<80xi32, #tpu.memory_space<vmem>>) semaphore(%arg17 : memref<!tpu.dma_semaphore, #tpu.memory_space<semaphore_mem>>) {add = true}
      %mul3A_117 = arith.constant 2 : i32
      %mul3A_118 = arith.muli %mul3A_117, %scan3A_105 : i32
      %add3A_119 = arith.constant 1 : i32
      %add3A_120 = arith.addi %mul3A_118, %add3A_119 : i32
      %ge3A_121 = arith.constant 1 : i32
      %ge3A_122 = arith.cmpi sge, %scan3A_105, %ge3A_121 : i32
      %convert_element_type3A_123 = arith.extui %ge3A_122 : i1 to i32
      %cond3A_124 = arith.constant 0 : i32
      %cond3A_125 = arith.cmpi ne, %convert_element_type3A_123, %cond3A_124 : i32
      scf.if %cond3A_125 {
        %dma_wait3A_132 = arith.constant 0 : i32
        %dma_wait3A_133 = arith.constant 0 : i32
        %dma_wait3A_134 = tpu.memref_slice %arg14[%dma_wait3A_132, %dma_wait3A_133] : memref<10240x128xf32, #tpu.memory_space<vmem_shared>> -> memref<10240x128xf32, #tpu.memory_space<vmem_shared>>
        tpu.wait_indirect_dma semaphore(%arg18 : memref<!tpu.dma_semaphore, #tpu.memory_space<semaphore_mem>>) src(%arg13 : memref<80x128xf32, #tpu.memory_space<vmem>>) dst(%dma_wait3A_134 : memref<10240x128xf32, #tpu.memory_space<vmem_shared>>)
      } else {
      }
      %add3A_126 = arith.addi %mul3A_74, %add3A_120 : i32
      %run_scoped3A_127 = arith.constant 1 : i32
      "tpu.region"() ({
        %run_scoped3A_132 = tpu.sem_alloc : memref<!tpu.dma_semaphore, #tpu.memory_space<semaphore_mem>>
        %dma_start3A_133 = arith.constant 0 : i32
        %dma_start3A_134 = tpu.memref_slice %arg4[%add3A_126, %run_scoped3A_127, %dma_start3A_133] : memref<4032x3x80xi32, #tpu.memory_space<hbm>> -> memref<1x1x80xi32, #tpu.memory_space<hbm>>
        %dma_start3A_135 = tpu.memref_squeeze %dma_start3A_134 : memref<1x1x80xi32, #tpu.memory_space<hbm>> -> memref<80xi32, #tpu.memory_space<hbm>>
        %dma_start3A_136 = arith.constant 0 : i32
        %dma_start3A_137 = tpu.memref_slice %arg4[%add3A_126, %run_scoped3A_127, %dma_start3A_136] : memref<4032x3x80xi32, #tpu.memory_space<hbm>> -> memref<1x1x80xi32, #tpu.memory_space<hbm>>
        %dma_start3A_138 = tpu.memref_squeeze %dma_start3A_137 : memref<1x1x80xi32, #tpu.memory_space<hbm>> -> memref<80xi32, #tpu.memory_space<hbm>>
        tpu.enqueue_dma source(%dma_start3A_138 : memref<80xi32, #tpu.memory_space<hbm>>) target(%arg12 : memref<80xi32, #tpu.memory_space<vmem>>) target_semaphore(%run_scoped3A_132 : memref<!tpu.dma_semaphore, #tpu.memory_space<semaphore_mem>>)
        %dma_wait3A_139 = arith.constant 0 : i32
        %dma_wait3A_140 = tpu.memref_slice %arg4[%add3A_126, %run_scoped3A_127, %dma_wait3A_139] : memref<4032x3x80xi32, #tpu.memory_space<hbm>> -> memref<1x1x80xi32, #tpu.memory_space<hbm>>
        %dma_wait3A_141 = tpu.memref_squeeze %dma_wait3A_140 : memref<1x1x80xi32, #tpu.memory_space<hbm>> -> memref<80xi32, #tpu.memory_space<hbm>>
        %dma_wait3A_142 = arith.constant 0 : i32
        %dma_wait3A_143 = tpu.memref_slice %arg4[%add3A_126, %run_scoped3A_127, %dma_wait3A_142] : memref<4032x3x80xi32, #tpu.memory_space<hbm>> -> memref<1x1x80xi32, #tpu.memory_space<hbm>>
        %dma_wait3A_144 = tpu.memref_squeeze %dma_wait3A_143 : memref<1x1x80xi32, #tpu.memory_space<hbm>> -> memref<80xi32, #tpu.memory_space<hbm>>
        tpu.wait_dma2 semaphore(%run_scoped3A_132 : memref<!tpu.dma_semaphore, #tpu.memory_space<semaphore_mem>>) src(%dma_wait3A_144 : memref<80xi32, #tpu.memory_space<hbm>>) dst(%arg12 : memref<80xi32, #tpu.memory_space<vmem>>)
        tpu.yield
      }) : () -> ()
      %dma_start3A_128 = arith.constant 0 : i32
      %dma_start3A_129 = arith.constant 0 : i32
      %dma_start3A_130 = tpu.memref_slice %arg14[%dma_start3A_128, %dma_start3A_129] : memref<10240x128xf32, #tpu.memory_space<vmem_shared>> -> memref<10240x128xf32, #tpu.memory_space<vmem_shared>>
      tpu.enqueue_indirect_dma source(%arg13 : memref<80x128xf32, #tpu.memory_space<vmem>>) target(%dma_start3A_130 : memref<10240x128xf32, #tpu.memory_space<vmem_shared>>) offsets(%arg12 : memref<80xi32, #tpu.memory_space<vmem>>) semaphore(%arg18 : memref<!tpu.dma_semaphore, #tpu.memory_space<semaphore_mem>>) {add = true}
      %scan3A_131 = arith.constant 0 : i32
      scf.yield %scan3A_131 : i32
    }
    %scan3A_81 = arith.constant 63 : i32
    %dma_wait3A_82 = arith.constant 0 : i32
    %dma_wait3A_83 = arith.constant 0 : i32
    %dma_wait3A_84 = tpu.memref_slice %arg14[%dma_wait3A_82, %dma_wait3A_83] : memref<10240x128xf32, #tpu.memory_space<vmem_shared>> -> memref<10240x128xf32, #tpu.memory_space<vmem_shared>>
    tpu.wait_indirect_dma semaphore(%arg17 : memref<!tpu.dma_semaphore, #tpu.memory_space<semaphore_mem>>) src(%arg13 : memref<80x128xf32, #tpu.memory_space<vmem>>) dst(%dma_wait3A_84 : memref<10240x128xf32, #tpu.memory_space<vmem_shared>>)
    %dma_wait3A_85 = arith.constant 0 : i32
    %dma_wait3A_86 = arith.constant 0 : i32
    %dma_wait3A_87 = tpu.memref_slice %arg14[%dma_wait3A_85, %dma_wait3A_86] : memref<10240x128xf32, #tpu.memory_space<vmem_shared>> -> memref<10240x128xf32, #tpu.memory_space<vmem_shared>>
    tpu.wait_indirect_dma semaphore(%arg18 : memref<!tpu.dma_semaphore, #tpu.memory_space<semaphore_mem>>) src(%arg13 : memref<80x128xf32, #tpu.memory_space<vmem>>) dst(%dma_wait3A_87 : memref<10240x128xf32, #tpu.memory_space<vmem_shared>>)
    %barrier3A_88 = arith.constant 0 : index
    tpu.barrier barrier_id(%barrier3A_88)
    %add3A_89 = arith.constant 0 : i32
    %add3A_90 = arith.addi %mul3A_2, %add3A_89 : i32
    "tpu.region"() ({
      %run_scoped3A = tpu.sem_alloc : memref<!tpu.dma_semaphore, #tpu.memory_space<semaphore_mem>>
      %dma_start3A_105 = arith.constant 0 : i32
      %dma_start3A_106 = tpu.memref_slice %arg6[%arg0, %add3A_90, %dma_start3A_105] : memref<2x10240x128xf32, #tpu.memory_space<hbm>> -> memref<1x80x128xf32, #tpu.memory_space<hbm>>
      %dma_start3A_107 = tpu.memref_squeeze %dma_start3A_106 : memref<1x80x128xf32, #tpu.memory_space<hbm>> -> memref<80x128xf32, #tpu.memory_space<hbm>>
      %dma_start3A_108 = arith.constant 0 : i32
      %dma_start3A_109 = tpu.memref_slice %arg14[%add3A_90, %dma_start3A_108] : memref<10240x128xf32, #tpu.memory_space<vmem_shared>> -> memref<80x128xf32, #tpu.memory_space<vmem_shared>>
      tpu.enqueue_dma source(%dma_start3A_109 : memref<80x128xf32, #tpu.memory_space<vmem_shared>>) target(%dma_start3A_107 : memref<80x128xf32, #tpu.memory_space<hbm>>) target_semaphore(%run_scoped3A : memref<!tpu.dma_semaphore, #tpu.memory_space<semaphore_mem>>)
      %dma_wait3A_110 = arith.constant 0 : i32
      %dma_wait3A_111 = tpu.memref_slice %arg6[%arg0, %add3A_90, %dma_wait3A_110] : memref<2x10240x128xf32, #tpu.memory_space<hbm>> -> memref<1x80x128xf32, #tpu.memory_space<hbm>>
      %dma_wait3A_112 = tpu.memref_squeeze %dma_wait3A_111 : memref<1x80x128xf32, #tpu.memory_space<hbm>> -> memref<80x128xf32, #tpu.memory_space<hbm>>
      %dma_wait3A_113 = arith.constant 0 : i32
      %dma_wait3A_114 = tpu.memref_slice %arg14[%add3A_90, %dma_wait3A_113] : memref<10240x128xf32, #tpu.memory_space<vmem_shared>> -> memref<80x128xf32, #tpu.memory_space<vmem_shared>>
      tpu.wait_dma2 semaphore(%run_scoped3A : memref<!tpu.dma_semaphore, #tpu.memory_space<semaphore_mem>>) src(%dma_wait3A_114 : memref<80x128xf32, #tpu.memory_space<vmem_shared>>) dst(%dma_wait3A_112 : memref<80x128xf32, #tpu.memory_space<hbm>>)
      tpu.yield
    }) : () -> ()
    %add3A_91 = arith.constant 80 : i32
    %add3A_92 = arith.addi %mul3A_2, %add3A_91 : i32
    "tpu.region"() ({
      %run_scoped3A = tpu.sem_alloc : memref<!tpu.dma_semaphore, #tpu.memory_space<semaphore_mem>>
      %dma_start3A_105 = arith.constant 0 : i32
      %dma_start3A_106 = tpu.memref_slice %arg6[%arg0, %add3A_92, %dma_start3A_105] : memref<2x10240x128xf32, #tpu.memory_space<hbm>> -> memref<1x80x128xf32, #tpu.memory_space<hbm>>
      %dma_start3A_107 = tpu.memref_squeeze %dma_start3A_106 : memref<1x80x128xf32, #tpu.memory_space<hbm>> -> memref<80x128xf32, #tpu.memory_space<hbm>>
      %dma_start3A_108 = arith.constant 0 : i32
      %dma_start3A_109 = tpu.memref_slice %arg14[%add3A_92, %dma_start3A_108] : memref<10240x128xf32, #tpu.memory_space<vmem_shared>> -> memref<80x128xf32, #tpu.memory_space<vmem_shared>>
      tpu.enqueue_dma source(%dma_start3A_109 : memref<80x128xf32, #tpu.memory_space<vmem_shared>>) target(%dma_start3A_107 : memref<80x128xf32, #tpu.memory_space<hbm>>) target_semaphore(%run_scoped3A : memref<!tpu.dma_semaphore, #tpu.memory_space<semaphore_mem>>)
      %dma_wait3A_110 = arith.constant 0 : i32
      %dma_wait3A_111 = tpu.memref_slice %arg6[%arg0, %add3A_92, %dma_wait3A_110] : memref<2x10240x128xf32, #tpu.memory_space<hbm>> -> memref<1x80x128xf32, #tpu.memory_space<hbm>>
      %dma_wait3A_112 = tpu.memref_squeeze %dma_wait3A_111 : memref<1x80x128xf32, #tpu.memory_space<hbm>> -> memref<80x128xf32, #tpu.memory_space<hbm>>
      %dma_wait3A_113 = arith.constant 0 : i32
      %dma_wait3A_114 = tpu.memref_slice %arg14[%add3A_92, %dma_wait3A_113] : memref<10240x128xf32, #tpu.memory_space<vmem_shared>> -> memref<80x128xf32, #tpu.memory_space<vmem_shared>>
      tpu.wait_dma2 semaphore(%run_scoped3A : memref<!tpu.dma_semaphore, #tpu.memory_space<semaphore_mem>>) src(%dma_wait3A_114 : memref<80x128xf32, #tpu.memory_space<vmem_shared>>) dst(%dma_wait3A_112 : memref<80x128xf32, #tpu.memory_space<hbm>>)
      tpu.yield
    }) : () -> ()
    %add3A_93 = arith.constant 160 : i32
    %add3A_94 = arith.addi %mul3A_2, %add3A_93 : i32
    "tpu.region"() ({
      %run_scoped3A = tpu.sem_alloc : memref<!tpu.dma_semaphore, #tpu.memory_space<semaphore_mem>>
      %dma_start3A_105 = arith.constant 0 : i32
      %dma_start3A_106 = tpu.memref_slice %arg6[%arg0, %add3A_94, %dma_start3A_105] : memref<2x10240x128xf32, #tpu.memory_space<hbm>> -> memref<1x80x128xf32, #tpu.memory_space<hbm>>
      %dma_start3A_107 = tpu.memref_squeeze %dma_start3A_106 : memref<1x80x128xf32, #tpu.memory_space<hbm>> -> memref<80x128xf32, #tpu.memory_space<hbm>>
      %dma_start3A_108 = arith.constant 0 : i32
      %dma_start3A_109 = tpu.memref_slice %arg14[%add3A_94, %dma_start3A_108] : memref<10240x128xf32, #tpu.memory_space<vmem_shared>> -> memref<80x128xf32, #tpu.memory_space<vmem_shared>>
      tpu.enqueue_dma source(%dma_start3A_109 : memref<80x128xf32, #tpu.memory_space<vmem_shared>>) target(%dma_start3A_107 : memref<80x128xf32, #tpu.memory_space<hbm>>) target_semaphore(%run_scoped3A : memref<!tpu.dma_semaphore, #tpu.memory_space<semaphore_mem>>)
      %dma_wait3A_110 = arith.constant 0 : i32
      %dma_wait3A_111 = tpu.memref_slice %arg6[%arg0, %add3A_94, %dma_wait3A_110] : memref<2x10240x128xf32, #tpu.memory_space<hbm>> -> memref<1x80x128xf32, #tpu.memory_space<hbm>>
      %dma_wait3A_112 = tpu.memref_squeeze %dma_wait3A_111 : memref<1x80x128xf32, #tpu.memory_space<hbm>> -> memref<80x128xf32, #tpu.memory_space<hbm>>
      %dma_wait3A_113 = arith.constant 0 : i32
      %dma_wait3A_114 = tpu.memref_slice %arg14[%add3A_94, %dma_wait3A_113] : memref<10240x128xf32, #tpu.memory_space<vmem_shared>> -> memref<80x128xf32, #tpu.memory_space<vmem_shared>>
      tpu.wait_dma2 semaphore(%run_scoped3A : memref<!tpu.dma_semaphore, #tpu.memory_space<semaphore_mem>>) src(%dma_wait3A_114 : memref<80x128xf32, #tpu.memory_space<vmem_shared>>) dst(%dma_wait3A_112 : memref<80x128xf32, #tpu.memory_space<hbm>>)
      tpu.yield
    }) : () -> ()
    %add3A_95 = arith.constant 240 : i32
    %add3A_96 = arith.addi %mul3A_2, %add3A_95 : i32
    "tpu.region"() ({
      %run_scoped3A = tpu.sem_alloc : memref<!tpu.dma_semaphore, #tpu.memory_space<semaphore_mem>>
      %dma_start3A_105 = arith.constant 0 : i32
      %dma_start3A_106 = tpu.memref_slice %arg6[%arg0, %add3A_96, %dma_start3A_105] : memref<2x10240x128xf32, #tpu.memory_space<hbm>> -> memref<1x80x128xf32, #tpu.memory_space<hbm>>
      %dma_start3A_107 = tpu.memref_squeeze %dma_start3A_106 : memref<1x80x128xf32, #tpu.memory_space<hbm>> -> memref<80x128xf32, #tpu.memory_space<hbm>>
      %dma_start3A_108 = arith.constant 0 : i32
      %dma_start3A_109 = tpu.memref_slice %arg14[%add3A_96, %dma_start3A_108] : memref<10240x128xf32, #tpu.memory_space<vmem_shared>> -> memref<80x128xf32, #tpu.memory_space<vmem_shared>>
      tpu.enqueue_dma source(%dma_start3A_109 : memref<80x128xf32, #tpu.memory_space<vmem_shared>>) target(%dma_start3A_107 : memref<80x128xf32, #tpu.memory_space<hbm>>) target_semaphore(%run_scoped3A : memref<!tpu.dma_semaphore, #tpu.memory_space<semaphore_mem>>)
      %dma_wait3A_110 = arith.constant 0 : i32
      %dma_wait3A_111 = tpu.memref_slice %arg6[%arg0, %add3A_96, %dma_wait3A_110] : memref<2x10240x128xf32, #tpu.memory_space<hbm>> -> memref<1x80x128xf32, #tpu.memory_space<hbm>>
      %dma_wait3A_112 = tpu.memref_squeeze %dma_wait3A_111 : memref<1x80x128xf32, #tpu.memory_space<hbm>> -> memref<80x128xf32, #tpu.memory_space<hbm>>
      %dma_wait3A_113 = arith.constant 0 : i32
      %dma_wait3A_114 = tpu.memref_slice %arg14[%add3A_96, %dma_wait3A_113] : memref<10240x128xf32, #tpu.memory_space<vmem_shared>> -> memref<80x128xf32, #tpu.memory_space<vmem_shared>>
      tpu.wait_dma2 semaphore(%run_scoped3A : memref<!tpu.dma_semaphore, #tpu.memory_space<semaphore_mem>>) src(%dma_wait3A_114 : memref<80x128xf32, #tpu.memory_space<vmem_shared>>) dst(%dma_wait3A_112 : memref<80x128xf32, #tpu.memory_space<hbm>>)
      tpu.yield
    }) : () -> ()
    %add3A_97 = arith.constant 320 : i32
    %add3A_98 = arith.addi %mul3A_2, %add3A_97 : i32
    "tpu.region"() ({
      %run_scoped3A = tpu.sem_alloc : memref<!tpu.dma_semaphore, #tpu.memory_space<semaphore_mem>>
      %dma_start3A_105 = arith.constant 0 : i32
      %dma_start3A_106 = tpu.memref_slice %arg6[%arg0, %add3A_98, %dma_start3A_105] : memref<2x10240x128xf32, #tpu.memory_space<hbm>> -> memref<1x80x128xf32, #tpu.memory_space<hbm>>
      %dma_start3A_107 = tpu.memref_squeeze %dma_start3A_106 : memref<1x80x128xf32, #tpu.memory_space<hbm>> -> memref<80x128xf32, #tpu.memory_space<hbm>>
      %dma_start3A_108 = arith.constant 0 : i32
      %dma_start3A_109 = tpu.memref_slice %arg14[%add3A_98, %dma_start3A_108] : memref<10240x128xf32, #tpu.memory_space<vmem_shared>> -> memref<80x128xf32, #tpu.memory_space<vmem_shared>>
      tpu.enqueue_dma source(%dma_start3A_109 : memref<80x128xf32, #tpu.memory_space<vmem_shared>>) target(%dma_start3A_107 : memref<80x128xf32, #tpu.memory_space<hbm>>) target_semaphore(%run_scoped3A : memref<!tpu.dma_semaphore, #tpu.memory_space<semaphore_mem>>)
      %dma_wait3A_110 = arith.constant 0 : i32
      %dma_wait3A_111 = tpu.memref_slice %arg6[%arg0, %add3A_98, %dma_wait3A_110] : memref<2x10240x128xf32, #tpu.memory_space<hbm>> -> memref<1x80x128xf32, #tpu.memory_space<hbm>>
      %dma_wait3A_112 = tpu.memref_squeeze %dma_wait3A_111 : memref<1x80x128xf32, #tpu.memory_space<hbm>> -> memref<80x128xf32, #tpu.memory_space<hbm>>
      %dma_wait3A_113 = arith.constant 0 : i32
      %dma_wait3A_114 = tpu.memref_slice %arg14[%add3A_98, %dma_wait3A_113] : memref<10240x128xf32, #tpu.memory_space<vmem_shared>> -> memref<80x128xf32, #tpu.memory_space<vmem_shared>>
      tpu.wait_dma2 semaphore(%run_scoped3A : memref<!tpu.dma_semaphore, #tpu.memory_space<semaphore_mem>>) src(%dma_wait3A_114 : memref<80x128xf32, #tpu.memory_space<vmem_shared>>) dst(%dma_wait3A_112 : memref<80x128xf32, #tpu.memory_space<hbm>>)
      tpu.yield
    }) : () -> ()
    %add3A_99 = arith.constant 400 : i32
    %add3A_100 = arith.addi %mul3A_2, %add3A_99 : i32
    "tpu.region"() ({
      %run_scoped3A = tpu.sem_alloc : memref<!tpu.dma_semaphore, #tpu.memory_space<semaphore_mem>>
      %dma_start3A_105 = arith.constant 0 : i32
      %dma_start3A_106 = tpu.memref_slice %arg6[%arg0, %add3A_100, %dma_start3A_105] : memref<2x10240x128xf32, #tpu.memory_space<hbm>> -> memref<1x80x128xf32, #tpu.memory_space<hbm>>
      %dma_start3A_107 = tpu.memref_squeeze %dma_start3A_106 : memref<1x80x128xf32, #tpu.memory_space<hbm>> -> memref<80x128xf32, #tpu.memory_space<hbm>>
      %dma_start3A_108 = arith.constant 0 : i32
      %dma_start3A_109 = tpu.memref_slice %arg14[%add3A_100, %dma_start3A_108] : memref<10240x128xf32, #tpu.memory_space<vmem_shared>> -> memref<80x128xf32, #tpu.memory_space<vmem_shared>>
      tpu.enqueue_dma source(%dma_start3A_109 : memref<80x128xf32, #tpu.memory_space<vmem_shared>>) target(%dma_start3A_107 : memref<80x128xf32, #tpu.memory_space<hbm>>) target_semaphore(%run_scoped3A : memref<!tpu.dma_semaphore, #tpu.memory_space<semaphore_mem>>)
      %dma_wait3A_110 = arith.constant 0 : i32
      %dma_wait3A_111 = tpu.memref_slice %arg6[%arg0, %add3A_100, %dma_wait3A_110] : memref<2x10240x128xf32, #tpu.memory_space<hbm>> -> memref<1x80x128xf32, #tpu.memory_space<hbm>>
      %dma_wait3A_112 = tpu.memref_squeeze %dma_wait3A_111 : memref<1x80x128xf32, #tpu.memory_space<hbm>> -> memref<80x128xf32, #tpu.memory_space<hbm>>
      %dma_wait3A_113 = arith.constant 0 : i32
      %dma_wait3A_114 = tpu.memref_slice %arg14[%add3A_100, %dma_wait3A_113] : memref<10240x128xf32, #tpu.memory_space<vmem_shared>> -> memref<80x128xf32, #tpu.memory_space<vmem_shared>>
      tpu.wait_dma2 semaphore(%run_scoped3A : memref<!tpu.dma_semaphore, #tpu.memory_space<semaphore_mem>>) src(%dma_wait3A_114 : memref<80x128xf32, #tpu.memory_space<vmem_shared>>) dst(%dma_wait3A_112 : memref<80x128xf32, #tpu.memory_space<hbm>>)
      tpu.yield
    }) : () -> ()
    %add3A_101 = arith.constant 480 : i32
    %add3A_102 = arith.addi %mul3A_2, %add3A_101 : i32
    "tpu.region"() ({
      %run_scoped3A = tpu.sem_alloc : memref<!tpu.dma_semaphore, #tpu.memory_space<semaphore_mem>>
      %dma_start3A_105 = arith.constant 0 : i32
      %dma_start3A_106 = tpu.memref_slice %arg6[%arg0, %add3A_102, %dma_start3A_105] : memref<2x10240x128xf32, #tpu.memory_space<hbm>> -> memref<1x80x128xf32, #tpu.memory_space<hbm>>
      %dma_start3A_107 = tpu.memref_squeeze %dma_start3A_106 : memref<1x80x128xf32, #tpu.memory_space<hbm>> -> memref<80x128xf32, #tpu.memory_space<hbm>>
      %dma_start3A_108 = arith.constant 0 : i32
      %dma_start3A_109 = tpu.memref_slice %arg14[%add3A_102, %dma_start3A_108] : memref<10240x128xf32, #tpu.memory_space<vmem_shared>> -> memref<80x128xf32, #tpu.memory_space<vmem_shared>>
      tpu.enqueue_dma source(%dma_start3A_109 : memref<80x128xf32, #tpu.memory_space<vmem_shared>>) target(%dma_start3A_107 : memref<80x128xf32, #tpu.memory_space<hbm>>) target_semaphore(%run_scoped3A : memref<!tpu.dma_semaphore, #tpu.memory_space<semaphore_mem>>)
      %dma_wait3A_110 = arith.constant 0 : i32
      %dma_wait3A_111 = tpu.memref_slice %arg6[%arg0, %add3A_102, %dma_wait3A_110] : memref<2x10240x128xf32, #tpu.memory_space<hbm>> -> memref<1x80x128xf32, #tpu.memory_space<hbm>>
      %dma_wait3A_112 = tpu.memref_squeeze %dma_wait3A_111 : memref<1x80x128xf32, #tpu.memory_space<hbm>> -> memref<80x128xf32, #tpu.memory_space<hbm>>
      %dma_wait3A_113 = arith.constant 0 : i32
      %dma_wait3A_114 = tpu.memref_slice %arg14[%add3A_102, %dma_wait3A_113] : memref<10240x128xf32, #tpu.memory_space<vmem_shared>> -> memref<80x128xf32, #tpu.memory_space<vmem_shared>>
      tpu.wait_dma2 semaphore(%run_scoped3A : memref<!tpu.dma_semaphore, #tpu.memory_space<semaphore_mem>>) src(%dma_wait3A_114 : memref<80x128xf32, #tpu.memory_space<vmem_shared>>) dst(%dma_wait3A_112 : memref<80x128xf32, #tpu.memory_space<hbm>>)
      tpu.yield
    }) : () -> ()
    %add3A_103 = arith.constant 560 : i32
    %add3A_104 = arith.addi %mul3A_2, %add3A_103 : i32
    "tpu.region"() ({
      %run_scoped3A = tpu.sem_alloc : memref<!tpu.dma_semaphore, #tpu.memory_space<semaphore_mem>>
      %dma_start3A_105 = arith.constant 0 : i32
      %dma_start3A_106 = tpu.memref_slice %arg6[%arg0, %add3A_104, %dma_start3A_105] : memref<2x10240x128xf32, #tpu.memory_space<hbm>> -> memref<1x80x128xf32, #tpu.memory_space<hbm>>
      %dma_start3A_107 = tpu.memref_squeeze %dma_start3A_106 : memref<1x80x128xf32, #tpu.memory_space<hbm>> -> memref<80x128xf32, #tpu.memory_space<hbm>>
      %dma_start3A_108 = arith.constant 0 : i32
      %dma_start3A_109 = tpu.memref_slice %arg14[%add3A_104, %dma_start3A_108] : memref<10240x128xf32, #tpu.memory_space<vmem_shared>> -> memref<80x128xf32, #tpu.memory_space<vmem_shared>>
      tpu.enqueue_dma source(%dma_start3A_109 : memref<80x128xf32, #tpu.memory_space<vmem_shared>>) target(%dma_start3A_107 : memref<80x128xf32, #tpu.memory_space<hbm>>) target_semaphore(%run_scoped3A : memref<!tpu.dma_semaphore, #tpu.memory_space<semaphore_mem>>)
      %dma_wait3A_110 = arith.constant 0 : i32
      %dma_wait3A_111 = tpu.memref_slice %arg6[%arg0, %add3A_104, %dma_wait3A_110] : memref<2x10240x128xf32, #tpu.memory_space<hbm>> -> memref<1x80x128xf32, #tpu.memory_space<hbm>>
      %dma_wait3A_112 = tpu.memref_squeeze %dma_wait3A_111 : memref<1x80x128xf32, #tpu.memory_space<hbm>> -> memref<80x128xf32, #tpu.memory_space<hbm>>
      %dma_wait3A_113 = arith.constant 0 : i32
      %dma_wait3A_114 = tpu.memref_slice %arg14[%add3A_104, %dma_wait3A_113] : memref<10240x128xf32, #tpu.memory_space<vmem_shared>> -> memref<80x128xf32, #tpu.memory_space<vmem_shared>>
      tpu.wait_dma2 semaphore(%run_scoped3A : memref<!tpu.dma_semaphore, #tpu.memory_space<semaphore_mem>>) src(%dma_wait3A_114 : memref<80x128xf32, #tpu.memory_space<vmem_shared>>) dst(%dma_wait3A_112 : memref<80x128xf32, #tpu.memory_space<hbm>>)
      tpu.yield
    }) : () -> ()
    return
  }
}

#map = affine_map<(d0, d1) -> (0, 0)>
#map1 = affine_map<(d0, d1) -> (0, 0, 0)>
module attributes {stable_mosaic.version = 14 : i64} {
  func.func @_edge_agg(%arg0: i32, %arg1: i32, %arg2: memref<10000x128xf32, #tpu.memory_space<hbm>>, %arg3: memref<32x128xf32, #tpu.memory_space<hbm>>, %arg4: memref<4032x3x80xi32, #tpu.memory_space<hbm>>, %arg5: memref<2x10240x128xf32, #tpu.memory_space<hbm>>, %arg6: memref<3x80xi32, #tpu.memory_space<vmem>>, %arg7: memref<3x80xi32, #tpu.memory_space<vmem>>, %arg8: memref<80x128xf32, #tpu.memory_space<vmem>>, %arg9: memref<80x128xf32, #tpu.memory_space<vmem>>, %arg10: memref<80x128xf32, #tpu.memory_space<vmem>>, %arg11: memref<80x128xf32, #tpu.memory_space<vmem>>, %arg12: memref<32x128xf32, #tpu.memory_space<vmem_shared>>, %arg13: memref<10240x128xf32, #tpu.memory_space<vmem_shared>>, %arg14: memref<!tpu.dma_semaphore, #tpu.memory_space<semaphore_mem>>, %arg15: memref<!tpu.dma_semaphore, #tpu.memory_space<semaphore_mem>>, %arg16: memref<!tpu.dma_semaphore, #tpu.memory_space<semaphore_mem>>, %arg17: memref<!tpu.dma_semaphore, #tpu.memory_space<semaphore_mem>>, %arg18: memref<!tpu.dma_semaphore, #tpu.memory_space<semaphore_mem>>, %arg19: memref<!tpu.dma_semaphore, #tpu.memory_space<semaphore_mem>>) attributes {dimension_semantics = [#tpu.dimension_semantics<core_parallel>, #tpu.dimension_semantics<subcore_parallel>], iteration_bounds = array<i64: 2, 16>, scalar_prefetch = 0 : i64, scratch_operands = 14 : i64, tpu.core_type = #tpu.core_type<sc_vector_subcore>, window_params = [{transform_indices = #map}, {transform_indices = #map}, {transform_indices = #map1}, {transform_indices = #map1}]} {
    %mul3A = arith.constant 16 : i32
    %mul3A_0 = arith.muli %arg0, %mul3A : i32
    %add3A = arith.addi %mul3A_0, %arg1 : i32
    %mul3A_1 = arith.constant 640 : i32
    %mul3A_2 = arith.muli %arg1, %mul3A_1 : i32
    %broadcast_in_dim3A = arith.constant 0.000000e+00 : f32
    %broadcast_in_dim3A_3 = vector.broadcast %broadcast_in_dim3A : f32 to vector<16xf32>
    %scan3A = arith.constant 0 : i32
    %scan3A_4 = arith.constant 0 : i32
    %scan3A_5 = arith.constant 80 : i32
    %scan3A_6 = arith.addi %scan3A_4, %scan3A_5 : i32
    %scan3A_7 = arith.constant 1 : i32
    %scan3A_8 = scf.for %scan3A_73 = %scan3A_4 to %scan3A_6 step %scan3A_7 iter_args(%scan3A_74 = %scan3A) -> (i32)  : i32 {
      %swap3A = arith.index_cast %scan3A_73 : i32 to index
      %swap3A_75 = arith.constant 0 : index
      %swap3A_76 = tpu.vector_load %arg8[%swap3A, %swap3A_75] {strides = array<i32>} : memref<80x128xf32, #tpu.memory_space<vmem>>, vector<1x16xf32>,
      %swap3A_77 = vector.shape_cast %swap3A_76 : vector<1x16xf32> to vector<16xf32>
      %swap3A_78 = vector.shape_cast %broadcast_in_dim3A_3 : vector<16xf32> to vector<1x16xf32>
      tpu.vector_store %arg8[%swap3A, %swap3A_75], %swap3A_78 {strides = array<i32>} : memref<80x128xf32, #tpu.memory_space<vmem>>, vector<1x16xf32>,
      %swap3A_79 = arith.index_cast %scan3A_73 : i32 to index
      %swap3A_80 = arith.constant 16 : index
      %swap3A_81 = tpu.vector_load %arg8[%swap3A_79, %swap3A_80] {strides = array<i32>} : memref<80x128xf32, #tpu.memory_space<vmem>>, vector<1x16xf32>,
      %swap3A_82 = vector.shape_cast %swap3A_81 : vector<1x16xf32> to vector<16xf32>
      %swap3A_83 = vector.shape_cast %broadcast_in_dim3A_3 : vector<16xf32> to vector<1x16xf32>
      tpu.vector_store %arg8[%swap3A_79, %swap3A_80], %swap3A_83 {strides = array<i32>} : memref<80x128xf32, #tpu.memory_space<vmem>>, vector<1x16xf32>,
      %swap3A_84 = arith.index_cast %scan3A_73 : i32 to index
      %swap3A_85 = arith.constant 32 : index
      %swap3A_86 = tpu.vector_load %arg8[%swap3A_84, %swap3A_85] {strides = array<i32>} : memref<80x128xf32, #tpu.memory_space<vmem>>, vector<1x16xf32>,
      %swap3A_87 = vector.shape_cast %swap3A_86 : vector<1x16xf32> to vector<16xf32>
      %swap3A_88 = vector.shape_cast %broadcast_in_dim3A_3 : vector<16xf32> to vector<1x16xf32>
      tpu.vector_store %arg8[%swap3A_84, %swap3A_85], %swap3A_88 {strides = array<i32>} : memref<80x128xf32, #tpu.memory_space<vmem>>, vector<1x16xf32>,
      %swap3A_89 = arith.index_cast %scan3A_73 : i32 to index
      %swap3A_90 = arith.constant 48 : index
      %swap3A_91 = tpu.vector_load %arg8[%swap3A_89, %swap3A_90] {strides = array<i32>} : memref<80x128xf32, #tpu.memory_space<vmem>>, vector<1x16xf32>,
      %swap3A_92 = vector.shape_cast %swap3A_91 : vector<1x16xf32> to vector<16xf32>
      %swap3A_93 = vector.shape_cast %broadcast_in_dim3A_3 : vector<16xf32> to vector<1x16xf32>
      tpu.vector_store %arg8[%swap3A_89, %swap3A_90], %swap3A_93 {strides = array<i32>} : memref<80x128xf32, #tpu.memory_space<vmem>>, vector<1x16xf32>,
      %swap3A_94 = arith.index_cast %scan3A_73 : i32 to index
      %swap3A_95 = arith.constant 64 : index
      %swap3A_96 = tpu.vector_load %arg8[%swap3A_94, %swap3A_95] {strides = array<i32>} : memref<80x128xf32, #tpu.memory_space<vmem>>, vector<1x16xf32>,
      %swap3A_97 = vector.shape_cast %swap3A_96 : vector<1x16xf32> to vector<16xf32>
      %swap3A_98 = vector.shape_cast %broadcast_in_dim3A_3 : vector<16xf32> to vector<1x16xf32>
      tpu.vector_store %arg8[%swap3A_94, %swap3A_95], %swap3A_98 {strides = array<i32>} : memref<80x128xf32, #tpu.memory_space<vmem>>, vector<1x16xf32>,
      %swap3A_99 = arith.index_cast %scan3A_73 : i32 to index
      %swap3A_100 = arith.constant 80 : index
      %swap3A_101 = tpu.vector_load %arg8[%swap3A_99, %swap3A_100] {strides = array<i32>} : memref<80x128xf32, #tpu.memory_space<vmem>>, vector<1x16xf32>,
      %swap3A_102 = vector.shape_cast %swap3A_101 : vector<1x16xf32> to vector<16xf32>
      %swap3A_103 = vector.shape_cast %broadcast_in_dim3A_3 : vector<16xf32> to vector<1x16xf32>
      tpu.vector_store %arg8[%swap3A_99, %swap3A_100], %swap3A_103 {strides = array<i32>} : memref<80x128xf32, #tpu.memory_space<vmem>>, vector<1x16xf32>,
      %swap3A_104 = arith.index_cast %scan3A_73 : i32 to index
      %swap3A_105 = arith.constant 96 : index
      %swap3A_106 = tpu.vector_load %arg8[%swap3A_104, %swap3A_105] {strides = array<i32>} : memref<80x128xf32, #tpu.memory_space<vmem>>, vector<1x16xf32>,
      %swap3A_107 = vector.shape_cast %swap3A_106 : vector<1x16xf32> to vector<16xf32>
      %swap3A_108 = vector.shape_cast %broadcast_in_dim3A_3 : vector<16xf32> to vector<1x16xf32>
      tpu.vector_store %arg8[%swap3A_104, %swap3A_105], %swap3A_108 {strides = array<i32>} : memref<80x128xf32, #tpu.memory_space<vmem>>, vector<1x16xf32>,
      %swap3A_109 = arith.index_cast %scan3A_73 : i32 to index
      %swap3A_110 = arith.constant 112 : index
      %swap3A_111 = tpu.vector_load %arg8[%swap3A_109, %swap3A_110] {strides = array<i32>} : memref<80x128xf32, #tpu.memory_space<vmem>>, vector<1x16xf32>,
      %swap3A_112 = vector.shape_cast %swap3A_111 : vector<1x16xf32> to vector<16xf32>
      %swap3A_113 = vector.shape_cast %broadcast_in_dim3A_3 : vector<16xf32> to vector<1x16xf32>
      tpu.vector_store %arg8[%swap3A_109, %swap3A_110], %swap3A_113 {strides = array<i32>} : memref<80x128xf32, #tpu.memory_space<vmem>>, vector<1x16xf32>,
      %scan3A_114 = arith.constant 0 : i32
      scf.yield %scan3A_114 : i32
    }
    %scan3A_9 = arith.constant 80 : i32
    %add3A_10 = arith.constant 0 : i32
    %add3A_11 = arith.addi %mul3A_2, %add3A_10 : i32
    "tpu.region"() ({
      %run_scoped3A = tpu.sem_alloc : memref<!tpu.dma_semaphore, #tpu.memory_space<semaphore_mem>>
      %dma_start3A_73 = arith.constant 0 : i32
      %dma_start3A_74 = tpu.memref_slice %arg13[%add3A_11, %dma_start3A_73] : memref<10240x128xf32, #tpu.memory_space<vmem_shared>> -> memref<80x128xf32, #tpu.memory_space<vmem_shared>>
      %dma_start3A_75 = arith.constant 0 : i32
      %dma_start3A_76 = tpu.memref_slice %arg13[%add3A_11, %dma_start3A_75] : memref<10240x128xf32, #tpu.memory_space<vmem_shared>> -> memref<80x128xf32, #tpu.memory_space<vmem_shared>>
      tpu.enqueue_dma source(%arg8 : memref<80x128xf32, #tpu.memory_space<vmem>>) target(%dma_start3A_76 : memref<80x128xf32, #tpu.memory_space<vmem_shared>>) target_semaphore(%run_scoped3A : memref<!tpu.dma_semaphore, #tpu.memory_space<semaphore_mem>>)
      %dma_wait3A_77 = arith.constant 0 : i32
      %dma_wait3A_78 = tpu.memref_slice %arg13[%add3A_11, %dma_wait3A_77] : memref<10240x128xf32, #tpu.memory_space<vmem_shared>> -> memref<80x128xf32, #tpu.memory_space<vmem_shared>>
      %dma_wait3A_79 = arith.constant 0 : i32
      %dma_wait3A_80 = tpu.memref_slice %arg13[%add3A_11, %dma_wait3A_79] : memref<10240x128xf32, #tpu.memory_space<vmem_shared>> -> memref<80x128xf32, #tpu.memory_space<vmem_shared>>
      tpu.wait_dma2 semaphore(%run_scoped3A : memref<!tpu.dma_semaphore, #tpu.memory_space<semaphore_mem>>) src(%arg8 : memref<80x128xf32, #tpu.memory_space<vmem>>) dst(%dma_wait3A_80 : memref<80x128xf32, #tpu.memory_space<vmem_shared>>)
      tpu.yield
    }) : () -> ()
    %add3A_12 = arith.constant 80 : i32
    %add3A_13 = arith.addi %mul3A_2, %add3A_12 : i32
    "tpu.region"() ({
      %run_scoped3A = tpu.sem_alloc : memref<!tpu.dma_semaphore, #tpu.memory_space<semaphore_mem>>
      %dma_start3A_73 = arith.constant 0 : i32
      %dma_start3A_74 = tpu.memref_slice %arg13[%add3A_13, %dma_start3A_73] : memref<10240x128xf32, #tpu.memory_space<vmem_shared>> -> memref<80x128xf32, #tpu.memory_space<vmem_shared>>
      %dma_start3A_75 = arith.constant 0 : i32
      %dma_start3A_76 = tpu.memref_slice %arg13[%add3A_13, %dma_start3A_75] : memref<10240x128xf32, #tpu.memory_space<vmem_shared>> -> memref<80x128xf32, #tpu.memory_space<vmem_shared>>
      tpu.enqueue_dma source(%arg8 : memref<80x128xf32, #tpu.memory_space<vmem>>) target(%dma_start3A_76 : memref<80x128xf32, #tpu.memory_space<vmem_shared>>) target_semaphore(%run_scoped3A : memref<!tpu.dma_semaphore, #tpu.memory_space<semaphore_mem>>)
      %dma_wait3A_77 = arith.constant 0 : i32
      %dma_wait3A_78 = tpu.memref_slice %arg13[%add3A_13, %dma_wait3A_77] : memref<10240x128xf32, #tpu.memory_space<vmem_shared>> -> memref<80x128xf32, #tpu.memory_space<vmem_shared>>
      %dma_wait3A_79 = arith.constant 0 : i32
      %dma_wait3A_80 = tpu.memref_slice %arg13[%add3A_13, %dma_wait3A_79] : memref<10240x128xf32, #tpu.memory_space<vmem_shared>> -> memref<80x128xf32, #tpu.memory_space<vmem_shared>>
      tpu.wait_dma2 semaphore(%run_scoped3A : memref<!tpu.dma_semaphore, #tpu.memory_space<semaphore_mem>>) src(%arg8 : memref<80x128xf32, #tpu.memory_space<vmem>>) dst(%dma_wait3A_80 : memref<80x128xf32, #tpu.memory_space<vmem_shared>>)
      tpu.yield
    }) : () -> ()
    %add3A_14 = arith.constant 160 : i32
    %add3A_15 = arith.addi %mul3A_2, %add3A_14 : i32
    "tpu.region"() ({
      %run_scoped3A = tpu.sem_alloc : memref<!tpu.dma_semaphore, #tpu.memory_space<semaphore_mem>>
      %dma_start3A_73 = arith.constant 0 : i32
      %dma_start3A_74 = tpu.memref_slice %arg13[%add3A_15, %dma_start3A_73] : memref<10240x128xf32, #tpu.memory_space<vmem_shared>> -> memref<80x128xf32, #tpu.memory_space<vmem_shared>>
      %dma_start3A_75 = arith.constant 0 : i32
      %dma_start3A_76 = tpu.memref_slice %arg13[%add3A_15, %dma_start3A_75] : memref<10240x128xf32, #tpu.memory_space<vmem_shared>> -> memref<80x128xf32, #tpu.memory_space<vmem_shared>>
      tpu.enqueue_dma source(%arg8 : memref<80x128xf32, #tpu.memory_space<vmem>>) target(%dma_start3A_76 : memref<80x128xf32, #tpu.memory_space<vmem_shared>>) target_semaphore(%run_scoped3A : memref<!tpu.dma_semaphore, #tpu.memory_space<semaphore_mem>>)
      %dma_wait3A_77 = arith.constant 0 : i32
      %dma_wait3A_78 = tpu.memref_slice %arg13[%add3A_15, %dma_wait3A_77] : memref<10240x128xf32, #tpu.memory_space<vmem_shared>> -> memref<80x128xf32, #tpu.memory_space<vmem_shared>>
      %dma_wait3A_79 = arith.constant 0 : i32
      %dma_wait3A_80 = tpu.memref_slice %arg13[%add3A_15, %dma_wait3A_79] : memref<10240x128xf32, #tpu.memory_space<vmem_shared>> -> memref<80x128xf32, #tpu.memory_space<vmem_shared>>
      tpu.wait_dma2 semaphore(%run_scoped3A : memref<!tpu.dma_semaphore, #tpu.memory_space<semaphore_mem>>) src(%arg8 : memref<80x128xf32, #tpu.memory_space<vmem>>) dst(%dma_wait3A_80 : memref<80x128xf32, #tpu.memory_space<vmem_shared>>)
      tpu.yield
    }) : () -> ()
    %add3A_16 = arith.constant 240 : i32
    %add3A_17 = arith.addi %mul3A_2, %add3A_16 : i32
    "tpu.region"() ({
      %run_scoped3A = tpu.sem_alloc : memref<!tpu.dma_semaphore, #tpu.memory_space<semaphore_mem>>
      %dma_start3A_73 = arith.constant 0 : i32
      %dma_start3A_74 = tpu.memref_slice %arg13[%add3A_17, %dma_start3A_73] : memref<10240x128xf32, #tpu.memory_space<vmem_shared>> -> memref<80x128xf32, #tpu.memory_space<vmem_shared>>
      %dma_start3A_75 = arith.constant 0 : i32
      %dma_start3A_76 = tpu.memref_slice %arg13[%add3A_17, %dma_start3A_75] : memref<10240x128xf32, #tpu.memory_space<vmem_shared>> -> memref<80x128xf32, #tpu.memory_space<vmem_shared>>
      tpu.enqueue_dma source(%arg8 : memref<80x128xf32, #tpu.memory_space<vmem>>) target(%dma_start3A_76 : memref<80x128xf32, #tpu.memory_space<vmem_shared>>) target_semaphore(%run_scoped3A : memref<!tpu.dma_semaphore, #tpu.memory_space<semaphore_mem>>)
      %dma_wait3A_77 = arith.constant 0 : i32
      %dma_wait3A_78 = tpu.memref_slice %arg13[%add3A_17, %dma_wait3A_77] : memref<10240x128xf32, #tpu.memory_space<vmem_shared>> -> memref<80x128xf32, #tpu.memory_space<vmem_shared>>
      %dma_wait3A_79 = arith.constant 0 : i32
      %dma_wait3A_80 = tpu.memref_slice %arg13[%add3A_17, %dma_wait3A_79] : memref<10240x128xf32, #tpu.memory_space<vmem_shared>> -> memref<80x128xf32, #tpu.memory_space<vmem_shared>>
      tpu.wait_dma2 semaphore(%run_scoped3A : memref<!tpu.dma_semaphore, #tpu.memory_space<semaphore_mem>>) src(%arg8 : memref<80x128xf32, #tpu.memory_space<vmem>>) dst(%dma_wait3A_80 : memref<80x128xf32, #tpu.memory_space<vmem_shared>>)
      tpu.yield
    }) : () -> ()
    %add3A_18 = arith.constant 320 : i32
    %add3A_19 = arith.addi %mul3A_2, %add3A_18 : i32
    "tpu.region"() ({
      %run_scoped3A = tpu.sem_alloc : memref<!tpu.dma_semaphore, #tpu.memory_space<semaphore_mem>>
      %dma_start3A_73 = arith.constant 0 : i32
      %dma_start3A_74 = tpu.memref_slice %arg13[%add3A_19, %dma_start3A_73] : memref<10240x128xf32, #tpu.memory_space<vmem_shared>> -> memref<80x128xf32, #tpu.memory_space<vmem_shared>>
      %dma_start3A_75 = arith.constant 0 : i32
      %dma_start3A_76 = tpu.memref_slice %arg13[%add3A_19, %dma_start3A_75] : memref<10240x128xf32, #tpu.memory_space<vmem_shared>> -> memref<80x128xf32, #tpu.memory_space<vmem_shared>>
      tpu.enqueue_dma source(%arg8 : memref<80x128xf32, #tpu.memory_space<vmem>>) target(%dma_start3A_76 : memref<80x128xf32, #tpu.memory_space<vmem_shared>>) target_semaphore(%run_scoped3A : memref<!tpu.dma_semaphore, #tpu.memory_space<semaphore_mem>>)
      %dma_wait3A_77 = arith.constant 0 : i32
      %dma_wait3A_78 = tpu.memref_slice %arg13[%add3A_19, %dma_wait3A_77] : memref<10240x128xf32, #tpu.memory_space<vmem_shared>> -> memref<80x128xf32, #tpu.memory_space<vmem_shared>>
      %dma_wait3A_79 = arith.constant 0 : i32
      %dma_wait3A_80 = tpu.memref_slice %arg13[%add3A_19, %dma_wait3A_79] : memref<10240x128xf32, #tpu.memory_space<vmem_shared>> -> memref<80x128xf32, #tpu.memory_space<vmem_shared>>
      tpu.wait_dma2 semaphore(%run_scoped3A : memref<!tpu.dma_semaphore, #tpu.memory_space<semaphore_mem>>) src(%arg8 : memref<80x128xf32, #tpu.memory_space<vmem>>) dst(%dma_wait3A_80 : memref<80x128xf32, #tpu.memory_space<vmem_shared>>)
      tpu.yield
    }) : () -> ()
    %add3A_20 = arith.constant 400 : i32
    %add3A_21 = arith.addi %mul3A_2, %add3A_20 : i32
    "tpu.region"() ({
      %run_scoped3A = tpu.sem_alloc : memref<!tpu.dma_semaphore, #tpu.memory_space<semaphore_mem>>
      %dma_start3A_73 = arith.constant 0 : i32
      %dma_start3A_74 = tpu.memref_slice %arg13[%add3A_21, %dma_start3A_73] : memref<10240x128xf32, #tpu.memory_space<vmem_shared>> -> memref<80x128xf32, #tpu.memory_space<vmem_shared>>
      %dma_start3A_75 = arith.constant 0 : i32
      %dma_start3A_76 = tpu.memref_slice %arg13[%add3A_21, %dma_start3A_75] : memref<10240x128xf32, #tpu.memory_space<vmem_shared>> -> memref<80x128xf32, #tpu.memory_space<vmem_shared>>
      tpu.enqueue_dma source(%arg8 : memref<80x128xf32, #tpu.memory_space<vmem>>) target(%dma_start3A_76 : memref<80x128xf32, #tpu.memory_space<vmem_shared>>) target_semaphore(%run_scoped3A : memref<!tpu.dma_semaphore, #tpu.memory_space<semaphore_mem>>)
      %dma_wait3A_77 = arith.constant 0 : i32
      %dma_wait3A_78 = tpu.memref_slice %arg13[%add3A_21, %dma_wait3A_77] : memref<10240x128xf32, #tpu.memory_space<vmem_shared>> -> memref<80x128xf32, #tpu.memory_space<vmem_shared>>
      %dma_wait3A_79 = arith.constant 0 : i32
      %dma_wait3A_80 = tpu.memref_slice %arg13[%add3A_21, %dma_wait3A_79] : memref<10240x128xf32, #tpu.memory_space<vmem_shared>> -> memref<80x128xf32, #tpu.memory_space<vmem_shared>>
      tpu.wait_dma2 semaphore(%run_scoped3A : memref<!tpu.dma_semaphore, #tpu.memory_space<semaphore_mem>>) src(%arg8 : memref<80x128xf32, #tpu.memory_space<vmem>>) dst(%dma_wait3A_80 : memref<80x128xf32, #tpu.memory_space<vmem_shared>>)
      tpu.yield
    }) : () -> ()
    %add3A_22 = arith.constant 480 : i32
    %add3A_23 = arith.addi %mul3A_2, %add3A_22 : i32
    "tpu.region"() ({
      %run_scoped3A = tpu.sem_alloc : memref<!tpu.dma_semaphore, #tpu.memory_space<semaphore_mem>>
      %dma_start3A_73 = arith.constant 0 : i32
      %dma_start3A_74 = tpu.memref_slice %arg13[%add3A_23, %dma_start3A_73] : memref<10240x128xf32, #tpu.memory_space<vmem_shared>> -> memref<80x128xf32, #tpu.memory_space<vmem_shared>>
      %dma_start3A_75 = arith.constant 0 : i32
      %dma_start3A_76 = tpu.memref_slice %arg13[%add3A_23, %dma_start3A_75] : memref<10240x128xf32, #tpu.memory_space<vmem_shared>> -> memref<80x128xf32, #tpu.memory_space<vmem_shared>>
      tpu.enqueue_dma source(%arg8 : memref<80x128xf32, #tpu.memory_space<vmem>>) target(%dma_start3A_76 : memref<80x128xf32, #tpu.memory_space<vmem_shared>>) target_semaphore(%run_scoped3A : memref<!tpu.dma_semaphore, #tpu.memory_space<semaphore_mem>>)
      %dma_wait3A_77 = arith.constant 0 : i32
      %dma_wait3A_78 = tpu.memref_slice %arg13[%add3A_23, %dma_wait3A_77] : memref<10240x128xf32, #tpu.memory_space<vmem_shared>> -> memref<80x128xf32, #tpu.memory_space<vmem_shared>>
      %dma_wait3A_79 = arith.constant 0 : i32
      %dma_wait3A_80 = tpu.memref_slice %arg13[%add3A_23, %dma_wait3A_79] : memref<10240x128xf32, #tpu.memory_space<vmem_shared>> -> memref<80x128xf32, #tpu.memory_space<vmem_shared>>
      tpu.wait_dma2 semaphore(%run_scoped3A : memref<!tpu.dma_semaphore, #tpu.memory_space<semaphore_mem>>) src(%arg8 : memref<80x128xf32, #tpu.memory_space<vmem>>) dst(%dma_wait3A_80 : memref<80x128xf32, #tpu.memory_space<vmem_shared>>)
      tpu.yield
    }) : () -> ()
    %add3A_24 = arith.constant 560 : i32
    %add3A_25 = arith.addi %mul3A_2, %add3A_24 : i32
    "tpu.region"() ({
      %run_scoped3A = tpu.sem_alloc : memref<!tpu.dma_semaphore, #tpu.memory_space<semaphore_mem>>
      %dma_start3A_73 = arith.constant 0 : i32
      %dma_start3A_74 = tpu.memref_slice %arg13[%add3A_25, %dma_start3A_73] : memref<10240x128xf32, #tpu.memory_space<vmem_shared>> -> memref<80x128xf32, #tpu.memory_space<vmem_shared>>
      %dma_start3A_75 = arith.constant 0 : i32
      %dma_start3A_76 = tpu.memref_slice %arg13[%add3A_25, %dma_start3A_75] : memref<10240x128xf32, #tpu.memory_space<vmem_shared>> -> memref<80x128xf32, #tpu.memory_space<vmem_shared>>
      tpu.enqueue_dma source(%arg8 : memref<80x128xf32, #tpu.memory_space<vmem>>) target(%dma_start3A_76 : memref<80x128xf32, #tpu.memory_space<vmem_shared>>) target_semaphore(%run_scoped3A : memref<!tpu.dma_semaphore, #tpu.memory_space<semaphore_mem>>)
      %dma_wait3A_77 = arith.constant 0 : i32
      %dma_wait3A_78 = tpu.memref_slice %arg13[%add3A_25, %dma_wait3A_77] : memref<10240x128xf32, #tpu.memory_space<vmem_shared>> -> memref<80x128xf32, #tpu.memory_space<vmem_shared>>
      %dma_wait3A_79 = arith.constant 0 : i32
      %dma_wait3A_80 = tpu.memref_slice %arg13[%add3A_25, %dma_wait3A_79] : memref<10240x128xf32, #tpu.memory_space<vmem_shared>> -> memref<80x128xf32, #tpu.memory_space<vmem_shared>>
      tpu.wait_dma2 semaphore(%run_scoped3A : memref<!tpu.dma_semaphore, #tpu.memory_space<semaphore_mem>>) src(%arg8 : memref<80x128xf32, #tpu.memory_space<vmem>>) dst(%dma_wait3A_80 : memref<80x128xf32, #tpu.memory_space<vmem_shared>>)
      tpu.yield
    }) : () -> ()
    %eq3A = arith.constant 0 : i32
    %eq3A_26 = arith.cmpi eq, %arg1, %eq3A : i32
    %convert_element_type3A = arith.extui %eq3A_26 : i1 to i32
    %cond3A = arith.constant 0 : i32
    %cond3A_27 = arith.cmpi ne, %convert_element_type3A, %cond3A : i32
    scf.if %cond3A_27 {
      "tpu.region"() ({
        %run_scoped3A = tpu.sem_alloc : memref<!tpu.dma_semaphore, #tpu.memory_space<semaphore_mem>>
        tpu.enqueue_dma source(%arg3 : memref<32x128xf32, #tpu.memory_space<hbm>>) target(%arg12 : memref<32x128xf32, #tpu.memory_space<vmem_shared>>) target_semaphore(%run_scoped3A : memref<!tpu.dma_semaphore, #tpu.memory_space<semaphore_mem>>)
        tpu.wait_dma2 semaphore(%run_scoped3A : memref<!tpu.dma_semaphore, #tpu.memory_space<semaphore_mem>>) src(%arg3 : memref<32x128xf32, #tpu.memory_space<hbm>>) dst(%arg12 : memref<32x128xf32, #tpu.memory_space<vmem_shared>>)
        tpu.yield
      }) : () -> ()
    } else {
    }
    %barrier3A = arith.constant 0 : index
    tpu.barrier barrier_id(%barrier3A)
    %mul3A_28 = arith.constant 126 : i32
    %mul3A_29 = arith.muli %add3A, %mul3A_28 : i32
    "tpu.region"() ({
      %run_scoped3A = tpu.sem_alloc : memref<!tpu.dma_semaphore, #tpu.memory_space<semaphore_mem>>
      %dma_start3A_73 = arith.constant 0 : i32
      %dma_start3A_74 = arith.constant 0 : i32
      %dma_start3A_75 = tpu.memref_slice %arg4[%mul3A_29, %dma_start3A_73, %dma_start3A_74] : memref<4032x3x80xi32, #tpu.memory_space<hbm>> -> memref<1x3x80xi32, #tpu.memory_space<hbm>>
      %dma_start3A_76 = tpu.memref_squeeze %dma_start3A_75 : memref<1x3x80xi32, #tpu.memory_space<hbm>> -> memref<3x80xi32, #tpu.memory_space<hbm>>
      %dma_start3A_77 = arith.constant 0 : i32
      %dma_start3A_78 = arith.constant 0 : i32
      %dma_start3A_79 = tpu.memref_slice %arg4[%mul3A_29, %dma_start3A_77, %dma_start3A_78] : memref<4032x3x80xi32, #tpu.memory_space<hbm>> -> memref<1x3x80xi32, #tpu.memory_space<hbm>>
      %dma_start3A_80 = tpu.memref_squeeze %dma_start3A_79 : memref<1x3x80xi32, #tpu.memory_space<hbm>> -> memref<3x80xi32, #tpu.memory_space<hbm>>
      tpu.enqueue_dma source(%dma_start3A_80 : memref<3x80xi32, #tpu.memory_space<hbm>>) target(%arg6 : memref<3x80xi32, #tpu.memory_space<vmem>>) target_semaphore(%run_scoped3A : memref<!tpu.dma_semaphore, #tpu.memory_space<semaphore_mem>>)
      %dma_wait3A_81 = arith.constant 0 : i32
      %dma_wait3A_82 = arith.constant 0 : i32
      %dma_wait3A_83 = tpu.memref_slice %arg4[%mul3A_29, %dma_wait3A_81, %dma_wait3A_82] : memref<4032x3x80xi32, #tpu.memory_space<hbm>> -> memref<1x3x80xi32, #tpu.memory_space<hbm>>
      %dma_wait3A_84 = tpu.memref_squeeze %dma_wait3A_83 : memref<1x3x80xi32, #tpu.memory_space<hbm>> -> memref<3x80xi32, #tpu.memory_space<hbm>>
      %dma_wait3A_85 = arith.constant 0 : i32
      %dma_wait3A_86 = arith.constant 0 : i32
      %dma_wait3A_87 = tpu.memref_slice %arg4[%mul3A_29, %dma_wait3A_85, %dma_wait3A_86] : memref<4032x3x80xi32, #tpu.memory_space<hbm>> -> memref<1x3x80xi32, #tpu.memory_space<hbm>>
      %dma_wait3A_88 = tpu.memref_squeeze %dma_wait3A_87 : memref<1x3x80xi32, #tpu.memory_space<hbm>> -> memref<3x80xi32, #tpu.memory_space<hbm>>
      tpu.wait_dma2 semaphore(%run_scoped3A : memref<!tpu.dma_semaphore, #tpu.memory_space<semaphore_mem>>) src(%dma_wait3A_88 : memref<3x80xi32, #tpu.memory_space<hbm>>) dst(%arg6 : memref<3x80xi32, #tpu.memory_space<vmem>>)
      tpu.yield
    }) : () -> ()
    %dma_start3A = arith.constant 0 : i32
    %dma_start3A_30 = arith.constant 0 : i32
    %dma_start3A_31 = tpu.memref_slice %arg6[%dma_start3A, %dma_start3A_30] : memref<3x80xi32, #tpu.memory_space<vmem>> -> memref<1x80xi32, #tpu.memory_space<vmem>>
    %dma_start3A_32 = tpu.memref_squeeze %dma_start3A_31 : memref<1x80xi32, #tpu.memory_space<vmem>> -> memref<80xi32, #tpu.memory_space<vmem>>
    %dma_start3A_33 = arith.constant 0 : i32
    %dma_start3A_34 = arith.constant 0 : i32
    %dma_start3A_35 = tpu.memref_slice %arg2[%dma_start3A_33, %dma_start3A_34] : memref<10000x128xf32, #tpu.memory_space<hbm>> -> memref<10000x128xf32, #tpu.memory_space<hbm>>
    tpu.enqueue_indirect_dma source(%dma_start3A_35 : memref<10000x128xf32, #tpu.memory_space<hbm>>) target(%arg8 : memref<80x128xf32, #tpu.memory_space<vmem>>) offsets(%dma_start3A_32 : memref<80xi32, #tpu.memory_space<vmem>>) semaphore(%arg14 : memref<!tpu.dma_semaphore, #tpu.memory_space<semaphore_mem>>)
    %dma_start3A_36 = arith.constant 2 : i32
    %dma_start3A_37 = arith.constant 0 : i32
    %dma_start3A_38 = tpu.memref_slice %arg6[%dma_start3A_36, %dma_start3A_37] : memref<3x80xi32, #tpu.memory_space<vmem>> -> memref<1x80xi32, #tpu.memory_space<vmem>>
    %dma_start3A_39 = tpu.memref_squeeze %dma_start3A_38 : memref<1x80xi32, #tpu.memory_space<vmem>> -> memref<80xi32, #tpu.memory_space<vmem>>
    %dma_start3A_40 = arith.constant 0 : i32
    %dma_start3A_41 = arith.constant 0 : i32
    %dma_start3A_42 = tpu.memref_slice %arg12[%dma_start3A_40, %dma_start3A_41] : memref<32x128xf32, #tpu.memory_space<vmem_shared>> -> memref<32x128xf32, #tpu.memory_space<vmem_shared>>
    tpu.enqueue_indirect_dma source(%dma_start3A_42 : memref<32x128xf32, #tpu.memory_space<vmem_shared>>) target(%arg10 : memref<80x128xf32, #tpu.memory_space<vmem>>) offsets(%dma_start3A_39 : memref<80xi32, #tpu.memory_space<vmem>>) semaphore(%arg16 : memref<!tpu.dma_semaphore, #tpu.memory_space<semaphore_mem>>)
    %scan3A_43 = arith.constant 0 : i32
    %scan3A_44 = arith.constant 0 : i32
    %scan3A_45 = arith.constant 63 : i32
    %scan3A_46 = arith.addi %scan3A_44, %scan3A_45 : i32
    %scan3A_47 = arith.constant 1 : i32
    %scan3A_48 = scf.for %scan3A_73 = %scan3A_44 to %scan3A_46 step %scan3A_47 iter_args(%scan3A_74 = %scan3A_43) -> (i32)  : i32 {
      %mul3A_75 = arith.constant 2 : i32
      %mul3A_76 = arith.muli %mul3A_75, %scan3A_73 : i32
      %add3A_77 = arith.constant 0 : i32
      %add3A_78 = arith.addi %mul3A_76, %add3A_77 : i32
      %dma_wait3A_79 = arith.constant 0 : i32
      %dma_wait3A_80 = arith.constant 0 : i32
      %dma_wait3A_81 = tpu.memref_slice %arg6[%dma_wait3A_79, %dma_wait3A_80] : memref<3x80xi32, #tpu.memory_space<vmem>> -> memref<1x80xi32, #tpu.memory_space<vmem>>
      %dma_wait3A_82 = tpu.memref_squeeze %dma_wait3A_81 : memref<1x80xi32, #tpu.memory_space<vmem>> -> memref<80xi32, #tpu.memory_space<vmem>>
      %dma_wait3A_83 = arith.constant 0 : i32
      %dma_wait3A_84 = arith.constant 0 : i32
      %dma_wait3A_85 = tpu.memref_slice %arg2[%dma_wait3A_83, %dma_wait3A_84] : memref<10000x128xf32, #tpu.memory_space<hbm>> -> memref<10000x128xf32, #tpu.memory_space<hbm>>
      tpu.wait_indirect_dma semaphore(%arg14 : memref<!tpu.dma_semaphore, #tpu.memory_space<semaphore_mem>>) src(%dma_wait3A_85 : memref<10000x128xf32, #tpu.memory_space<hbm>>) dst(%arg8 : memref<80x128xf32, #tpu.memory_space<vmem>>)
      %dma_wait3A_86 = arith.constant 2 : i32
      %dma_wait3A_87 = arith.constant 0 : i32
      %dma_wait3A_88 = tpu.memref_slice %arg6[%dma_wait3A_86, %dma_wait3A_87] : memref<3x80xi32, #tpu.memory_space<vmem>> -> memref<1x80xi32, #tpu.memory_space<vmem>>
      %dma_wait3A_89 = tpu.memref_squeeze %dma_wait3A_88 : memref<1x80xi32, #tpu.memory_space<vmem>> -> memref<80xi32, #tpu.memory_space<vmem>>
      %dma_wait3A_90 = arith.constant 0 : i32
      %dma_wait3A_91 = arith.constant 0 : i32
      %dma_wait3A_92 = tpu.memref_slice %arg12[%dma_wait3A_90, %dma_wait3A_91] : memref<32x128xf32, #tpu.memory_space<vmem_shared>> -> memref<32x128xf32, #tpu.memory_space<vmem_shared>>
      tpu.wait_indirect_dma semaphore(%arg16 : memref<!tpu.dma_semaphore, #tpu.memory_space<semaphore_mem>>) src(%dma_wait3A_92 : memref<32x128xf32, #tpu.memory_space<vmem_shared>>) dst(%arg10 : memref<80x128xf32, #tpu.memory_space<vmem>>)
      %ge3A = arith.constant 1 : i32
      %ge3A_93 = arith.cmpi sge, %add3A_78, %ge3A : i32
      %convert_element_type3A_94 = arith.extui %ge3A_93 : i1 to i32
      %cond3A_95 = arith.constant 0 : i32
      %cond3A_96 = arith.cmpi ne, %convert_element_type3A_94, %cond3A_95 : i32
      scf.if %cond3A_96 {
        %dma_wait3A_153 = arith.constant 1 : i32
        %dma_wait3A_154 = arith.constant 0 : i32
        %dma_wait3A_155 = tpu.memref_slice %arg7[%dma_wait3A_153, %dma_wait3A_154] : memref<3x80xi32, #tpu.memory_space<vmem>> -> memref<1x80xi32, #tpu.memory_space<vmem>>
        %dma_wait3A_156 = tpu.memref_squeeze %dma_wait3A_155 : memref<1x80xi32, #tpu.memory_space<vmem>> -> memref<80xi32, #tpu.memory_space<vmem>>
        %dma_wait3A_157 = arith.constant 0 : i32
        %dma_wait3A_158 = arith.constant 0 : i32
        %dma_wait3A_159 = tpu.memref_slice %arg13[%dma_wait3A_157, %dma_wait3A_158] : memref<10240x128xf32, #tpu.memory_space<vmem_shared>> -> memref<10240x128xf32, #tpu.memory_space<vmem_shared>>
        tpu.wait_indirect_dma semaphore(%arg19 : memref<!tpu.dma_semaphore, #tpu.memory_space<semaphore_mem>>) src(%arg9 : memref<80x128xf32, #tpu.memory_space<vmem>>) dst(%dma_wait3A_159 : memref<10240x128xf32, #tpu.memory_space<vmem_shared>>)
      } else {
      }
      %add3A_97 = arith.constant 1 : i32
      %add3A_98 = arith.addi %add3A_78, %add3A_97 : i32
      %lt3A = arith.constant 126 : i32
      %lt3A_99 = arith.cmpi slt, %add3A_98, %lt3A : i32
      %convert_element_type3A_100 = arith.extui %lt3A_99 : i1 to i32
      %cond3A_101 = arith.constant 0 : i32
      %cond3A_102 = arith.cmpi ne, %convert_element_type3A_100, %cond3A_101 : i32
      scf.if %cond3A_102 {
        %add3A_153 = arith.addi %mul3A_29, %add3A_78 : i32
        %add3A_154 = arith.constant 1 : i32
        %add3A_155 = arith.addi %add3A_153, %add3A_154 : i32
        "tpu.region"() ({
          %run_scoped3A = tpu.sem_alloc : memref<!tpu.dma_semaphore, #tpu.memory_space<semaphore_mem>>
          %dma_start3A_170 = arith.constant 0 : i32
          %dma_start3A_171 = arith.constant 0 : i32
          %dma_start3A_172 = tpu.memref_slice %arg4[%add3A_155, %dma_start3A_170, %dma_start3A_171] : memref<4032x3x80xi32, #tpu.memory_space<hbm>> -> memref<1x3x80xi32, #tpu.memory_space<hbm>>
          %dma_start3A_173 = tpu.memref_squeeze %dma_start3A_172 : memref<1x3x80xi32, #tpu.memory_space<hbm>> -> memref<3x80xi32, #tpu.memory_space<hbm>>
          %dma_start3A_174 = arith.constant 0 : i32
          %dma_start3A_175 = arith.constant 0 : i32
          %dma_start3A_176 = tpu.memref_slice %arg4[%add3A_155, %dma_start3A_174, %dma_start3A_175] : memref<4032x3x80xi32, #tpu.memory_space<hbm>> -> memref<1x3x80xi32, #tpu.memory_space<hbm>>
          %dma_start3A_177 = tpu.memref_squeeze %dma_start3A_176 : memref<1x3x80xi32, #tpu.memory_space<hbm>> -> memref<3x80xi32, #tpu.memory_space<hbm>>
          tpu.enqueue_dma source(%dma_start3A_177 : memref<3x80xi32, #tpu.memory_space<hbm>>) target(%arg7 : memref<3x80xi32, #tpu.memory_space<vmem>>) target_semaphore(%run_scoped3A : memref<!tpu.dma_semaphore, #tpu.memory_space<semaphore_mem>>)
          %dma_wait3A_178 = arith.constant 0 : i32
          %dma_wait3A_179 = arith.constant 0 : i32
          %dma_wait3A_180 = tpu.memref_slice %arg4[%add3A_155, %dma_wait3A_178, %dma_wait3A_179] : memref<4032x3x80xi32, #tpu.memory_space<hbm>> -> memref<1x3x80xi32, #tpu.memory_space<hbm>>
          %dma_wait3A_181 = tpu.memref_squeeze %dma_wait3A_180 : memref<1x3x80xi32, #tpu.memory_space<hbm>> -> memref<3x80xi32, #tpu.memory_space<hbm>>
          %dma_wait3A_182 = arith.constant 0 : i32
          %dma_wait3A_183 = arith.constant 0 : i32
          %dma_wait3A_184 = tpu.memref_slice %arg4[%add3A_155, %dma_wait3A_182, %dma_wait3A_183] : memref<4032x3x80xi32, #tpu.memory_space<hbm>> -> memref<1x3x80xi32, #tpu.memory_space<hbm>>
          %dma_wait3A_185 = tpu.memref_squeeze %dma_wait3A_184 : memref<1x3x80xi32, #tpu.memory_space<hbm>> -> memref<3x80xi32, #tpu.memory_space<hbm>>
          tpu.wait_dma2 semaphore(%run_scoped3A : memref<!tpu.dma_semaphore, #tpu.memory_space<semaphore_mem>>) src(%dma_wait3A_185 : memref<3x80xi32, #tpu.memory_space<hbm>>) dst(%arg7 : memref<3x80xi32, #tpu.memory_space<vmem>>)
          tpu.yield
        }) : () -> ()
        %dma_start3A_156 = arith.constant 0 : i32
        %dma_start3A_157 = arith.constant 0 : i32
        %dma_start3A_158 = tpu.memref_slice %arg7[%dma_start3A_156, %dma_start3A_157] : memref<3x80xi32, #tpu.memory_space<vmem>> -> memref<1x80xi32, #tpu.memory_space<vmem>>
        %dma_start3A_159 = tpu.memref_squeeze %dma_start3A_158 : memref<1x80xi32, #tpu.memory_space<vmem>> -> memref<80xi32, #tpu.memory_space<vmem>>
        %dma_start3A_160 = arith.constant 0 : i32
        %dma_start3A_161 = arith.constant 0 : i32
        %dma_start3A_162 = tpu.memref_slice %arg2[%dma_start3A_160, %dma_start3A_161] : memref<10000x128xf32, #tpu.memory_space<hbm>> -> memref<10000x128xf32, #tpu.memory_space<hbm>>
        tpu.enqueue_indirect_dma source(%dma_start3A_162 : memref<10000x128xf32, #tpu.memory_space<hbm>>) target(%arg9 : memref<80x128xf32, #tpu.memory_space<vmem>>) offsets(%dma_start3A_159 : memref<80xi32, #tpu.memory_space<vmem>>) semaphore(%arg15 : memref<!tpu.dma_semaphore, #tpu.memory_space<semaphore_mem>>)
        %dma_start3A_163 = arith.constant 2 : i32
        %dma_start3A_164 = arith.constant 0 : i32
        %dma_start3A_165 = tpu.memref_slice %arg7[%dma_start3A_163, %dma_start3A_164] : memref<3x80xi32, #tpu.memory_space<vmem>> -> memref<1x80xi32, #tpu.memory_space<vmem>>
        %dma_start3A_166 = tpu.memref_squeeze %dma_start3A_165 : memref<1x80xi32, #tpu.memory_space<vmem>> -> memref<80xi32, #tpu.memory_space<vmem>>
        %dma_start3A_167 = arith.constant 0 : i32
        %dma_start3A_168 = arith.constant 0 : i32
        %dma_start3A_169 = tpu.memref_slice %arg12[%dma_start3A_167, %dma_start3A_168] : memref<32x128xf32, #tpu.memory_space<vmem_shared>> -> memref<32x128xf32, #tpu.memory_space<vmem_shared>>
        tpu.enqueue_indirect_dma source(%dma_start3A_169 : memref<32x128xf32, #tpu.memory_space<vmem_shared>>) target(%arg11 : memref<80x128xf32, #tpu.memory_space<vmem>>) offsets(%dma_start3A_166 : memref<80xi32, #tpu.memory_space<vmem>>) semaphore(%arg17 : memref<!tpu.dma_semaphore, #tpu.memory_space<semaphore_mem>>)
      } else {
      }
      %parallel_loop3A = arith.constant 0 : i32
      %parallel_loop3A_103 = arith.constant 80 : i32
      %parallel_loop3A_104 = arith.constant 1 : i32
      scf.for %parallel_loop3A_153 = %parallel_loop3A to %parallel_loop3A_103 step %parallel_loop3A_104  : i32 {
        %parallel_loop3A_154 = arith.index_cast %parallel_loop3A_153 : i32 to index
        %parallel_loop3A_155 = arith.constant 0 : index
        %parallel_loop3A_156 = tpu.vector_load %arg8[%parallel_loop3A_154, %parallel_loop3A_155] {strides = array<i32>} : memref<80x128xf32, #tpu.memory_space<vmem>>, vector<1x16xf32>,
        %parallel_loop3A_157 = vector.shape_cast %parallel_loop3A_156 : vector<1x16xf32> to vector<16xf32>
        %parallel_loop3A_158 = arith.index_cast %parallel_loop3A_153 : i32 to index
        %parallel_loop3A_159 = arith.constant 0 : index
        %parallel_loop3A_160 = tpu.vector_load %arg10[%parallel_loop3A_158, %parallel_loop3A_159] {strides = array<i32>} : memref<80x128xf32, #tpu.memory_space<vmem>>, vector<1x16xf32>,
        %parallel_loop3A_161 = vector.shape_cast %parallel_loop3A_160 : vector<1x16xf32> to vector<16xf32>
        %parallel_loop3A_162 = arith.mulf %parallel_loop3A_157, %parallel_loop3A_161 : vector<16xf32>
        %parallel_loop3A_163 = arith.index_cast %parallel_loop3A_153 : i32 to index
        %parallel_loop3A_164 = arith.constant 0 : index
        %parallel_loop3A_165 = tpu.vector_load %arg8[%parallel_loop3A_163, %parallel_loop3A_164] {strides = array<i32>} : memref<80x128xf32, #tpu.memory_space<vmem>>, vector<1x16xf32>,
        %parallel_loop3A_166 = vector.shape_cast %parallel_loop3A_165 : vector<1x16xf32> to vector<16xf32>
        %parallel_loop3A_167 = vector.shape_cast %parallel_loop3A_162 : vector<16xf32> to vector<1x16xf32>
        tpu.vector_store %arg8[%parallel_loop3A_163, %parallel_loop3A_164], %parallel_loop3A_167 {strides = array<i32>} : memref<80x128xf32, #tpu.memory_space<vmem>>, vector<1x16xf32>,
        %parallel_loop3A_168 = arith.index_cast %parallel_loop3A_153 : i32 to index
        %parallel_loop3A_169 = arith.constant 16 : index
        %parallel_loop3A_170 = tpu.vector_load %arg8[%parallel_loop3A_168, %parallel_loop3A_169] {strides = array<i32>} : memref<80x128xf32, #tpu.memory_space<vmem>>, vector<1x16xf32>,
        %parallel_loop3A_171 = vector.shape_cast %parallel_loop3A_170 : vector<1x16xf32> to vector<16xf32>
        %parallel_loop3A_172 = arith.index_cast %parallel_loop3A_153 : i32 to index
        %parallel_loop3A_173 = arith.constant 16 : index
        %parallel_loop3A_174 = tpu.vector_load %arg10[%parallel_loop3A_172, %parallel_loop3A_173] {strides = array<i32>} : memref<80x128xf32, #tpu.memory_space<vmem>>, vector<1x16xf32>,
        %parallel_loop3A_175 = vector.shape_cast %parallel_loop3A_174 : vector<1x16xf32> to vector<16xf32>
        %parallel_loop3A_176 = arith.mulf %parallel_loop3A_171, %parallel_loop3A_175 : vector<16xf32>
        %parallel_loop3A_177 = arith.index_cast %parallel_loop3A_153 : i32 to index
        %parallel_loop3A_178 = arith.constant 16 : index
        %parallel_loop3A_179 = tpu.vector_load %arg8[%parallel_loop3A_177, %parallel_loop3A_178] {strides = array<i32>} : memref<80x128xf32, #tpu.memory_space<vmem>>, vector<1x16xf32>,
        %parallel_loop3A_180 = vector.shape_cast %parallel_loop3A_179 : vector<1x16xf32> to vector<16xf32>
        %parallel_loop3A_181 = vector.shape_cast %parallel_loop3A_176 : vector<16xf32> to vector<1x16xf32>
        tpu.vector_store %arg8[%parallel_loop3A_177, %parallel_loop3A_178], %parallel_loop3A_181 {strides = array<i32>} : memref<80x128xf32, #tpu.memory_space<vmem>>, vector<1x16xf32>,
        %parallel_loop3A_182 = arith.index_cast %parallel_loop3A_153 : i32 to index
        %parallel_loop3A_183 = arith.constant 32 : index
        %parallel_loop3A_184 = tpu.vector_load %arg8[%parallel_loop3A_182, %parallel_loop3A_183] {strides = array<i32>} : memref<80x128xf32, #tpu.memory_space<vmem>>, vector<1x16xf32>,
        %parallel_loop3A_185 = vector.shape_cast %parallel_loop3A_184 : vector<1x16xf32> to vector<16xf32>
        %parallel_loop3A_186 = arith.index_cast %parallel_loop3A_153 : i32 to index
        %parallel_loop3A_187 = arith.constant 32 : index
        %parallel_loop3A_188 = tpu.vector_load %arg10[%parallel_loop3A_186, %parallel_loop3A_187] {strides = array<i32>} : memref<80x128xf32, #tpu.memory_space<vmem>>, vector<1x16xf32>,
        %parallel_loop3A_189 = vector.shape_cast %parallel_loop3A_188 : vector<1x16xf32> to vector<16xf32>
        %parallel_loop3A_190 = arith.mulf %parallel_loop3A_185, %parallel_loop3A_189 : vector<16xf32>
        %parallel_loop3A_191 = arith.index_cast %parallel_loop3A_153 : i32 to index
        %parallel_loop3A_192 = arith.constant 32 : index
        %parallel_loop3A_193 = tpu.vector_load %arg8[%parallel_loop3A_191, %parallel_loop3A_192] {strides = array<i32>} : memref<80x128xf32, #tpu.memory_space<vmem>>, vector<1x16xf32>,
        %parallel_loop3A_194 = vector.shape_cast %parallel_loop3A_193 : vector<1x16xf32> to vector<16xf32>
        %parallel_loop3A_195 = vector.shape_cast %parallel_loop3A_190 : vector<16xf32> to vector<1x16xf32>
        tpu.vector_store %arg8[%parallel_loop3A_191, %parallel_loop3A_192], %parallel_loop3A_195 {strides = array<i32>} : memref<80x128xf32, #tpu.memory_space<vmem>>, vector<1x16xf32>,
        %parallel_loop3A_196 = arith.index_cast %parallel_loop3A_153 : i32 to index
        %parallel_loop3A_197 = arith.constant 48 : index
        %parallel_loop3A_198 = tpu.vector_load %arg8[%parallel_loop3A_196, %parallel_loop3A_197] {strides = array<i32>} : memref<80x128xf32, #tpu.memory_space<vmem>>, vector<1x16xf32>,
        %parallel_loop3A_199 = vector.shape_cast %parallel_loop3A_198 : vector<1x16xf32> to vector<16xf32>
        %parallel_loop3A_200 = arith.index_cast %parallel_loop3A_153 : i32 to index
        %parallel_loop3A_201 = arith.constant 48 : index
        %parallel_loop3A_202 = tpu.vector_load %arg10[%parallel_loop3A_200, %parallel_loop3A_201] {strides = array<i32>} : memref<80x128xf32, #tpu.memory_space<vmem>>, vector<1x16xf32>,
        %parallel_loop3A_203 = vector.shape_cast %parallel_loop3A_202 : vector<1x16xf32> to vector<16xf32>
        %parallel_loop3A_204 = arith.mulf %parallel_loop3A_199, %parallel_loop3A_203 : vector<16xf32>
        %parallel_loop3A_205 = arith.index_cast %parallel_loop3A_153 : i32 to index
        %parallel_loop3A_206 = arith.constant 48 : index
        %parallel_loop3A_207 = tpu.vector_load %arg8[%parallel_loop3A_205, %parallel_loop3A_206] {strides = array<i32>} : memref<80x128xf32, #tpu.memory_space<vmem>>, vector<1x16xf32>,
        %parallel_loop3A_208 = vector.shape_cast %parallel_loop3A_207 : vector<1x16xf32> to vector<16xf32>
        %parallel_loop3A_209 = vector.shape_cast %parallel_loop3A_204 : vector<16xf32> to vector<1x16xf32>
        tpu.vector_store %arg8[%parallel_loop3A_205, %parallel_loop3A_206], %parallel_loop3A_209 {strides = array<i32>} : memref<80x128xf32, #tpu.memory_space<vmem>>, vector<1x16xf32>,
        %parallel_loop3A_210 = arith.index_cast %parallel_loop3A_153 : i32 to index
        %parallel_loop3A_211 = arith.constant 64 : index
        %parallel_loop3A_212 = tpu.vector_load %arg8[%parallel_loop3A_210, %parallel_loop3A_211] {strides = array<i32>} : memref<80x128xf32, #tpu.memory_space<vmem>>, vector<1x16xf32>,
        %parallel_loop3A_213 = vector.shape_cast %parallel_loop3A_212 : vector<1x16xf32> to vector<16xf32>
        %parallel_loop3A_214 = arith.index_cast %parallel_loop3A_153 : i32 to index
        %parallel_loop3A_215 = arith.constant 64 : index
        %parallel_loop3A_216 = tpu.vector_load %arg10[%parallel_loop3A_214, %parallel_loop3A_215] {strides = array<i32>} : memref<80x128xf32, #tpu.memory_space<vmem>>, vector<1x16xf32>,
        %parallel_loop3A_217 = vector.shape_cast %parallel_loop3A_216 : vector<1x16xf32> to vector<16xf32>
        %parallel_loop3A_218 = arith.mulf %parallel_loop3A_213, %parallel_loop3A_217 : vector<16xf32>
        %parallel_loop3A_219 = arith.index_cast %parallel_loop3A_153 : i32 to index
        %parallel_loop3A_220 = arith.constant 64 : index
        %parallel_loop3A_221 = tpu.vector_load %arg8[%parallel_loop3A_219, %parallel_loop3A_220] {strides = array<i32>} : memref<80x128xf32, #tpu.memory_space<vmem>>, vector<1x16xf32>,
        %parallel_loop3A_222 = vector.shape_cast %parallel_loop3A_221 : vector<1x16xf32> to vector<16xf32>
        %parallel_loop3A_223 = vector.shape_cast %parallel_loop3A_218 : vector<16xf32> to vector<1x16xf32>
        tpu.vector_store %arg8[%parallel_loop3A_219, %parallel_loop3A_220], %parallel_loop3A_223 {strides = array<i32>} : memref<80x128xf32, #tpu.memory_space<vmem>>, vector<1x16xf32>,
        %parallel_loop3A_224 = arith.index_cast %parallel_loop3A_153 : i32 to index
        %parallel_loop3A_225 = arith.constant 80 : index
        %parallel_loop3A_226 = tpu.vector_load %arg8[%parallel_loop3A_224, %parallel_loop3A_225] {strides = array<i32>} : memref<80x128xf32, #tpu.memory_space<vmem>>, vector<1x16xf32>,
        %parallel_loop3A_227 = vector.shape_cast %parallel_loop3A_226 : vector<1x16xf32> to vector<16xf32>
        %parallel_loop3A_228 = arith.index_cast %parallel_loop3A_153 : i32 to index
        %parallel_loop3A_229 = arith.constant 80 : index
        %parallel_loop3A_230 = tpu.vector_load %arg10[%parallel_loop3A_228, %parallel_loop3A_229] {strides = array<i32>} : memref<80x128xf32, #tpu.memory_space<vmem>>, vector<1x16xf32>,
        %parallel_loop3A_231 = vector.shape_cast %parallel_loop3A_230 : vector<1x16xf32> to vector<16xf32>
        %parallel_loop3A_232 = arith.mulf %parallel_loop3A_227, %parallel_loop3A_231 : vector<16xf32>
        %parallel_loop3A_233 = arith.index_cast %parallel_loop3A_153 : i32 to index
        %parallel_loop3A_234 = arith.constant 80 : index
        %parallel_loop3A_235 = tpu.vector_load %arg8[%parallel_loop3A_233, %parallel_loop3A_234] {strides = array<i32>} : memref<80x128xf32, #tpu.memory_space<vmem>>, vector<1x16xf32>,
        %parallel_loop3A_236 = vector.shape_cast %parallel_loop3A_235 : vector<1x16xf32> to vector<16xf32>
        %parallel_loop3A_237 = vector.shape_cast %parallel_loop3A_232 : vector<16xf32> to vector<1x16xf32>
        tpu.vector_store %arg8[%parallel_loop3A_233, %parallel_loop3A_234], %parallel_loop3A_237 {strides = array<i32>} : memref<80x128xf32, #tpu.memory_space<vmem>>, vector<1x16xf32>,
        %parallel_loop3A_238 = arith.index_cast %parallel_loop3A_153 : i32 to index
        %parallel_loop3A_239 = arith.constant 96 : index
        %parallel_loop3A_240 = tpu.vector_load %arg8[%parallel_loop3A_238, %parallel_loop3A_239] {strides = array<i32>} : memref<80x128xf32, #tpu.memory_space<vmem>>, vector<1x16xf32>,
        %parallel_loop3A_241 = vector.shape_cast %parallel_loop3A_240 : vector<1x16xf32> to vector<16xf32>
        %parallel_loop3A_242 = arith.index_cast %parallel_loop3A_153 : i32 to index
        %parallel_loop3A_243 = arith.constant 96 : index
        %parallel_loop3A_244 = tpu.vector_load %arg10[%parallel_loop3A_242, %parallel_loop3A_243] {strides = array<i32>} : memref<80x128xf32, #tpu.memory_space<vmem>>, vector<1x16xf32>,
        %parallel_loop3A_245 = vector.shape_cast %parallel_loop3A_244 : vector<1x16xf32> to vector<16xf32>
        %parallel_loop3A_246 = arith.mulf %parallel_loop3A_241, %parallel_loop3A_245 : vector<16xf32>
        %parallel_loop3A_247 = arith.index_cast %parallel_loop3A_153 : i32 to index
        %parallel_loop3A_248 = arith.constant 96 : index
        %parallel_loop3A_249 = tpu.vector_load %arg8[%parallel_loop3A_247, %parallel_loop3A_248] {strides = array<i32>} : memref<80x128xf32, #tpu.memory_space<vmem>>, vector<1x16xf32>,
        %parallel_loop3A_250 = vector.shape_cast %parallel_loop3A_249 : vector<1x16xf32> to vector<16xf32>
        %parallel_loop3A_251 = vector.shape_cast %parallel_loop3A_246 : vector<16xf32> to vector<1x16xf32>
        tpu.vector_store %arg8[%parallel_loop3A_247, %parallel_loop3A_248], %parallel_loop3A_251 {strides = array<i32>} : memref<80x128xf32, #tpu.memory_space<vmem>>, vector<1x16xf32>,
        %parallel_loop3A_252 = arith.index_cast %parallel_loop3A_153 : i32 to index
        %parallel_loop3A_253 = arith.constant 112 : index
        %parallel_loop3A_254 = tpu.vector_load %arg8[%parallel_loop3A_252, %parallel_loop3A_253] {strides = array<i32>} : memref<80x128xf32, #tpu.memory_space<vmem>>, vector<1x16xf32>,
        %parallel_loop3A_255 = vector.shape_cast %parallel_loop3A_254 : vector<1x16xf32> to vector<16xf32>
        %parallel_loop3A_256 = arith.index_cast %parallel_loop3A_153 : i32 to index
        %parallel_loop3A_257 = arith.constant 112 : index
        %parallel_loop3A_258 = tpu.vector_load %arg10[%parallel_loop3A_256, %parallel_loop3A_257] {strides = array<i32>} : memref<80x128xf32, #tpu.memory_space<vmem>>, vector<1x16xf32>,
        %parallel_loop3A_259 = vector.shape_cast %parallel_loop3A_258 : vector<1x16xf32> to vector<16xf32>
        %parallel_loop3A_260 = arith.mulf %parallel_loop3A_255, %parallel_loop3A_259 : vector<16xf32>
        %parallel_loop3A_261 = arith.index_cast %parallel_loop3A_153 : i32 to index
        %parallel_loop3A_262 = arith.constant 112 : index
        %parallel_loop3A_263 = tpu.vector_load %arg8[%parallel_loop3A_261, %parallel_loop3A_262] {strides = array<i32>} : memref<80x128xf32, #tpu.memory_space<vmem>>, vector<1x16xf32>,
        %parallel_loop3A_264 = vector.shape_cast %parallel_loop3A_263 : vector<1x16xf32> to vector<16xf32>
        %parallel_loop3A_265 = vector.shape_cast %parallel_loop3A_260 : vector<16xf32> to vector<1x16xf32>
        tpu.vector_store %arg8[%parallel_loop3A_261, %parallel_loop3A_262], %parallel_loop3A_265 {strides = array<i32>} : memref<80x128xf32, #tpu.memory_space<vmem>>, vector<1x16xf32>,
      } {sc.loop_unroll_factor = 4 : i64, sc.parallel_access}
      %dma_start3A_105 = arith.constant 1 : i32
      %dma_start3A_106 = arith.constant 0 : i32
      %dma_start3A_107 = tpu.memref_slice %arg6[%dma_start3A_105, %dma_start3A_106] : memref<3x80xi32, #tpu.memory_space<vmem>> -> memref<1x80xi32, #tpu.memory_space<vmem>>
      %dma_start3A_108 = tpu.memref_squeeze %dma_start3A_107 : memref<1x80xi32, #tpu.memory_space<vmem>> -> memref<80xi32, #tpu.memory_space<vmem>>
      %dma_start3A_109 = arith.constant 0 : i32
      %dma_start3A_110 = arith.constant 0 : i32
      %dma_start3A_111 = tpu.memref_slice %arg13[%dma_start3A_109, %dma_start3A_110] : memref<10240x128xf32, #tpu.memory_space<vmem_shared>> -> memref<10240x128xf32, #tpu.memory_space<vmem_shared>>
      tpu.enqueue_indirect_dma source(%arg8 : memref<80x128xf32, #tpu.memory_space<vmem>>) target(%dma_start3A_111 : memref<10240x128xf32, #tpu.memory_space<vmem_shared>>) offsets(%dma_start3A_108 : memref<80xi32, #tpu.memory_space<vmem>>) semaphore(%arg18 : memref<!tpu.dma_semaphore, #tpu.memory_space<semaphore_mem>>) {add = true}
      %mul3A_112 = arith.constant 2 : i32
      %mul3A_113 = arith.muli %mul3A_112, %scan3A_73 : i32
      %add3A_114 = arith.constant 1 : i32
      %add3A_115 = arith.addi %mul3A_113, %add3A_114 : i32
      %dma_wait3A_116 = arith.constant 0 : i32
      %dma_wait3A_117 = arith.constant 0 : i32
      %dma_wait3A_118 = tpu.memref_slice %arg7[%dma_wait3A_116, %dma_wait3A_117] : memref<3x80xi32, #tpu.memory_space<vmem>> -> memref<1x80xi32, #tpu.memory_space<vmem>>
      %dma_wait3A_119 = tpu.memref_squeeze %dma_wait3A_118 : memref<1x80xi32, #tpu.memory_space<vmem>> -> memref<80xi32, #tpu.memory_space<vmem>>
      %dma_wait3A_120 = arith.constant 0 : i32
      %dma_wait3A_121 = arith.constant 0 : i32
      %dma_wait3A_122 = tpu.memref_slice %arg2[%dma_wait3A_120, %dma_wait3A_121] : memref<10000x128xf32, #tpu.memory_space<hbm>> -> memref<10000x128xf32, #tpu.memory_space<hbm>>
      tpu.wait_indirect_dma semaphore(%arg15 : memref<!tpu.dma_semaphore, #tpu.memory_space<semaphore_mem>>) src(%dma_wait3A_122 : memref<10000x128xf32, #tpu.memory_space<hbm>>) dst(%arg9 : memref<80x128xf32, #tpu.memory_space<vmem>>)
      %dma_wait3A_123 = arith.constant 2 : i32
      %dma_wait3A_124 = arith.constant 0 : i32
      %dma_wait3A_125 = tpu.memref_slice %arg7[%dma_wait3A_123, %dma_wait3A_124] : memref<3x80xi32, #tpu.memory_space<vmem>> -> memref<1x80xi32, #tpu.memory_space<vmem>>
      %dma_wait3A_126 = tpu.memref_squeeze %dma_wait3A_125 : memref<1x80xi32, #tpu.memory_space<vmem>> -> memref<80xi32, #tpu.memory_space<vmem>>
      %dma_wait3A_127 = arith.constant 0 : i32
      %dma_wait3A_128 = arith.constant 0 : i32
      %dma_wait3A_129 = tpu.memref_slice %arg12[%dma_wait3A_127, %dma_wait3A_128] : memref<32x128xf32, #tpu.memory_space<vmem_shared>> -> memref<32x128xf32, #tpu.memory_space<vmem_shared>>
      tpu.wait_indirect_dma semaphore(%arg17 : memref<!tpu.dma_semaphore, #tpu.memory_space<semaphore_mem>>) src(%dma_wait3A_129 : memref<32x128xf32, #tpu.memory_space<vmem_shared>>) dst(%arg11 : memref<80x128xf32, #tpu.memory_space<vmem>>)
      %ge3A_130 = arith.constant 1 : i32
      %ge3A_131 = arith.cmpi sge, %add3A_115, %ge3A_130 : i32
      %convert_element_type3A_132 = arith.extui %ge3A_131 : i1 to i32
      %cond3A_133 = arith.constant 0 : i32
      %cond3A_134 = arith.cmpi ne, %convert_element_type3A_132, %cond3A_133 : i32
      scf.if %cond3A_134 {
        %dma_wait3A_153 = arith.constant 1 : i32
        %dma_wait3A_154 = arith.constant 0 : i32
        %dma_wait3A_155 = tpu.memref_slice %arg6[%dma_wait3A_153, %dma_wait3A_154] : memref<3x80xi32, #tpu.memory_space<vmem>> -> memref<1x80xi32, #tpu.memory_space<vmem>>
        %dma_wait3A_156 = tpu.memref_squeeze %dma_wait3A_155 : memref<1x80xi32, #tpu.memory_space<vmem>> -> memref<80xi32, #tpu.memory_space<vmem>>
        %dma_wait3A_157 = arith.constant 0 : i32
        %dma_wait3A_158 = arith.constant 0 : i32
        %dma_wait3A_159 = tpu.memref_slice %arg13[%dma_wait3A_157, %dma_wait3A_158] : memref<10240x128xf32, #tpu.memory_space<vmem_shared>> -> memref<10240x128xf32, #tpu.memory_space<vmem_shared>>
        tpu.wait_indirect_dma semaphore(%arg18 : memref<!tpu.dma_semaphore, #tpu.memory_space<semaphore_mem>>) src(%arg8 : memref<80x128xf32, #tpu.memory_space<vmem>>) dst(%dma_wait3A_159 : memref<10240x128xf32, #tpu.memory_space<vmem_shared>>)
      } else {
      }
      %add3A_135 = arith.constant 1 : i32
      %add3A_136 = arith.addi %add3A_115, %add3A_135 : i32
      %lt3A_137 = arith.constant 126 : i32
      %lt3A_138 = arith.cmpi slt, %add3A_136, %lt3A_137 : i32
      %convert_element_type3A_139 = arith.extui %lt3A_138 : i1 to i32
      %cond3A_140 = arith.constant 0 : i32
      %cond3A_141 = arith.cmpi ne, %convert_element_type3A_139, %cond3A_140 : i32
      scf.if %cond3A_141 {
        %add3A_153 = arith.addi %mul3A_29, %add3A_115 : i32
        %add3A_154 = arith.constant 1 : i32
        %add3A_155 = arith.addi %add3A_153, %add3A_154 : i32
        "tpu.region"() ({
          %run_scoped3A = tpu.sem_alloc : memref<!tpu.dma_semaphore, #tpu.memory_space<semaphore_mem>>
          %dma_start3A_170 = arith.constant 0 : i32
          %dma_start3A_171 = arith.constant 0 : i32
          %dma_start3A_172 = tpu.memref_slice %arg4[%add3A_155, %dma_start3A_170, %dma_start3A_171] : memref<4032x3x80xi32, #tpu.memory_space<hbm>> -> memref<1x3x80xi32, #tpu.memory_space<hbm>>
          %dma_start3A_173 = tpu.memref_squeeze %dma_start3A_172 : memref<1x3x80xi32, #tpu.memory_space<hbm>> -> memref<3x80xi32, #tpu.memory_space<hbm>>
          %dma_start3A_174 = arith.constant 0 : i32
          %dma_start3A_175 = arith.constant 0 : i32
          %dma_start3A_176 = tpu.memref_slice %arg4[%add3A_155, %dma_start3A_174, %dma_start3A_175] : memref<4032x3x80xi32, #tpu.memory_space<hbm>> -> memref<1x3x80xi32, #tpu.memory_space<hbm>>
          %dma_start3A_177 = tpu.memref_squeeze %dma_start3A_176 : memref<1x3x80xi32, #tpu.memory_space<hbm>> -> memref<3x80xi32, #tpu.memory_space<hbm>>
          tpu.enqueue_dma source(%dma_start3A_177 : memref<3x80xi32, #tpu.memory_space<hbm>>) target(%arg6 : memref<3x80xi32, #tpu.memory_space<vmem>>) target_semaphore(%run_scoped3A : memref<!tpu.dma_semaphore, #tpu.memory_space<semaphore_mem>>)
          %dma_wait3A_178 = arith.constant 0 : i32
          %dma_wait3A_179 = arith.constant 0 : i32
          %dma_wait3A_180 = tpu.memref_slice %arg4[%add3A_155, %dma_wait3A_178, %dma_wait3A_179] : memref<4032x3x80xi32, #tpu.memory_space<hbm>> -> memref<1x3x80xi32, #tpu.memory_space<hbm>>
          %dma_wait3A_181 = tpu.memref_squeeze %dma_wait3A_180 : memref<1x3x80xi32, #tpu.memory_space<hbm>> -> memref<3x80xi32, #tpu.memory_space<hbm>>
          %dma_wait3A_182 = arith.constant 0 : i32
          %dma_wait3A_183 = arith.constant 0 : i32
          %dma_wait3A_184 = tpu.memref_slice %arg4[%add3A_155, %dma_wait3A_182, %dma_wait3A_183] : memref<4032x3x80xi32, #tpu.memory_space<hbm>> -> memref<1x3x80xi32, #tpu.memory_space<hbm>>
          %dma_wait3A_185 = tpu.memref_squeeze %dma_wait3A_184 : memref<1x3x80xi32, #tpu.memory_space<hbm>> -> memref<3x80xi32, #tpu.memory_space<hbm>>
          tpu.wait_dma2 semaphore(%run_scoped3A : memref<!tpu.dma_semaphore, #tpu.memory_space<semaphore_mem>>) src(%dma_wait3A_185 : memref<3x80xi32, #tpu.memory_space<hbm>>) dst(%arg6 : memref<3x80xi32, #tpu.memory_space<vmem>>)
          tpu.yield
        }) : () -> ()
        %dma_start3A_156 = arith.constant 0 : i32
        %dma_start3A_157 = arith.constant 0 : i32
        %dma_start3A_158 = tpu.memref_slice %arg6[%dma_start3A_156, %dma_start3A_157] : memref<3x80xi32, #tpu.memory_space<vmem>> -> memref<1x80xi32, #tpu.memory_space<vmem>>
        %dma_start3A_159 = tpu.memref_squeeze %dma_start3A_158 : memref<1x80xi32, #tpu.memory_space<vmem>> -> memref<80xi32, #tpu.memory_space<vmem>>
        %dma_start3A_160 = arith.constant 0 : i32
        %dma_start3A_161 = arith.constant 0 : i32
        %dma_start3A_162 = tpu.memref_slice %arg2[%dma_start3A_160, %dma_start3A_161] : memref<10000x128xf32, #tpu.memory_space<hbm>> -> memref<10000x128xf32, #tpu.memory_space<hbm>>
        tpu.enqueue_indirect_dma source(%dma_start3A_162 : memref<10000x128xf32, #tpu.memory_space<hbm>>) target(%arg8 : memref<80x128xf32, #tpu.memory_space<vmem>>) offsets(%dma_start3A_159 : memref<80xi32, #tpu.memory_space<vmem>>) semaphore(%arg14 : memref<!tpu.dma_semaphore, #tpu.memory_space<semaphore_mem>>)
        %dma_start3A_163 = arith.constant 2 : i32
        %dma_start3A_164 = arith.constant 0 : i32
        %dma_start3A_165 = tpu.memref_slice %arg6[%dma_start3A_163, %dma_start3A_164] : memref<3x80xi32, #tpu.memory_space<vmem>> -> memref<1x80xi32, #tpu.memory_space<vmem>>
        %dma_start3A_166 = tpu.memref_squeeze %dma_start3A_165 : memref<1x80xi32, #tpu.memory_space<vmem>> -> memref<80xi32, #tpu.memory_space<vmem>>
        %dma_start3A_167 = arith.constant 0 : i32
        %dma_start3A_168 = arith.constant 0 : i32
        %dma_start3A_169 = tpu.memref_slice %arg12[%dma_start3A_167, %dma_start3A_168] : memref<32x128xf32, #tpu.memory_space<vmem_shared>> -> memref<32x128xf32, #tpu.memory_space<vmem_shared>>
        tpu.enqueue_indirect_dma source(%dma_start3A_169 : memref<32x128xf32, #tpu.memory_space<vmem_shared>>) target(%arg10 : memref<80x128xf32, #tpu.memory_space<vmem>>) offsets(%dma_start3A_166 : memref<80xi32, #tpu.memory_space<vmem>>) semaphore(%arg16 : memref<!tpu.dma_semaphore, #tpu.memory_space<semaphore_mem>>)
      } else {
      }
      %parallel_loop3A_142 = arith.constant 0 : i32
      %parallel_loop3A_143 = arith.constant 80 : i32
      %parallel_loop3A_144 = arith.constant 1 : i32
      scf.for %parallel_loop3A_153 = %parallel_loop3A_142 to %parallel_loop3A_143 step %parallel_loop3A_144  : i32 {
        %parallel_loop3A_154 = arith.index_cast %parallel_loop3A_153 : i32 to index
        %parallel_loop3A_155 = arith.constant 0 : index
        %parallel_loop3A_156 = tpu.vector_load %arg9[%parallel_loop3A_154, %parallel_loop3A_155] {strides = array<i32>} : memref<80x128xf32, #tpu.memory_space<vmem>>, vector<1x16xf32>,
        %parallel_loop3A_157 = vector.shape_cast %parallel_loop3A_156 : vector<1x16xf32> to vector<16xf32>
        %parallel_loop3A_158 = arith.index_cast %parallel_loop3A_153 : i32 to index
        %parallel_loop3A_159 = arith.constant 0 : index
        %parallel_loop3A_160 = tpu.vector_load %arg11[%parallel_loop3A_158, %parallel_loop3A_159] {strides = array<i32>} : memref<80x128xf32, #tpu.memory_space<vmem>>, vector<1x16xf32>,
        %parallel_loop3A_161 = vector.shape_cast %parallel_loop3A_160 : vector<1x16xf32> to vector<16xf32>
        %parallel_loop3A_162 = arith.mulf %parallel_loop3A_157, %parallel_loop3A_161 : vector<16xf32>
        %parallel_loop3A_163 = arith.index_cast %parallel_loop3A_153 : i32 to index
        %parallel_loop3A_164 = arith.constant 0 : index
        %parallel_loop3A_165 = tpu.vector_load %arg9[%parallel_loop3A_163, %parallel_loop3A_164] {strides = array<i32>} : memref<80x128xf32, #tpu.memory_space<vmem>>, vector<1x16xf32>,
        %parallel_loop3A_166 = vector.shape_cast %parallel_loop3A_165 : vector<1x16xf32> to vector<16xf32>
        %parallel_loop3A_167 = vector.shape_cast %parallel_loop3A_162 : vector<16xf32> to vector<1x16xf32>
        tpu.vector_store %arg9[%parallel_loop3A_163, %parallel_loop3A_164], %parallel_loop3A_167 {strides = array<i32>} : memref<80x128xf32, #tpu.memory_space<vmem>>, vector<1x16xf32>,
        %parallel_loop3A_168 = arith.index_cast %parallel_loop3A_153 : i32 to index
        %parallel_loop3A_169 = arith.constant 16 : index
        %parallel_loop3A_170 = tpu.vector_load %arg9[%parallel_loop3A_168, %parallel_loop3A_169] {strides = array<i32>} : memref<80x128xf32, #tpu.memory_space<vmem>>, vector<1x16xf32>,
        %parallel_loop3A_171 = vector.shape_cast %parallel_loop3A_170 : vector<1x16xf32> to vector<16xf32>
        %parallel_loop3A_172 = arith.index_cast %parallel_loop3A_153 : i32 to index
        %parallel_loop3A_173 = arith.constant 16 : index
        %parallel_loop3A_174 = tpu.vector_load %arg11[%parallel_loop3A_172, %parallel_loop3A_173] {strides = array<i32>} : memref<80x128xf32, #tpu.memory_space<vmem>>, vector<1x16xf32>,
        %parallel_loop3A_175 = vector.shape_cast %parallel_loop3A_174 : vector<1x16xf32> to vector<16xf32>
        %parallel_loop3A_176 = arith.mulf %parallel_loop3A_171, %parallel_loop3A_175 : vector<16xf32>
        %parallel_loop3A_177 = arith.index_cast %parallel_loop3A_153 : i32 to index
        %parallel_loop3A_178 = arith.constant 16 : index
        %parallel_loop3A_179 = tpu.vector_load %arg9[%parallel_loop3A_177, %parallel_loop3A_178] {strides = array<i32>} : memref<80x128xf32, #tpu.memory_space<vmem>>, vector<1x16xf32>,
        %parallel_loop3A_180 = vector.shape_cast %parallel_loop3A_179 : vector<1x16xf32> to vector<16xf32>
        %parallel_loop3A_181 = vector.shape_cast %parallel_loop3A_176 : vector<16xf32> to vector<1x16xf32>
        tpu.vector_store %arg9[%parallel_loop3A_177, %parallel_loop3A_178], %parallel_loop3A_181 {strides = array<i32>} : memref<80x128xf32, #tpu.memory_space<vmem>>, vector<1x16xf32>,
        %parallel_loop3A_182 = arith.index_cast %parallel_loop3A_153 : i32 to index
        %parallel_loop3A_183 = arith.constant 32 : index
        %parallel_loop3A_184 = tpu.vector_load %arg9[%parallel_loop3A_182, %parallel_loop3A_183] {strides = array<i32>} : memref<80x128xf32, #tpu.memory_space<vmem>>, vector<1x16xf32>,
        %parallel_loop3A_185 = vector.shape_cast %parallel_loop3A_184 : vector<1x16xf32> to vector<16xf32>
        %parallel_loop3A_186 = arith.index_cast %parallel_loop3A_153 : i32 to index
        %parallel_loop3A_187 = arith.constant 32 : index
        %parallel_loop3A_188 = tpu.vector_load %arg11[%parallel_loop3A_186, %parallel_loop3A_187] {strides = array<i32>} : memref<80x128xf32, #tpu.memory_space<vmem>>, vector<1x16xf32>,
        %parallel_loop3A_189 = vector.shape_cast %parallel_loop3A_188 : vector<1x16xf32> to vector<16xf32>
        %parallel_loop3A_190 = arith.mulf %parallel_loop3A_185, %parallel_loop3A_189 : vector<16xf32>
        %parallel_loop3A_191 = arith.index_cast %parallel_loop3A_153 : i32 to index
        %parallel_loop3A_192 = arith.constant 32 : index
        %parallel_loop3A_193 = tpu.vector_load %arg9[%parallel_loop3A_191, %parallel_loop3A_192] {strides = array<i32>} : memref<80x128xf32, #tpu.memory_space<vmem>>, vector<1x16xf32>,
        %parallel_loop3A_194 = vector.shape_cast %parallel_loop3A_193 : vector<1x16xf32> to vector<16xf32>
        %parallel_loop3A_195 = vector.shape_cast %parallel_loop3A_190 : vector<16xf32> to vector<1x16xf32>
        tpu.vector_store %arg9[%parallel_loop3A_191, %parallel_loop3A_192], %parallel_loop3A_195 {strides = array<i32>} : memref<80x128xf32, #tpu.memory_space<vmem>>, vector<1x16xf32>,
        %parallel_loop3A_196 = arith.index_cast %parallel_loop3A_153 : i32 to index
        %parallel_loop3A_197 = arith.constant 48 : index
        %parallel_loop3A_198 = tpu.vector_load %arg9[%parallel_loop3A_196, %parallel_loop3A_197] {strides = array<i32>} : memref<80x128xf32, #tpu.memory_space<vmem>>, vector<1x16xf32>,
        %parallel_loop3A_199 = vector.shape_cast %parallel_loop3A_198 : vector<1x16xf32> to vector<16xf32>
        %parallel_loop3A_200 = arith.index_cast %parallel_loop3A_153 : i32 to index
        %parallel_loop3A_201 = arith.constant 48 : index
        %parallel_loop3A_202 = tpu.vector_load %arg11[%parallel_loop3A_200, %parallel_loop3A_201] {strides = array<i32>} : memref<80x128xf32, #tpu.memory_space<vmem>>, vector<1x16xf32>,
        %parallel_loop3A_203 = vector.shape_cast %parallel_loop3A_202 : vector<1x16xf32> to vector<16xf32>
        %parallel_loop3A_204 = arith.mulf %parallel_loop3A_199, %parallel_loop3A_203 : vector<16xf32>
        %parallel_loop3A_205 = arith.index_cast %parallel_loop3A_153 : i32 to index
        %parallel_loop3A_206 = arith.constant 48 : index
        %parallel_loop3A_207 = tpu.vector_load %arg9[%parallel_loop3A_205, %parallel_loop3A_206] {strides = array<i32>} : memref<80x128xf32, #tpu.memory_space<vmem>>, vector<1x16xf32>,
        %parallel_loop3A_208 = vector.shape_cast %parallel_loop3A_207 : vector<1x16xf32> to vector<16xf32>
        %parallel_loop3A_209 = vector.shape_cast %parallel_loop3A_204 : vector<16xf32> to vector<1x16xf32>
        tpu.vector_store %arg9[%parallel_loop3A_205, %parallel_loop3A_206], %parallel_loop3A_209 {strides = array<i32>} : memref<80x128xf32, #tpu.memory_space<vmem>>, vector<1x16xf32>,
        %parallel_loop3A_210 = arith.index_cast %parallel_loop3A_153 : i32 to index
        %parallel_loop3A_211 = arith.constant 64 : index
        %parallel_loop3A_212 = tpu.vector_load %arg9[%parallel_loop3A_210, %parallel_loop3A_211] {strides = array<i32>} : memref<80x128xf32, #tpu.memory_space<vmem>>, vector<1x16xf32>,
        %parallel_loop3A_213 = vector.shape_cast %parallel_loop3A_212 : vector<1x16xf32> to vector<16xf32>
        %parallel_loop3A_214 = arith.index_cast %parallel_loop3A_153 : i32 to index
        %parallel_loop3A_215 = arith.constant 64 : index
        %parallel_loop3A_216 = tpu.vector_load %arg11[%parallel_loop3A_214, %parallel_loop3A_215] {strides = array<i32>} : memref<80x128xf32, #tpu.memory_space<vmem>>, vector<1x16xf32>,
        %parallel_loop3A_217 = vector.shape_cast %parallel_loop3A_216 : vector<1x16xf32> to vector<16xf32>
        %parallel_loop3A_218 = arith.mulf %parallel_loop3A_213, %parallel_loop3A_217 : vector<16xf32>
        %parallel_loop3A_219 = arith.index_cast %parallel_loop3A_153 : i32 to index
        %parallel_loop3A_220 = arith.constant 64 : index
        %parallel_loop3A_221 = tpu.vector_load %arg9[%parallel_loop3A_219, %parallel_loop3A_220] {strides = array<i32>} : memref<80x128xf32, #tpu.memory_space<vmem>>, vector<1x16xf32>,
        %parallel_loop3A_222 = vector.shape_cast %parallel_loop3A_221 : vector<1x16xf32> to vector<16xf32>
        %parallel_loop3A_223 = vector.shape_cast %parallel_loop3A_218 : vector<16xf32> to vector<1x16xf32>
        tpu.vector_store %arg9[%parallel_loop3A_219, %parallel_loop3A_220], %parallel_loop3A_223 {strides = array<i32>} : memref<80x128xf32, #tpu.memory_space<vmem>>, vector<1x16xf32>,
        %parallel_loop3A_224 = arith.index_cast %parallel_loop3A_153 : i32 to index
        %parallel_loop3A_225 = arith.constant 80 : index
        %parallel_loop3A_226 = tpu.vector_load %arg9[%parallel_loop3A_224, %parallel_loop3A_225] {strides = array<i32>} : memref<80x128xf32, #tpu.memory_space<vmem>>, vector<1x16xf32>,
        %parallel_loop3A_227 = vector.shape_cast %parallel_loop3A_226 : vector<1x16xf32> to vector<16xf32>
        %parallel_loop3A_228 = arith.index_cast %parallel_loop3A_153 : i32 to index
        %parallel_loop3A_229 = arith.constant 80 : index
        %parallel_loop3A_230 = tpu.vector_load %arg11[%parallel_loop3A_228, %parallel_loop3A_229] {strides = array<i32>} : memref<80x128xf32, #tpu.memory_space<vmem>>, vector<1x16xf32>,
        %parallel_loop3A_231 = vector.shape_cast %parallel_loop3A_230 : vector<1x16xf32> to vector<16xf32>
        %parallel_loop3A_232 = arith.mulf %parallel_loop3A_227, %parallel_loop3A_231 : vector<16xf32>
        %parallel_loop3A_233 = arith.index_cast %parallel_loop3A_153 : i32 to index
        %parallel_loop3A_234 = arith.constant 80 : index
        %parallel_loop3A_235 = tpu.vector_load %arg9[%parallel_loop3A_233, %parallel_loop3A_234] {strides = array<i32>} : memref<80x128xf32, #tpu.memory_space<vmem>>, vector<1x16xf32>,
        %parallel_loop3A_236 = vector.shape_cast %parallel_loop3A_235 : vector<1x16xf32> to vector<16xf32>
        %parallel_loop3A_237 = vector.shape_cast %parallel_loop3A_232 : vector<16xf32> to vector<1x16xf32>
        tpu.vector_store %arg9[%parallel_loop3A_233, %parallel_loop3A_234], %parallel_loop3A_237 {strides = array<i32>} : memref<80x128xf32, #tpu.memory_space<vmem>>, vector<1x16xf32>,
        %parallel_loop3A_238 = arith.index_cast %parallel_loop3A_153 : i32 to index
        %parallel_loop3A_239 = arith.constant 96 : index
        %parallel_loop3A_240 = tpu.vector_load %arg9[%parallel_loop3A_238, %parallel_loop3A_239] {strides = array<i32>} : memref<80x128xf32, #tpu.memory_space<vmem>>, vector<1x16xf32>,
        %parallel_loop3A_241 = vector.shape_cast %parallel_loop3A_240 : vector<1x16xf32> to vector<16xf32>
        %parallel_loop3A_242 = arith.index_cast %parallel_loop3A_153 : i32 to index
        %parallel_loop3A_243 = arith.constant 96 : index
        %parallel_loop3A_244 = tpu.vector_load %arg11[%parallel_loop3A_242, %parallel_loop3A_243] {strides = array<i32>} : memref<80x128xf32, #tpu.memory_space<vmem>>, vector<1x16xf32>,
        %parallel_loop3A_245 = vector.shape_cast %parallel_loop3A_244 : vector<1x16xf32> to vector<16xf32>
        %parallel_loop3A_246 = arith.mulf %parallel_loop3A_241, %parallel_loop3A_245 : vector<16xf32>
        %parallel_loop3A_247 = arith.index_cast %parallel_loop3A_153 : i32 to index
        %parallel_loop3A_248 = arith.constant 96 : index
        %parallel_loop3A_249 = tpu.vector_load %arg9[%parallel_loop3A_247, %parallel_loop3A_248] {strides = array<i32>} : memref<80x128xf32, #tpu.memory_space<vmem>>, vector<1x16xf32>,
        %parallel_loop3A_250 = vector.shape_cast %parallel_loop3A_249 : vector<1x16xf32> to vector<16xf32>
        %parallel_loop3A_251 = vector.shape_cast %parallel_loop3A_246 : vector<16xf32> to vector<1x16xf32>
        tpu.vector_store %arg9[%parallel_loop3A_247, %parallel_loop3A_248], %parallel_loop3A_251 {strides = array<i32>} : memref<80x128xf32, #tpu.memory_space<vmem>>, vector<1x16xf32>,
        %parallel_loop3A_252 = arith.index_cast %parallel_loop3A_153 : i32 to index
        %parallel_loop3A_253 = arith.constant 112 : index
        %parallel_loop3A_254 = tpu.vector_load %arg9[%parallel_loop3A_252, %parallel_loop3A_253] {strides = array<i32>} : memref<80x128xf32, #tpu.memory_space<vmem>>, vector<1x16xf32>,
        %parallel_loop3A_255 = vector.shape_cast %parallel_loop3A_254 : vector<1x16xf32> to vector<16xf32>
        %parallel_loop3A_256 = arith.index_cast %parallel_loop3A_153 : i32 to index
        %parallel_loop3A_257 = arith.constant 112 : index
        %parallel_loop3A_258 = tpu.vector_load %arg11[%parallel_loop3A_256, %parallel_loop3A_257] {strides = array<i32>} : memref<80x128xf32, #tpu.memory_space<vmem>>, vector<1x16xf32>,
        %parallel_loop3A_259 = vector.shape_cast %parallel_loop3A_258 : vector<1x16xf32> to vector<16xf32>
        %parallel_loop3A_260 = arith.mulf %parallel_loop3A_255, %parallel_loop3A_259 : vector<16xf32>
        %parallel_loop3A_261 = arith.index_cast %parallel_loop3A_153 : i32 to index
        %parallel_loop3A_262 = arith.constant 112 : index
        %parallel_loop3A_263 = tpu.vector_load %arg9[%parallel_loop3A_261, %parallel_loop3A_262] {strides = array<i32>} : memref<80x128xf32, #tpu.memory_space<vmem>>, vector<1x16xf32>,
        %parallel_loop3A_264 = vector.shape_cast %parallel_loop3A_263 : vector<1x16xf32> to vector<16xf32>
        %parallel_loop3A_265 = vector.shape_cast %parallel_loop3A_260 : vector<16xf32> to vector<1x16xf32>
        tpu.vector_store %arg9[%parallel_loop3A_261, %parallel_loop3A_262], %parallel_loop3A_265 {strides = array<i32>} : memref<80x128xf32, #tpu.memory_space<vmem>>, vector<1x16xf32>,
      } {sc.loop_unroll_factor = 4 : i64, sc.parallel_access}
      %dma_start3A_145 = arith.constant 1 : i32
      %dma_start3A_146 = arith.constant 0 : i32
      %dma_start3A_147 = tpu.memref_slice %arg7[%dma_start3A_145, %dma_start3A_146] : memref<3x80xi32, #tpu.memory_space<vmem>> -> memref<1x80xi32, #tpu.memory_space<vmem>>
      %dma_start3A_148 = tpu.memref_squeeze %dma_start3A_147 : memref<1x80xi32, #tpu.memory_space<vmem>> -> memref<80xi32, #tpu.memory_space<vmem>>
      %dma_start3A_149 = arith.constant 0 : i32
      %dma_start3A_150 = arith.constant 0 : i32
      %dma_start3A_151 = tpu.memref_slice %arg13[%dma_start3A_149, %dma_start3A_150] : memref<10240x128xf32, #tpu.memory_space<vmem_shared>> -> memref<10240x128xf32, #tpu.memory_space<vmem_shared>>
      tpu.enqueue_indirect_dma source(%arg9 : memref<80x128xf32, #tpu.memory_space<vmem>>) target(%dma_start3A_151 : memref<10240x128xf32, #tpu.memory_space<vmem_shared>>) offsets(%dma_start3A_148 : memref<80xi32, #tpu.memory_space<vmem>>) semaphore(%arg19 : memref<!tpu.dma_semaphore, #tpu.memory_space<semaphore_mem>>) {add = true}
      %scan3A_152 = arith.constant 0 : i32
      scf.yield %scan3A_152 : i32
    }
    %scan3A_49 = arith.constant 63 : i32
    %dma_wait3A = arith.constant 1 : i32
    %dma_wait3A_50 = arith.constant 0 : i32
    %dma_wait3A_51 = tpu.memref_slice %arg7[%dma_wait3A, %dma_wait3A_50] : memref<3x80xi32, #tpu.memory_space<vmem>> -> memref<1x80xi32, #tpu.memory_space<vmem>>
    %dma_wait3A_52 = tpu.memref_squeeze %dma_wait3A_51 : memref<1x80xi32, #tpu.memory_space<vmem>> -> memref<80xi32, #tpu.memory_space<vmem>>
    %dma_wait3A_53 = arith.constant 0 : i32
    %dma_wait3A_54 = arith.constant 0 : i32
    %dma_wait3A_55 = tpu.memref_slice %arg13[%dma_wait3A_53, %dma_wait3A_54] : memref<10240x128xf32, #tpu.memory_space<vmem_shared>> -> memref<10240x128xf32, #tpu.memory_space<vmem_shared>>
    tpu.wait_indirect_dma semaphore(%arg19 : memref<!tpu.dma_semaphore, #tpu.memory_space<semaphore_mem>>) src(%arg9 : memref<80x128xf32, #tpu.memory_space<vmem>>) dst(%dma_wait3A_55 : memref<10240x128xf32, #tpu.memory_space<vmem_shared>>)
    %barrier3A_56 = arith.constant 0 : index
    tpu.barrier barrier_id(%barrier3A_56)
    %add3A_57 = arith.constant 0 : i32
    %add3A_58 = arith.addi %mul3A_2, %add3A_57 : i32
    "tpu.region"() ({
      %run_scoped3A = tpu.sem_alloc : memref<!tpu.dma_semaphore, #tpu.memory_space<semaphore_mem>>
      %dma_start3A_73 = arith.constant 0 : i32
      %dma_start3A_74 = tpu.memref_slice %arg5[%arg0, %add3A_58, %dma_start3A_73] : memref<2x10240x128xf32, #tpu.memory_space<hbm>> -> memref<1x80x128xf32, #tpu.memory_space<hbm>>
      %dma_start3A_75 = tpu.memref_squeeze %dma_start3A_74 : memref<1x80x128xf32, #tpu.memory_space<hbm>> -> memref<80x128xf32, #tpu.memory_space<hbm>>
      %dma_start3A_76 = arith.constant 0 : i32
      %dma_start3A_77 = tpu.memref_slice %arg13[%add3A_58, %dma_start3A_76] : memref<10240x128xf32, #tpu.memory_space<vmem_shared>> -> memref<80x128xf32, #tpu.memory_space<vmem_shared>>
      tpu.enqueue_dma source(%dma_start3A_77 : memref<80x128xf32, #tpu.memory_space<vmem_shared>>) target(%dma_start3A_75 : memref<80x128xf32, #tpu.memory_space<hbm>>) target_semaphore(%run_scoped3A : memref<!tpu.dma_semaphore, #tpu.memory_space<semaphore_mem>>)
      %dma_wait3A_78 = arith.constant 0 : i32
      %dma_wait3A_79 = tpu.memref_slice %arg5[%arg0, %add3A_58, %dma_wait3A_78] : memref<2x10240x128xf32, #tpu.memory_space<hbm>> -> memref<1x80x128xf32, #tpu.memory_space<hbm>>
      %dma_wait3A_80 = tpu.memref_squeeze %dma_wait3A_79 : memref<1x80x128xf32, #tpu.memory_space<hbm>> -> memref<80x128xf32, #tpu.memory_space<hbm>>
      %dma_wait3A_81 = arith.constant 0 : i32
      %dma_wait3A_82 = tpu.memref_slice %arg13[%add3A_58, %dma_wait3A_81] : memref<10240x128xf32, #tpu.memory_space<vmem_shared>> -> memref<80x128xf32, #tpu.memory_space<vmem_shared>>
      tpu.wait_dma2 semaphore(%run_scoped3A : memref<!tpu.dma_semaphore, #tpu.memory_space<semaphore_mem>>) src(%dma_wait3A_82 : memref<80x128xf32, #tpu.memory_space<vmem_shared>>) dst(%dma_wait3A_80 : memref<80x128xf32, #tpu.memory_space<hbm>>)
      tpu.yield
    }) : () -> ()
    %add3A_59 = arith.constant 80 : i32
    %add3A_60 = arith.addi %mul3A_2, %add3A_59 : i32
    "tpu.region"() ({
      %run_scoped3A = tpu.sem_alloc : memref<!tpu.dma_semaphore, #tpu.memory_space<semaphore_mem>>
      %dma_start3A_73 = arith.constant 0 : i32
      %dma_start3A_74 = tpu.memref_slice %arg5[%arg0, %add3A_60, %dma_start3A_73] : memref<2x10240x128xf32, #tpu.memory_space<hbm>> -> memref<1x80x128xf32, #tpu.memory_space<hbm>>
      %dma_start3A_75 = tpu.memref_squeeze %dma_start3A_74 : memref<1x80x128xf32, #tpu.memory_space<hbm>> -> memref<80x128xf32, #tpu.memory_space<hbm>>
      %dma_start3A_76 = arith.constant 0 : i32
      %dma_start3A_77 = tpu.memref_slice %arg13[%add3A_60, %dma_start3A_76] : memref<10240x128xf32, #tpu.memory_space<vmem_shared>> -> memref<80x128xf32, #tpu.memory_space<vmem_shared>>
      tpu.enqueue_dma source(%dma_start3A_77 : memref<80x128xf32, #tpu.memory_space<vmem_shared>>) target(%dma_start3A_75 : memref<80x128xf32, #tpu.memory_space<hbm>>) target_semaphore(%run_scoped3A : memref<!tpu.dma_semaphore, #tpu.memory_space<semaphore_mem>>)
      %dma_wait3A_78 = arith.constant 0 : i32
      %dma_wait3A_79 = tpu.memref_slice %arg5[%arg0, %add3A_60, %dma_wait3A_78] : memref<2x10240x128xf32, #tpu.memory_space<hbm>> -> memref<1x80x128xf32, #tpu.memory_space<hbm>>
      %dma_wait3A_80 = tpu.memref_squeeze %dma_wait3A_79 : memref<1x80x128xf32, #tpu.memory_space<hbm>> -> memref<80x128xf32, #tpu.memory_space<hbm>>
      %dma_wait3A_81 = arith.constant 0 : i32
      %dma_wait3A_82 = tpu.memref_slice %arg13[%add3A_60, %dma_wait3A_81] : memref<10240x128xf32, #tpu.memory_space<vmem_shared>> -> memref<80x128xf32, #tpu.memory_space<vmem_shared>>
      tpu.wait_dma2 semaphore(%run_scoped3A : memref<!tpu.dma_semaphore, #tpu.memory_space<semaphore_mem>>) src(%dma_wait3A_82 : memref<80x128xf32, #tpu.memory_space<vmem_shared>>) dst(%dma_wait3A_80 : memref<80x128xf32, #tpu.memory_space<hbm>>)
      tpu.yield
    }) : () -> ()
    %add3A_61 = arith.constant 160 : i32
    %add3A_62 = arith.addi %mul3A_2, %add3A_61 : i32
    "tpu.region"() ({
      %run_scoped3A = tpu.sem_alloc : memref<!tpu.dma_semaphore, #tpu.memory_space<semaphore_mem>>
      %dma_start3A_73 = arith.constant 0 : i32
      %dma_start3A_74 = tpu.memref_slice %arg5[%arg0, %add3A_62, %dma_start3A_73] : memref<2x10240x128xf32, #tpu.memory_space<hbm>> -> memref<1x80x128xf32, #tpu.memory_space<hbm>>
      %dma_start3A_75 = tpu.memref_squeeze %dma_start3A_74 : memref<1x80x128xf32, #tpu.memory_space<hbm>> -> memref<80x128xf32, #tpu.memory_space<hbm>>
      %dma_start3A_76 = arith.constant 0 : i32
      %dma_start3A_77 = tpu.memref_slice %arg13[%add3A_62, %dma_start3A_76] : memref<10240x128xf32, #tpu.memory_space<vmem_shared>> -> memref<80x128xf32, #tpu.memory_space<vmem_shared>>
      tpu.enqueue_dma source(%dma_start3A_77 : memref<80x128xf32, #tpu.memory_space<vmem_shared>>) target(%dma_start3A_75 : memref<80x128xf32, #tpu.memory_space<hbm>>) target_semaphore(%run_scoped3A : memref<!tpu.dma_semaphore, #tpu.memory_space<semaphore_mem>>)
      %dma_wait3A_78 = arith.constant 0 : i32
      %dma_wait3A_79 = tpu.memref_slice %arg5[%arg0, %add3A_62, %dma_wait3A_78] : memref<2x10240x128xf32, #tpu.memory_space<hbm>> -> memref<1x80x128xf32, #tpu.memory_space<hbm>>
      %dma_wait3A_80 = tpu.memref_squeeze %dma_wait3A_79 : memref<1x80x128xf32, #tpu.memory_space<hbm>> -> memref<80x128xf32, #tpu.memory_space<hbm>>
      %dma_wait3A_81 = arith.constant 0 : i32
      %dma_wait3A_82 = tpu.memref_slice %arg13[%add3A_62, %dma_wait3A_81] : memref<10240x128xf32, #tpu.memory_space<vmem_shared>> -> memref<80x128xf32, #tpu.memory_space<vmem_shared>>
      tpu.wait_dma2 semaphore(%run_scoped3A : memref<!tpu.dma_semaphore, #tpu.memory_space<semaphore_mem>>) src(%dma_wait3A_82 : memref<80x128xf32, #tpu.memory_space<vmem_shared>>) dst(%dma_wait3A_80 : memref<80x128xf32, #tpu.memory_space<hbm>>)
      tpu.yield
    }) : () -> ()
    %add3A_63 = arith.constant 240 : i32
    %add3A_64 = arith.addi %mul3A_2, %add3A_63 : i32
    "tpu.region"() ({
      %run_scoped3A = tpu.sem_alloc : memref<!tpu.dma_semaphore, #tpu.memory_space<semaphore_mem>>
      %dma_start3A_73 = arith.constant 0 : i32
      %dma_start3A_74 = tpu.memref_slice %arg5[%arg0, %add3A_64, %dma_start3A_73] : memref<2x10240x128xf32, #tpu.memory_space<hbm>> -> memref<1x80x128xf32, #tpu.memory_space<hbm>>
      %dma_start3A_75 = tpu.memref_squeeze %dma_start3A_74 : memref<1x80x128xf32, #tpu.memory_space<hbm>> -> memref<80x128xf32, #tpu.memory_space<hbm>>
      %dma_start3A_76 = arith.constant 0 : i32
      %dma_start3A_77 = tpu.memref_slice %arg13[%add3A_64, %dma_start3A_76] : memref<10240x128xf32, #tpu.memory_space<vmem_shared>> -> memref<80x128xf32, #tpu.memory_space<vmem_shared>>
      tpu.enqueue_dma source(%dma_start3A_77 : memref<80x128xf32, #tpu.memory_space<vmem_shared>>) target(%dma_start3A_75 : memref<80x128xf32, #tpu.memory_space<hbm>>) target_semaphore(%run_scoped3A : memref<!tpu.dma_semaphore, #tpu.memory_space<semaphore_mem>>)
      %dma_wait3A_78 = arith.constant 0 : i32
      %dma_wait3A_79 = tpu.memref_slice %arg5[%arg0, %add3A_64, %dma_wait3A_78] : memref<2x10240x128xf32, #tpu.memory_space<hbm>> -> memref<1x80x128xf32, #tpu.memory_space<hbm>>
      %dma_wait3A_80 = tpu.memref_squeeze %dma_wait3A_79 : memref<1x80x128xf32, #tpu.memory_space<hbm>> -> memref<80x128xf32, #tpu.memory_space<hbm>>
      %dma_wait3A_81 = arith.constant 0 : i32
      %dma_wait3A_82 = tpu.memref_slice %arg13[%add3A_64, %dma_wait3A_81] : memref<10240x128xf32, #tpu.memory_space<vmem_shared>> -> memref<80x128xf32, #tpu.memory_space<vmem_shared>>
      tpu.wait_dma2 semaphore(%run_scoped3A : memref<!tpu.dma_semaphore, #tpu.memory_space<semaphore_mem>>) src(%dma_wait3A_82 : memref<80x128xf32, #tpu.memory_space<vmem_shared>>) dst(%dma_wait3A_80 : memref<80x128xf32, #tpu.memory_space<hbm>>)
      tpu.yield
    }) : () -> ()
    %add3A_65 = arith.constant 320 : i32
    %add3A_66 = arith.addi %mul3A_2, %add3A_65 : i32
    "tpu.region"() ({
      %run_scoped3A = tpu.sem_alloc : memref<!tpu.dma_semaphore, #tpu.memory_space<semaphore_mem>>
      %dma_start3A_73 = arith.constant 0 : i32
      %dma_start3A_74 = tpu.memref_slice %arg5[%arg0, %add3A_66, %dma_start3A_73] : memref<2x10240x128xf32, #tpu.memory_space<hbm>> -> memref<1x80x128xf32, #tpu.memory_space<hbm>>
      %dma_start3A_75 = tpu.memref_squeeze %dma_start3A_74 : memref<1x80x128xf32, #tpu.memory_space<hbm>> -> memref<80x128xf32, #tpu.memory_space<hbm>>
      %dma_start3A_76 = arith.constant 0 : i32
      %dma_start3A_77 = tpu.memref_slice %arg13[%add3A_66, %dma_start3A_76] : memref<10240x128xf32, #tpu.memory_space<vmem_shared>> -> memref<80x128xf32, #tpu.memory_space<vmem_shared>>
      tpu.enqueue_dma source(%dma_start3A_77 : memref<80x128xf32, #tpu.memory_space<vmem_shared>>) target(%dma_start3A_75 : memref<80x128xf32, #tpu.memory_space<hbm>>) target_semaphore(%run_scoped3A : memref<!tpu.dma_semaphore, #tpu.memory_space<semaphore_mem>>)
      %dma_wait3A_78 = arith.constant 0 : i32
      %dma_wait3A_79 = tpu.memref_slice %arg5[%arg0, %add3A_66, %dma_wait3A_78] : memref<2x10240x128xf32, #tpu.memory_space<hbm>> -> memref<1x80x128xf32, #tpu.memory_space<hbm>>
      %dma_wait3A_80 = tpu.memref_squeeze %dma_wait3A_79 : memref<1x80x128xf32, #tpu.memory_space<hbm>> -> memref<80x128xf32, #tpu.memory_space<hbm>>
      %dma_wait3A_81 = arith.constant 0 : i32
      %dma_wait3A_82 = tpu.memref_slice %arg13[%add3A_66, %dma_wait3A_81] : memref<10240x128xf32, #tpu.memory_space<vmem_shared>> -> memref<80x128xf32, #tpu.memory_space<vmem_shared>>
      tpu.wait_dma2 semaphore(%run_scoped3A : memref<!tpu.dma_semaphore, #tpu.memory_space<semaphore_mem>>) src(%dma_wait3A_82 : memref<80x128xf32, #tpu.memory_space<vmem_shared>>) dst(%dma_wait3A_80 : memref<80x128xf32, #tpu.memory_space<hbm>>)
      tpu.yield
    }) : () -> ()
    %add3A_67 = arith.constant 400 : i32
    %add3A_68 = arith.addi %mul3A_2, %add3A_67 : i32
    "tpu.region"() ({
      %run_scoped3A = tpu.sem_alloc : memref<!tpu.dma_semaphore, #tpu.memory_space<semaphore_mem>>
      %dma_start3A_73 = arith.constant 0 : i32
      %dma_start3A_74 = tpu.memref_slice %arg5[%arg0, %add3A_68, %dma_start3A_73] : memref<2x10240x128xf32, #tpu.memory_space<hbm>> -> memref<1x80x128xf32, #tpu.memory_space<hbm>>
      %dma_start3A_75 = tpu.memref_squeeze %dma_start3A_74 : memref<1x80x128xf32, #tpu.memory_space<hbm>> -> memref<80x128xf32, #tpu.memory_space<hbm>>
      %dma_start3A_76 = arith.constant 0 : i32
      %dma_start3A_77 = tpu.memref_slice %arg13[%add3A_68, %dma_start3A_76] : memref<10240x128xf32, #tpu.memory_space<vmem_shared>> -> memref<80x128xf32, #tpu.memory_space<vmem_shared>>
      tpu.enqueue_dma source(%dma_start3A_77 : memref<80x128xf32, #tpu.memory_space<vmem_shared>>) target(%dma_start3A_75 : memref<80x128xf32, #tpu.memory_space<hbm>>) target_semaphore(%run_scoped3A : memref<!tpu.dma_semaphore, #tpu.memory_space<semaphore_mem>>)
      %dma_wait3A_78 = arith.constant 0 : i32
      %dma_wait3A_79 = tpu.memref_slice %arg5[%arg0, %add3A_68, %dma_wait3A_78] : memref<2x10240x128xf32, #tpu.memory_space<hbm>> -> memref<1x80x128xf32, #tpu.memory_space<hbm>>
      %dma_wait3A_80 = tpu.memref_squeeze %dma_wait3A_79 : memref<1x80x128xf32, #tpu.memory_space<hbm>> -> memref<80x128xf32, #tpu.memory_space<hbm>>
      %dma_wait3A_81 = arith.constant 0 : i32
      %dma_wait3A_82 = tpu.memref_slice %arg13[%add3A_68, %dma_wait3A_81] : memref<10240x128xf32, #tpu.memory_space<vmem_shared>> -> memref<80x128xf32, #tpu.memory_space<vmem_shared>>
      tpu.wait_dma2 semaphore(%run_scoped3A : memref<!tpu.dma_semaphore, #tpu.memory_space<semaphore_mem>>) src(%dma_wait3A_82 : memref<80x128xf32, #tpu.memory_space<vmem_shared>>) dst(%dma_wait3A_80 : memref<80x128xf32, #tpu.memory_space<hbm>>)
      tpu.yield
    }) : () -> ()
    %add3A_69 = arith.constant 480 : i32
    %add3A_70 = arith.addi %mul3A_2, %add3A_69 : i32
    "tpu.region"() ({
      %run_scoped3A = tpu.sem_alloc : memref<!tpu.dma_semaphore, #tpu.memory_space<semaphore_mem>>
      %dma_start3A_73 = arith.constant 0 : i32
      %dma_start3A_74 = tpu.memref_slice %arg5[%arg0, %add3A_70, %dma_start3A_73] : memref<2x10240x128xf32, #tpu.memory_space<hbm>> -> memref<1x80x128xf32, #tpu.memory_space<hbm>>
      %dma_start3A_75 = tpu.memref_squeeze %dma_start3A_74 : memref<1x80x128xf32, #tpu.memory_space<hbm>> -> memref<80x128xf32, #tpu.memory_space<hbm>>
      %dma_start3A_76 = arith.constant 0 : i32
      %dma_start3A_77 = tpu.memref_slice %arg13[%add3A_70, %dma_start3A_76] : memref<10240x128xf32, #tpu.memory_space<vmem_shared>> -> memref<80x128xf32, #tpu.memory_space<vmem_shared>>
      tpu.enqueue_dma source(%dma_start3A_77 : memref<80x128xf32, #tpu.memory_space<vmem_shared>>) target(%dma_start3A_75 : memref<80x128xf32, #tpu.memory_space<hbm>>) target_semaphore(%run_scoped3A : memref<!tpu.dma_semaphore, #tpu.memory_space<semaphore_mem>>)
      %dma_wait3A_78 = arith.constant 0 : i32
      %dma_wait3A_79 = tpu.memref_slice %arg5[%arg0, %add3A_70, %dma_wait3A_78] : memref<2x10240x128xf32, #tpu.memory_space<hbm>> -> memref<1x80x128xf32, #tpu.memory_space<hbm>>
      %dma_wait3A_80 = tpu.memref_squeeze %dma_wait3A_79 : memref<1x80x128xf32, #tpu.memory_space<hbm>> -> memref<80x128xf32, #tpu.memory_space<hbm>>
      %dma_wait3A_81 = arith.constant 0 : i32
      %dma_wait3A_82 = tpu.memref_slice %arg13[%add3A_70, %dma_wait3A_81] : memref<10240x128xf32, #tpu.memory_space<vmem_shared>> -> memref<80x128xf32, #tpu.memory_space<vmem_shared>>
      tpu.wait_dma2 semaphore(%run_scoped3A : memref<!tpu.dma_semaphore, #tpu.memory_space<semaphore_mem>>) src(%dma_wait3A_82 : memref<80x128xf32, #tpu.memory_space<vmem_shared>>) dst(%dma_wait3A_80 : memref<80x128xf32, #tpu.memory_space<hbm>>)
      tpu.yield
    }) : () -> ()
    %add3A_71 = arith.constant 560 : i32
    %add3A_72 = arith.addi %mul3A_2, %add3A_71 : i32
    "tpu.region"() ({
      %run_scoped3A = tpu.sem_alloc : memref<!tpu.dma_semaphore, #tpu.memory_space<semaphore_mem>>
      %dma_start3A_73 = arith.constant 0 : i32
      %dma_start3A_74 = tpu.memref_slice %arg5[%arg0, %add3A_72, %dma_start3A_73] : memref<2x10240x128xf32, #tpu.memory_space<hbm>> -> memref<1x80x128xf32, #tpu.memory_space<hbm>>
      %dma_start3A_75 = tpu.memref_squeeze %dma_start3A_74 : memref<1x80x128xf32, #tpu.memory_space<hbm>> -> memref<80x128xf32, #tpu.memory_space<hbm>>
      %dma_start3A_76 = arith.constant 0 : i32
      %dma_start3A_77 = tpu.memref_slice %arg13[%add3A_72, %dma_start3A_76] : memref<10240x128xf32, #tpu.memory_space<vmem_shared>> -> memref<80x128xf32, #tpu.memory_space<vmem_shared>>
      tpu.enqueue_dma source(%dma_start3A_77 : memref<80x128xf32, #tpu.memory_space<vmem_shared>>) target(%dma_start3A_75 : memref<80x128xf32, #tpu.memory_space<hbm>>) target_semaphore(%run_scoped3A : memref<!tpu.dma_semaphore, #tpu.memory_space<semaphore_mem>>)
      %dma_wait3A_78 = arith.constant 0 : i32
      %dma_wait3A_79 = tpu.memref_slice %arg5[%arg0, %add3A_72, %dma_wait3A_78] : memref<2x10240x128xf32, #tpu.memory_space<hbm>> -> memref<1x80x128xf32, #tpu.memory_space<hbm>>
      %dma_wait3A_80 = tpu.memref_squeeze %dma_wait3A_79 : memref<1x80x128xf32, #tpu.memory_space<hbm>> -> memref<80x128xf32, #tpu.memory_space<hbm>>
      %dma_wait3A_81 = arith.constant 0 : i32
      %dma_wait3A_82 = tpu.memref_slice %arg13[%add3A_72, %dma_wait3A_81] : memref<10240x128xf32, #tpu.memory_space<vmem_shared>> -> memref<80x128xf32, #tpu.memory_space<vmem_shared>>
      tpu.wait_dma2 semaphore(%run_scoped3A : memref<!tpu.dma_semaphore, #tpu.memory_space<semaphore_mem>>) src(%dma_wait3A_82 : memref<80x128xf32, #tpu.memory_space<vmem_shared>>) dst(%dma_wait3A_80 : memref<80x128xf32, #tpu.memory_space<hbm>>)
      tpu.yield
    }) : () -> ()
    return
  }
}

module attributes {stable_mosaic.version = 14 : i64} {
  func.func @body(%arg0: i32, %arg1: memref<2x2000x128xf32, #tpu.memory_space<vmem>>, %arg2: memref<2x2000x8xf32, #tpu.memory_space<vmem>>, %arg3: memref<2000x128xf32, #tpu.memory_space<vmem>>, %arg4: memref<128x128xf32, #tpu.memory_space<vmem>>, %arg5: memref<128x128xf32, #tpu.memory_space<vmem>>, %arg6: memref<1x128xf32, #tpu.memory_space<vmem>>, %arg7: memref<2000x128xf32, #tpu.memory_space<vmem>>) attributes {dimension_semantics = [#tpu.dimension_semantics<arbitrary>], iteration_bounds = array<i64: 5>, scalar_prefetch = 0 : i64, scratch_operands = 0 : i64, tpu.core_type = #tpu.core_type<tc>, window_params = [{transform_indices = @transform_0, window_bounds = array<i64: 2, 2000, 128>}, {transform_indices = @transform_1, window_bounds = array<i64: 2, 2000, 8>}, {transform_indices = @transform_2, window_bounds = array<i64: 2000, 128>}, {pipeline_mode = #tpu.pipeline_mode<synchronous>, transform_indices = @transform_3, window_bounds = array<i64: 128, 128>}, {pipeline_mode = #tpu.pipeline_mode<synchronous>, transform_indices = @transform_4, window_bounds = array<i64: 128, 128>}, {pipeline_mode = #tpu.pipeline_mode<synchronous>, transform_indices = @transform_5, window_bounds = array<i64: 1, 128>}, {transform_indices = @transform_6, window_bounds = array<i64: 2000, 128>}]} {
    %get3A = arith.constant 0 : index
    %get3A_0 = arith.constant 0 : index
    %get3A_1 = arith.constant 0 : index
    %get3A_2 = vector.load %arg1[%get3A, %get3A_0, %get3A_1] : memref<2x2000x128xf32, #tpu.memory_space<vmem>>, vector<1x2000x128xf32>
    %get3A_3 = vector.shape_cast %get3A_2 : vector<1x2000x128xf32> to vector<2000x128xf32>
    %get3A_4 = arith.constant 1 : index
    %get3A_5 = arith.constant 0 : index
    %get3A_6 = arith.constant 0 : index
    %get3A_7 = vector.load %arg1[%get3A_4, %get3A_5, %get3A_6] : memref<2x2000x128xf32, #tpu.memory_space<vmem>>, vector<1x2000x128xf32>
    %get3A_8 = vector.shape_cast %get3A_7 : vector<1x2000x128xf32> to vector<2000x128xf32>
    %add3A = arith.addf %get3A_3, %get3A_8 : vector<2000x128xf32>
    %get3A_9 = arith.constant 0 : index
    %get3A_10 = arith.constant 0 : index
    %get3A_11 = arith.constant 0 : index
    %get3A_12 = vector.load %arg2[%get3A_9, %get3A_10, %get3A_11] : memref<2x2000x8xf32, #tpu.memory_space<vmem>>, vector<1x2000x1xf32>
    %get3A_13 = vector.shape_cast %get3A_12 : vector<1x2000x1xf32> to vector<2000x1xf32>
    %get3A_14 = arith.constant 1 : index
    %get3A_15 = arith.constant 0 : index
    %get3A_16 = arith.constant 0 : index
    %get3A_17 = vector.load %arg2[%get3A_14, %get3A_15, %get3A_16] : memref<2x2000x8xf32, #tpu.memory_space<vmem>>, vector<1x2000x1xf32>
    %get3A_18 = vector.shape_cast %get3A_17 : vector<1x2000x1xf32> to vector<2000x1xf32>
    %add3A_19 = arith.addf %get3A_13, %get3A_18 : vector<2000x1xf32>
    %max3A = arith.constant 1.000000e+00 : f32
    %max3A_20 = vector.broadcast %max3A : f32 to vector<2000x1xf32>
    %max3A_21 = arith.maximumf %add3A_19, %max3A_20 : vector<2000x1xf32>
    %div3A = vector.broadcast %max3A_21 : vector<2000x1xf32> to vector<2000x128xf32>
    %div3A_22 = arith.divf %add3A, %div3A : vector<2000x128xf32>
    %get3A_23 = arith.constant 0 : index
    %get3A_24 = arith.constant 0 : index
    %get3A_25 = vector.load %arg3[%get3A_23, %get3A_24] : memref<2000x128xf32, #tpu.memory_space<vmem>>, vector<2000x128xf32>
    %get3A_26 = arith.constant 0 : index
    %get3A_27 = arith.constant 0 : index
    %get3A_28 = vector.load %arg4[%get3A_26, %get3A_27] : memref<128x128xf32, #tpu.memory_space<vmem>>, vector<128x128xf32>
    %dot_general3A = arith.constant dense<0.000000e+00> : vector<2000x128xf32>
    %dot_general3A_29 = tpu.matmul %get3A_25, %get3A_28, %dot_general3A {dimension_numbers = #tpu.dot_dimension_numbers<[1], [0], [0], [1], [0, 0, 1, 1], [], []>, transpose_lhs_hint = false} : vector<2000x128xf32>, vector<128x128xf32>, vector<2000x128xf32> -> vector<2000x128xf32>
    %get3A_30 = arith.constant 0 : index
    %get3A_31 = arith.constant 0 : index
    %get3A_32 = vector.load %arg5[%get3A_30, %get3A_31] : memref<128x128xf32, #tpu.memory_space<vmem>>, vector<128x128xf32>
    %dot_general3A_33 = arith.constant dense<0.000000e+00> : vector<2000x128xf32>
    %dot_general3A_34 = tpu.matmul %div3A_22, %get3A_32, %dot_general3A_33 {dimension_numbers = #tpu.dot_dimension_numbers<[1], [0], [0], [1], [0, 0, 1, 1], [], []>, transpose_lhs_hint = false} : vector<2000x128xf32>, vector<128x128xf32>, vector<2000x128xf32> -> vector<2000x128xf32>
    %add3A_35 = arith.addf %dot_general3A_29, %dot_general3A_34 : vector<2000x128xf32>
    %get3A_36 = arith.constant 0 : index
    %get3A_37 = arith.constant 0 : index
    %get3A_38 = vector.load %arg6[%get3A_36, %get3A_37] : memref<1x128xf32, #tpu.memory_space<vmem>>, vector<1x128xf32>
    %add3A_39 = vector.broadcast %get3A_38 : vector<1x128xf32> to vector<2000x128xf32>
    %add3A_40 = arith.addf %add3A_35, %add3A_39 : vector<2000x128xf32>
    %max3A_41 = arith.constant 0.000000e+00 : f32
    %max3A_42 = vector.broadcast %max3A_41 : f32 to vector<2000x128xf32>
    %max3A_43 = arith.maximumf %add3A_40, %max3A_42 : vector<2000x128xf32>
    %swap3A = arith.constant 0 : index
    %swap3A_44 = arith.constant 0 : index
    %swap3A_45 = vector.load %arg7[%swap3A, %swap3A_44] : memref<2000x128xf32, #tpu.memory_space<vmem>>, vector<2000x128xf32>
    tpu.vector_store %arg7[%swap3A, %swap3A_44], %max3A_43 {strides = array<i32>} : memref<2000x128xf32, #tpu.memory_space<vmem>>, vector<2000x128xf32>,
    return
  }
  func.func @transform_0(%arg0: i32) -> (i32, i32, i32) {
    %c0_i32 = arith.constant 0 : i32
    %c0_i32_0 = arith.constant 0 : i32
    %c0_i32_1 = arith.constant 0 : i32
    return %c0_i32, %arg0, %c0_i32_0 : i32, i32, i32
  }
  func.func @transform_1(%arg0: i32) -> (i32, i32, i32) {
    %c0_i32 = arith.constant 0 : i32
    %c0_i32_0 = arith.constant 0 : i32
    %c0_i32_1 = arith.constant 0 : i32
    return %c0_i32, %arg0, %c0_i32_0 : i32, i32, i32
  }
  func.func @transform_2(%arg0: i32) -> (i32, i32) {
    %c0_i32 = arith.constant 0 : i32
    %c0_i32_0 = arith.constant 0 : i32
    return %arg0, %c0_i32 : i32, i32
  }
  func.func @transform_3(%arg0: i32) -> (i32, i32) {
    %c0_i32 = arith.constant 0 : i32
    %c0_i32_0 = arith.constant 0 : i32
    %c0_i32_1 = arith.constant 0 : i32
    return %c0_i32, %c0_i32_0 : i32, i32
  }
  func.func @transform_4(%arg0: i32) -> (i32, i32) {
    %c0_i32 = arith.constant 0 : i32
    %c0_i32_0 = arith.constant 0 : i32
    %c0_i32_1 = arith.constant 0 : i32
    return %c0_i32, %c0_i32_0 : i32, i32
  }
  func.func @transform_5(%arg0: i32) -> (i32, i32) {
    %c0_i32 = arith.constant 0 : i32
    %c0_i32_0 = arith.constant 0 : i32
    %c0_i32_1 = arith.constant 0 : i32
    return %c0_i32, %c0_i32_0 : i32, i32
  }
  func.func @transform_6(%arg0: i32) -> (i32, i32) {
    %c0_i32 = arith.constant 0 : i32
    %c0_i32_0 = arith.constant 0 : i32
    return %arg0, %c0_i32 : i32, i32
  }
}

module attributes {stable_mosaic.version = 14 : i64} {
  func.func @body(%arg0: i32, %arg1: memref<2x2000x128xf32, #tpu.memory_space<vmem>>, %arg2: memref<2x2000x8xf32, #tpu.memory_space<vmem>>, %arg3: memref<2000x128xf32, #tpu.memory_space<vmem>>, %arg4: memref<128x128xf32, #tpu.memory_space<vmem>>, %arg5: memref<128x128xf32, #tpu.memory_space<vmem>>, %arg6: memref<1x128xf32, #tpu.memory_space<vmem>>, %arg7: memref<2000x128xf32, #tpu.memory_space<vmem>>) attributes {dimension_semantics = [#tpu.dimension_semantics<arbitrary>], iteration_bounds = array<i64: 5>, scalar_prefetch = 0 : i64, scratch_operands = 0 : i64, tpu.core_type = #tpu.core_type<tc>, window_params = [{transform_indices = @transform_0, window_bounds = array<i64: 2, 2000, 128>}, {transform_indices = @transform_1, window_bounds = array<i64: 2, 2000, 8>}, {transform_indices = @transform_2, window_bounds = array<i64: 2000, 128>}, {pipeline_mode = #tpu.pipeline_mode<synchronous>, transform_indices = @transform_3, window_bounds = array<i64: 128, 128>}, {pipeline_mode = #tpu.pipeline_mode<synchronous>, transform_indices = @transform_4, window_bounds = array<i64: 128, 128>}, {pipeline_mode = #tpu.pipeline_mode<synchronous>, transform_indices = @transform_5, window_bounds = array<i64: 1, 128>}, {transform_indices = @transform_6, window_bounds = array<i64: 2000, 128>}]} {
    %get3A = arith.constant 0 : index
    %get3A_0 = arith.constant 0 : index
    %get3A_1 = arith.constant 0 : index
    %get3A_2 = vector.load %arg1[%get3A, %get3A_0, %get3A_1] : memref<2x2000x128xf32, #tpu.memory_space<vmem>>, vector<1x2000x128xf32>
    %get3A_3 = vector.shape_cast %get3A_2 : vector<1x2000x128xf32> to vector<2000x128xf32>
    %get3A_4 = arith.constant 1 : index
    %get3A_5 = arith.constant 0 : index
    %get3A_6 = arith.constant 0 : index
    %get3A_7 = vector.load %arg1[%get3A_4, %get3A_5, %get3A_6] : memref<2x2000x128xf32, #tpu.memory_space<vmem>>, vector<1x2000x128xf32>
    %get3A_8 = vector.shape_cast %get3A_7 : vector<1x2000x128xf32> to vector<2000x128xf32>
    %add3A = arith.addf %get3A_3, %get3A_8 : vector<2000x128xf32>
    %get3A_9 = arith.constant 0 : index
    %get3A_10 = arith.constant 0 : index
    %get3A_11 = arith.constant 0 : index
    %get3A_12 = vector.load %arg2[%get3A_9, %get3A_10, %get3A_11] : memref<2x2000x8xf32, #tpu.memory_space<vmem>>, vector<1x2000x1xf32>
    %get3A_13 = vector.shape_cast %get3A_12 : vector<1x2000x1xf32> to vector<2000x1xf32>
    %get3A_14 = arith.constant 1 : index
    %get3A_15 = arith.constant 0 : index
    %get3A_16 = arith.constant 0 : index
    %get3A_17 = vector.load %arg2[%get3A_14, %get3A_15, %get3A_16] : memref<2x2000x8xf32, #tpu.memory_space<vmem>>, vector<1x2000x1xf32>
    %get3A_18 = vector.shape_cast %get3A_17 : vector<1x2000x1xf32> to vector<2000x1xf32>
    %add3A_19 = arith.addf %get3A_13, %get3A_18 : vector<2000x1xf32>
    %max3A = arith.constant 1.000000e+00 : f32
    %max3A_20 = vector.broadcast %max3A : f32 to vector<2000x1xf32>
    %max3A_21 = arith.maximumf %add3A_19, %max3A_20 : vector<2000x1xf32>
    %div3A = vector.broadcast %max3A_21 : vector<2000x1xf32> to vector<2000x128xf32>
    %div3A_22 = arith.divf %add3A, %div3A : vector<2000x128xf32>
    %get3A_23 = arith.constant 0 : index
    %get3A_24 = arith.constant 0 : index
    %get3A_25 = vector.load %arg3[%get3A_23, %get3A_24] : memref<2000x128xf32, #tpu.memory_space<vmem>>, vector<2000x128xf32>
    %get3A_26 = arith.constant 0 : index
    %get3A_27 = arith.constant 0 : index
    %get3A_28 = vector.load %arg4[%get3A_26, %get3A_27] : memref<128x128xf32, #tpu.memory_space<vmem>>, vector<128x128xf32>
    %dot_general3A = arith.constant dense<0.000000e+00> : vector<2000x128xf32>
    %dot_general3A_29 = tpu.matmul %get3A_25, %get3A_28, %dot_general3A {dimension_numbers = #tpu.dot_dimension_numbers<[1], [0], [0], [1], [0, 0, 1, 1], [], []>, transpose_lhs_hint = false} : vector<2000x128xf32>, vector<128x128xf32>, vector<2000x128xf32> -> vector<2000x128xf32>
    %get3A_30 = arith.constant 0 : index
    %get3A_31 = arith.constant 0 : index
    %get3A_32 = vector.load %arg5[%get3A_30, %get3A_31] : memref<128x128xf32, #tpu.memory_space<vmem>>, vector<128x128xf32>
    %dot_general3A_33 = arith.constant dense<0.000000e+00> : vector<2000x128xf32>
    %dot_general3A_34 = tpu.matmul %div3A_22, %get3A_32, %dot_general3A_33 {dimension_numbers = #tpu.dot_dimension_numbers<[1], [0], [0], [1], [0, 0, 1, 1], [], []>, transpose_lhs_hint = false} : vector<2000x128xf32>, vector<128x128xf32>, vector<2000x128xf32> -> vector<2000x128xf32>
    %add3A_35 = arith.addf %dot_general3A_29, %dot_general3A_34 : vector<2000x128xf32>
    %get3A_36 = arith.constant 0 : index
    %get3A_37 = arith.constant 0 : index
    %get3A_38 = vector.load %arg6[%get3A_36, %get3A_37] : memref<1x128xf32, #tpu.memory_space<vmem>>, vector<1x128xf32>
    %add3A_39 = vector.broadcast %get3A_38 : vector<1x128xf32> to vector<2000x128xf32>
    %add3A_40 = arith.addf %add3A_35, %add3A_39 : vector<2000x128xf32>
    %swap3A = arith.constant 0 : index
    %swap3A_41 = arith.constant 0 : index
    %swap3A_42 = vector.load %arg7[%swap3A, %swap3A_41] : memref<2000x128xf32, #tpu.memory_space<vmem>>, vector<2000x128xf32>
    tpu.vector_store %arg7[%swap3A, %swap3A_41], %add3A_40 {strides = array<i32>} : memref<2000x128xf32, #tpu.memory_space<vmem>>, vector<2000x128xf32>,
    return
  }
  func.func @transform_0(%arg0: i32) -> (i32, i32, i32) {
    %c0_i32 = arith.constant 0 : i32
    %c0_i32_0 = arith.constant 0 : i32
    %c0_i32_1 = arith.constant 0 : i32
    return %c0_i32, %arg0, %c0_i32_0 : i32, i32, i32
  }
  func.func @transform_1(%arg0: i32) -> (i32, i32, i32) {
    %c0_i32 = arith.constant 0 : i32
    %c0_i32_0 = arith.constant 0 : i32
    %c0_i32_1 = arith.constant 0 : i32
    return %c0_i32, %arg0, %c0_i32_0 : i32, i32, i32
  }
  func.func @transform_2(%arg0: i32) -> (i32, i32) {
    %c0_i32 = arith.constant 0 : i32
    %c0_i32_0 = arith.constant 0 : i32
    return %arg0, %c0_i32 : i32, i32
  }
  func.func @transform_3(%arg0: i32) -> (i32, i32) {
    %c0_i32 = arith.constant 0 : i32
    %c0_i32_0 = arith.constant 0 : i32
    %c0_i32_1 = arith.constant 0 : i32
    return %c0_i32, %c0_i32_0 : i32, i32
  }
  func.func @transform_4(%arg0: i32) -> (i32, i32) {
    %c0_i32 = arith.constant 0 : i32
    %c0_i32_0 = arith.constant 0 : i32
    %c0_i32_1 = arith.constant 0 : i32
    return %c0_i32, %c0_i32_0 : i32, i32
  }
  func.func @transform_5(%arg0: i32) -> (i32, i32) {
    %c0_i32 = arith.constant 0 : i32
    %c0_i32_0 = arith.constant 0 : i32
    %c0_i32_1 = arith.constant 0 : i32
    return %c0_i32, %c0_i32_0 : i32, i32
  }
  func.func @transform_6(%arg0: i32) -> (i32, i32) {
    %c0_i32 = arith.constant 0 : i32
    %c0_i32_0 = arith.constant 0 : i32
    return %arg0, %c0_i32 : i32, i32
  }
}

</mosaic_0001>

<sc_bundles>
// kernel: _run.10.cloned.1.call-start
scs
__scs_entry_jumppad:
0x0: {  	(pc) =	sbr.rel $0x88, $3  }
0x1: {  	(tag) =	ssettag $0x0;
	lr =	simm.s32 $0x1  }
0x2: {  	[smem:$0x3F95] =	sst lr;
	_ =	strace $0xD0000000  }
0x3: {  	_ = 	snop  }
0x4: {  	_ = 	snop  }
0x5: {  	_ = 	snop  }
0x6: {  	_ = 	snop  }
0x7: {  	_ = 	snop  }
__scs_overlays_trampoline_lowered:
0x8: {  	[smem:$0x3FA4] =	sst s0  }
0x9: {  	[smem:$0x3FA5] =	sst s1  }
0xa: {  	[smem:$0x3FA6] =	sst s2  }
0xb: {  	[smem:$0x3FA7] =	sst s3  }
0xc: {  	[smem:$0x3FA8] =	sst s4  }
0xd: {  	[smem:$0x3FA9] =	sst s5  }
0xe: {  	[smem:$0x3FAA] =	sst s6  }
0xf: {  	[smem:$0x3FAB] =	sst s7  }
0x10: {  	[smem:$0x3FAC] =	sst s8  }
0x11: {  	[smem:$0x3FAD] =	sst s9;
	s0 =	simm.s32 @!p0 $0x0  }
0x12: {  	s1 =	sld [smem:$0x3F93];
	s0 =	simm.s32 @p0 $0x1  }
0x13: {  	[smem:$0x3FAE] =	sst s0;
	s0 =	simm.s32 @!p1 $0x0  }
0x14: {  	s2 =	sld [smem:$0x3F92];
	s0 =	simm.s32 @p1 $0x1  }
0x15: {  	[smem:$0x3FAF] =	sst s0;
	s0 =	simm.s32 @!p2 $0x0  }
0x16: {  	s3 =	sld [smem:$0x3FDB];
	s0 =	simm.s32 @p2 $0x1  }
0x17: {  	s4 =	simm.s32 $0x1BF5;
	[smem:$0x3FB1] =	sst s0  }
0x18: {  	s0 =	sld [smem:$0x3F94];
	_ =	swait.ge [sflag:s4], $0x0  }
0x19: {  	s7 =	sld [smem:$0x3F95]  }
0x1a: {  	s8 =	sadd.s32 $0xFFFFE003, lr  }
0x1b: {  	s9 =	sadd.s32 $0xFFFFFEF7, lr;
	s5 =	simm.s32 $0xFFFFFFFF;
	p2 =	slt.u32 s8, $0xFFFFF086  }
0x1c: {  	p1 =	slt.u32 s9, $0xF7A;
	s5 =	simm.s32 @!p2 $0x0  }
0x1d: {  	s5 =	simm.s32 @p1 $0x1;
	p0 =	seq.s32 s7, s2  }
0x1e: {  	s7 =	smul.u32 @!p0 $0xF7A, s2;
	p2 =	seq.s32 @!p0 s5, $0x0  }
0x1f: {  	s9 =	smul.u32 $0xF7A, s1;
	s8 =	simm.s32 @!p0 $0x1BF5;
	p2 =	por !p2, p0  }
0x20: {  	[sflag:s8] =	ssyncset.s32 @!p0 $0xFFFFF086;
	s6 =	sadd.s32 @!p0 s3, s7;
	s7 =	simm.s32 @!p0 $0x108  }
0x21: {  	s3 =	sadd.s32 s3, s9;
	s6 =	sadd.s32 @!p0 $0x88, s6;
	s7 =	simm.s32 @p2 $0x1082  }
0x22: {  	[simem:s7], [sflag:s8] =	dma.local @!p0 [hbm:s6], $0xF7A  }
0x23: {  	s9 =	sor.u32 $0xD0000000, s2;
	s6 =	simm.s32 $0x108;
	_ =	swait.ge @!p0 [sflag:s8], $0x0  }
0x24: {  	s3 =	sadd.s32 $0x88, s3;
	s6 =	simm.s32 @!p1 $0x1082;
	[sflag:s4] =	ssyncset.s32 $0xFFFFF086  }
0x25: {  	[simem:s6], [sflag:s4] =	dma.local [hbm:s3], $0xF7A  }
0x26: {  	[smem:$0x3F95] =	sst s1;
	(tag) =	ssettag s2;
	_ =	strace s9  }
0x27: {  	s1 =	sld [smem:$0x3FA5]  }
0x28: {  	s2 =	sld [smem:$0x3FA6]  }
0x29: {  	s4 =	sld [smem:$0x3FA8]  }
0x2a: {  	p0 =	seq.s32 s5, $0x0;
	s5 =	sld [smem:$0x3FA9]  }
0x2b: {  	s6 =	sld [smem:$0x3FAA]  }
0x2c: {  	s7 =	sld [smem:$0x3FAB]  }
0x2d: {  	s3 =	simm.s32 $0x108;
	s8 =	sld [smem:$0x3FAC]  }
0x2e: {  	s3 =	simm.s32 @!p0 $0x1082;
	s9 =	sld [smem:$0x3FAD]  }
0x2f: {  	lr =	sadd.s32 s0, s3;
	s0 =	sld [smem:$0x3FA4]  }
0x30: {  	s3 =	sld [smem:$0x3FA7]  }
0x31: {  	[smem:$0x3FB0] =	sst s10  }
0x32: {  	s10 =	sld [smem:$0x3FAE];
	_ =	sdelay $0x3  }
0x33: {  	p0 =	seq.s32 s10, $0x1;
	s10 =	sld [smem:$0x3FB0];
	_ =	sdelay $0x3  }
0x34: {  	[smem:$0x3FB0] =	sst s10  }
0x35: {  	s10 =	sld [smem:$0x3FAF];
	_ =	sdelay $0x3  }
0x36: {  	p1 =	seq.s32 s10, $0x1;
	s10 =	sld [smem:$0x3FB0];
	_ =	sdelay $0x3  }
0x37: {  	[smem:$0x3FB0] =	sst s10  }
0x38: {  	s10 =	sld [smem:$0x3FB1]  }
0x39: {  	_ = 	snop;
	(pc) =	sbr.ind lr, $3  }
0x3a: {  	_ = 	snop  }
0x3b: {  	_ = 	snop  }
0x3c: {  	p2 =	seq.s32 s10, $0x1;
	s10 =	sld [smem:$0x3FB0]  }
0x3d: {  	_ =	shalt  }
0x3e: {  	_ =	shalt  }
0x3f: {  	_ =	shalt  }
0x40: {  	_ =	shalt  }
0x41: {  	_ =	shalt  }
0x42: {  	_ =	shalt  }
0x43: {  	_ =	shalt  }
0x44: {  	_ =	shalt  }
0x45: {  	_ =	shalt  }
0x46: {  	_ =	shalt  }
0x47: {  	_ =	shalt  }
0x48: {  	_ =	shalt  }
0x49: {  	_ =	shalt  }
0x4a: {  	_ =	shalt  }
0x4b: {  	_ =	shalt  }
0x4c: {  	_ =	shalt  }
0x4d: {  	_ =	shalt  }
0x4e: {  	_ =	shalt  }
0x4f: {  	_ =	shalt  }
0x50: {  	_ =	shalt  }
0x51: {  	_ =	shalt  }
0x52: {  	_ =	shalt  }
0x53: {  	_ =	shalt  }
0x54: {  	_ =	shalt  }
0x55: {  	_ =	shalt  }
0x56: {  	_ =	shalt  }
0x57: {  	_ =	shalt  }
0x58: {  	_ =	shalt  }
0x59: {  	_ =	shalt  }
0x5a: {  	_ =	shalt  }
0x5b: {  	_ =	shalt  }
0x5c: {  	_ =	shalt  }
0x5d: {  	_ =	shalt  }
0x5e: {  	_ =	shalt  }
0x5f: {  	_ =	shalt  }
0x60: {  	_ =	shalt  }
0x61: {  	_ =	shalt  }
0x62: {  	_ =	shalt  }
0x63: {  	_ =	shalt  }
0x64: {  	_ =	shalt  }
0x65: {  	_ =	shalt  }
0x66: {  	_ =	shalt  }
0x67: {  	_ =	shalt  }
0x68: {  	_ =	shalt  }
0x69: {  	_ =	shalt  }
0x6a: {  	_ =	shalt  }
0x6b: {  	_ =	shalt  }
0x6c: {  	_ =	shalt  }
0x6d: {  	_ =	shalt  }
0x6e: {  	_ =	shalt  }
0x6f: {  	_ =	shalt  }
0x70: {  	_ =	shalt  }
0x71: {  	_ =	shalt  }
0x72: {  	_ =	shalt  }
0x73: {  	_ =	shalt  }
0x74: {  	_ =	shalt  }
0x75: {  	_ =	shalt  }
0x76: {  	_ =	shalt  }
0x77: {  	_ =	shalt  }
0x78: {  	_ =	shalt  }
0x79: {  	_ =	shalt  }
0x7a: {  	_ =	shalt  }
0x7b: {  	_ =	shalt  }
0x7c: {  	_ =	shalt  }
0x7d: {  	_ =	shalt  }
0x7e: {  	_ =	shalt  }
0x7f: {  	_ =	shalt  }
0x80: {  	_ =	shalt  }
0x81: {  	_ =	shalt  }
0x82: {  	_ =	shalt  }
0x83: {  	_ =	shalt  }
0x84: {  	_ =	shalt  }
0x85: {  	_ =	shalt  }
0x86: {  	_ =	shalt  }
0x87: {  	_ =	shalt  }
.Lfunc_end0:
.L_simem_size_0:
called_computation.1_lowered:
.L_overlay_start_0:
0x88: {  	s2 =	sld [smem:$0x3FD9]  }
0x89: {  	s3 =	sld [smem:$0x3FFE];
	_ =	sdelay $0x1  }
0x8a: {  	s1 =	srdreg.scid  }
0x8b: {  	s0 =	sand.u32 $0x1, s1  }
0x8c: {  	s17 =	sshll.u32 s0, $0xA;
	s2 =	sadd.s32 s3, s2  }
0x8d: {  	s2 =	sadd.s32 s2, s17  }
0x8e: {  	[smem:$0x3FBC] =	sst s2  }
0x8f: {  	_ = 	snop  }
0x90: {  	s2 =	sld [smem:$0x3FC4]  }
0x91: {  	s18 =	sld [smem:$0x3FD0];
	(tm) =	ssettm $0x1  }
0x92: {  	s4 =	sld [smem:$0x3FFB];
	_ =	sdelay $0x3  }
0x93: {  	_ =	strace s4  }
0x94: {  	s4 =	sld [smem:$0x3FFC];
	_ =	sdelay $0x3  }
0x95: {  	_ =	strace s4  }
0x96: {  	s4 =	sld [smem:$0x3FFD];
	_ =	sdelay $0x3  }
0x97: {  	_ =	strace s4  }
0x98: {  	_ =	strace $0x8FFFFFFF  }
0x99: {  	s19 =	sld [smem:$0x3FDB];
	_ =	sdelay $0x1  }
0x9a: {  	s5 =	simm.s32 $_scs_section_size  }
0x9b: {  	s6 =	simm.s32 $_size__tile_overlayer_lowered;
	s7 =	simm.s32 $_tile_overlayer_lowered  }
0x9c: {  	s22 =	simm.s32 $0x1BFF;
	s21 =	sshll.u32 s7, $0x1;
	s4 =	sadd.s32 s5, s19  }
0x9d: {  	s8 =	simm.s32 $0x0;
	s20 =	sshll.u32 s6, $0x1;
	s6 =	sadd.s32 s21, s4  }
0x9e: {  	[timem:s8], [sflag:s22] =	dma.local [hbm:s6], s20  }
0x9f: {  	_ =	swait.ge [sflag:s22], s20  }
0xa0: {  	s5 =	ssub.s32 $0x0, s20;
	[sflag:s22] =	ssyncset.done $0x0  }
0xa1: {  	[sflag:s22] =	ssyncadd.s32 s5;
	_ =	sdelay $0x1  }
0xa2: {  	s23 =	simm.s32 $0x1B8B  }
0xa3: {  	_ =	swait.ge [sflag:s23], $0x1  }
0xa4: {  	[sflag:s23] =	ssyncset.done $0x0  }
0xa5: {  	s25 =	simm.s32 $0x1B8E;
	s24 =	sld [smem:$0x3FFE];
	[sflag:s23] =	ssyncadd.s32 $0xFFFFFFFF  }
0xa6: {  	s26 =	simm.s32 $execute0_lowered;
	[smem:$0x3FD2] =	sst s25  }
0xa7: {  	s6 =	sshll.u32 s26, $0x1;
	_ =	strace $0x80000049;
	[dreg:$0x1] =	wrdreg $0xFFFFFFFF  }
0xa8: {  	s28 =	simm.s32 $_size_execute0_lowered;
	s4 =	sadd.s32 s4, s6;
	[dreg:$0x0] =	wrdreg $0x0  }
0xa9: {  	s6 =	sshll.u32 s28, $0x1;
	[dreg:$0x2] =	wrdreg s4  }
0xaa: {  	[dreg:$0x3] =	wrdreg s6  }
0xab: {  	[dreg:$0x4] =	wrdreg $0xC0  }
0xac: {  	_ =	task [dreg:s8], $0x5FFFF  }
0xad: {  	[dreg:$0x1] =	wrdreg $0xFFFFFFFF  }
0xae: {  	[dreg:$0x0] =	wrdreg $0x60  }
0xaf: {  	[dreg:$0x2] =	wrdreg s18  }
0xb0: {  	[dreg:$0x3] =	wrdreg s2  }
0xb1: {  	[dreg:$0x4] =	wrdreg s24  }
0xb2: {  	[dreg:$0x5] =	wrdreg $0xA4000  }
0xb3: {  	[dreg:$0x6] =	wrdreg $0xA5000  }
0xb4: {  	[dreg:$0x7] =	wrdreg $0x9  }
0xb5: {  	_ =	task.clear_ibuf [dreg:s8], $0x8FFFF;
	_ =	strace $0x90000049  }
0xb6: {  	s29 =	simm.s32 $0x9;
	_ =	strace $0x8000004B  }
0xb7: {  	_ =	swait.ge [sflag:s29], $0x1  }
0xb8: {  	[sflag:s29] =	ssyncadd.s32 $0xFFFFFFFF  }
0xb9: {  	_ =	strace $0x9000004B  }
0xba: {  	_ =	sfence  }
0xbb: {  	s30 =	sld [smem:$0x0];
	_ =	sdelay $0x2  }
0xbc: {  	s31 =	sshll.u32 s1, $0xD;
	s1 =	sshrl.u32 s1, $0x2  }
0xbd: {  	s3 =	sand.u32 $0x4000, s31;
	s1 =	sadd.s32 s1, s30  }
0xbe: {  	s0 =	sor.u32 s3, s0;
	s1 =	sshll.u32 s1, $0x11  }
0xbf: {  	s0 =	sor.u32 s1, s0  }
0xc0: {  	s0 =	sadd.s32 $0x8F2B, s0  }
0xc1: {  	[sflag:s0] =	ssyncadd.remote.s32 $0x1  }
0xc2: {  	_ =	sfence.sel $0xFFFF  }
0xc3: {  	[dreg:$0x0] =	wrdreg $0xFFFFFFFF;
	(pc) =	sbr.abs _section_cstart, $3  }
0xc4: {  	[dreg:$0x1] =	wrdreg $0xFFFFFFFF  }
0xc5: {  	_ =	task.clear_ibuf [dreg:s8], $0x2FFFF;
	_ =	strace $0x9FFFFFFF  }
0xc6: {  	(tm) =	ssettm $0x7FFFFFFF  }
0xc7: {  	_ =	shalt  }
tec
execute0_lowered:
.L_overlay_start_1:
0x0: {  	(tag) =	ssettag $0x1  }
0x1: {  	s0 =	rddreg [dreg:$0x0]  }
0x2: {  	s1 =	rddreg [dreg:$0x2]  }
0x3: {  	s2 =	rddreg [dreg:$0x3]  }
0x4: {  	s3 =	rddreg [dreg:$0x4]  }
0x5: {  	s4 =	simm.s32 $0x0;
	s5 =	srdreg.scid;
	s24 =	stileid.u32  }
0x6: {  	s29 =	simm.s32 $0x400;
	s30 =	simm.s32 $0x7;
	s31 =	simm.s32 $0x50  }
0x7: {  	[smem:$0x7FF] =	sst s4;
	s5 =	sand.u32 $0x1, s5;
	s9 =	smul.u32 $0x14000, s24  }
0x8: {  	s10 =	sadd.s32 $0xC1A00, s1;
	p0 =	sne.s32 s24, $0x0;
	s6 =	sshll.u32 s5, $0x4  }
0x9: {  	s7 =	ssub.s32 $0x2, s5;
	s5 =	smul.u32 $0x140000, s5;
	s6 =	sor.u32 s24, s6  }
0xa: {  	s8 =	sshrl.u32 s7, $0x1;
	s11 =	sor.u32 $0x2800, s9;
	s12 =	sadd.s32 $0x5000, s9  }
0xb: {  	s13 =	sadd.s32 $0x7800, s9;
	s14 =	sadd.s32 $0xA000, s9;
	s16 =	sadd.s32 $0xC800, s9  }
0xc: {  	s17 =	sadd.s32 $0xF000, s9;
	s7 =	ssub.s32 s7, s8;
	s8 =	smul.u32 $0x50000, s24  }
0xd: {  	s15 =	sadd.s32 s9, s5;
	s9 =	sadd.s32 $0x11800, s9;
	s23 =	sadd.s32 s5, s11  }
0xe: {  	s18 =	sadd.s32 s5, s12;
	s19 =	sadd.s32 s5, s13;
	s20 =	sadd.s32 s5, s16  }
0xf: {  	s21 =	sadd.s32 s5, s17;
	s15 =	sshrl.u32 s15, $0x3;
	s25 =	sshrl.u32 s18, $0x3  }
0x10: {  	s26 =	sshrl.u32 s19, $0x3;
	s19 =	sadd.s32 s5, s14;
	s22 =	sshrl.u32 s20, $0x3  }
0x11: {  	s5 =	sadd.s32 s5, s9;
	s20 =	sadd.s32 s13, s3;
	s13 =	simm.s32 $0x5  }
0x12: {  	s15 =	sadd.s32 s10, s15;
	s18 =	sadd.s32 s10, s26;
	s5 =	sshrl.u32 s5, $0x3  }
0x13: {  	s26 =	smul.u32 $0x1F80, s6;
	s8 =	sshrl.u32 s8, $0x2;
	[dreg:$0x6] =	wrdreg s15  }
0x14: {  	s15 =	sshrl.u32 s23, $0x3;
	[dreg:$0x9] =	wrdreg s18;
	s23 =	sshrl.u32 s21, $0x3  }
0x15: {  	s5 =	sadd.s32 s10, s5;
	s18 =	sadd.s32 s8, s3;
	s21 =	sadd.s32 s14, s3  }
0x16: {  	s8 =	simm.s32 $0x7C00;
	s15 =	sadd.s32 s10, s15;
	[dreg:$0xd] =	wrdreg s5  }
0x17: {  	s14 =	simm.s32 $0x280;
	[dreg:$0x7] =	wrdreg s15;
	s15 =	sadd.s32 s10, s25  }
0x18: {  	s25 =	sadd.s32 s10, s23;
	[dreg:$0x8] =	wrdreg s15;
	s15 =	sshrl.u32 s19, $0x3  }
0x19: {  	s5 =	simm.s32 $0x200;
	[dreg:$0xc] =	wrdreg s25;
	s15 =	sadd.s32 s10, s15  }
0x1a: {  	s23 =	sadd.s32 s17, s3;
	[dreg:$0xa] =	wrdreg s15;
	s15 =	sadd.s32 s10, s22  }
0x1b: {  	s19 =	sadd.s32 s11, s3;
	[dreg:$0xb] =	wrdreg s15;
	s15 =	sadd.s32 s12, s3  }
0x1c: {  	s11 =	simm.s32 $0x1;
	_ =	strace $0x8000004A;
	[dreg:$0xe] =	wrdreg s15  }
0x1d: {  	s10 =	sadd.s32 s26, s1;
	s22 =	sadd.s32 s16, s3;
	[dreg:$0xf] =	wrdreg s20  }
0x1e: {  	s26 =	smax.u32 s7, $0x1;
	s7 =	simm.s32 $0x300;
	[dreg:$0x10] =	wrdreg s21  }
0x1f: {  	s25 =	sadd.s32 $0x2A00, s10;
	s10 =	simm.s32 $0x2;
	[dreg:$0x11] =	wrdreg s22  }
0x20: {  	s12 =	simm.s32 $0x4;
	[dreg:$0x12] =	wrdreg s23;
	s22 =	smul.u32 $0x7E, s6  }
0x21: {  	s23 =	sadd.s32 s9, s3;
	[dreg:$0x13] =	wrdreg s25;
	s25 =	sadd.s32 $0x2A40, s1  }
0x22: {  	[dreg:$0x14] =	wrdreg s26;
	s1 =	simm.s32 $0x3;
	s6 =	simm.s32 $0x2C00  }
0x23: {  	v0 =	vimm.f32 $0.0e+00;
	s9 =	simm.s32 $0x80;
	s26 =	simm.s32 $0x0;
	s28 =	sor.u32 $0x1, s22  }
.LBB2_1:
0x24: {  	s15 =	simm.s32 $0x0;
	s16 =	simm.s32 $0x200  }
.LBB2_2:
0x25: {  	p1 =	sne.s32 s16, $0x9E00;
	[tilespmem:s15+$0x470] =	vst v0  }
0x26: {  	[tilespmem:s15+$0x400] =	vst v0  }
0x27: {  	[tilespmem:s15+$0x410] =	vst v0  }
.Ltmp0:
0x28: {  	[tilespmem:s15+$0x420] =	vst v0;
	(pc) =	sbr.rel @p1 .LBB2_2-.Ltmp0, $4  }
0x29: {  	[tilespmem:s15+$0x430] =	vst v0  }
0x2a: {  	[tilespmem:s15+$0x440] =	vst v0  }
0x2b: {  	[tilespmem:s15+$0x450] =	vst v0  }
0x2c: {  	[tilespmem:s15+$0x460] =	vst v0;
	s15 =	sshra.s32 s16, $0x2;
	s16 =	sadd.s32 $0x200, s16  }
0x2d: {  	[tilespmem:s15+$0x470] =	vst v0  }
0x2e: {  	[tilespmem:s15+$0x400] =	vst v0  }
0x2f: {  	[tilespmem:s15+$0x410] =	vst v0  }
0x30: {  	[tilespmem:s15+$0x420] =	vst v0  }
0x31: {  	[tilespmem:s15+$0x430] =	vst v0  }
0x32: {  	[tilespmem:s15+$0x440] =	vst v0  }
0x33: {  	[tilespmem:s15+$0x450] =	vst v0  }
0x34: {  	[tilespmem:s15+$0x460] =	vst v0  }
0x35: {  	[spmem:s18] =	stream.linear.scatter [tilespmem:s29], [sflag:$0x7], $0x2800, $0x38;
	[tilespmem:$0x1E500] =	vst v63  }
0x36: {  	_ =	swait.ge [sflag:s30], $0x2800  }
0x37: {  	[sflag:s30] =	ssyncset.done $0x0  }
0x38: {  	[sflag:s30] =	ssyncadd.s32 $0xFFFFD800  }
0x39: {  	[spmem:s19] =	stream.linear.scatter [tilespmem:s29], [sflag:$0x7], $0x2800, $0x38;
	[tilespmem:$0x1E500] =	vst v63  }
0x3a: {  	_ =	swait.ge [sflag:s30], $0x2800  }
0x3b: {  	[sflag:s30] =	ssyncset.done $0x0  }
0x3c: {  	s17 =	rddreg [dreg:$0xe];
	[sflag:s30] =	ssyncadd.s32 $0xFFFFD800  }
0x3d: {  	[spmem:s17] =	stream.linear.scatter [tilespmem:s29], [sflag:$0x7], $0x2800, $0x38;
	[tilespmem:$0x1E500] =	vst v63  }
0x3e: {  	_ =	swait.ge [sflag:s30], $0x2800  }
0x3f: {  	[sflag:s30] =	ssyncset.done $0x0  }
0x40: {  	s20 =	smov.u32 s18;
	s18 =	rddreg [dreg:$0xf];
	[sflag:s30] =	ssyncadd.s32 $0xFFFFD800  }
0x41: {  	[spmem:s18] =	stream.linear.scatter [tilespmem:s29], [sflag:$0x7], $0x2800, $0x38;
	[tilespmem:$0x1E500] =	vst v63  }
0x42: {  	_ =	swait.ge [sflag:s30], $0x2800  }
0x43: {  	[sflag:s30] =	ssyncset.done $0x0  }
0x44: {  	s21 =	smov.u32 s19;
	s19 =	rddreg [dreg:$0x10];
	[sflag:s30] =	ssyncadd.s32 $0xFFFFD800  }
0x45: {  	[spmem:s19] =	stream.linear.scatter [tilespmem:s29], [sflag:$0x7], $0x2800, $0x38;
	[tilespmem:$0x1E500] =	vst v63  }
0x46: {  	_ =	swait.ge [sflag:s30], $0x2800  }
0x47: {  	[sflag:s30] =	ssyncset.done $0x0  }
0x48: {  	s24 =	rddreg [dreg:$0x11];
	[sflag:s30] =	ssyncadd.s32 $0xFFFFD800  }
0x49: {  	[spmem:s24] =	stream.linear.scatter [tilespmem:s29], [sflag:$0x7], $0x2800, $0x38;
	[tilespmem:$0x1E500] =	vst v63  }
0x4a: {  	_ =	swait.ge [sflag:s30], $0x2800  }
0x4b: {  	[sflag:s30] =	ssyncset.done $0x0  }
0x4c: {  	s16 =	rddreg [dreg:$0x12];
	[sflag:s30] =	ssyncadd.s32 $0xFFFFD800  }
0x4d: {  	[spmem:s16] =	stream.linear.scatter [tilespmem:s29], [sflag:$0x7], $0x2800, $0x38;
	[tilespmem:$0x1E500] =	vst v63  }
0x4e: {  	_ =	swait.ge [sflag:s30], $0x2800  }
0x4f: {  	[sflag:s30] =	ssyncset.done $0x0  }
0x50: {  	[sflag:s30] =	ssyncadd.s32 $0xFFFFD800  }
0x51: {  	[spmem:s23] =	stream.linear.scatter [tilespmem:s29], [sflag:$0x7], $0x2800, $0x38;
	[tilespmem:$0x1E500] =	vst v63  }
0x52: {  	_ =	swait.ge [sflag:s30], $0x2800  }
0x53: {  	[sflag:s30] =	ssyncset.done $0x0  }
0x54: {  	[sflag:s30] =	ssyncadd.s32 $0xFFFFD800  }
0x55: {  	s15 =	sshrl.u32 @!p0 s2, $0x3;
	s16 =	simm.s32 @!p0 $0x1C07;
	s17 =	rddreg [dreg:$0x1]  }
0x56: {  	[spmem:s15], [sflag:s16] =	dma.local @!p0 [hbm:s17], $0x200  }
0x57: {  	s15 =	simm.s32 @!p0 $0x7  }
0x58: {  	_ =	swait.ge @!p0 [sflag:s15], $0x200  }
0x59: {  	[sflag:s15] =	ssyncset.done @!p0 $0x0  }
0x5a: {  	[sflag:s15] =	ssyncadd.s32 @!p0 $0xFFFFFE00  }
0x5b: {  	[bflag:$0x0] =	sbarrier.arrive $0xFFFF  }
0x5c: {  	s24 =	simm.s32 $0x0;
	s17 =	rddreg [dreg:$0x13]  }
0x5d: {  	[tilespmem:s24], [sflag:$0x7] =	stream.linear.gather [hbm4b:s17+s24], $0x180, $0x38;
	[tilespmem:$0x1E500] =	vst v63  }
0x5e: {  	_ =	swait.ge [sflag:s30], $0x180  }
0x5f: {  	[sflag:s30] =	ssyncset.done $0x0  }
0x60: {  	[sflag:s30] =	ssyncadd.s32 $0xFFFFFE80  }
0x61: {  	[tilespmem:s29], [sflag:$0x1] =	stream.indirect.gather [hbm4b:s0+s31], $0x80, s24, s31, $0xb8;
	[tilespmem:$0x1E500] =	vst v63  }
0x62: {  	s18 =	simm.s32 $0x100;
	s19 =	simm.s32 $0x5400  }
0x63: {  	[tilespmem:s19], [sflag:$0x3] =	stream.indirect.gather [spmem:s2], $0x80, s18, s31, $0xb8;
	[tilespmem:$0x1E500] =	vst v63  }
.LBB2_4:
0x64: {  	_ =	swait.ge [sflag:s11], $0x2800  }
0x65: {  	[sflag:s11] =	ssyncset.done $0x0  }
0x66: {  	[sflag:s11] =	ssyncadd.s32 $0xFFFFD800  }
0x67: {  	_ =	swait.ge [sflag:s1], $0x2800  }
0x68: {  	p1 =	seq.s32 s24, $0x0;
	[sflag:s1] =	ssyncset.done $0x0  }
0x69: {  	s15 =	sshll.u32 s24, $0x1;
	s16 =	simm.s32 @!p1 $0x6;
	[sflag:s1] =	ssyncadd.s32 $0xFFFFD800  }
0x6a: {  	s17 =	sadd.s32 s22, s15;
	_ =	swait.ge @!p1 [sflag:s16], $0x2800  }
0x6b: {  	s17 =	sshll.u32 s17, $0x6;
	[sflag:s16] =	ssyncset.done @!p1 $0x0  }
0x6c: {  	s19 =	sadd.s32 s17, s25;
	[sflag:s16] =	ssyncadd.s32 @!p1 $0xFFFFD800  }
0x6d: {  	[tilespmem:s5], [sflag:$0x7] =	stream.linear.gather [hbm4b:s19+s4], $0x180, $0x38;
	[tilespmem:$0x1E500] =	vst v63  }
0x6e: {  	_ =	swait.ge [sflag:s30], $0x180  }
0x6f: {  	[sflag:s30] =	ssyncset.done $0x0  }
0x70: {  	[sflag:s30] =	ssyncadd.s32 $0xFFFFFE80  }
0x71: {  	[tilespmem:s6], [sflag:$0x2] =	stream.indirect.gather [hbm4b:s0+s31], $0x80, s5, s31, $0xb8;
	[tilespmem:$0x1E500] =	vst v63  }
0x72: {  	s16 =	simm.s32 $0x500  }
0x73: {  	[tilespmem:s8], [sflag:$0x4] =	stream.indirect.gather [spmem:s2], $0x80, s7, s31, $0xb8;
	[tilespmem:$0x1E500] =	vst v63  }
0x74: {  	s17 =	simm.s32 $0x5500;
	v1 =	vld [tilespmem:s16+$0x80]  }
0x75: {  	v2 =	vld [tilespmem:s17+$0x80]  }
0x76: {  	v3 =	vld [tilespmem:s16+$0xFFFFFF80]  }
0x77: {  	v4 =	vld [tilespmem:s17+$0xFFFFFF80]  }
0x78: {  	v5 =	vld [tilespmem:s16+$0x0]  }
0x79: {  	v6 =	vld [tilespmem:s17+$0x0]  }
0x7a: {  	v7 =	vld [tilespmem:s16+$0xFFFFFF00];
	v1 =	vmul.f32 v2, v1  }
0x7b: {  	v2 =	vld [tilespmem:s17+$0xFFFFFF00]  }
0x7c: {  	[tilespmem:s16+$0x80] =	vst v1;
	v1 =	vld [tilespmem:s16+$0x90]  }
0x7d: {  	v3 =	vmul.f32 v4, v3;
	v4 =	vld [tilespmem:s17+$0x90]  }
0x7e: {  	v8 =	vld [tilespmem:s16+$0xFFFFFF10]  }
0x7f: {  	[tilespmem:s16+$0xFFFFFF80] =	vst v3;
	v3 =	vmul.f32 v6, v5;
	v5 =	vld [tilespmem:s16+$0xFFFFFF90]  }
0x80: {  	v6 =	vld [tilespmem:s17+$0xFFFFFF90];
	v2 =	vmul.f32 v2, v7  }
0x81: {  	[tilespmem:s16+$0x0] =	vst v3;
	v3 =	vld [tilespmem:s16+$0x10]  }
0x82: {  	v7 =	vld [tilespmem:s17+$0x10];
	[tilespmem:s16+$0xFFFFFF00] =	vst v2;
	v1 =	vmul.f32 v4, v1  }
0x83: {  	v2 =	vld [tilespmem:s17+$0xFFFFFF10]  }
0x84: {  	[tilespmem:s16+$0x90] =	vst v1;
	v1 =	vld [tilespmem:s16+$0xA0]  }
0x85: {  	v4 =	vmul.f32 v6, v5;
	v5 =	vld [tilespmem:s17+$0xA0]  }
0x86: {  	v6 =	vld [tilespmem:s16+$0xFFFFFF20]  }
0x87: {  	[tilespmem:s16+$0xFFFFFF90] =	vst v4;
	v3 =	vmul.f32 v7, v3;
	v4 =	vld [tilespmem:s16+$0xFFFFFFA0]  }
0x88: {  	v7 =	vld [tilespmem:s17+$0xFFFFFFA0];
	v2 =	vmul.f32 v2, v8  }
0x89: {  	[tilespmem:s16+$0x10] =	vst v3;
	v3 =	vld [tilespmem:s16+$0x20]  }
0x8a: {  	v8 =	vld [tilespmem:s17+$0x20];
	[tilespmem:s16+$0xFFFFFF10] =	vst v2;
	v1 =	vmul.f32 v5, v1  }
0x8b: {  	v2 =	vld [tilespmem:s17+$0xFFFFFF20]  }
0x8c: {  	[tilespmem:s16+$0xA0] =	vst v1;
	v1 =	vld [tilespmem:s16+$0xB0]  }
0x8d: {  	v4 =	vmul.f32 v7, v4;
	v5 =	vld [tilespmem:s17+$0xB0]  }
0x8e: {  	v7 =	vld [tilespmem:s16+$0xFFFFFF30]  }
0x8f: {  	[tilespmem:s16+$0xFFFFFFA0] =	vst v4;
	v3 =	vmul.f32 v8, v3;
	v4 =	vld [tilespmem:s16+$0xFFFFFFB0]  }
0x90: {  	v8 =	vld [tilespmem:s17+$0xFFFFFFB0];
	v2 =	vmul.f32 v2, v6  }
0x91: {  	[tilespmem:s16+$0x20] =	vst v3;
	v3 =	vld [tilespmem:s16+$0x30]  }
0x92: {  	v6 =	vld [tilespmem:s17+$0x30];
	[tilespmem:s16+$0xFFFFFF20] =	vst v2;
	v1 =	vmul.f32 v5, v1  }
0x93: {  	v2 =	vld [tilespmem:s17+$0xFFFFFF30]  }
0x94: {  	[tilespmem:s16+$0xB0] =	vst v1;
	v1 =	vld [tilespmem:s16+$0xC0]  }
0x95: {  	v4 =	vmul.f32 v8, v4;
	v5 =	vld [tilespmem:s17+$0xC0]  }
0x96: {  	v8 =	vld [tilespmem:s16+$0xFFFFFF40]  }
0x97: {  	[tilespmem:s16+$0xFFFFFFB0] =	vst v4;
	v3 =	vmul.f32 v6, v3;
	v4 =	vld [tilespmem:s16+$0xFFFFFFC0]  }
0x98: {  	v6 =	vld [tilespmem:s17+$0xFFFFFFC0];
	v2 =	vmul.f32 v2, v7  }
0x99: {  	[tilespmem:s16+$0x30] =	vst v3;
	v3 =	vld [tilespmem:s16+$0x40]  }
0x9a: {  	v7 =	vld [tilespmem:s17+$0x40];
	[tilespmem:s16+$0xFFFFFF30] =	vst v2;
	v1 =	vmul.f32 v5, v1  }
0x9b: {  	v2 =	vld [tilespmem:s17+$0xFFFFFF40]  }
0x9c: {  	[tilespmem:s16+$0xC0] =	vst v1;
	v1 =	vld [tilespmem:s16+$0xD0]  }
0x9d: {  	v4 =	vmul.f32 v6, v4;
	v5 =	vld [tilespmem:s17+$0xD0]  }
0x9e: {  	v6 =	vld [tilespmem:s16+$0xFFFFFF50]  }
0x9f: {  	[tilespmem:s16+$0xFFFFFFC0] =	vst v4;
	v3 =	vmul.f32 v7, v3;
	v4 =	vld [tilespmem:s16+$0xFFFFFFD0]  }
0xa0: {  	v7 =	vld [tilespmem:s17+$0xFFFFFFD0];
	v2 =	vmul.f32 v2, v8  }
0xa1: {  	[tilespmem:s16+$0x40] =	vst v3;
	v3 =	vld [tilespmem:s16+$0x50]  }
0xa2: {  	v8 =	vld [tilespmem:s17+$0x50];
	[tilespmem:s16+$0xFFFFFF40] =	vst v2;
	v1 =	vmul.f32 v5, v1  }
0xa3: {  	v2 =	vld [tilespmem:s17+$0xFFFFFF50]  }
0xa4: {  	[tilespmem:s16+$0xD0] =	vst v1;
	v1 =	vld [tilespmem:s16+$0xE0]  }
0xa5: {  	v4 =	vmul.f32 v7, v4;
	v5 =	vld [tilespmem:s17+$0xE0]  }
0xa6: {  	v7 =	vld [tilespmem:s16+$0xFFFFFF60]  }
0xa7: {  	[tilespmem:s16+$0xFFFFFFD0] =	vst v4;
	v3 =	vmul.f32 v8, v3;
	v4 =	vld [tilespmem:s16+$0xFFFFFFE0]  }
0xa8: {  	v8 =	vld [tilespmem:s17+$0xFFFFFFE0];
	v2 =	vmul.f32 v2, v6  }
0xa9: {  	[tilespmem:s16+$0x50] =	vst v3;
	v3 =	vld [tilespmem:s16+$0x60]  }
0xaa: {  	v6 =	vld [tilespmem:s17+$0x60];
	[tilespmem:s16+$0xFFFFFF50] =	vst v2;
	v1 =	vmul.f32 v5, v1  }
0xab: {  	v5 =	vld [tilespmem:s17+$0xFFFFFF60]  }
0xac: {  	v9 =	vld [tilespmem:s16+$0xF0];
	[tilespmem:s16+$0xE0] =	vst v1  }
0xad: {  	v2 =	vmul.f32 v8, v4;
	v8 =	vld [tilespmem:s17+$0xF0]  }
0xae: {  	v1 =	vld [tilespmem:s16+$0xFFFFFF70]  }
0xaf: {  	[tilespmem:s16+$0xFFFFFFE0] =	vst v2;
	v3 =	vmul.f32 v6, v3;
	v2 =	vld [tilespmem:s16+$0xFFFFFFF0]  }
0xb0: {  	v4 =	vld [tilespmem:s17+$0xFFFFFFF0];
	v5 =	vmul.f32 v5, v7  }
0xb1: {  	[tilespmem:s16+$0x60] =	vst v3;
	v3 =	vld [tilespmem:s16+$0x70]  }
0xb2: {  	[tilespmem:s16+$0xFFFFFF60] =	vst v5;
	v5 =	vld [tilespmem:s17+$0x70];
	v7 =	vmul.f32 v8, v9  }
0xb3: {  	s18 =	simm.s32 $0x0;
	s19 =	simm.s32 $0x700;
	v6 =	vld [tilespmem:s17+$0xFFFFFF70]  }
.LBB2_5:
0xb4: {  	v8 =	vld [tilespmem:s19+$0x80];
	[tilespmem:s16+$0xF0] =	vst v7;
	s17 =	sadd.s32 $0x200, s17  }
0xb5: {  	s18 =	sadd.s32 $0x4, s18;
	v7 =	vld [tilespmem:s17+$0x80];
	v2 =	vmul.f32 v4, v2  }
0xb6: {  	p1 =	slt.u32 s18, $0x4C;
	v4 =	vld [tilespmem:s17+$0xFFFFFF00]  }
0xb7: {  	v9 =	vld [tilespmem:s19+$0xFFFFFF80];
	[tilespmem:s16+$0xFFFFFFF0] =	vst v2;
	v2 =	vmul.f32 v5, v3  }
0xb8: {  	v3 =	vld [tilespmem:s17+$0xFFFFFF80];
	v1 =	vmul.f32 v6, v1  }
0xb9: {  	v5 =	vld [tilespmem:s19+$0x0];
	[tilespmem:s16+$0x70] =	vst v2  }
0xba: {  	v2 =	vld [tilespmem:s17+$0x0];
	v6 =	vmul.f32 v7, v8;
	[tilespmem:s16+$0xFFFFFF70] =	vst v1;
	s16 =	smov.u32 s19  }
0xbb: {  	v1 =	vld [tilespmem:s19+$0xFFFFFF00]  }
0xbc: {  	[tilespmem:s19+$0x80] =	vst v6;
	v6 =	vld [tilespmem:s19+$0x90]  }
0xbd: {  	v3 =	vmul.f32 v3, v9;
	v7 =	vld [tilespmem:s17+$0x90]  }
0xbe: {  	v8 =	vld [tilespmem:s19+$0xFFFFFF10]  }
0xbf: {  	[tilespmem:s19+$0xFFFFFF80] =	vst v3;
	v3 =	vld [tilespmem:s19+$0xFFFFFF90];
	v2 =	vmul.f32 v2, v5  }
0xc0: {  	v1 =	vmul.f32 v4, v1;
	v4 =	vld [tilespmem:s17+$0xFFFFFF90]  }
0xc1: {  	[tilespmem:s19+$0x0] =	vst v2;
	v2 =	vld [tilespmem:s19+$0x10]  }
0xc2: {  	[tilespmem:s19+$0xFFFFFF00] =	vst v1;
	v1 =	vld [tilespmem:s17+$0x10];
	v5 =	vmul.f32 v7, v6  }
0xc3: {  	v6 =	vld [tilespmem:s17+$0xFFFFFF10]  }
0xc4: {  	[tilespmem:s19+$0x90] =	vst v5;
	v5 =	vld [tilespmem:s19+$0xA0]  }
0xc5: {  	v3 =	vmul.f32 v4, v3;
	v4 =	vld [tilespmem:s17+$0xA0]  }
0xc6: {  	v7 =	vld [tilespmem:s19+$0xFFFFFF20]  }
0xc7: {  	[tilespmem:s19+$0xFFFFFF90] =	vst v3;
	v3 =	vld [tilespmem:s19+$0xFFFFFFA0];
	v1 =	vmul.f32 v1, v2  }
0xc8: {  	v2 =	vmul.f32 v6, v8;
	v6 =	vld [tilespmem:s17+$0xFFFFFFA0]  }
0xc9: {  	[tilespmem:s19+$0x10] =	vst v1;
	v1 =	vld [tilespmem:s19+$0x20]  }
0xca: {  	[tilespmem:s19+$0xFFFFFF10] =	vst v2;
	v2 =	vld [tilespmem:s17+$0x20];
	v4 =	vmul.f32 v4, v5  }
0xcb: {  	v5 =	vld [tilespmem:s17+$0xFFFFFF20]  }
0xcc: {  	[tilespmem:s19+$0xA0] =	vst v4;
	v4 =	vld [tilespmem:s19+$0xB0]  }
0xcd: {  	v3 =	vmul.f32 v6, v3;
	v6 =	vld [tilespmem:s17+$0xB0]  }
0xce: {  	v8 =	vld [tilespmem:s19+$0xFFFFFF30]  }
0xcf: {  	[tilespmem:s19+$0xFFFFFFA0] =	vst v3;
	v3 =	vld [tilespmem:s19+$0xFFFFFFB0];
	v1 =	vmul.f32 v2, v1  }
0xd0: {  	v2 =	vmul.f32 v5, v7;
	v5 =	vld [tilespmem:s17+$0xFFFFFFB0]  }
0xd1: {  	[tilespmem:s19+$0x20] =	vst v1;
	v1 =	vld [tilespmem:s19+$0x30]  }
0xd2: {  	[tilespmem:s19+$0xFFFFFF20] =	vst v2;
	v2 =	vld [tilespmem:s17+$0x30];
	v4 =	vmul.f32 v6, v4  }
0xd3: {  	v6 =	vld [tilespmem:s17+$0xFFFFFF30]  }
0xd4: {  	[tilespmem:s19+$0xB0] =	vst v4;
	v4 =	vld [tilespmem:s19+$0xC0]  }
0xd5: {  	v3 =	vmul.f32 v5, v3;
	v5 =	vld [tilespmem:s17+$0xC0]  }
0xd6: {  	v7 =	vld [tilespmem:s19+$0xFFFFFF40]  }
0xd7: {  	[tilespmem:s19+$0xFFFFFFB0] =	vst v3;
	v3 =	vld [tilespmem:s19+$0xFFFFFFC0];
	v1 =	vmul.f32 v2, v1  }
0xd8: {  	v2 =	vmul.f32 v6, v8;
	v6 =	vld [tilespmem:s17+$0xFFFFFFC0]  }
0xd9: {  	[tilespmem:s19+$0x30] =	vst v1;
	v1 =	vld [tilespmem:s19+$0x40]  }
0xda: {  	[tilespmem:s19+$0xFFFFFF30] =	vst v2;
	v2 =	vld [tilespmem:s17+$0x40];
	v4 =	vmul.f32 v5, v4  }
0xdb: {  	v5 =	vld [tilespmem:s17+$0xFFFFFF40]  }
0xdc: {  	[tilespmem:s19+$0xC0] =	vst v4;
	v4 =	vld [tilespmem:s19+$0xD0]  }
0xdd: {  	v3 =	vmul.f32 v6, v3;
	v6 =	vld [tilespmem:s17+$0xD0]  }
0xde: {  	v8 =	vld [tilespmem:s19+$0xFFFFFF50]  }
0xdf: {  	[tilespmem:s19+$0xFFFFFFC0] =	vst v3;
	v3 =	vld [tilespmem:s19+$0xFFFFFFD0];
	v1 =	vmul.f32 v2, v1  }
0xe0: {  	v2 =	vmul.f32 v5, v7;
	v5 =	vld [tilespmem:s17+$0xFFFFFFD0]  }
0xe1: {  	[tilespmem:s19+$0x40] =	vst v1;
	v1 =	vld [tilespmem:s19+$0x50]  }
0xe2: {  	[tilespmem:s19+$0xFFFFFF40] =	vst v2;
	v2 =	vld [tilespmem:s17+$0x50];
	v4 =	vmul.f32 v6, v4  }
0xe3: {  	v6 =	vld [tilespmem:s17+$0xFFFFFF50]  }
0xe4: {  	[tilespmem:s19+$0xD0] =	vst v4;
	v4 =	vld [tilespmem:s19+$0xE0]  }
0xe5: {  	v3 =	vmul.f32 v5, v3;
	v5 =	vld [tilespmem:s17+$0xE0]  }
0xe6: {  	v7 =	vld [tilespmem:s19+$0xFFFFFF60]  }
0xe7: {  	[tilespmem:s19+$0xFFFFFFD0] =	vst v3;
	v3 =	vld [tilespmem:s19+$0xFFFFFFE0];
	v1 =	vmul.f32 v2, v1  }
0xe8: {  	v2 =	vmul.f32 v6, v8;
	v6 =	vld [tilespmem:s17+$0xFFFFFFE0]  }
0xe9: {  	[tilespmem:s19+$0x50] =	vst v1;
	v8 =	vld [tilespmem:s19+$0x60]  }
0xea: {  	[tilespmem:s19+$0xFFFFFF50] =	vst v2;
	v9 =	vld [tilespmem:s17+$0x60];
	v1 =	vmul.f32 v5, v4  }
0xeb: {  	v4 =	vld [tilespmem:s17+$0xFFFFFF60]  }
0xec: {  	[tilespmem:s19+$0xE0] =	vst v1;
	v10 =	vld [tilespmem:s19+$0xF0]  }
0xed: {  	v2 =	vmul.f32 v6, v3;
	v6 =	vld [tilespmem:s17+$0xF0]  }
0xee: {  	v1 =	vld [tilespmem:s19+$0xFFFFFF70]  }
.Ltmp1:
0xef: {  	[tilespmem:s19+$0xFFFFFFE0] =	vst v2;
	v2 =	vld [tilespmem:s19+$0xFFFFFFF0];
	v3 =	vmul.f32 v9, v8;
	(pc) =	sbr.rel @p1 .LBB2_5-.Ltmp1, $4  }
0xf0: {  	v5 =	vmul.f32 v4, v7;
	v4 =	vld [tilespmem:s17+$0xFFFFFFF0]  }
0xf1: {  	[tilespmem:s19+$0x60] =	vst v3;
	v3 =	vld [tilespmem:s19+$0x70]  }
0xf2: {  	[tilespmem:s19+$0xFFFFFF60] =	vst v5;
	v5 =	vld [tilespmem:s17+$0x70];
	v7 =	vmul.f32 v6, v10  }
0xf3: {  	s19 =	sadd.s32 $0x200, s19;
	v6 =	vld [tilespmem:s17+$0xFFFFFF70]  }
0xf4: {  	_ =	sdelay $0x1  }
0xf5: {  	v2 =	vmul.f32 v4, v2  }
0xf6: {  	[tilespmem:s16+$0xF0] =	vst v7;
	v3 =	vmul.f32 v5, v3  }
0xf7: {  	[tilespmem:s16+$0xFFFFFFF0] =	vst v2;
	v1 =	vmul.f32 v6, v1  }
0xf8: {  	[tilespmem:s16+$0x70] =	vst v3  }
0xf9: {  	[tilespmem:s16+$0xFFFFFF70] =	vst v1  }
0xfa: {  	[spmem:s3] =	stream.indirect.scatter.add.f32 [tilespmem:s29], [sflag:$0x5], $0x80, s9, s31, $0xb8;
	[tilespmem:$0x1E500] =	vst v63  }
0xfb: {  	_ =	swait.ge [sflag:s10], $0x2800  }
0xfc: {  	[sflag:s10] =	ssyncset.done $0x0  }
0xfd: {  	[sflag:s10] =	ssyncadd.s32 $0xFFFFD800  }
0xfe: {  	_ =	swait.ge [sflag:s12], $0x2800  }
0xff: {  	[sflag:s12] =	ssyncset.done $0x0  }
0x100: {  	p1 =	seq.s32 s24, $0x3E;
	[sflag:s12] =	ssyncadd.s32 $0xFFFFD800  }
0x101: {  	s15 =	sadd.s32 @!p1 s15, s28;
	_ =	swait.ge [sflag:s13], $0x2800  }
0x102: {  	s15 =	sshll.u32 @!p1 s15, $0x6;
	[sflag:s13] =	ssyncset.done $0x0  }
0x103: {  	s15 =	sadd.s32 @!p1 s15, s25;
	s16 =	simm.s32 @!p1 $0x0;
	[sflag:s13] =	ssyncadd.s32 $0xFFFFD800  }
0x104: {  	[tilespmem:s16], [sflag:$0x7] =	stream.linear.gather @!p1 [hbm4b:s15+s16], $0x180, $0x38;
	[tilespmem:$0x1E500] =	vst v63  }
0x105: {  	s15 =	simm.s32 @!p1 $0x7  }
0x106: {  	_ =	swait.ge @!p1 [sflag:s15], $0x180  }
0x107: {  	[sflag:s15] =	ssyncset.done @!p1 $0x0  }
0x108: {  	s17 =	simm.s32 @!p1 $0x400;
	[sflag:s15] =	ssyncadd.s32 @!p1 $0xFFFFFE80;
	s15 =	simm.s32 @!p1 $0x50  }
0x109: {  	[tilespmem:s17], [sflag:$0x1] =	stream.indirect.gather @!p1 [hbm4b:s0+s15], $0x80, s16, s15, $0xb8;
	[tilespmem:$0x1E500] =	vst v63  }
0x10a: {  	s16 =	simm.s32 @!p1 $0x100;
	s17 =	simm.s32 @!p1 $0x5400  }
0x10b: {  	[tilespmem:s17], [sflag:$0x3] =	stream.indirect.gather @!p1 [spmem:s2], $0x80, s16, s15, $0xb8;
	[tilespmem:$0x1E500] =	vst v63  }
0x10c: {  	s15 =	simm.s32 $0x2D00  }
0x10d: {  	s16 =	simm.s32 $0x7D00;
	v1 =	vld [tilespmem:s15+$0x80]  }
0x10e: {  	v2 =	vld [tilespmem:s16+$0x80]  }
0x10f: {  	v3 =	vld [tilespmem:s15+$0xFFFFFF80]  }
0x110: {  	v4 =	vld [tilespmem:s16+$0xFFFFFF80]  }
0x111: {  	v5 =	vld [tilespmem:s15+$0x0]  }
0x112: {  	v6 =	vld [tilespmem:s16+$0x0]  }
0x113: {  	v7 =	vld [tilespmem:s15+$0xFFFFFF00];
	v1 =	vmul.f32 v2, v1  }
0x114: {  	v2 =	vld [tilespmem:s16+$0xFFFFFF00]  }
0x115: {  	[tilespmem:s15+$0x80] =	vst v1;
	v1 =	vld [tilespmem:s15+$0x90]  }
0x116: {  	v3 =	vmul.f32 v4, v3;
	v4 =	vld [tilespmem:s16+$0x90]  }
0x117: {  	v8 =	vld [tilespmem:s15+$0xFFFFFF10]  }
0x118: {  	[tilespmem:s15+$0xFFFFFF80] =	vst v3;
	v3 =	vmul.f32 v6, v5;
	v5 =	vld [tilespmem:s15+$0xFFFFFF90]  }
0x119: {  	v6 =	vld [tilespmem:s16+$0xFFFFFF90];
	v2 =	vmul.f32 v2, v7  }
0x11a: {  	[tilespmem:s15+$0x0] =	vst v3;
	v3 =	vld [tilespmem:s15+$0x10]  }
0x11b: {  	v7 =	vld [tilespmem:s16+$0x10];
	[tilespmem:s15+$0xFFFFFF00] =	vst v2;
	v1 =	vmul.f32 v4, v1  }
0x11c: {  	v2 =	vld [tilespmem:s16+$0xFFFFFF10]  }
0x11d: {  	[tilespmem:s15+$0x90] =	vst v1;
	v1 =	vld [tilespmem:s15+$0xA0]  }
0x11e: {  	v4 =	vmul.f32 v6, v5;
	v5 =	vld [tilespmem:s16+$0xA0]  }
0x11f: {  	v6 =	vld [tilespmem:s15+$0xFFFFFF20]  }
0x120: {  	[tilespmem:s15+$0xFFFFFF90] =	vst v4;
	v3 =	vmul.f32 v7, v3;
	v4 =	vld [tilespmem:s15+$0xFFFFFFA0]  }
0x121: {  	v7 =	vld [tilespmem:s16+$0xFFFFFFA0];
	v2 =	vmul.f32 v2, v8  }
0x122: {  	[tilespmem:s15+$0x10] =	vst v3;
	v3 =	vld [tilespmem:s15+$0x20]  }
0x123: {  	v8 =	vld [tilespmem:s16+$0x20];
	[tilespmem:s15+$0xFFFFFF10] =	vst v2;
	v1 =	vmul.f32 v5, v1  }
0x124: {  	v2 =	vld [tilespmem:s16+$0xFFFFFF20]  }
0x125: {  	[tilespmem:s15+$0xA0] =	vst v1;
	v1 =	vld [tilespmem:s15+$0xB0]  }
0x126: {  	v4 =	vmul.f32 v7, v4;
	v5 =	vld [tilespmem:s16+$0xB0]  }
0x127: {  	v7 =	vld [tilespmem:s15+$0xFFFFFF30]  }
0x128: {  	[tilespmem:s15+$0xFFFFFFA0] =	vst v4;
	v3 =	vmul.f32 v8, v3;
	v4 =	vld [tilespmem:s15+$0xFFFFFFB0]  }
0x129: {  	v8 =	vld [tilespmem:s16+$0xFFFFFFB0];
	v2 =	vmul.f32 v2, v6  }
0x12a: {  	[tilespmem:s15+$0x20] =	vst v3;
	v3 =	vld [tilespmem:s15+$0x30]  }
0x12b: {  	v6 =	vld [tilespmem:s16+$0x30];
	[tilespmem:s15+$0xFFFFFF20] =	vst v2;
	v1 =	vmul.f32 v5, v1  }
0x12c: {  	v2 =	vld [tilespmem:s16+$0xFFFFFF30]  }
0x12d: {  	[tilespmem:s15+$0xB0] =	vst v1;
	v1 =	vld [tilespmem:s15+$0xC0]  }
0x12e: {  	v4 =	vmul.f32 v8, v4;
	v5 =	vld [tilespmem:s16+$0xC0]  }
0x12f: {  	v8 =	vld [tilespmem:s15+$0xFFFFFF40]  }
0x130: {  	[tilespmem:s15+$0xFFFFFFB0] =	vst v4;
	v3 =	vmul.f32 v6, v3;
	v4 =	vld [tilespmem:s15+$0xFFFFFFC0]  }
0x131: {  	v6 =	vld [tilespmem:s16+$0xFFFFFFC0];
	v2 =	vmul.f32 v2, v7  }
0x132: {  	[tilespmem:s15+$0x30] =	vst v3;
	v3 =	vld [tilespmem:s15+$0x40]  }
0x133: {  	v7 =	vld [tilespmem:s16+$0x40];
	[tilespmem:s15+$0xFFFFFF30] =	vst v2;
	v1 =	vmul.f32 v5, v1  }
0x134: {  	v2 =	vld [tilespmem:s16+$0xFFFFFF40]  }
0x135: {  	[tilespmem:s15+$0xC0] =	vst v1;
	v1 =	vld [tilespmem:s15+$0xD0]  }
0x136: {  	v4 =	vmul.f32 v6, v4;
	v5 =	vld [tilespmem:s16+$0xD0]  }
0x137: {  	v6 =	vld [tilespmem:s15+$0xFFFFFF50]  }
0x138: {  	[tilespmem:s15+$0xFFFFFFC0] =	vst v4;
	v3 =	vmul.f32 v7, v3;
	v4 =	vld [tilespmem:s15+$0xFFFFFFD0]  }
0x139: {  	v7 =	vld [tilespmem:s16+$0xFFFFFFD0];
	v2 =	vmul.f32 v2, v8  }
0x13a: {  	[tilespmem:s15+$0x40] =	vst v3;
	v3 =	vld [tilespmem:s15+$0x50]  }
0x13b: {  	v8 =	vld [tilespmem:s16+$0x50];
	[tilespmem:s15+$0xFFFFFF40] =	vst v2;
	v1 =	vmul.f32 v5, v1  }
0x13c: {  	v2 =	vld [tilespmem:s16+$0xFFFFFF50]  }
0x13d: {  	[tilespmem:s15+$0xD0] =	vst v1;
	v1 =	vld [tilespmem:s15+$0xE0]  }
0x13e: {  	v4 =	vmul.f32 v7, v4;
	v5 =	vld [tilespmem:s16+$0xE0]  }
0x13f: {  	v7 =	vld [tilespmem:s15+$0xFFFFFF60]  }
0x140: {  	[tilespmem:s15+$0xFFFFFFD0] =	vst v4;
	v3 =	vmul.f32 v8, v3;
	v4 =	vld [tilespmem:s15+$0xFFFFFFE0]  }
0x141: {  	v8 =	vld [tilespmem:s16+$0xFFFFFFE0];
	v2 =	vmul.f32 v2, v6  }
0x142: {  	[tilespmem:s15+$0x50] =	vst v3;
	v3 =	vld [tilespmem:s15+$0x60]  }
0x143: {  	v6 =	vld [tilespmem:s16+$0x60];
	[tilespmem:s15+$0xFFFFFF50] =	vst v2;
	v1 =	vmul.f32 v5, v1  }
0x144: {  	v5 =	vld [tilespmem:s16+$0xFFFFFF60]  }
0x145: {  	v9 =	vld [tilespmem:s15+$0xF0];
	[tilespmem:s15+$0xE0] =	vst v1  }
0x146: {  	v2 =	vmul.f32 v8, v4;
	v8 =	vld [tilespmem:s16+$0xF0]  }
0x147: {  	v1 =	vld [tilespmem:s15+$0xFFFFFF70]  }
0x148: {  	[tilespmem:s15+$0xFFFFFFE0] =	vst v2;
	v3 =	vmul.f32 v6, v3;
	v2 =	vld [tilespmem:s15+$0xFFFFFFF0]  }
0x149: {  	v4 =	vld [tilespmem:s16+$0xFFFFFFF0];
	v5 =	vmul.f32 v5, v7  }
0x14a: {  	[tilespmem:s15+$0x60] =	vst v3;
	v3 =	vld [tilespmem:s15+$0x70]  }
0x14b: {  	[tilespmem:s15+$0xFFFFFF60] =	vst v5;
	v5 =	vld [tilespmem:s16+$0x70];
	v7 =	vmul.f32 v8, v9  }
0x14c: {  	s18 =	simm.s32 $0x2F00;
	s17 =	simm.s32 $0x0;
	v6 =	vld [tilespmem:s16+$0xFFFFFF70]  }
.LBB2_7:
0x14d: {  	v8 =	vld [tilespmem:s18+$0x80];
	[tilespmem:s15+$0xF0] =	vst v7;
	s16 =	sadd.s32 $0x200, s16  }
0x14e: {  	s17 =	sadd.s32 $0x4, s17;
	v7 =	vld [tilespmem:s16+$0x80];
	v2 =	vmul.f32 v4, v2  }
0x14f: {  	p1 =	slt.u32 s17, $0x4C;
	v4 =	vld [tilespmem:s16+$0xFFFFFF00]  }
0x150: {  	v9 =	vld [tilespmem:s18+$0xFFFFFF80];
	[tilespmem:s15+$0xFFFFFFF0] =	vst v2;
	v2 =	vmul.f32 v5, v3  }
0x151: {  	v3 =	vld [tilespmem:s16+$0xFFFFFF80];
	v1 =	vmul.f32 v6, v1  }
0x152: {  	v5 =	vld [tilespmem:s18+$0x0];
	[tilespmem:s15+$0x70] =	vst v2  }
0x153: {  	v2 =	vld [tilespmem:s16+$0x0];
	v6 =	vmul.f32 v7, v8;
	[tilespmem:s15+$0xFFFFFF70] =	vst v1;
	s15 =	smov.u32 s18  }
0x154: {  	v1 =	vld [tilespmem:s18+$0xFFFFFF00]  }
0x155: {  	[tilespmem:s18+$0x80] =	vst v6;
	v6 =	vld [tilespmem:s18+$0x90]  }
0x156: {  	v3 =	vmul.f32 v3, v9;
	v7 =	vld [tilespmem:s16+$0x90]  }
0x157: {  	v8 =	vld [tilespmem:s18+$0xFFFFFF10]  }
0x158: {  	[tilespmem:s18+$0xFFFFFF80] =	vst v3;
	v3 =	vld [tilespmem:s18+$0xFFFFFF90];
	v2 =	vmul.f32 v2, v5  }
0x159: {  	v1 =	vmul.f32 v4, v1;
	v4 =	vld [tilespmem:s16+$0xFFFFFF90]  }
0x15a: {  	[tilespmem:s18+$0x0] =	vst v2;
	v2 =	vld [tilespmem:s18+$0x10]  }
0x15b: {  	[tilespmem:s18+$0xFFFFFF00] =	vst v1;
	v1 =	vld [tilespmem:s16+$0x10];
	v5 =	vmul.f32 v7, v6  }
0x15c: {  	v6 =	vld [tilespmem:s16+$0xFFFFFF10]  }
0x15d: {  	[tilespmem:s18+$0x90] =	vst v5;
	v5 =	vld [tilespmem:s18+$0xA0]  }
0x15e: {  	v3 =	vmul.f32 v4, v3;
	v4 =	vld [tilespmem:s16+$0xA0]  }
0x15f: {  	v7 =	vld [tilespmem:s18+$0xFFFFFF20]  }
0x160: {  	[tilespmem:s18+$0xFFFFFF90] =	vst v3;
	v3 =	vld [tilespmem:s18+$0xFFFFFFA0];
	v1 =	vmul.f32 v1, v2  }
0x161: {  	v2 =	vmul.f32 v6, v8;
	v6 =	vld [tilespmem:s16+$0xFFFFFFA0]  }
0x162: {  	[tilespmem:s18+$0x10] =	vst v1;
	v1 =	vld [tilespmem:s18+$0x20]  }
0x163: {  	[tilespmem:s18+$0xFFFFFF10] =	vst v2;
	v2 =	vld [tilespmem:s16+$0x20];
	v4 =	vmul.f32 v4, v5  }
0x164: {  	v5 =	vld [tilespmem:s16+$0xFFFFFF20]  }
0x165: {  	[tilespmem:s18+$0xA0] =	vst v4;
	v4 =	vld [tilespmem:s18+$0xB0]  }
0x166: {  	v3 =	vmul.f32 v6, v3;
	v6 =	vld [tilespmem:s16+$0xB0]  }
0x167: {  	v8 =	vld [tilespmem:s18+$0xFFFFFF30]  }
0x168: {  	[tilespmem:s18+$0xFFFFFFA0] =	vst v3;
	v3 =	vld [tilespmem:s18+$0xFFFFFFB0];
	v1 =	vmul.f32 v2, v1  }
0x169: {  	v2 =	vmul.f32 v5, v7;
	v5 =	vld [tilespmem:s16+$0xFFFFFFB0]  }
0x16a: {  	[tilespmem:s18+$0x20] =	vst v1;
	v1 =	vld [tilespmem:s18+$0x30]  }
0x16b: {  	[tilespmem:s18+$0xFFFFFF20] =	vst v2;
	v2 =	vld [tilespmem:s16+$0x30];
	v4 =	vmul.f32 v6, v4  }
0x16c: {  	v6 =	vld [tilespmem:s16+$0xFFFFFF30]  }
0x16d: {  	[tilespmem:s18+$0xB0] =	vst v4;
	v4 =	vld [tilespmem:s18+$0xC0]  }
0x16e: {  	v3 =	vmul.f32 v5, v3;
	v5 =	vld [tilespmem:s16+$0xC0]  }
0x16f: {  	v7 =	vld [tilespmem:s18+$0xFFFFFF40]  }
0x170: {  	[tilespmem:s18+$0xFFFFFFB0] =	vst v3;
	v3 =	vld [tilespmem:s18+$0xFFFFFFC0];
	v1 =	vmul.f32 v2, v1  }
0x171: {  	v2 =	vmul.f32 v6, v8;
	v6 =	vld [tilespmem:s16+$0xFFFFFFC0]  }
0x172: {  	[tilespmem:s18+$0x30] =	vst v1;
	v1 =	vld [tilespmem:s18+$0x40]  }
0x173: {  	[tilespmem:s18+$0xFFFFFF30] =	vst v2;
	v2 =	vld [tilespmem:s16+$0x40];
	v4 =	vmul.f32 v5, v4  }
0x174: {  	v5 =	vld [tilespmem:s16+$0xFFFFFF40]  }
0x175: {  	[tilespmem:s18+$0xC0] =	vst v4;
	v4 =	vld [tilespmem:s18+$0xD0]  }
0x176: {  	v3 =	vmul.f32 v6, v3;
	v6 =	vld [tilespmem:s16+$0xD0]  }
0x177: {  	v8 =	vld [tilespmem:s18+$0xFFFFFF50]  }
0x178: {  	[tilespmem:s18+$0xFFFFFFC0] =	vst v3;
	v3 =	vld [tilespmem:s18+$0xFFFFFFD0];
	v1 =	vmul.f32 v2, v1  }
0x179: {  	v2 =	vmul.f32 v5, v7;
	v5 =	vld [tilespmem:s16+$0xFFFFFFD0]  }
0x17a: {  	[tilespmem:s18+$0x40] =	vst v1;
	v1 =	vld [tilespmem:s18+$0x50]  }
0x17b: {  	[tilespmem:s18+$0xFFFFFF40] =	vst v2;
	v2 =	vld [tilespmem:s16+$0x50];
	v4 =	vmul.f32 v6, v4  }
0x17c: {  	v6 =	vld [tilespmem:s16+$0xFFFFFF50]  }
0x17d: {  	[tilespmem:s18+$0xD0] =	vst v4;
	v4 =	vld [tilespmem:s18+$0xE0]  }
0x17e: {  	v3 =	vmul.f32 v5, v3;
	v5 =	vld [tilespmem:s16+$0xE0]  }
0x17f: {  	v7 =	vld [tilespmem:s18+$0xFFFFFF60]  }
0x180: {  	[tilespmem:s18+$0xFFFFFFD0] =	vst v3;
	v3 =	vld [tilespmem:s18+$0xFFFFFFE0];
	v1 =	vmul.f32 v2, v1  }
0x181: {  	v2 =	vmul.f32 v6, v8;
	v6 =	vld [tilespmem:s16+$0xFFFFFFE0]  }
0x182: {  	[tilespmem:s18+$0x50] =	vst v1;
	v8 =	vld [tilespmem:s18+$0x60]  }
0x183: {  	[tilespmem:s18+$0xFFFFFF50] =	vst v2;
	v9 =	vld [tilespmem:s16+$0x60];
	v1 =	vmul.f32 v5, v4  }
0x184: {  	v4 =	vld [tilespmem:s16+$0xFFFFFF60]  }
0x185: {  	[tilespmem:s18+$0xE0] =	vst v1;
	v10 =	vld [tilespmem:s18+$0xF0]  }
0x186: {  	v2 =	vmul.f32 v6, v3;
	v6 =	vld [tilespmem:s16+$0xF0]  }
0x187: {  	v1 =	vld [tilespmem:s18+$0xFFFFFF70]  }
.Ltmp2:
0x188: {  	[tilespmem:s18+$0xFFFFFFE0] =	vst v2;
	v2 =	vld [tilespmem:s18+$0xFFFFFFF0];
	v3 =	vmul.f32 v9, v8;
	(pc) =	sbr.rel @p1 .LBB2_7-.Ltmp2, $4  }
0x189: {  	v5 =	vmul.f32 v4, v7;
	v4 =	vld [tilespmem:s16+$0xFFFFFFF0]  }
0x18a: {  	[tilespmem:s18+$0x60] =	vst v3;
	v3 =	vld [tilespmem:s18+$0x70]  }
0x18b: {  	[tilespmem:s18+$0xFFFFFF60] =	vst v5;
	v5 =	vld [tilespmem:s16+$0x70];
	v7 =	vmul.f32 v6, v10  }
0x18c: {  	s18 =	sadd.s32 $0x200, s18;
	v6 =	vld [tilespmem:s16+$0xFFFFFF70]  }
0x18d: {  	_ = 	snop  }
0x18e: {  	s24 =	sadd.s32 $0x1, s24  }
0x18f: {  	v2 =	vmul.f32 v4, v2;
	p1 =	sne.s32 s24, $0x3F  }
.Ltmp3:
0x190: {  	[tilespmem:s15+$0xF0] =	vst v7;
	v3 =	vmul.f32 v5, v3;
	(pc) =	sbr.rel @p1 .LBB2_4-.Ltmp3, $4  }
0x191: {  	[tilespmem:s15+$0xFFFFFFF0] =	vst v2;
	v1 =	vmul.f32 v6, v1  }
0x192: {  	[tilespmem:s15+$0x70] =	vst v3  }
0x193: {  	[tilespmem:s15+$0xFFFFFF70] =	vst v1  }
0x194: {  	[spmem:s3] =	stream.indirect.scatter.add.f32 [tilespmem:s6], [sflag:$0x6], $0x80, s14, s31, $0xb8;
	[tilespmem:$0x1E500] =	vst v63  }
0x195: {  	s15 =	simm.s32 $0x6  }
0x196: {  	_ =	swait.ge [sflag:s15], $0x2800  }
0x197: {  	[sflag:s15] =	ssyncset.done $0x0  }
0x198: {  	s16 =	stileid.u32;
	[sflag:s15] =	ssyncadd.s32 $0xFFFFD800  }
0x199: {  	s15 =	sshll.u32 s16, $0x6;
	[bflag:$0x0] =	sbarrier.arrive $0xFFFF  }
0x19a: {  	s16 =	sshrl.u32 s20, $0x3;
	s15 =	sor.u32 $0x1C07, s15;
	s17 =	rddreg [dreg:$0x6]  }
0x19b: {  	[hbm:s17], [sflag:s15] =	dma.local [spmem:s16], $0x500  }
0x19c: {  	_ =	swait.ge [sflag:s30], $0x500  }
0x19d: {  	s18 =	smov.u32 s20;
	[sflag:s30] =	ssyncset.done $0x0  }
0x19e: {  	s17 =	sshrl.u32 s21, $0x3;
	s20 =	rddreg [dreg:$0x7];
	[sflag:s30] =	ssyncadd.s32 $0xFFFFFB00  }
0x19f: {  	[hbm:s20], [sflag:s15] =	dma.local [spmem:s17], $0x500  }
0x1a0: {  	_ =	swait.ge [sflag:s30], $0x500  }
0x1a1: {  	s19 =	smov.u32 s21;
	[sflag:s30] =	ssyncset.done $0x0;
	s21 =	rddreg [dreg:$0xe]  }
0x1a2: {  	s24 =	rddreg [dreg:$0x8];
	[sflag:s30] =	ssyncadd.s32 $0xFFFFFB00;
	s16 =	sshrl.u32 s21, $0x3  }
0x1a3: {  	[hbm:s24], [sflag:s15] =	dma.local [spmem:s16], $0x500  }
0x1a4: {  	_ =	swait.ge [sflag:s30], $0x500  }
0x1a5: {  	[sflag:s30] =	ssyncset.done $0x0;
	s17 =	rddreg [dreg:$0xf]  }
0x1a6: {  	s20 =	rddreg [dreg:$0x9];
	[sflag:s30] =	ssyncadd.s32 $0xFFFFFB00;
	s16 =	sshrl.u32 s17, $0x3  }
0x1a7: {  	[hbm:s20], [sflag:s15] =	dma.local [spmem:s16], $0x500  }
0x1a8: {  	_ =	swait.ge [sflag:s30], $0x500  }
0x1a9: {  	[sflag:s30] =	ssyncset.done $0x0;
	s21 =	rddreg [dreg:$0x10]  }
0x1aa: {  	s24 =	rddreg [dreg:$0xa];
	[sflag:s30] =	ssyncadd.s32 $0xFFFFFB00;
	s16 =	sshrl.u32 s21, $0x3  }
0x1ab: {  	[hbm:s24], [sflag:s15] =	dma.local [spmem:s16], $0x500  }
0x1ac: {  	_ =	swait.ge [sflag:s30], $0x500  }
0x1ad: {  	[sflag:s30] =	ssyncset.done $0x0;
	s17 =	rddreg [dreg:$0x11]  }
0x1ae: {  	s20 =	rddreg [dreg:$0xb];
	[sflag:s30] =	ssyncadd.s32 $0xFFFFFB00;
	s16 =	sshrl.u32 s17, $0x3  }
0x1af: {  	[hbm:s20], [sflag:s15] =	dma.local [spmem:s16], $0x500  }
0x1b0: {  	_ =	swait.ge [sflag:s30], $0x500  }
0x1b1: {  	[sflag:s30] =	ssyncset.done $0x0;
	s21 =	rddreg [dreg:$0x12]  }
0x1b2: {  	s24 =	rddreg [dreg:$0xc];
	[sflag:s30] =	ssyncadd.s32 $0xFFFFFB00;
	s16 =	sshrl.u32 s21, $0x3  }
0x1b3: {  	[hbm:s24], [sflag:s15] =	dma.local [spmem:s16], $0x500  }
0x1b4: {  	_ =	swait.ge [sflag:s30], $0x500  }
0x1b5: {  	[sflag:s30] =	ssyncset.done $0x0  }
0x1b6: {  	s20 =	sshrl.u32 s23, $0x3;
	s21 =	rddreg [dreg:$0xd];
	[sflag:s30] =	ssyncadd.s32 $0xFFFFFB00  }
0x1b7: {  	[hbm:s21], [sflag:s15] =	dma.local [spmem:s20], $0x500  }
0x1b8: {  	_ =	swait.ge [sflag:s30], $0x500  }
0x1b9: {  	s26 =	sadd.s32 $0x1, s26;
	s24 =	rddreg [dreg:$0x14]  }
0x1ba: {  	p1 =	sne.s32 s26, s24  }
.Ltmp4:
0x1bb: {  	_ = 	snop;
	(pc) =	sbr.rel @p1 .LBB2_1-.Ltmp4, $3  }
0x1bc: {  	_ =	sdelay $0x1  }
0x1bd: {  	[sflag:s30] =	ssyncset.done $0x0  }
0x1be: {  	[sflag:s30] =	ssyncadd.s32 $0xFFFFFB00  }
0x1bf: {  	_ =	sfence.sel $0x180000  }
0x1c0: {  	[bflag:$0x0] =	sbarrier.arrive $0xFFFF  }
0x1c1: {  	_ =	strace $0x9000004A  }
0x1c2: {  	[bflag:$0x2] =	sbarrier.arrive $0xFFFF  }
0x1c3: {  	s0 =	rddreg [dreg:$0x5]  }
0x1c4: {  	s0 =	sadd.s32 @!p0 $0x100000, s0  }
0x1c5: {  	[sflag:s0] =	ssyncadd.tile.s32 @!p0 $0x1;
	_ =	shalt  }
.Lfunc_end2:
_tile_overlayer_lowered:
.L_overlay_start_2:
0x1c6: {  	(tag) =	ssettag $0x2  }
0x1c7: {  	s0 =	rddreg [dreg:$0x0];
	s2 =	stileid.u32  }
0x1c8: {  	s1 =	rddreg [dreg:$0x1];
	p0 =	sne.s32 s2, $0x0  }
0x1c9: {  	s3 =	rddreg [dreg:$0x2];
	[bflag:$0x3] =	sbarrier.arrive $0xFFFF;
	s2 =	simm.s32 @!p0 $0x1C07  }
0x1ca: {  	[timem:s3], [sflag:s2] =	dma.local @!p0 [hbm:s0], s1  }
0x1cb: {  	s0 =	simm.s32 @!p0 $0x7  }
0x1cc: {  	_ =	swait.ge @!p0 [sflag:s0], s1  }
0x1cd: {  	s1 =	ssub.s32 @!p0 $0x0, s1;
	[sflag:s0] =	ssyncset.done @!p0 $0x0  }
0x1ce: {  	[sflag:s0] =	ssyncadd.s32 @!p0 s1  }
0x1cf: {  	[bflag:$0x3] =	sbarrier.arrive $0xFFFF  }
0x1d0: {  	_ =	shalt  }

// kernel: _run.13.cloned.1.call-start
scs
__scs_entry_jumppad:
0x0: {  	(pc) =	sbr.rel $0x88, $3  }
0x1: {  	(tag) =	ssettag $0x0;
	lr =	simm.s32 $0x1  }
0x2: {  	[smem:$0x3F95] =	sst lr;
	_ =	strace $0xD0000000  }
0x3: {  	_ = 	snop  }
0x4: {  	_ = 	snop  }
0x5: {  	_ = 	snop  }
0x6: {  	_ = 	snop  }
0x7: {  	_ = 	snop  }
__scs_overlays_trampoline_lowered:
0x8: {  	[smem:$0x3FA4] =	sst s0  }
0x9: {  	[smem:$0x3FA5] =	sst s1  }
0xa: {  	[smem:$0x3FA6] =	sst s2  }
0xb: {  	[smem:$0x3FA7] =	sst s3  }
0xc: {  	[smem:$0x3FA8] =	sst s4  }
0xd: {  	[smem:$0x3FA9] =	sst s5  }
0xe: {  	[smem:$0x3FAA] =	sst s6  }
0xf: {  	[smem:$0x3FAB] =	sst s7  }
0x10: {  	[smem:$0x3FAC] =	sst s8  }
0x11: {  	[smem:$0x3FAD] =	sst s9;
	s0 =	simm.s32 @!p0 $0x0  }
0x12: {  	s1 =	sld [smem:$0x3F93];
	s0 =	simm.s32 @p0 $0x1  }
0x13: {  	[smem:$0x3FAE] =	sst s0;
	s0 =	simm.s32 @!p1 $0x0  }
0x14: {  	s2 =	sld [smem:$0x3F92];
	s0 =	simm.s32 @p1 $0x1  }
0x15: {  	[smem:$0x3FAF] =	sst s0;
	s0 =	simm.s32 @!p2 $0x0  }
0x16: {  	s3 =	sld [smem:$0x3FDB];
	s0 =	simm.s32 @p2 $0x1  }
0x17: {  	s4 =	simm.s32 $0x1BF5;
	[smem:$0x3FB1] =	sst s0  }
0x18: {  	s0 =	sld [smem:$0x3F94];
	_ =	swait.ge [sflag:s4], $0x0  }
0x19: {  	s7 =	sld [smem:$0x3F95]  }
0x1a: {  	s8 =	sadd.s32 $0xFFFFE003, lr  }
0x1b: {  	s9 =	sadd.s32 $0xFFFFFEF7, lr;
	s5 =	simm.s32 $0xFFFFFFFF;
	p2 =	slt.u32 s8, $0xFFFFF086  }
0x1c: {  	p1 =	slt.u32 s9, $0xF7A;
	s5 =	simm.s32 @!p2 $0x0  }
0x1d: {  	s5 =	simm.s32 @p1 $0x1;
	p0 =	seq.s32 s7, s2  }
0x1e: {  	s7 =	smul.u32 @!p0 $0xF7A, s2;
	p2 =	seq.s32 @!p0 s5, $0x0  }
0x1f: {  	s9 =	smul.u32 $0xF7A, s1;
	s8 =	simm.s32 @!p0 $0x1BF5;
	p2 =	por !p2, p0  }
0x20: {  	[sflag:s8] =	ssyncset.s32 @!p0 $0xFFFFF086;
	s6 =	sadd.s32 @!p0 s3, s7;
	s7 =	simm.s32 @!p0 $0x108  }
0x21: {  	s3 =	sadd.s32 s3, s9;
	s6 =	sadd.s32 @!p0 $0x88, s6;
	s7 =	simm.s32 @p2 $0x1082  }
0x22: {  	[simem:s7], [sflag:s8] =	dma.local @!p0 [hbm:s6], $0xF7A  }
0x23: {  	s9 =	sor.u32 $0xD0000000, s2;
	s6 =	simm.s32 $0x108;
	_ =	swait.ge @!p0 [sflag:s8], $0x0  }
0x24: {  	s3 =	sadd.s32 $0x88, s3;
	s6 =	simm.s32 @!p1 $0x1082;
	[sflag:s4] =	ssyncset.s32 $0xFFFFF086  }
0x25: {  	[simem:s6], [sflag:s4] =	dma.local [hbm:s3], $0xF7A  }
0x26: {  	[smem:$0x3F95] =	sst s1;
	(tag) =	ssettag s2;
	_ =	strace s9  }
0x27: {  	s1 =	sld [smem:$0x3FA5]  }
0x28: {  	s2 =	sld [smem:$0x3FA6]  }
0x29: {  	s4 =	sld [smem:$0x3FA8]  }
0x2a: {  	p0 =	seq.s32 s5, $0x0;
	s5 =	sld [smem:$0x3FA9]  }
0x2b: {  	s6 =	sld [smem:$0x3FAA]  }
0x2c: {  	s7 =	sld [smem:$0x3FAB]  }
0x2d: {  	s3 =	simm.s32 $0x108;
	s8 =	sld [smem:$0x3FAC]  }
0x2e: {  	s3 =	simm.s32 @!p0 $0x1082;
	s9 =	sld [smem:$0x3FAD]  }
0x2f: {  	lr =	sadd.s32 s0, s3;
	s0 =	sld [smem:$0x3FA4]  }
0x30: {  	s3 =	sld [smem:$0x3FA7]  }
0x31: {  	[smem:$0x3FB0] =	sst s10  }
0x32: {  	s10 =	sld [smem:$0x3FAE];
	_ =	sdelay $0x3  }
0x33: {  	p0 =	seq.s32 s10, $0x1;
	s10 =	sld [smem:$0x3FB0];
	_ =	sdelay $0x3  }
0x34: {  	[smem:$0x3FB0] =	sst s10  }
0x35: {  	s10 =	sld [smem:$0x3FAF];
	_ =	sdelay $0x3  }
0x36: {  	p1 =	seq.s32 s10, $0x1;
	s10 =	sld [smem:$0x3FB0];
	_ =	sdelay $0x3  }
0x37: {  	[smem:$0x3FB0] =	sst s10  }
0x38: {  	s10 =	sld [smem:$0x3FB1]  }
0x39: {  	_ = 	snop;
	(pc) =	sbr.ind lr, $3  }
0x3a: {  	_ = 	snop  }
0x3b: {  	_ = 	snop  }
0x3c: {  	p2 =	seq.s32 s10, $0x1;
	s10 =	sld [smem:$0x3FB0]  }
0x3d: {  	_ =	shalt  }
0x3e: {  	_ =	shalt  }
0x3f: {  	_ =	shalt  }
0x40: {  	_ =	shalt  }
0x41: {  	_ =	shalt  }
0x42: {  	_ =	shalt  }
0x43: {  	_ =	shalt  }
0x44: {  	_ =	shalt  }
0x45: {  	_ =	shalt  }
0x46: {  	_ =	shalt  }
0x47: {  	_ =	shalt  }
0x48: {  	_ =	shalt  }
0x49: {  	_ =	shalt  }
0x4a: {  	_ =	shalt  }
0x4b: {  	_ =	shalt  }
0x4c: {  	_ =	shalt  }
0x4d: {  	_ =	shalt  }
0x4e: {  	_ =	shalt  }
0x4f: {  	_ =	shalt  }
0x50: {  	_ =	shalt  }
0x51: {  	_ =	shalt  }
0x52: {  	_ =	shalt  }
0x53: {  	_ =	shalt  }
0x54: {  	_ =	shalt  }
0x55: {  	_ =	shalt  }
0x56: {  	_ =	shalt  }
0x57: {  	_ =	shalt  }
0x58: {  	_ =	shalt  }
0x59: {  	_ =	shalt  }
0x5a: {  	_ =	shalt  }
0x5b: {  	_ =	shalt  }
0x5c: {  	_ =	shalt  }
0x5d: {  	_ =	shalt  }
0x5e: {  	_ =	shalt  }
0x5f: {  	_ =	shalt  }
0x60: {  	_ =	shalt  }
0x61: {  	_ =	shalt  }
0x62: {  	_ =	shalt  }
0x63: {  	_ =	shalt  }
0x64: {  	_ =	shalt  }
0x65: {  	_ =	shalt  }
0x66: {  	_ =	shalt  }
0x67: {  	_ =	shalt  }
0x68: {  	_ =	shalt  }
0x69: {  	_ =	shalt  }
0x6a: {  	_ =	shalt  }
0x6b: {  	_ =	shalt  }
0x6c: {  	_ =	shalt  }
0x6d: {  	_ =	shalt  }
0x6e: {  	_ =	shalt  }
0x6f: {  	_ =	shalt  }
0x70: {  	_ =	shalt  }
0x71: {  	_ =	shalt  }
0x72: {  	_ =	shalt  }
0x73: {  	_ =	shalt  }
0x74: {  	_ =	shalt  }
0x75: {  	_ =	shalt  }
0x76: {  	_ =	shalt  }
0x77: {  	_ =	shalt  }
0x78: {  	_ =	shalt  }
0x79: {  	_ =	shalt  }
0x7a: {  	_ =	shalt  }
0x7b: {  	_ =	shalt  }
0x7c: {  	_ =	shalt  }
0x7d: {  	_ =	shalt  }
0x7e: {  	_ =	shalt  }
0x7f: {  	_ =	shalt  }
0x80: {  	_ =	shalt  }
0x81: {  	_ =	shalt  }
0x82: {  	_ =	shalt  }
0x83: {  	_ =	shalt  }
0x84: {  	_ =	shalt  }
0x85: {  	_ =	shalt  }
0x86: {  	_ =	shalt  }
0x87: {  	_ =	shalt  }
.Lfunc_end0:
.L_simem_size_0:
called_computation.2_lowered:
.L_overlay_start_0:
0x88: {  	s2 =	sld [smem:$0x3FD9]  }
0x89: {  	s3 =	sld [smem:$0x3FFE];
	_ =	sdelay $0x1  }
0x8a: {  	s1 =	srdreg.scid  }
0x8b: {  	s0 =	sand.u32 $0x1, s1  }
0x8c: {  	s17 =	sshll.u32 s0, $0xA;
	s2 =	sadd.s32 s3, s2  }
0x8d: {  	s2 =	sadd.s32 s2, s17  }
0x8e: {  	[smem:$0x3FBC] =	sst s2  }
0x8f: {  	_ = 	snop  }
0x90: {  	s2 =	sld [smem:$0x3FC4]  }
0x91: {  	s18 =	sld [smem:$0x3FD0];
	(tm) =	ssettm $0x1  }
0x92: {  	s4 =	sld [smem:$0x3FFB];
	_ =	sdelay $0x3  }
0x93: {  	_ =	strace s4  }
0x94: {  	s4 =	sld [smem:$0x3FFC];
	_ =	sdelay $0x3  }
0x95: {  	_ =	strace s4  }
0x96: {  	s4 =	sld [smem:$0x3FFD];
	_ =	sdelay $0x3  }
0x97: {  	_ =	strace s4  }
0x98: {  	_ =	strace $0x8FFFFFFF  }
0x99: {  	s19 =	sld [smem:$0x3FDB];
	_ =	sdelay $0x1  }
0x9a: {  	s5 =	simm.s32 $_scs_section_size  }
0x9b: {  	s6 =	simm.s32 $_size__tile_overlayer_lowered;
	s7 =	simm.s32 $_tile_overlayer_lowered  }
0x9c: {  	s22 =	simm.s32 $0x1BFF;
	s21 =	sshll.u32 s7, $0x1;
	s4 =	sadd.s32 s5, s19  }
0x9d: {  	s8 =	simm.s32 $0x0;
	s20 =	sshll.u32 s6, $0x1;
	s6 =	sadd.s32 s21, s4  }
0x9e: {  	[timem:s8], [sflag:s22] =	dma.local [hbm:s6], s20  }
0x9f: {  	_ =	swait.ge [sflag:s22], s20  }
0xa0: {  	s5 =	ssub.s32 $0x0, s20;
	[sflag:s22] =	ssyncset.done $0x0  }
0xa1: {  	[sflag:s22] =	ssyncadd.s32 s5;
	_ =	sdelay $0x1  }
0xa2: {  	s23 =	simm.s32 $0x1B8B  }
0xa3: {  	_ =	swait.ge [sflag:s23], $0x1  }
0xa4: {  	[sflag:s23] =	ssyncset.done $0x0  }
0xa5: {  	s25 =	simm.s32 $0x1B8E;
	s24 =	sld [smem:$0x3FFE];
	[sflag:s23] =	ssyncadd.s32 $0xFFFFFFFF  }
0xa6: {  	s26 =	simm.s32 $execute0_lowered;
	[smem:$0x3FD2] =	sst s25  }
0xa7: {  	s6 =	sshll.u32 s26, $0x1;
	_ =	strace $0x8000004C;
	[dreg:$0x1] =	wrdreg $0xFFFFFFFF  }
0xa8: {  	s28 =	simm.s32 $_size_execute0_lowered;
	s4 =	sadd.s32 s4, s6;
	[dreg:$0x0] =	wrdreg $0x0  }
0xa9: {  	s6 =	sshll.u32 s28, $0x1;
	[dreg:$0x2] =	wrdreg s4  }
0xaa: {  	[dreg:$0x3] =	wrdreg s6  }
0xab: {  	[dreg:$0x4] =	wrdreg $0xC0  }
0xac: {  	_ =	task [dreg:s8], $0x5FFFF  }
0xad: {  	[dreg:$0x1] =	wrdreg $0xFFFFFFFF  }
0xae: {  	[dreg:$0x0] =	wrdreg $0x60  }
0xaf: {  	[dreg:$0x2] =	wrdreg s18  }
0xb0: {  	[dreg:$0x3] =	wrdreg s2  }
0xb1: {  	[dreg:$0x4] =	wrdreg s24  }
0xb2: {  	[dreg:$0x5] =	wrdreg $0xA4000  }
0xb3: {  	[dreg:$0x6] =	wrdreg $0xA5000  }
0xb4: {  	[dreg:$0x7] =	wrdreg $0x9  }
0xb5: {  	_ =	task.clear_ibuf [dreg:s8], $0x8FFFF;
	_ =	strace $0x9000004C  }
0xb6: {  	s29 =	simm.s32 $0x9;
	_ =	strace $0x8000004E  }
0xb7: {  	_ =	swait.ge [sflag:s29], $0x1  }
0xb8: {  	[sflag:s29] =	ssyncadd.s32 $0xFFFFFFFF  }
0xb9: {  	_ =	strace $0x9000004E  }
0xba: {  	_ =	sfence  }
0xbb: {  	s30 =	sld [smem:$0x0];
	_ =	sdelay $0x2  }
0xbc: {  	s31 =	sshll.u32 s1, $0xD;
	s1 =	sshrl.u32 s1, $0x2  }
0xbd: {  	s3 =	sand.u32 $0x4000, s31;
	s1 =	sadd.s32 s1, s30  }
0xbe: {  	s0 =	sor.u32 s3, s0;
	s1 =	sshll.u32 s1, $0x11  }
0xbf: {  	s0 =	sor.u32 s1, s0  }
0xc0: {  	s0 =	sadd.s32 $0x8F2B, s0  }
0xc1: {  	[sflag:s0] =	ssyncadd.remote.s32 $0x1  }
0xc2: {  	_ =	sfence.sel $0xFFFF  }
0xc3: {  	[dreg:$0x0] =	wrdreg $0xFFFFFFFF;
	(pc) =	sbr.abs _section_cstart, $3  }
0xc4: {  	[dreg:$0x1] =	wrdreg $0xFFFFFFFF  }
0xc5: {  	_ =	task.clear_ibuf [dreg:s8], $0x2FFFF;
	_ =	strace $0x9FFFFFFF  }
0xc6: {  	(tm) =	ssettm $0x7FFFFFFF  }
0xc7: {  	_ =	shalt  }
tec
execute0_lowered:
.L_overlay_start_1:
0x0: {  	(tag) =	ssettag $0x1  }
0x1: {  	s0 =	rddreg [dreg:$0x0]  }
0x2: {  	s1 =	rddreg [dreg:$0x2]  }
0x3: {  	s2 =	rddreg [dreg:$0x3]  }
0x4: {  	s3 =	rddreg [dreg:$0x4]  }
0x5: {  	s4 =	simm.s32 $0x0;
	s5 =	srdreg.scid;
	s24 =	stileid.u32  }
0x6: {  	s29 =	simm.s32 $0x400;
	s30 =	simm.s32 $0x7;
	s31 =	simm.s32 $0x50  }
0x7: {  	[smem:$0x7FF] =	sst s4;
	s5 =	sand.u32 $0x1, s5;
	s9 =	smul.u32 $0x14000, s24  }
0x8: {  	s10 =	sadd.s32 $0xC1A00, s1;
	p0 =	sne.s32 s24, $0x0;
	s6 =	sshll.u32 s5, $0x4  }
0x9: {  	s7 =	ssub.s32 $0x2, s5;
	s5 =	smul.u32 $0x140000, s5;
	s6 =	sor.u32 s24, s6  }
0xa: {  	s8 =	sshrl.u32 s7, $0x1;
	s11 =	sor.u32 $0x2800, s9;
	s12 =	sadd.s32 $0x5000, s9  }
0xb: {  	s13 =	sadd.s32 $0x7800, s9;
	s14 =	sadd.s32 $0xA000, s9;
	s16 =	sadd.s32 $0xC800, s9  }
0xc: {  	s17 =	sadd.s32 $0xF000, s9;
	s7 =	ssub.s32 s7, s8;
	s8 =	smul.u32 $0x50000, s24  }
0xd: {  	s15 =	sadd.s32 s9, s5;
	s9 =	sadd.s32 $0x11800, s9;
	s23 =	sadd.s32 s5, s11  }
0xe: {  	s18 =	sadd.s32 s5, s12;
	s19 =	sadd.s32 s5, s13;
	s20 =	sadd.s32 s5, s16  }
0xf: {  	s21 =	sadd.s32 s5, s17;
	s15 =	sshrl.u32 s15, $0x3;
	s25 =	sshrl.u32 s18, $0x3  }
0x10: {  	s26 =	sshrl.u32 s19, $0x3;
	s19 =	sadd.s32 s5, s14;
	s22 =	sshrl.u32 s20, $0x3  }
0x11: {  	s5 =	sadd.s32 s5, s9;
	s20 =	sadd.s32 s13, s3;
	s13 =	simm.s32 $0x5  }
0x12: {  	s15 =	sadd.s32 s10, s15;
	s18 =	sadd.s32 s10, s26;
	s5 =	sshrl.u32 s5, $0x3  }
0x13: {  	s26 =	smul.u32 $0x1F80, s6;
	s8 =	sshrl.u32 s8, $0x2;
	[dreg:$0x6] =	wrdreg s15  }
0x14: {  	s15 =	sshrl.u32 s23, $0x3;
	[dreg:$0x9] =	wrdreg s18;
	s23 =	sshrl.u32 s21, $0x3  }
0x15: {  	s5 =	sadd.s32 s10, s5;
	s18 =	sadd.s32 s8, s3;
	s21 =	sadd.s32 s14, s3  }
0x16: {  	s8 =	simm.s32 $0x7C00;
	s15 =	sadd.s32 s10, s15;
	[dreg:$0xd] =	wrdreg s5  }
0x17: {  	s14 =	simm.s32 $0x280;
	[dreg:$0x7] =	wrdreg s15;
	s15 =	sadd.s32 s10, s25  }
0x18: {  	s25 =	sadd.s32 s10, s23;
	[dreg:$0x8] =	wrdreg s15;
	s15 =	sshrl.u32 s19, $0x3  }
0x19: {  	s5 =	simm.s32 $0x200;
	[dreg:$0xc] =	wrdreg s25;
	s15 =	sadd.s32 s10, s15  }
0x1a: {  	s23 =	sadd.s32 s17, s3;
	[dreg:$0xa] =	wrdreg s15;
	s15 =	sadd.s32 s10, s22  }
0x1b: {  	s19 =	sadd.s32 s11, s3;
	[dreg:$0xb] =	wrdreg s15;
	s15 =	sadd.s32 s12, s3  }
0x1c: {  	s11 =	simm.s32 $0x1;
	_ =	strace $0x8000004D;
	[dreg:$0xe] =	wrdreg s15  }
0x1d: {  	s10 =	sadd.s32 s26, s1;
	s22 =	sadd.s32 s16, s3;
	[dreg:$0xf] =	wrdreg s20  }
0x1e: {  	s26 =	smax.u32 s7, $0x1;
	s7 =	simm.s32 $0x300;
	[dreg:$0x10] =	wrdreg s21  }
0x1f: {  	s25 =	sadd.s32 $0x2A00, s10;
	s10 =	simm.s32 $0x2;
	[dreg:$0x11] =	wrdreg s22  }
0x20: {  	s12 =	simm.s32 $0x4;
	[dreg:$0x12] =	wrdreg s23;
	s22 =	smul.u32 $0x7E, s6  }
0x21: {  	s23 =	sadd.s32 s9, s3;
	[dreg:$0x13] =	wrdreg s25;
	s25 =	sadd.s32 $0x2A40, s1  }
0x22: {  	[dreg:$0x14] =	wrdreg s26;
	s1 =	simm.s32 $0x3;
	s6 =	simm.s32 $0x2C00  }
0x23: {  	v0 =	vimm.f32 $0.0e+00;
	s9 =	simm.s32 $0x80;
	s26 =	simm.s32 $0x0;
	s28 =	sor.u32 $0x1, s22  }
.LBB2_1:
0x24: {  	s15 =	simm.s32 $0x0;
	s16 =	simm.s32 $0x200  }
.LBB2_2:
0x25: {  	p1 =	sne.s32 s16, $0x9E00;
	[tilespmem:s15+$0x470] =	vst v0  }
0x26: {  	[tilespmem:s15+$0x400] =	vst v0  }
0x27: {  	[tilespmem:s15+$0x410] =	vst v0  }
.Ltmp0:
0x28: {  	[tilespmem:s15+$0x420] =	vst v0;
	(pc) =	sbr.rel @p1 .LBB2_2-.Ltmp0, $4  }
0x29: {  	[tilespmem:s15+$0x430] =	vst v0  }
0x2a: {  	[tilespmem:s15+$0x440] =	vst v0  }
0x2b: {  	[tilespmem:s15+$0x450] =	vst v0  }
0x2c: {  	[tilespmem:s15+$0x460] =	vst v0;
	s15 =	sshra.s32 s16, $0x2;
	s16 =	sadd.s32 $0x200, s16  }
0x2d: {  	[tilespmem:s15+$0x470] =	vst v0  }
0x2e: {  	[tilespmem:s15+$0x400] =	vst v0  }
0x2f: {  	[tilespmem:s15+$0x410] =	vst v0  }
0x30: {  	[tilespmem:s15+$0x420] =	vst v0  }
0x31: {  	[tilespmem:s15+$0x430] =	vst v0  }
0x32: {  	[tilespmem:s15+$0x440] =	vst v0  }
0x33: {  	[tilespmem:s15+$0x450] =	vst v0  }
0x34: {  	[tilespmem:s15+$0x460] =	vst v0  }
0x35: {  	[spmem:s18] =	stream.linear.scatter [tilespmem:s29], [sflag:$0x7], $0x2800, $0x38;
	[tilespmem:$0x1E500] =	vst v63  }
0x36: {  	_ =	swait.ge [sflag:s30], $0x2800  }
0x37: {  	[sflag:s30] =	ssyncset.done $0x0  }
0x38: {  	[sflag:s30] =	ssyncadd.s32 $0xFFFFD800  }
0x39: {  	[spmem:s19] =	stream.linear.scatter [tilespmem:s29], [sflag:$0x7], $0x2800, $0x38;
	[tilespmem:$0x1E500] =	vst v63  }
0x3a: {  	_ =	swait.ge [sflag:s30], $0x2800  }
0x3b: {  	[sflag:s30] =	ssyncset.done $0x0  }
0x3c: {  	s17 =	rddreg [dreg:$0xe];
	[sflag:s30] =	ssyncadd.s32 $0xFFFFD800  }
0x3d: {  	[spmem:s17] =	stream.linear.scatter [tilespmem:s29], [sflag:$0x7], $0x2800, $0x38;
	[tilespmem:$0x1E500] =	vst v63  }
0x3e: {  	_ =	swait.ge [sflag:s30], $0x2800  }
0x3f: {  	[sflag:s30] =	ssyncset.done $0x0  }
0x40: {  	s20 =	smov.u32 s18;
	s18 =	rddreg [dreg:$0xf];
	[sflag:s30] =	ssyncadd.s32 $0xFFFFD800  }
0x41: {  	[spmem:s18] =	stream.linear.scatter [tilespmem:s29], [sflag:$0x7], $0x2800, $0x38;
	[tilespmem:$0x1E500] =	vst v63  }
0x42: {  	_ =	swait.ge [sflag:s30], $0x2800  }
0x43: {  	[sflag:s30] =	ssyncset.done $0x0  }
0x44: {  	s21 =	smov.u32 s19;
	s19 =	rddreg [dreg:$0x10];
	[sflag:s30] =	ssyncadd.s32 $0xFFFFD800  }
0x45: {  	[spmem:s19] =	stream.linear.scatter [tilespmem:s29], [sflag:$0x7], $0x2800, $0x38;
	[tilespmem:$0x1E500] =	vst v63  }
0x46: {  	_ =	swait.ge [sflag:s30], $0x2800  }
0x47: {  	[sflag:s30] =	ssyncset.done $0x0  }
0x48: {  	s24 =	rddreg [dreg:$0x11];
	[sflag:s30] =	ssyncadd.s32 $0xFFFFD800  }
0x49: {  	[spmem:s24] =	stream.linear.scatter [tilespmem:s29], [sflag:$0x7], $0x2800, $0x38;
	[tilespmem:$0x1E500] =	vst v63  }
0x4a: {  	_ =	swait.ge [sflag:s30], $0x2800  }
0x4b: {  	[sflag:s30] =	ssyncset.done $0x0  }
0x4c: {  	s16 =	rddreg [dreg:$0x12];
	[sflag:s30] =	ssyncadd.s32 $0xFFFFD800  }
0x4d: {  	[spmem:s16] =	stream.linear.scatter [tilespmem:s29], [sflag:$0x7], $0x2800, $0x38;
	[tilespmem:$0x1E500] =	vst v63  }
0x4e: {  	_ =	swait.ge [sflag:s30], $0x2800  }
0x4f: {  	[sflag:s30] =	ssyncset.done $0x0  }
0x50: {  	[sflag:s30] =	ssyncadd.s32 $0xFFFFD800  }
0x51: {  	[spmem:s23] =	stream.linear.scatter [tilespmem:s29], [sflag:$0x7], $0x2800, $0x38;
	[tilespmem:$0x1E500] =	vst v63  }
0x52: {  	_ =	swait.ge [sflag:s30], $0x2800  }
0x53: {  	[sflag:s30] =	ssyncset.done $0x0  }
0x54: {  	[sflag:s30] =	ssyncadd.s32 $0xFFFFD800  }
0x55: {  	s15 =	sshrl.u32 @!p0 s2, $0x3;
	s16 =	simm.s32 @!p0 $0x1C07;
	s17 =	rddreg [dreg:$0x1]  }
0x56: {  	[spmem:s15], [sflag:s16] =	dma.local @!p0 [hbm:s17], $0x200  }
0x57: {  	s15 =	simm.s32 @!p0 $0x7  }
0x58: {  	_ =	swait.ge @!p0 [sflag:s15], $0x200  }
0x59: {  	[sflag:s15] =	ssyncset.done @!p0 $0x0  }
0x5a: {  	[sflag:s15] =	ssyncadd.s32 @!p0 $0xFFFFFE00  }
0x5b: {  	[bflag:$0x0] =	sbarrier.arrive $0xFFFF  }
0x5c: {  	s24 =	simm.s32 $0x0;
	s17 =	rddreg [dreg:$0x13]  }
0x5d: {  	[tilespmem:s24], [sflag:$0x7] =	stream.linear.gather [hbm4b:s17+s24], $0x180, $0x38;
	[tilespmem:$0x1E500] =	vst v63  }
0x5e: {  	_ =	swait.ge [sflag:s30], $0x180  }
0x5f: {  	[sflag:s30] =	ssyncset.done $0x0  }
0x60: {  	[sflag:s30] =	ssyncadd.s32 $0xFFFFFE80  }
0x61: {  	[tilespmem:s29], [sflag:$0x1] =	stream.indirect.gather [hbm4b:s0+s31], $0x80, s24, s31, $0xb8;
	[tilespmem:$0x1E500] =	vst v63  }
0x62: {  	s18 =	simm.s32 $0x100;
	s19 =	simm.s32 $0x5400  }
0x63: {  	[tilespmem:s19], [sflag:$0x3] =	stream.indirect.gather [spmem:s2], $0x80, s18, s31, $0xb8;
	[tilespmem:$0x1E500] =	vst v63  }
.LBB2_4:
0x64: {  	_ =	swait.ge [sflag:s11], $0x2800  }
0x65: {  	[sflag:s11] =	ssyncset.done $0x0  }
0x66: {  	[sflag:s11] =	ssyncadd.s32 $0xFFFFD800  }
0x67: {  	_ =	swait.ge [sflag:s1], $0x2800  }
0x68: {  	p1 =	seq.s32 s24, $0x0;
	[sflag:s1] =	ssyncset.done $0x0  }
0x69: {  	s15 =	sshll.u32 s24, $0x1;
	s16 =	simm.s32 @!p1 $0x6;
	[sflag:s1] =	ssyncadd.s32 $0xFFFFD800  }
0x6a: {  	s17 =	sadd.s32 s22, s15;
	_ =	swait.ge @!p1 [sflag:s16], $0x2800  }
0x6b: {  	s17 =	sshll.u32 s17, $0x6;
	[sflag:s16] =	ssyncset.done @!p1 $0x0  }
0x6c: {  	s19 =	sadd.s32 s17, s25;
	[sflag:s16] =	ssyncadd.s32 @!p1 $0xFFFFD800  }
0x6d: {  	[tilespmem:s5], [sflag:$0x7] =	stream.linear.gather [hbm4b:s19+s4], $0x180, $0x38;
	[tilespmem:$0x1E500] =	vst v63  }
0x6e: {  	_ =	swait.ge [sflag:s30], $0x180  }
0x6f: {  	[sflag:s30] =	ssyncset.done $0x0  }
0x70: {  	[sflag:s30] =	ssyncadd.s32 $0xFFFFFE80  }
0x71: {  	[tilespmem:s6], [sflag:$0x2] =	stream.indirect.gather [hbm4b:s0+s31], $0x80, s5, s31, $0xb8;
	[tilespmem:$0x1E500] =	vst v63  }
0x72: {  	s16 =	simm.s32 $0x500  }
0x73: {  	[tilespmem:s8], [sflag:$0x4] =	stream.indirect.gather [spmem:s2], $0x80, s7, s31, $0xb8;
	[tilespmem:$0x1E500] =	vst v63  }
0x74: {  	s17 =	simm.s32 $0x5500;
	v1 =	vld [tilespmem:s16+$0x80]  }
0x75: {  	v2 =	vld [tilespmem:s17+$0x80]  }
0x76: {  	v3 =	vld [tilespmem:s16+$0xFFFFFF80]  }
0x77: {  	v4 =	vld [tilespmem:s17+$0xFFFFFF80]  }
0x78: {  	v5 =	vld [tilespmem:s16+$0x0]  }
0x79: {  	v6 =	vld [tilespmem:s17+$0x0]  }
0x7a: {  	v7 =	vld [tilespmem:s16+$0xFFFFFF00];
	v1 =	vmul.f32 v2, v1  }
0x7b: {  	v2 =	vld [tilespmem:s17+$0xFFFFFF00]  }
0x7c: {  	[tilespmem:s16+$0x80] =	vst v1;
	v1 =	vld [tilespmem:s16+$0x90]  }
0x7d: {  	v3 =	vmul.f32 v4, v3;
	v4 =	vld [tilespmem:s17+$0x90]  }
0x7e: {  	v8 =	vld [tilespmem:s16+$0xFFFFFF10]  }
0x7f: {  	[tilespmem:s16+$0xFFFFFF80] =	vst v3;
	v3 =	vmul.f32 v6, v5;
	v5 =	vld [tilespmem:s16+$0xFFFFFF90]  }
0x80: {  	v6 =	vld [tilespmem:s17+$0xFFFFFF90];
	v2 =	vmul.f32 v2, v7  }
0x81: {  	[tilespmem:s16+$0x0] =	vst v3;
	v3 =	vld [tilespmem:s16+$0x10]  }
0x82: {  	v7 =	vld [tilespmem:s17+$0x10];
	[tilespmem:s16+$0xFFFFFF00] =	vst v2;
	v1 =	vmul.f32 v4, v1  }
0x83: {  	v2 =	vld [tilespmem:s17+$0xFFFFFF10]  }
0x84: {  	[tilespmem:s16+$0x90] =	vst v1;
	v1 =	vld [tilespmem:s16+$0xA0]  }
0x85: {  	v4 =	vmul.f32 v6, v5;
	v5 =	vld [tilespmem:s17+$0xA0]  }
0x86: {  	v6 =	vld [tilespmem:s16+$0xFFFFFF20]  }
0x87: {  	[tilespmem:s16+$0xFFFFFF90] =	vst v4;
	v3 =	vmul.f32 v7, v3;
	v4 =	vld [tilespmem:s16+$0xFFFFFFA0]  }
0x88: {  	v7 =	vld [tilespmem:s17+$0xFFFFFFA0];
	v2 =	vmul.f32 v2, v8  }
0x89: {  	[tilespmem:s16+$0x10] =	vst v3;
	v3 =	vld [tilespmem:s16+$0x20]  }
0x8a: {  	v8 =	vld [tilespmem:s17+$0x20];
	[tilespmem:s16+$0xFFFFFF10] =	vst v2;
	v1 =	vmul.f32 v5, v1  }
0x8b: {  	v2 =	vld [tilespmem:s17+$0xFFFFFF20]  }
0x8c: {  	[tilespmem:s16+$0xA0] =	vst v1;
	v1 =	vld [tilespmem:s16+$0xB0]  }
0x8d: {  	v4 =	vmul.f32 v7, v4;
	v5 =	vld [tilespmem:s17+$0xB0]  }
0x8e: {  	v7 =	vld [tilespmem:s16+$0xFFFFFF30]  }
0x8f: {  	[tilespmem:s16+$0xFFFFFFA0] =	vst v4;
	v3 =	vmul.f32 v8, v3;
	v4 =	vld [tilespmem:s16+$0xFFFFFFB0]  }
0x90: {  	v8 =	vld [tilespmem:s17+$0xFFFFFFB0];
	v2 =	vmul.f32 v2, v6  }
0x91: {  	[tilespmem:s16+$0x20] =	vst v3;
	v3 =	vld [tilespmem:s16+$0x30]  }
0x92: {  	v6 =	vld [tilespmem:s17+$0x30];
	[tilespmem:s16+$0xFFFFFF20] =	vst v2;
	v1 =	vmul.f32 v5, v1  }
0x93: {  	v2 =	vld [tilespmem:s17+$0xFFFFFF30]  }
0x94: {  	[tilespmem:s16+$0xB0] =	vst v1;
	v1 =	vld [tilespmem:s16+$0xC0]  }
0x95: {  	v4 =	vmul.f32 v8, v4;
	v5 =	vld [tilespmem:s17+$0xC0]  }
0x96: {  	v8 =	vld [tilespmem:s16+$0xFFFFFF40]  }
0x97: {  	[tilespmem:s16+$0xFFFFFFB0] =	vst v4;
	v3 =	vmul.f32 v6, v3;
	v4 =	vld [tilespmem:s16+$0xFFFFFFC0]  }
0x98: {  	v6 =	vld [tilespmem:s17+$0xFFFFFFC0];
	v2 =	vmul.f32 v2, v7  }
0x99: {  	[tilespmem:s16+$0x30] =	vst v3;
	v3 =	vld [tilespmem:s16+$0x40]  }
0x9a: {  	v7 =	vld [tilespmem:s17+$0x40];
	[tilespmem:s16+$0xFFFFFF30] =	vst v2;
	v1 =	vmul.f32 v5, v1  }
0x9b: {  	v2 =	vld [tilespmem:s17+$0xFFFFFF40]  }
0x9c: {  	[tilespmem:s16+$0xC0] =	vst v1;
	v1 =	vld [tilespmem:s16+$0xD0]  }
0x9d: {  	v4 =	vmul.f32 v6, v4;
	v5 =	vld [tilespmem:s17+$0xD0]  }
0x9e: {  	v6 =	vld [tilespmem:s16+$0xFFFFFF50]  }
0x9f: {  	[tilespmem:s16+$0xFFFFFFC0] =	vst v4;
	v3 =	vmul.f32 v7, v3;
	v4 =	vld [tilespmem:s16+$0xFFFFFFD0]  }
0xa0: {  	v7 =	vld [tilespmem:s17+$0xFFFFFFD0];
	v2 =	vmul.f32 v2, v8  }
0xa1: {  	[tilespmem:s16+$0x40] =	vst v3;
	v3 =	vld [tilespmem:s16+$0x50]  }
0xa2: {  	v8 =	vld [tilespmem:s17+$0x50];
	[tilespmem:s16+$0xFFFFFF40] =	vst v2;
	v1 =	vmul.f32 v5, v1  }
0xa3: {  	v2 =	vld [tilespmem:s17+$0xFFFFFF50]  }
0xa4: {  	[tilespmem:s16+$0xD0] =	vst v1;
	v1 =	vld [tilespmem:s16+$0xE0]  }
0xa5: {  	v4 =	vmul.f32 v7, v4;
	v5 =	vld [tilespmem:s17+$0xE0]  }
0xa6: {  	v7 =	vld [tilespmem:s16+$0xFFFFFF60]  }
0xa7: {  	[tilespmem:s16+$0xFFFFFFD0] =	vst v4;
	v3 =	vmul.f32 v8, v3;
	v4 =	vld [tilespmem:s16+$0xFFFFFFE0]  }
0xa8: {  	v8 =	vld [tilespmem:s17+$0xFFFFFFE0];
	v2 =	vmul.f32 v2, v6  }
0xa9: {  	[tilespmem:s16+$0x50] =	vst v3;
	v3 =	vld [tilespmem:s16+$0x60]  }
0xaa: {  	v6 =	vld [tilespmem:s17+$0x60];
	[tilespmem:s16+$0xFFFFFF50] =	vst v2;
	v1 =	vmul.f32 v5, v1  }
0xab: {  	v5 =	vld [tilespmem:s17+$0xFFFFFF60]  }
0xac: {  	v9 =	vld [tilespmem:s16+$0xF0];
	[tilespmem:s16+$0xE0] =	vst v1  }
0xad: {  	v2 =	vmul.f32 v8, v4;
	v8 =	vld [tilespmem:s17+$0xF0]  }
0xae: {  	v1 =	vld [tilespmem:s16+$0xFFFFFF70]  }
0xaf: {  	[tilespmem:s16+$0xFFFFFFE0] =	vst v2;
	v3 =	vmul.f32 v6, v3;
	v2 =	vld [tilespmem:s16+$0xFFFFFFF0]  }
0xb0: {  	v4 =	vld [tilespmem:s17+$0xFFFFFFF0];
	v5 =	vmul.f32 v5, v7  }
0xb1: {  	[tilespmem:s16+$0x60] =	vst v3;
	v3 =	vld [tilespmem:s16+$0x70]  }
0xb2: {  	[tilespmem:s16+$0xFFFFFF60] =	vst v5;
	v5 =	vld [tilespmem:s17+$0x70];
	v7 =	vmul.f32 v8, v9  }
0xb3: {  	s18 =	simm.s32 $0x0;
	s19 =	simm.s32 $0x700;
	v6 =	vld [tilespmem:s17+$0xFFFFFF70]  }
.LBB2_5:
0xb4: {  	v8 =	vld [tilespmem:s19+$0x80];
	[tilespmem:s16+$0xF0] =	vst v7;
	s17 =	sadd.s32 $0x200, s17  }
0xb5: {  	s18 =	sadd.s32 $0x4, s18;
	v7 =	vld [tilespmem:s17+$0x80];
	v2 =	vmul.f32 v4, v2  }
0xb6: {  	p1 =	slt.u32 s18, $0x4C;
	v4 =	vld [tilespmem:s17+$0xFFFFFF00]  }
0xb7: {  	v9 =	vld [tilespmem:s19+$0xFFFFFF80];
	[tilespmem:s16+$0xFFFFFFF0] =	vst v2;
	v2 =	vmul.f32 v5, v3  }
0xb8: {  	v3 =	vld [tilespmem:s17+$0xFFFFFF80];
	v1 =	vmul.f32 v6, v1  }
0xb9: {  	v5 =	vld [tilespmem:s19+$0x0];
	[tilespmem:s16+$0x70] =	vst v2  }
0xba: {  	v2 =	vld [tilespmem:s17+$0x0];
	v6 =	vmul.f32 v7, v8;
	[tilespmem:s16+$0xFFFFFF70] =	vst v1;
	s16 =	smov.u32 s19  }
0xbb: {  	v1 =	vld [tilespmem:s19+$0xFFFFFF00]  }
0xbc: {  	[tilespmem:s19+$0x80] =	vst v6;
	v6 =	vld [tilespmem:s19+$0x90]  }
0xbd: {  	v3 =	vmul.f32 v3, v9;
	v7 =	vld [tilespmem:s17+$0x90]  }
0xbe: {  	v8 =	vld [tilespmem:s19+$0xFFFFFF10]  }
0xbf: {  	[tilespmem:s19+$0xFFFFFF80] =	vst v3;
	v3 =	vld [tilespmem:s19+$0xFFFFFF90];
	v2 =	vmul.f32 v2, v5  }
0xc0: {  	v1 =	vmul.f32 v4, v1;
	v4 =	vld [tilespmem:s17+$0xFFFFFF90]  }
0xc1: {  	[tilespmem:s19+$0x0] =	vst v2;
	v2 =	vld [tilespmem:s19+$0x10]  }
0xc2: {  	[tilespmem:s19+$0xFFFFFF00] =	vst v1;
	v1 =	vld [tilespmem:s17+$0x10];
	v5 =	vmul.f32 v7, v6  }
0xc3: {  	v6 =	vld [tilespmem:s17+$0xFFFFFF10]  }
0xc4: {  	[tilespmem:s19+$0x90] =	vst v5;
	v5 =	vld [tilespmem:s19+$0xA0]  }
0xc5: {  	v3 =	vmul.f32 v4, v3;
	v4 =	vld [tilespmem:s17+$0xA0]  }
0xc6: {  	v7 =	vld [tilespmem:s19+$0xFFFFFF20]  }
0xc7: {  	[tilespmem:s19+$0xFFFFFF90] =	vst v3;
	v3 =	vld [tilespmem:s19+$0xFFFFFFA0];
	v1 =	vmul.f32 v1, v2  }
0xc8: {  	v2 =	vmul.f32 v6, v8;
	v6 =	vld [tilespmem:s17+$0xFFFFFFA0]  }
0xc9: {  	[tilespmem:s19+$0x10] =	vst v1;
	v1 =	vld [tilespmem:s19+$0x20]  }
0xca: {  	[tilespmem:s19+$0xFFFFFF10] =	vst v2;
	v2 =	vld [tilespmem:s17+$0x20];
	v4 =	vmul.f32 v4, v5  }
0xcb: {  	v5 =	vld [tilespmem:s17+$0xFFFFFF20]  }
0xcc: {  	[tilespmem:s19+$0xA0] =	vst v4;
	v4 =	vld [tilespmem:s19+$0xB0]  }
0xcd: {  	v3 =	vmul.f32 v6, v3;
	v6 =	vld [tilespmem:s17+$0xB0]  }
0xce: {  	v8 =	vld [tilespmem:s19+$0xFFFFFF30]  }
0xcf: {  	[tilespmem:s19+$0xFFFFFFA0] =	vst v3;
	v3 =	vld [tilespmem:s19+$0xFFFFFFB0];
	v1 =	vmul.f32 v2, v1  }
0xd0: {  	v2 =	vmul.f32 v5, v7;
	v5 =	vld [tilespmem:s17+$0xFFFFFFB0]  }
0xd1: {  	[tilespmem:s19+$0x20] =	vst v1;
	v1 =	vld [tilespmem:s19+$0x30]  }
0xd2: {  	[tilespmem:s19+$0xFFFFFF20] =	vst v2;
	v2 =	vld [tilespmem:s17+$0x30];
	v4 =	vmul.f32 v6, v4  }
0xd3: {  	v6 =	vld [tilespmem:s17+$0xFFFFFF30]  }
0xd4: {  	[tilespmem:s19+$0xB0] =	vst v4;
	v4 =	vld [tilespmem:s19+$0xC0]  }
0xd5: {  	v3 =	vmul.f32 v5, v3;
	v5 =	vld [tilespmem:s17+$0xC0]  }
0xd6: {  	v7 =	vld [tilespmem:s19+$0xFFFFFF40]  }
0xd7: {  	[tilespmem:s19+$0xFFFFFFB0] =	vst v3;
	v3 =	vld [tilespmem:s19+$0xFFFFFFC0];
	v1 =	vmul.f32 v2, v1  }
0xd8: {  	v2 =	vmul.f32 v6, v8;
	v6 =	vld [tilespmem:s17+$0xFFFFFFC0]  }
0xd9: {  	[tilespmem:s19+$0x30] =	vst v1;
	v1 =	vld [tilespmem:s19+$0x40]  }
0xda: {  	[tilespmem:s19+$0xFFFFFF30] =	vst v2;
	v2 =	vld [tilespmem:s17+$0x40];
	v4 =	vmul.f32 v5, v4  }
0xdb: {  	v5 =	vld [tilespmem:s17+$0xFFFFFF40]  }
0xdc: {  	[tilespmem:s19+$0xC0] =	vst v4;
	v4 =	vld [tilespmem:s19+$0xD0]  }
0xdd: {  	v3 =	vmul.f32 v6, v3;
	v6 =	vld [tilespmem:s17+$0xD0]  }
0xde: {  	v8 =	vld [tilespmem:s19+$0xFFFFFF50]  }
0xdf: {  	[tilespmem:s19+$0xFFFFFFC0] =	vst v3;
	v3 =	vld [tilespmem:s19+$0xFFFFFFD0];
	v1 =	vmul.f32 v2, v1  }
0xe0: {  	v2 =	vmul.f32 v5, v7;
	v5 =	vld [tilespmem:s17+$0xFFFFFFD0]  }
0xe1: {  	[tilespmem:s19+$0x40] =	vst v1;
	v1 =	vld [tilespmem:s19+$0x50]  }
0xe2: {  	[tilespmem:s19+$0xFFFFFF40] =	vst v2;
	v2 =	vld [tilespmem:s17+$0x50];
	v4 =	vmul.f32 v6, v4  }
0xe3: {  	v6 =	vld [tilespmem:s17+$0xFFFFFF50]  }
0xe4: {  	[tilespmem:s19+$0xD0] =	vst v4;
	v4 =	vld [tilespmem:s19+$0xE0]  }
0xe5: {  	v3 =	vmul.f32 v5, v3;
	v5 =	vld [tilespmem:s17+$0xE0]  }
0xe6: {  	v7 =	vld [tilespmem:s19+$0xFFFFFF60]  }
0xe7: {  	[tilespmem:s19+$0xFFFFFFD0] =	vst v3;
	v3 =	vld [tilespmem:s19+$0xFFFFFFE0];
	v1 =	vmul.f32 v2, v1  }
0xe8: {  	v2 =	vmul.f32 v6, v8;
	v6 =	vld [tilespmem:s17+$0xFFFFFFE0]  }
0xe9: {  	[tilespmem:s19+$0x50] =	vst v1;
	v8 =	vld [tilespmem:s19+$0x60]  }
0xea: {  	[tilespmem:s19+$0xFFFFFF50] =	vst v2;
	v9 =	vld [tilespmem:s17+$0x60];
	v1 =	vmul.f32 v5, v4  }
0xeb: {  	v4 =	vld [tilespmem:s17+$0xFFFFFF60]  }
0xec: {  	[tilespmem:s19+$0xE0] =	vst v1;
	v10 =	vld [tilespmem:s19+$0xF0]  }
0xed: {  	v2 =	vmul.f32 v6, v3;
	v6 =	vld [tilespmem:s17+$0xF0]  }
0xee: {  	v1 =	vld [tilespmem:s19+$0xFFFFFF70]  }
.Ltmp1:
0xef: {  	[tilespmem:s19+$0xFFFFFFE0] =	vst v2;
	v2 =	vld [tilespmem:s19+$0xFFFFFFF0];
	v3 =	vmul.f32 v9, v8;
	(pc) =	sbr.rel @p1 .LBB2_5-.Ltmp1, $4  }
0xf0: {  	v5 =	vmul.f32 v4, v7;
	v4 =	vld [tilespmem:s17+$0xFFFFFFF0]  }
0xf1: {  	[tilespmem:s19+$0x60] =	vst v3;
	v3 =	vld [tilespmem:s19+$0x70]  }
0xf2: {  	[tilespmem:s19+$0xFFFFFF60] =	vst v5;
	v5 =	vld [tilespmem:s17+$0x70];
	v7 =	vmul.f32 v6, v10  }
0xf3: {  	s19 =	sadd.s32 $0x200, s19;
	v6 =	vld [tilespmem:s17+$0xFFFFFF70]  }
0xf4: {  	_ =	sdelay $0x1  }
0xf5: {  	v2 =	vmul.f32 v4, v2  }
0xf6: {  	[tilespmem:s16+$0xF0] =	vst v7;
	v3 =	vmul.f32 v5, v3  }
0xf7: {  	[tilespmem:s16+$0xFFFFFFF0] =	vst v2;
	v1 =	vmul.f32 v6, v1  }
0xf8: {  	[tilespmem:s16+$0x70] =	vst v3  }
0xf9: {  	[tilespmem:s16+$0xFFFFFF70] =	vst v1  }
0xfa: {  	[spmem:s3] =	stream.indirect.scatter.add.f32 [tilespmem:s29], [sflag:$0x5], $0x80, s9, s31, $0xb8;
	[tilespmem:$0x1E500] =	vst v63  }
0xfb: {  	_ =	swait.ge [sflag:s10], $0x2800  }
0xfc: {  	[sflag:s10] =	ssyncset.done $0x0  }
0xfd: {  	[sflag:s10] =	ssyncadd.s32 $0xFFFFD800  }
0xfe: {  	_ =	swait.ge [sflag:s12], $0x2800  }
0xff: {  	[sflag:s12] =	ssyncset.done $0x0  }
0x100: {  	p1 =	seq.s32 s24, $0x3E;
	[sflag:s12] =	ssyncadd.s32 $0xFFFFD800  }
0x101: {  	s15 =	sadd.s32 @!p1 s15, s28;
	_ =	swait.ge [sflag:s13], $0x2800  }
0x102: {  	s15 =	sshll.u32 @!p1 s15, $0x6;
	[sflag:s13] =	ssyncset.done $0x0  }
0x103: {  	s15 =	sadd.s32 @!p1 s15, s25;
	s16 =	simm.s32 @!p1 $0x0;
	[sflag:s13] =	ssyncadd.s32 $0xFFFFD800  }
0x104: {  	[tilespmem:s16], [sflag:$0x7] =	stream.linear.gather @!p1 [hbm4b:s15+s16], $0x180, $0x38;
	[tilespmem:$0x1E500] =	vst v63  }
0x105: {  	s15 =	simm.s32 @!p1 $0x7  }
0x106: {  	_ =	swait.ge @!p1 [sflag:s15], $0x180  }
0x107: {  	[sflag:s15] =	ssyncset.done @!p1 $0x0  }
0x108: {  	s17 =	simm.s32 @!p1 $0x400;
	[sflag:s15] =	ssyncadd.s32 @!p1 $0xFFFFFE80;
	s15 =	simm.s32 @!p1 $0x50  }
0x109: {  	[tilespmem:s17], [sflag:$0x1] =	stream.indirect.gather @!p1 [hbm4b:s0+s15], $0x80, s16, s15, $0xb8;
	[tilespmem:$0x1E500] =	vst v63  }
0x10a: {  	s16 =	simm.s32 @!p1 $0x100;
	s17 =	simm.s32 @!p1 $0x5400  }
0x10b: {  	[tilespmem:s17], [sflag:$0x3] =	stream.indirect.gather @!p1 [spmem:s2], $0x80, s16, s15, $0xb8;
	[tilespmem:$0x1E500] =	vst v63  }
0x10c: {  	s15 =	simm.s32 $0x2D00  }
0x10d: {  	s16 =	simm.s32 $0x7D00;
	v1 =	vld [tilespmem:s15+$0x80]  }
0x10e: {  	v2 =	vld [tilespmem:s16+$0x80]  }
0x10f: {  	v3 =	vld [tilespmem:s15+$0xFFFFFF80]  }
0x110: {  	v4 =	vld [tilespmem:s16+$0xFFFFFF80]  }
0x111: {  	v5 =	vld [tilespmem:s15+$0x0]  }
0x112: {  	v6 =	vld [tilespmem:s16+$0x0]  }
0x113: {  	v7 =	vld [tilespmem:s15+$0xFFFFFF00];
	v1 =	vmul.f32 v2, v1  }
0x114: {  	v2 =	vld [tilespmem:s16+$0xFFFFFF00]  }
0x115: {  	[tilespmem:s15+$0x80] =	vst v1;
	v1 =	vld [tilespmem:s15+$0x90]  }
0x116: {  	v3 =	vmul.f32 v4, v3;
	v4 =	vld [tilespmem:s16+$0x90]  }
0x117: {  	v8 =	vld [tilespmem:s15+$0xFFFFFF10]  }
0x118: {  	[tilespmem:s15+$0xFFFFFF80] =	vst v3;
	v3 =	vmul.f32 v6, v5;
	v5 =	vld [tilespmem:s15+$0xFFFFFF90]  }
0x119: {  	v6 =	vld [tilespmem:s16+$0xFFFFFF90];
	v2 =	vmul.f32 v2, v7  }
0x11a: {  	[tilespmem:s15+$0x0] =	vst v3;
	v3 =	vld [tilespmem:s15+$0x10]  }
0x11b: {  	v7 =	vld [tilespmem:s16+$0x10];
	[tilespmem:s15+$0xFFFFFF00] =	vst v2;
	v1 =	vmul.f32 v4, v1  }
0x11c: {  	v2 =	vld [tilespmem:s16+$0xFFFFFF10]  }
0x11d: {  	[tilespmem:s15+$0x90] =	vst v1;
	v1 =	vld [tilespmem:s15+$0xA0]  }
0x11e: {  	v4 =	vmul.f32 v6, v5;
	v5 =	vld [tilespmem:s16+$0xA0]  }
0x11f: {  	v6 =	vld [tilespmem:s15+$0xFFFFFF20]  }
0x120: {  	[tilespmem:s15+$0xFFFFFF90] =	vst v4;
	v3 =	vmul.f32 v7, v3;
	v4 =	vld [tilespmem:s15+$0xFFFFFFA0]  }
0x121: {  	v7 =	vld [tilespmem:s16+$0xFFFFFFA0];
	v2 =	vmul.f32 v2, v8  }
0x122: {  	[tilespmem:s15+$0x10] =	vst v3;
	v3 =	vld [tilespmem:s15+$0x20]  }
0x123: {  	v8 =	vld [tilespmem:s16+$0x20];
	[tilespmem:s15+$0xFFFFFF10] =	vst v2;
	v1 =	vmul.f32 v5, v1  }
0x124: {  	v2 =	vld [tilespmem:s16+$0xFFFFFF20]  }
0x125: {  	[tilespmem:s15+$0xA0] =	vst v1;
	v1 =	vld [tilespmem:s15+$0xB0]  }
0x126: {  	v4 =	vmul.f32 v7, v4;
	v5 =	vld [tilespmem:s16+$0xB0]  }
0x127: {  	v7 =	vld [tilespmem:s15+$0xFFFFFF30]  }
0x128: {  	[tilespmem:s15+$0xFFFFFFA0] =	vst v4;
	v3 =	vmul.f32 v8, v3;
	v4 =	vld [tilespmem:s15+$0xFFFFFFB0]  }
0x129: {  	v8 =	vld [tilespmem:s16+$0xFFFFFFB0];
	v2 =	vmul.f32 v2, v6  }
0x12a: {  	[tilespmem:s15+$0x20] =	vst v3;
	v3 =	vld [tilespmem:s15+$0x30]  }
0x12b: {  	v6 =	vld [tilespmem:s16+$0x30];
	[tilespmem:s15+$0xFFFFFF20] =	vst v2;
	v1 =	vmul.f32 v5, v1  }
0x12c: {  	v2 =	vld [tilespmem:s16+$0xFFFFFF30]  }
0x12d: {  	[tilespmem:s15+$0xB0] =	vst v1;
	v1 =	vld [tilespmem:s15+$0xC0]  }
0x12e: {  	v4 =	vmul.f32 v8, v4;
	v5 =	vld [tilespmem:s16+$0xC0]  }
0x12f: {  	v8 =	vld [tilespmem:s15+$0xFFFFFF40]  }
0x130: {  	[tilespmem:s15+$0xFFFFFFB0] =	vst v4;
	v3 =	vmul.f32 v6, v3;
	v4 =	vld [tilespmem:s15+$0xFFFFFFC0]  }
0x131: {  	v6 =	vld [tilespmem:s16+$0xFFFFFFC0];
	v2 =	vmul.f32 v2, v7  }
0x132: {  	[tilespmem:s15+$0x30] =	vst v3;
	v3 =	vld [tilespmem:s15+$0x40]  }
0x133: {  	v7 =	vld [tilespmem:s16+$0x40];
	[tilespmem:s15+$0xFFFFFF30] =	vst v2;
	v1 =	vmul.f32 v5, v1  }
0x134: {  	v2 =	vld [tilespmem:s16+$0xFFFFFF40]  }
0x135: {  	[tilespmem:s15+$0xC0] =	vst v1;
	v1 =	vld [tilespmem:s15+$0xD0]  }
0x136: {  	v4 =	vmul.f32 v6, v4;
	v5 =	vld [tilespmem:s16+$0xD0]  }
0x137: {  	v6 =	vld [tilespmem:s15+$0xFFFFFF50]  }
0x138: {  	[tilespmem:s15+$0xFFFFFFC0] =	vst v4;
	v3 =	vmul.f32 v7, v3;
	v4 =	vld [tilespmem:s15+$0xFFFFFFD0]  }
0x139: {  	v7 =	vld [tilespmem:s16+$0xFFFFFFD0];
	v2 =	vmul.f32 v2, v8  }
0x13a: {  	[tilespmem:s15+$0x40] =	vst v3;
	v3 =	vld [tilespmem:s15+$0x50]  }
0x13b: {  	v8 =	vld [tilespmem:s16+$0x50];
	[tilespmem:s15+$0xFFFFFF40] =	vst v2;
	v1 =	vmul.f32 v5, v1  }
0x13c: {  	v2 =	vld [tilespmem:s16+$0xFFFFFF50]  }
0x13d: {  	[tilespmem:s15+$0xD0] =	vst v1;
	v1 =	vld [tilespmem:s15+$0xE0]  }
0x13e: {  	v4 =	vmul.f32 v7, v4;
	v5 =	vld [tilespmem:s16+$0xE0]  }
0x13f: {  	v7 =	vld [tilespmem:s15+$0xFFFFFF60]  }
0x140: {  	[tilespmem:s15+$0xFFFFFFD0] =	vst v4;
	v3 =	vmul.f32 v8, v3;
	v4 =	vld [tilespmem:s15+$0xFFFFFFE0]  }
0x141: {  	v8 =	vld [tilespmem:s16+$0xFFFFFFE0];
	v2 =	vmul.f32 v2, v6  }
0x142: {  	[tilespmem:s15+$0x50] =	vst v3;
	v3 =	vld [tilespmem:s15+$0x60]  }
0x143: {  	v6 =	vld [tilespmem:s16+$0x60];
	[tilespmem:s15+$0xFFFFFF50] =	vst v2;
	v1 =	vmul.f32 v5, v1  }
0x144: {  	v5 =	vld [tilespmem:s16+$0xFFFFFF60]  }
0x145: {  	v9 =	vld [tilespmem:s15+$0xF0];
	[tilespmem:s15+$0xE0] =	vst v1  }
0x146: {  	v2 =	vmul.f32 v8, v4;
	v8 =	vld [tilespmem:s16+$0xF0]  }
0x147: {  	v1 =	vld [tilespmem:s15+$0xFFFFFF70]  }
0x148: {  	[tilespmem:s15+$0xFFFFFFE0] =	vst v2;
	v3 =	vmul.f32 v6, v3;
	v2 =	vld [tilespmem:s15+$0xFFFFFFF0]  }
0x149: {  	v4 =	vld [tilespmem:s16+$0xFFFFFFF0];
	v5 =	vmul.f32 v5, v7  }
0x14a: {  	[tilespmem:s15+$0x60] =	vst v3;
	v3 =	vld [tilespmem:s15+$0x70]  }
0x14b: {  	[tilespmem:s15+$0xFFFFFF60] =	vst v5;
	v5 =	vld [tilespmem:s16+$0x70];
	v7 =	vmul.f32 v8, v9  }
0x14c: {  	s18 =	simm.s32 $0x2F00;
	s17 =	simm.s32 $0x0;
	v6 =	vld [tilespmem:s16+$0xFFFFFF70]  }
.LBB2_7:
0x14d: {  	v8 =	vld [tilespmem:s18+$0x80];
	[tilespmem:s15+$0xF0] =	vst v7;
	s16 =	sadd.s32 $0x200, s16  }
0x14e: {  	s17 =	sadd.s32 $0x4, s17;
	v7 =	vld [tilespmem:s16+$0x80];
	v2 =	vmul.f32 v4, v2  }
0x14f: {  	p1 =	slt.u32 s17, $0x4C;
	v4 =	vld [tilespmem:s16+$0xFFFFFF00]  }
0x150: {  	v9 =	vld [tilespmem:s18+$0xFFFFFF80];
	[tilespmem:s15+$0xFFFFFFF0] =	vst v2;
	v2 =	vmul.f32 v5, v3  }
0x151: {  	v3 =	vld [tilespmem:s16+$0xFFFFFF80];
	v1 =	vmul.f32 v6, v1  }
0x152: {  	v5 =	vld [tilespmem:s18+$0x0];
	[tilespmem:s15+$0x70] =	vst v2  }
0x153: {  	v2 =	vld [tilespmem:s16+$0x0];
	v6 =	vmul.f32 v7, v8;
	[tilespmem:s15+$0xFFFFFF70] =	vst v1;
	s15 =	smov.u32 s18  }
0x154: {  	v1 =	vld [tilespmem:s18+$0xFFFFFF00]  }
0x155: {  	[tilespmem:s18+$0x80] =	vst v6;
	v6 =	vld [tilespmem:s18+$0x90]  }
0x156: {  	v3 =	vmul.f32 v3, v9;
	v7 =	vld [tilespmem:s16+$0x90]  }
0x157: {  	v8 =	vld [tilespmem:s18+$0xFFFFFF10]  }
0x158: {  	[tilespmem:s18+$0xFFFFFF80] =	vst v3;
	v3 =	vld [tilespmem:s18+$0xFFFFFF90];
	v2 =	vmul.f32 v2, v5  }
0x159: {  	v1 =	vmul.f32 v4, v1;
	v4 =	vld [tilespmem:s16+$0xFFFFFF90]  }
0x15a: {  	[tilespmem:s18+$0x0] =	vst v2;
	v2 =	vld [tilespmem:s18+$0x10]  }
0x15b: {  	[tilespmem:s18+$0xFFFFFF00] =	vst v1;
	v1 =	vld [tilespmem:s16+$0x10];
	v5 =	vmul.f32 v7, v6  }
0x15c: {  	v6 =	vld [tilespmem:s16+$0xFFFFFF10]  }
0x15d: {  	[tilespmem:s18+$0x90] =	vst v5;
	v5 =	vld [tilespmem:s18+$0xA0]  }
0x15e: {  	v3 =	vmul.f32 v4, v3;
	v4 =	vld [tilespmem:s16+$0xA0]  }
0x15f: {  	v7 =	vld [tilespmem:s18+$0xFFFFFF20]  }
0x160: {  	[tilespmem:s18+$0xFFFFFF90] =	vst v3;
	v3 =	vld [tilespmem:s18+$0xFFFFFFA0];
	v1 =	vmul.f32 v1, v2  }
0x161: {  	v2 =	vmul.f32 v6, v8;
	v6 =	vld [tilespmem:s16+$0xFFFFFFA0]  }
0x162: {  	[tilespmem:s18+$0x10] =	vst v1;
	v1 =	vld [tilespmem:s18+$0x20]  }
0x163: {  	[tilespmem:s18+$0xFFFFFF10] =	vst v2;
	v2 =	vld [tilespmem:s16+$0x20];
	v4 =	vmul.f32 v4, v5  }
0x164: {  	v5 =	vld [tilespmem:s16+$0xFFFFFF20]  }
0x165: {  	[tilespmem:s18+$0xA0] =	vst v4;
	v4 =	vld [tilespmem:s18+$0xB0]  }
0x166: {  	v3 =	vmul.f32 v6, v3;
	v6 =	vld [tilespmem:s16+$0xB0]  }
0x167: {  	v8 =	vld [tilespmem:s18+$0xFFFFFF30]  }
0x168: {  	[tilespmem:s18+$0xFFFFFFA0] =	vst v3;
	v3 =	vld [tilespmem:s18+$0xFFFFFFB0];
	v1 =	vmul.f32 v2, v1  }
0x169: {  	v2 =	vmul.f32 v5, v7;
	v5 =	vld [tilespmem:s16+$0xFFFFFFB0]  }
0x16a: {  	[tilespmem:s18+$0x20] =	vst v1;
	v1 =	vld [tilespmem:s18+$0x30]  }
0x16b: {  	[tilespmem:s18+$0xFFFFFF20] =	vst v2;
	v2 =	vld [tilespmem:s16+$0x30];
	v4 =	vmul.f32 v6, v4  }
0x16c: {  	v6 =	vld [tilespmem:s16+$0xFFFFFF30]  }
0x16d: {  	[tilespmem:s18+$0xB0] =	vst v4;
	v4 =	vld [tilespmem:s18+$0xC0]  }
0x16e: {  	v3 =	vmul.f32 v5, v3;
	v5 =	vld [tilespmem:s16+$0xC0]  }
0x16f: {  	v7 =	vld [tilespmem:s18+$0xFFFFFF40]  }
0x170: {  	[tilespmem:s18+$0xFFFFFFB0] =	vst v3;
	v3 =	vld [tilespmem:s18+$0xFFFFFFC0];
	v1 =	vmul.f32 v2, v1  }
0x171: {  	v2 =	vmul.f32 v6, v8;
	v6 =	vld [tilespmem:s16+$0xFFFFFFC0]  }
0x172: {  	[tilespmem:s18+$0x30] =	vst v1;
	v1 =	vld [tilespmem:s18+$0x40]  }
0x173: {  	[tilespmem:s18+$0xFFFFFF30] =	vst v2;
	v2 =	vld [tilespmem:s16+$0x40];
	v4 =	vmul.f32 v5, v4  }
0x174: {  	v5 =	vld [tilespmem:s16+$0xFFFFFF40]  }
0x175: {  	[tilespmem:s18+$0xC0] =	vst v4;
	v4 =	vld [tilespmem:s18+$0xD0]  }
0x176: {  	v3 =	vmul.f32 v6, v3;
	v6 =	vld [tilespmem:s16+$0xD0]  }
0x177: {  	v8 =	vld [tilespmem:s18+$0xFFFFFF50]  }
0x178: {  	[tilespmem:s18+$0xFFFFFFC0] =	vst v3;
	v3 =	vld [tilespmem:s18+$0xFFFFFFD0];
	v1 =	vmul.f32 v2, v1  }
0x179: {  	v2 =	vmul.f32 v5, v7;
	v5 =	vld [tilespmem:s16+$0xFFFFFFD0]  }
0x17a: {  	[tilespmem:s18+$0x40] =	vst v1;
	v1 =	vld [tilespmem:s18+$0x50]  }
0x17b: {  	[tilespmem:s18+$0xFFFFFF40] =	vst v2;
	v2 =	vld [tilespmem:s16+$0x50];
	v4 =	vmul.f32 v6, v4  }
0x17c: {  	v6 =	vld [tilespmem:s16+$0xFFFFFF50]  }
0x17d: {  	[tilespmem:s18+$0xD0] =	vst v4;
	v4 =	vld [tilespmem:s18+$0xE0]  }
0x17e: {  	v3 =	vmul.f32 v5, v3;
	v5 =	vld [tilespmem:s16+$0xE0]  }
0x17f: {  	v7 =	vld [tilespmem:s18+$0xFFFFFF60]  }
0x180: {  	[tilespmem:s18+$0xFFFFFFD0] =	vst v3;
	v3 =	vld [tilespmem:s18+$0xFFFFFFE0];
	v1 =	vmul.f32 v2, v1  }
0x181: {  	v2 =	vmul.f32 v6, v8;
	v6 =	vld [tilespmem:s16+$0xFFFFFFE0]  }
0x182: {  	[tilespmem:s18+$0x50] =	vst v1;
	v8 =	vld [tilespmem:s18+$0x60]  }
0x183: {  	[tilespmem:s18+$0xFFFFFF50] =	vst v2;
	v9 =	vld [tilespmem:s16+$0x60];
	v1 =	vmul.f32 v5, v4  }
0x184: {  	v4 =	vld [tilespmem:s16+$0xFFFFFF60]  }
0x185: {  	[tilespmem:s18+$0xE0] =	vst v1;
	v10 =	vld [tilespmem:s18+$0xF0]  }
0x186: {  	v2 =	vmul.f32 v6, v3;
	v6 =	vld [tilespmem:s16+$0xF0]  }
0x187: {  	v1 =	vld [tilespmem:s18+$0xFFFFFF70]  }
.Ltmp2:
0x188: {  	[tilespmem:s18+$0xFFFFFFE0] =	vst v2;
	v2 =	vld [tilespmem:s18+$0xFFFFFFF0];
	v3 =	vmul.f32 v9, v8;
	(pc) =	sbr.rel @p1 .LBB2_7-.Ltmp2, $4  }
0x189: {  	v5 =	vmul.f32 v4, v7;
	v4 =	vld [tilespmem:s16+$0xFFFFFFF0]  }
0x18a: {  	[tilespmem:s18+$0x60] =	vst v3;
	v3 =	vld [tilespmem:s18+$0x70]  }
0x18b: {  	[tilespmem:s18+$0xFFFFFF60] =	vst v5;
	v5 =	vld [tilespmem:s16+$0x70];
	v7 =	vmul.f32 v6, v10  }
0x18c: {  	s18 =	sadd.s32 $0x200, s18;
	v6 =	vld [tilespmem:s16+$0xFFFFFF70]  }
0x18d: {  	_ = 	snop  }
0x18e: {  	s24 =	sadd.s32 $0x1, s24  }
0x18f: {  	v2 =	vmul.f32 v4, v2;
	p1 =	sne.s32 s24, $0x3F  }
.Ltmp3:
0x190: {  	[tilespmem:s15+$0xF0] =	vst v7;
	v3 =	vmul.f32 v5, v3;
	(pc) =	sbr.rel @p1 .LBB2_4-.Ltmp3, $4  }
0x191: {  	[tilespmem:s15+$0xFFFFFFF0] =	vst v2;
	v1 =	vmul.f32 v6, v1  }
0x192: {  	[tilespmem:s15+$0x70] =	vst v3  }
0x193: {  	[tilespmem:s15+$0xFFFFFF70] =	vst v1  }
0x194: {  	[spmem:s3] =	stream.indirect.scatter.add.f32 [tilespmem:s6], [sflag:$0x6], $0x80, s14, s31, $0xb8;
	[tilespmem:$0x1E500] =	vst v63  }
0x195: {  	s15 =	simm.s32 $0x6  }
0x196: {  	_ =	swait.ge [sflag:s15], $0x2800  }
0x197: {  	[sflag:s15] =	ssyncset.done $0x0  }
0x198: {  	s16 =	stileid.u32;
	[sflag:s15] =	ssyncadd.s32 $0xFFFFD800  }
0x199: {  	s15 =	sshll.u32 s16, $0x6;
	[bflag:$0x0] =	sbarrier.arrive $0xFFFF  }
0x19a: {  	s16 =	sshrl.u32 s20, $0x3;
	s15 =	sor.u32 $0x1C07, s15;
	s17 =	rddreg [dreg:$0x6]  }
0x19b: {  	[hbm:s17], [sflag:s15] =	dma.local [spmem:s16], $0x500  }
0x19c: {  	_ =	swait.ge [sflag:s30], $0x500  }
0x19d: {  	s18 =	smov.u32 s20;
	[sflag:s30] =	ssyncset.done $0x0  }
0x19e: {  	s17 =	sshrl.u32 s21, $0x3;
	s20 =	rddreg [dreg:$0x7];
	[sflag:s30] =	ssyncadd.s32 $0xFFFFFB00  }
0x19f: {  	[hbm:s20], [sflag:s15] =	dma.local [spmem:s17], $0x500  }
0x1a0: {  	_ =	swait.ge [sflag:s30], $0x500  }
0x1a1: {  	s19 =	smov.u32 s21;
	[sflag:s30] =	ssyncset.done $0x0;
	s21 =	rddreg [dreg:$0xe]  }
0x1a2: {  	s24 =	rddreg [dreg:$0x8];
	[sflag:s30] =	ssyncadd.s32 $0xFFFFFB00;
	s16 =	sshrl.u32 s21, $0x3  }
0x1a3: {  	[hbm:s24], [sflag:s15] =	dma.local [spmem:s16], $0x500  }
0x1a4: {  	_ =	swait.ge [sflag:s30], $0x500  }
0x1a5: {  	[sflag:s30] =	ssyncset.done $0x0;
	s17 =	rddreg [dreg:$0xf]  }
0x1a6: {  	s20 =	rddreg [dreg:$0x9];
	[sflag:s30] =	ssyncadd.s32 $0xFFFFFB00;
	s16 =	sshrl.u32 s17, $0x3  }
0x1a7: {  	[hbm:s20], [sflag:s15] =	dma.local [spmem:s16], $0x500  }
0x1a8: {  	_ =	swait.ge [sflag:s30], $0x500  }
0x1a9: {  	[sflag:s30] =	ssyncset.done $0x0;
	s21 =	rddreg [dreg:$0x10]  }
0x1aa: {  	s24 =	rddreg [dreg:$0xa];
	[sflag:s30] =	ssyncadd.s32 $0xFFFFFB00;
	s16 =	sshrl.u32 s21, $0x3  }
0x1ab: {  	[hbm:s24], [sflag:s15] =	dma.local [spmem:s16], $0x500  }
0x1ac: {  	_ =	swait.ge [sflag:s30], $0x500  }
0x1ad: {  	[sflag:s30] =	ssyncset.done $0x0;
	s17 =	rddreg [dreg:$0x11]  }
0x1ae: {  	s20 =	rddreg [dreg:$0xb];
	[sflag:s30] =	ssyncadd.s32 $0xFFFFFB00;
	s16 =	sshrl.u32 s17, $0x3  }
0x1af: {  	[hbm:s20], [sflag:s15] =	dma.local [spmem:s16], $0x500  }
0x1b0: {  	_ =	swait.ge [sflag:s30], $0x500  }
0x1b1: {  	[sflag:s30] =	ssyncset.done $0x0;
	s21 =	rddreg [dreg:$0x12]  }
0x1b2: {  	s24 =	rddreg [dreg:$0xc];
	[sflag:s30] =	ssyncadd.s32 $0xFFFFFB00;
	s16 =	sshrl.u32 s21, $0x3  }
0x1b3: {  	[hbm:s24], [sflag:s15] =	dma.local [spmem:s16], $0x500  }
0x1b4: {  	_ =	swait.ge [sflag:s30], $0x500  }
0x1b5: {  	[sflag:s30] =	ssyncset.done $0x0  }
0x1b6: {  	s20 =	sshrl.u32 s23, $0x3;
	s21 =	rddreg [dreg:$0xd];
	[sflag:s30] =	ssyncadd.s32 $0xFFFFFB00  }
0x1b7: {  	[hbm:s21], [sflag:s15] =	dma.local [spmem:s20], $0x500  }
0x1b8: {  	_ =	swait.ge [sflag:s30], $0x500  }
0x1b9: {  	s26 =	sadd.s32 $0x1, s26;
	s24 =	rddreg [dreg:$0x14]  }
0x1ba: {  	p1 =	sne.s32 s26, s24  }
.Ltmp4:
0x1bb: {  	_ = 	snop;
	(pc) =	sbr.rel @p1 .LBB2_1-.Ltmp4, $3  }
0x1bc: {  	_ =	sdelay $0x1  }
0x1bd: {  	[sflag:s30] =	ssyncset.done $0x0  }
0x1be: {  	[sflag:s30] =	ssyncadd.s32 $0xFFFFFB00  }
0x1bf: {  	_ =	sfence.sel $0x180000  }
0x1c0: {  	[bflag:$0x0] =	sbarrier.arrive $0xFFFF  }
0x1c1: {  	_ =	strace $0x9000004D  }
0x1c2: {  	[bflag:$0x2] =	sbarrier.arrive $0xFFFF  }
0x1c3: {  	s0 =	rddreg [dreg:$0x5]  }
0x1c4: {  	s0 =	sadd.s32 @!p0 $0x100000, s0  }
0x1c5: {  	[sflag:s0] =	ssyncadd.tile.s32 @!p0 $0x1;
	_ =	shalt  }
.Lfunc_end2:
_tile_overlayer_lowered:
.L_overlay_start_2:
0x1c6: {  	(tag) =	ssettag $0x2  }
0x1c7: {  	s0 =	rddreg [dreg:$0x0];
	s2 =	stileid.u32  }
0x1c8: {  	s1 =	rddreg [dreg:$0x1];
	p0 =	sne.s32 s2, $0x0  }
0x1c9: {  	s3 =	rddreg [dreg:$0x2];
	[bflag:$0x3] =	sbarrier.arrive $0xFFFF;
	s2 =	simm.s32 @!p0 $0x1C07  }
0x1ca: {  	[timem:s3], [sflag:s2] =	dma.local @!p0 [hbm:s0], s1  }
0x1cb: {  	s0 =	simm.s32 @!p0 $0x7  }
0x1cc: {  	_ =	swait.ge @!p0 [sflag:s0], s1  }
0x1cd: {  	s1 =	ssub.s32 @!p0 $0x0, s1;
	[sflag:s0] =	ssyncset.done @!p0 $0x0  }
0x1ce: {  	[sflag:s0] =	ssyncadd.s32 @!p0 s1  }
0x1cf: {  	[bflag:$0x3] =	sbarrier.arrive $0xFFFF  }
0x1d0: {  	_ =	shalt  }

// kernel: _run.7.cloned.1.call-start
scs
__scs_entry_jumppad:
0x0: {  	(pc) =	sbr.rel $0x88, $3  }
0x1: {  	(tag) =	ssettag $0x0;
	lr =	simm.s32 $0x1  }
0x2: {  	[smem:$0x3F95] =	sst lr;
	_ =	strace $0xD0000000  }
0x3: {  	_ = 	snop  }
0x4: {  	_ = 	snop  }
0x5: {  	_ = 	snop  }
0x6: {  	_ = 	snop  }
0x7: {  	_ = 	snop  }
__scs_overlays_trampoline_lowered:
0x8: {  	[smem:$0x3FA4] =	sst s0  }
0x9: {  	[smem:$0x3FA5] =	sst s1  }
0xa: {  	[smem:$0x3FA6] =	sst s2  }
0xb: {  	[smem:$0x3FA7] =	sst s3  }
0xc: {  	[smem:$0x3FA8] =	sst s4  }
0xd: {  	[smem:$0x3FA9] =	sst s5  }
0xe: {  	[smem:$0x3FAA] =	sst s6  }
0xf: {  	[smem:$0x3FAB] =	sst s7  }
0x10: {  	[smem:$0x3FAC] =	sst s8  }
0x11: {  	[smem:$0x3FAD] =	sst s9;
	s0 =	simm.s32 @!p0 $0x0  }
0x12: {  	s1 =	sld [smem:$0x3F93];
	s0 =	simm.s32 @p0 $0x1  }
0x13: {  	[smem:$0x3FAE] =	sst s0;
	s0 =	simm.s32 @!p1 $0x0  }
0x14: {  	s2 =	sld [smem:$0x3F92];
	s0 =	simm.s32 @p1 $0x1  }
0x15: {  	[smem:$0x3FAF] =	sst s0;
	s0 =	simm.s32 @!p2 $0x0  }
0x16: {  	s3 =	sld [smem:$0x3FDB];
	s0 =	simm.s32 @p2 $0x1  }
0x17: {  	s4 =	simm.s32 $0x1BF5;
	[smem:$0x3FB1] =	sst s0  }
0x18: {  	s0 =	sld [smem:$0x3F94];
	_ =	swait.ge [sflag:s4], $0x0  }
0x19: {  	s7 =	sld [smem:$0x3F95]  }
0x1a: {  	s8 =	sadd.s32 $0xFFFFE003, lr  }
0x1b: {  	s9 =	sadd.s32 $0xFFFFFEF7, lr;
	s5 =	simm.s32 $0xFFFFFFFF;
	p2 =	slt.u32 s8, $0xFFFFF086  }
0x1c: {  	p1 =	slt.u32 s9, $0xF7A;
	s5 =	simm.s32 @!p2 $0x0  }
0x1d: {  	s5 =	simm.s32 @p1 $0x1;
	p0 =	seq.s32 s7, s2  }
0x1e: {  	s7 =	smul.u32 @!p0 $0xF7A, s2;
	p2 =	seq.s32 @!p0 s5, $0x0  }
0x1f: {  	s9 =	smul.u32 $0xF7A, s1;
	s8 =	simm.s32 @!p0 $0x1BF5;
	p2 =	por !p2, p0  }
0x20: {  	[sflag:s8] =	ssyncset.s32 @!p0 $0xFFFFF086;
	s6 =	sadd.s32 @!p0 s3, s7;
	s7 =	simm.s32 @!p0 $0x108  }
0x21: {  	s3 =	sadd.s32 s3, s9;
	s6 =	sadd.s32 @!p0 $0x88, s6;
	s7 =	simm.s32 @p2 $0x1082  }
0x22: {  	[simem:s7], [sflag:s8] =	dma.local @!p0 [hbm:s6], $0xF7A  }
0x23: {  	s9 =	sor.u32 $0xD0000000, s2;
	s6 =	simm.s32 $0x108;
	_ =	swait.ge @!p0 [sflag:s8], $0x0  }
0x24: {  	s3 =	sadd.s32 $0x88, s3;
	s6 =	simm.s32 @!p1 $0x1082;
	[sflag:s4] =	ssyncset.s32 $0xFFFFF086  }
0x25: {  	[simem:s6], [sflag:s4] =	dma.local [hbm:s3], $0xF7A  }
0x26: {  	[smem:$0x3F95] =	sst s1;
	(tag) =	ssettag s2;
	_ =	strace s9  }
0x27: {  	s1 =	sld [smem:$0x3FA5]  }
0x28: {  	s2 =	sld [smem:$0x3FA6]  }
0x29: {  	s4 =	sld [smem:$0x3FA8]  }
0x2a: {  	p0 =	seq.s32 s5, $0x0;
	s5 =	sld [smem:$0x3FA9]  }
0x2b: {  	s6 =	sld [smem:$0x3FAA]  }
0x2c: {  	s7 =	sld [smem:$0x3FAB]  }
0x2d: {  	s3 =	simm.s32 $0x108;
	s8 =	sld [smem:$0x3FAC]  }
0x2e: {  	s3 =	simm.s32 @!p0 $0x1082;
	s9 =	sld [smem:$0x3FAD]  }
0x2f: {  	lr =	sadd.s32 s0, s3;
	s0 =	sld [smem:$0x3FA4]  }
0x30: {  	s3 =	sld [smem:$0x3FA7]  }
0x31: {  	[smem:$0x3FB0] =	sst s10  }
0x32: {  	s10 =	sld [smem:$0x3FAE];
	_ =	sdelay $0x3  }
0x33: {  	p0 =	seq.s32 s10, $0x1;
	s10 =	sld [smem:$0x3FB0];
	_ =	sdelay $0x3  }
0x34: {  	[smem:$0x3FB0] =	sst s10  }
0x35: {  	s10 =	sld [smem:$0x3FAF];
	_ =	sdelay $0x3  }
0x36: {  	p1 =	seq.s32 s10, $0x1;
	s10 =	sld [smem:$0x3FB0];
	_ =	sdelay $0x3  }
0x37: {  	[smem:$0x3FB0] =	sst s10  }
0x38: {  	s10 =	sld [smem:$0x3FB1]  }
0x39: {  	_ = 	snop;
	(pc) =	sbr.ind lr, $3  }
0x3a: {  	_ = 	snop  }
0x3b: {  	_ = 	snop  }
0x3c: {  	p2 =	seq.s32 s10, $0x1;
	s10 =	sld [smem:$0x3FB0]  }
0x3d: {  	_ =	shalt  }
0x3e: {  	_ =	shalt  }
0x3f: {  	_ =	shalt  }
0x40: {  	_ =	shalt  }
0x41: {  	_ =	shalt  }
0x42: {  	_ =	shalt  }
0x43: {  	_ =	shalt  }
0x44: {  	_ =	shalt  }
0x45: {  	_ =	shalt  }
0x46: {  	_ =	shalt  }
0x47: {  	_ =	shalt  }
0x48: {  	_ =	shalt  }
0x49: {  	_ =	shalt  }
0x4a: {  	_ =	shalt  }
0x4b: {  	_ =	shalt  }
0x4c: {  	_ =	shalt  }
0x4d: {  	_ =	shalt  }
0x4e: {  	_ =	shalt  }
0x4f: {  	_ =	shalt  }
0x50: {  	_ =	shalt  }
0x51: {  	_ =	shalt  }
0x52: {  	_ =	shalt  }
0x53: {  	_ =	shalt  }
0x54: {  	_ =	shalt  }
0x55: {  	_ =	shalt  }
0x56: {  	_ =	shalt  }
0x57: {  	_ =	shalt  }
0x58: {  	_ =	shalt  }
0x59: {  	_ =	shalt  }
0x5a: {  	_ =	shalt  }
0x5b: {  	_ =	shalt  }
0x5c: {  	_ =	shalt  }
0x5d: {  	_ =	shalt  }
0x5e: {  	_ =	shalt  }
0x5f: {  	_ =	shalt  }
0x60: {  	_ =	shalt  }
0x61: {  	_ =	shalt  }
0x62: {  	_ =	shalt  }
0x63: {  	_ =	shalt  }
0x64: {  	_ =	shalt  }
0x65: {  	_ =	shalt  }
0x66: {  	_ =	shalt  }
0x67: {  	_ =	shalt  }
0x68: {  	_ =	shalt  }
0x69: {  	_ =	shalt  }
0x6a: {  	_ =	shalt  }
0x6b: {  	_ =	shalt  }
0x6c: {  	_ =	shalt  }
0x6d: {  	_ =	shalt  }
0x6e: {  	_ =	shalt  }
0x6f: {  	_ =	shalt  }
0x70: {  	_ =	shalt  }
0x71: {  	_ =	shalt  }
0x72: {  	_ =	shalt  }
0x73: {  	_ =	shalt  }
0x74: {  	_ =	shalt  }
0x75: {  	_ =	shalt  }
0x76: {  	_ =	shalt  }
0x77: {  	_ =	shalt  }
0x78: {  	_ =	shalt  }
0x79: {  	_ =	shalt  }
0x7a: {  	_ =	shalt  }
0x7b: {  	_ =	shalt  }
0x7c: {  	_ =	shalt  }
0x7d: {  	_ =	shalt  }
0x7e: {  	_ =	shalt  }
0x7f: {  	_ =	shalt  }
0x80: {  	_ =	shalt  }
0x81: {  	_ =	shalt  }
0x82: {  	_ =	shalt  }
0x83: {  	_ =	shalt  }
0x84: {  	_ =	shalt  }
0x85: {  	_ =	shalt  }
0x86: {  	_ =	shalt  }
0x87: {  	_ =	shalt  }
.Lfunc_end0:
.L_simem_size_0:
called_computation_lowered:
.L_overlay_start_0:
0x88: {  	s2 =	sld [smem:$0x3FD9]  }
0x89: {  	s3 =	sld [smem:$0x3FFE];
	_ =	sdelay $0x1  }
0x8a: {  	s1 =	srdreg.scid  }
0x8b: {  	s0 =	sand.u32 $0x1, s1  }
0x8c: {  	s17 =	sshll.u32 s0, $0xA;
	s2 =	sadd.s32 s3, s2  }
0x8d: {  	s2 =	sadd.s32 s2, s17  }
0x8e: {  	[smem:$0x3FBC] =	sst s2  }
0x8f: {  	_ = 	snop  }
0x90: {  	s2 =	sld [smem:$0x3FC5]  }
0x91: {  	s18 =	sld [smem:$0x3FD0];
	(tm) =	ssettm $0x1  }
0x92: {  	s4 =	sld [smem:$0x3FFB];
	_ =	sdelay $0x3  }
0x93: {  	_ =	strace s4  }
0x94: {  	s4 =	sld [smem:$0x3FFC];
	_ =	sdelay $0x3  }
0x95: {  	_ =	strace s4  }
0x96: {  	s4 =	sld [smem:$0x3FFD];
	_ =	sdelay $0x3  }
0x97: {  	_ =	strace s4  }
0x98: {  	_ =	strace $0x8FFFFFFF  }
0x99: {  	s19 =	sld [smem:$0x3FDB];
	_ =	sdelay $0x1  }
0x9a: {  	s5 =	simm.s32 $_scs_section_size  }
0x9b: {  	s6 =	simm.s32 $_size__tile_overlayer_lowered;
	s7 =	simm.s32 $_tile_overlayer_lowered  }
0x9c: {  	s22 =	simm.s32 $0x1BFF;
	s21 =	sshll.u32 s7, $0x1;
	s4 =	sadd.s32 s5, s19  }
0x9d: {  	s8 =	simm.s32 $0x0;
	s20 =	sshll.u32 s6, $0x1;
	s6 =	sadd.s32 s21, s4  }
0x9e: {  	[timem:s8], [sflag:s22] =	dma.local [hbm:s6], s20  }
0x9f: {  	_ =	swait.ge [sflag:s22], s20  }
0xa0: {  	s5 =	ssub.s32 $0x0, s20;
	[sflag:s22] =	ssyncset.done $0x0  }
0xa1: {  	[sflag:s22] =	ssyncadd.s32 s5;
	_ =	sdelay $0x1  }
0xa2: {  	s23 =	simm.s32 $0x1B8B  }
0xa3: {  	_ =	swait.ge [sflag:s23], $0x1  }
0xa4: {  	[sflag:s23] =	ssyncset.done $0x0  }
0xa5: {  	s25 =	simm.s32 $0x1B8E;
	s24 =	sld [smem:$0x3FFE];
	[sflag:s23] =	ssyncadd.s32 $0xFFFFFFFF  }
0xa6: {  	s26 =	simm.s32 $execute0_lowered;
	[smem:$0x3FD2] =	sst s25  }
0xa7: {  	s6 =	sshll.u32 s26, $0x1;
	_ =	strace $0x80000046;
	[dreg:$0x1] =	wrdreg $0xFFFFFFFF  }
0xa8: {  	s28 =	simm.s32 $_size_execute0_lowered;
	s4 =	sadd.s32 s4, s6;
	[dreg:$0x0] =	wrdreg $0x0  }
0xa9: {  	s6 =	sshll.u32 s28, $0x1;
	[dreg:$0x2] =	wrdreg s4  }
0xaa: {  	[dreg:$0x3] =	wrdreg s6  }
0xab: {  	[dreg:$0x4] =	wrdreg $0xC0  }
0xac: {  	_ =	task [dreg:s8], $0x5FFFF  }
0xad: {  	[dreg:$0x1] =	wrdreg $0xFFFFFFFF  }
0xae: {  	[dreg:$0x0] =	wrdreg $0x60  }
0xaf: {  	[dreg:$0x2] =	wrdreg s2  }
0xb0: {  	[dreg:$0x3] =	wrdreg s18  }
0xb1: {  	[dreg:$0x4] =	wrdreg s24  }
0xb2: {  	[dreg:$0x5] =	wrdreg $0xAA000  }
0xb3: {  	[dreg:$0x6] =	wrdreg $0x9  }
0xb4: {  	_ =	task.clear_ibuf [dreg:s8], $0x7FFFF;
	_ =	strace $0x90000046  }
0xb5: {  	s29 =	simm.s32 $0x9;
	_ =	strace $0x80000048  }
0xb6: {  	_ =	swait.ge [sflag:s29], $0x1  }
0xb7: {  	[sflag:s29] =	ssyncadd.s32 $0xFFFFFFFF  }
0xb8: {  	_ =	strace $0x90000048  }
0xb9: {  	_ =	sfence  }
0xba: {  	s30 =	sld [smem:$0x0];
	_ =	sdelay $0x2  }
0xbb: {  	s31 =	sshll.u32 s1, $0xD;
	s1 =	sshrl.u32 s1, $0x2  }
0xbc: {  	s3 =	sand.u32 $0x4000, s31;
	s1 =	sadd.s32 s1, s30  }
0xbd: {  	s0 =	sor.u32 s3, s0;
	s1 =	sshll.u32 s1, $0x11  }
0xbe: {  	s0 =	sor.u32 s1, s0  }
0xbf: {  	s0 =	sadd.s32 $0x8F2B, s0  }
0xc0: {  	[sflag:s0] =	ssyncadd.remote.s32 $0x1  }
0xc1: {  	_ =	sfence.sel $0xFFFF  }
0xc2: {  	[dreg:$0x0] =	wrdreg $0xFFFFFFFF;
	(pc) =	sbr.abs _section_cstart, $3  }
0xc3: {  	[dreg:$0x1] =	wrdreg $0xFFFFFFFF  }
0xc4: {  	_ =	task.clear_ibuf [dreg:s8], $0x2FFFF;
	_ =	strace $0x9FFFFFFF  }
0xc5: {  	(tm) =	ssettm $0x7FFFFFFF  }
tec
execute0_lowered:
.L_overlay_start_1:
0x0: {  	(tag) =	ssettag $0x1  }
0x1: {  	s8 =	rddreg [dreg:$0x1]  }
0x2: {  	s0 =	srdreg.scid;
	s9 =	rddreg [dreg:$0x2]  }
0x3: {  	s20 =	stileid.u32;
	s10 =	sand.u32 $0x1, s0;
	s11 =	sadd.s32 $0x41A00, s9  }
0x4: {  	s12 =	smul.u32 $0x14000, s20;
	s13 =	sadd.s32 $0x71A00, s9;
	s9 =	sadd.s32 $0x2A00, s9  }
0x5: {  	s0 =	ssub.s32 $0x2, s10;
	s2 =	sshll.u32 s10, $0x4;
	s19 =	smul.u32 $0x140000, s10  }
0x6: {  	s1 =	sshrl.u32 s0, $0x1;
	s14 =	sor.u32 s20, s2;
	s2 =	sadd.s32 $0x5000, s12  }
0x7: {  	s3 =	sadd.s32 $0x7800, s12;
	s4 =	sadd.s32 $0xA000, s12;
	s5 =	sadd.s32 $0xC800, s12  }
0x8: {  	s6 =	sadd.s32 $0xF000, s12;
	s7 =	sadd.s32 $0x11800, s12;
	s15 =	smul.u32 $0x3, s14  }
0x9: {  	s0 =	ssub.s32 s0, s1;
	s1 =	sor.u32 $0x2800, s12;
	s16 =	smul.u32 $0x30, s14  }
0xa: {  	s26 =	smul.u32 $0x1800, s14;
	s12 =	sadd.s32 s12, s19;
	s23 =	sadd.s32 s19, s2  }
0xb: {  	s24 =	sadd.s32 s19, s3;
	s0 =	smax.u32 s0, $0x1;
	s16 =	sadd.s32 s8, s16  }
0xc: {  	s17 =	sadd.s32 $0x1, s15;
	s15 =	sadd.s32 $0x2, s15;
	[dreg:$0x5] =	wrdreg s16  }
0xd: {  	s25 =	sshll.u32 s17, $0x4;
	s18 =	sshll.u32 s15, $0x4;
	s17 =	sshll.u32 s17, $0xB  }
0xe: {  	s16 =	sadd.s32 s8, s25;
	s8 =	sadd.s32 s8, s18;
	s28 =	sadd.s32 s11, s17  }
0xf: {  	s17 =	sadd.s32 s19, s1;
	s18 =	sshrl.u32 s12, $0x3;
	[dreg:$0x6] =	wrdreg s16  }
0x10: {  	s16 =	sadd.s32 s11, s26;
	s21 =	sshrl.u32 s17, $0x3;
	s17 =	smul.u32 $0x7E0, s10  }
0x11: {  	[dreg:$0x8] =	wrdreg s8;
	s26 =	sshrl.u32 s24, $0x3;
	s24 =	smul.u32 $0x1F80, s14  }
0x12: {  	s25 =	sadd.s32 s19, s4;
	[dreg:$0x9] =	wrdreg s28;
	s10 =	smul.u32 $0x1F800, s10  }
0x13: {  	s28 =	sshrl.u32 s25, $0x3;
	s25 =	smul.u32 $0x50000, s20;
	[dreg:$0x7] =	wrdreg s16  }
0x14: {  	s16 =	sshll.u32 s15, $0xB;
	s22 =	sadd.s32 s13, s21;
	s12 =	sadd.s32 s13, s28  }
0x15: {  	s15 =	sadd.s32 s19, s5;
	s8 =	sadd.s32 s11, s16;
	[dreg:$0xc] =	wrdreg s22  }
0x16: {  	[dreg:$0xf] =	wrdreg s12;
	s16 =	sadd.s32 s19, s6;
	s28 =	sshrl.u32 s25, $0x2  }
0x17: {  	s12 =	simm.s32 $0x0;
	[dreg:$0xa] =	wrdreg s8;
	s8 =	sadd.s32 s13, s18  }
0x18: {  	s11 =	sshrl.u32 s16, $0x3;
	s18 =	sadd.s32 s19, s7;
	s16 =	rddreg [dreg:$0x0]  }
0x19: {  	s19 =	smul.u32 $0x7E, s20;
	[dreg:$0xb] =	wrdreg s8;
	s8 =	sshrl.u32 s23, $0x3  }
0x1a: {  	s21 =	sadd.s32 s13, s11;
	s22 =	sshrl.u32 s18, $0x3;
	s18 =	rddreg [dreg:$0x3]  }
0x1b: {  	s11 =	sadd.s32 s24, s9;
	s8 =	sadd.s32 s13, s8;
	[dreg:$0x11] =	wrdreg s21  }
0x1c: {  	s23 =	sadd.s32 s19, s17;
	s19 =	sadd.s32 s28, s18;
	s21 =	sadd.s32 s2, s18  }
0x1d: {  	s24 =	sadd.s32 s5, s18;
	s25 =	sadd.s32 s6, s18;
	s29 =	sadd.s32 $0x10, s11  }
0x1e: {  	s30 =	sadd.s32 $0x50, s11;
	s2 =	simm.s32 $0x80;
	s5 =	simm.s32 $0x1  }
0x1f: {  	s6 =	simm.s32 $0x2;
	s11 =	simm.s32 $0x4;
	[dreg:$0xd] =	wrdreg s8  }
0x20: {  	s8 =	sadd.s32 s13, s26;
	s26 =	smul.u32 $0x1F80, s20;
	s20 =	sadd.s32 s1, s18  }
0x21: {  	[dreg:$0xe] =	wrdreg s8;
	s8 =	sshrl.u32 s15, $0x3;
	s15 =	simm.s32 $0x0  }
0x22: {  	s1 =	simm.s32 $0x5;
	s8 =	sadd.s32 s13, s8;
	[smem:$0x7FF] =	sst s15  }
0x23: {  	[dreg:$0x10] =	wrdreg s8;
	s8 =	sadd.s32 s13, s22;
	s22 =	sadd.s32 s3, s18  }
0x24: {  	s3 =	simm.s32 $0x100;
	[dreg:$0x12] =	wrdreg s8;
	s8 =	sshll.u32 s23, $0x6  }
0x25: {  	s23 =	sadd.s32 s4, s18;
	s4 =	simm.s32 $0x4100;
	s8 =	sadd.s32 s9, s8  }
0x26: {  	s9 =	sadd.s32 s10, s9;
	_ =	strace $0x80000047;
	[dreg:$0x13] =	wrdreg s0  }
0x27: {  	s0 =	simm.s32 $0x8200;
	s10 =	simm.s32 $0x3;
	s9 =	sadd.s32 s26, s9  }
0x28: {  	s26 =	sadd.s32 s7, s18;
	s31 =	sadd.s32 $0xD0, s8;
	s7 =	simm.s32 $0x8100  }
0x29: {  	v0 =	vimm.f32 $0.0e+00;
	v1 =	vimm.f32 $1.000000000e+00;
	s8 =	simm.s32 $0x50;
	s17 =	sadd.s32 $0x90, s9;
	s9 =	simm.s32 $0x8180  }
.LBB2_1:
0x2a: {  	s13 =	simm.s32 $0x0;
	s14 =	simm.s32 $0x200  }
.LBB2_2:
0x2b: {  	p0 =	sne.s32 s14, $0x9E00;
	[tilespmem:s13+$0x8270] =	vst v0  }
0x2c: {  	[tilespmem:s13+$0x8200] =	vst v0  }
0x2d: {  	[tilespmem:s13+$0x8210] =	vst v0  }
.Ltmp0:
0x2e: {  	[tilespmem:s13+$0x8220] =	vst v0;
	(pc) =	sbr.rel @p0 .LBB2_2-.Ltmp0, $4  }
0x2f: {  	[tilespmem:s13+$0x8230] =	vst v0  }
0x30: {  	[tilespmem:s13+$0x8240] =	vst v0  }
0x31: {  	[tilespmem:s13+$0x8250] =	vst v0  }
0x32: {  	[tilespmem:s13+$0x8260] =	vst v0;
	s13 =	sshra.s32 s14, $0x2;
	s14 =	sadd.s32 $0x200, s14  }
0x33: {  	[tilespmem:s13+$0x8270] =	vst v0  }
0x34: {  	[tilespmem:s13+$0x8200] =	vst v0  }
0x35: {  	[tilespmem:s13+$0x8210] =	vst v0  }
0x36: {  	[tilespmem:s13+$0x8220] =	vst v0  }
0x37: {  	[tilespmem:s13+$0x8230] =	vst v0  }
0x38: {  	[tilespmem:s13+$0x8240] =	vst v0  }
0x39: {  	[tilespmem:s13+$0x8250] =	vst v0  }
0x3a: {  	[tilespmem:s13+$0x8260] =	vst v0  }
0x3b: {  	[spmem:s19] =	stream.linear.scatter [tilespmem:s0], [sflag:$0x5], $0x2800, $0x38;
	[tilespmem:$0x1EA00] =	vst v63  }
0x3c: {  	_ =	swait.ge [sflag:s1], $0x2800  }
0x3d: {  	[sflag:s1] =	ssyncset.done $0x0  }
0x3e: {  	[sflag:s1] =	ssyncadd.s32 $0xFFFFD800  }
0x3f: {  	[spmem:s20] =	stream.linear.scatter [tilespmem:s0], [sflag:$0x5], $0x2800, $0x38;
	[tilespmem:$0x1EA00] =	vst v63  }
0x40: {  	_ =	swait.ge [sflag:s1], $0x2800  }
0x41: {  	[sflag:s1] =	ssyncset.done $0x0  }
0x42: {  	[sflag:s1] =	ssyncadd.s32 $0xFFFFD800  }
0x43: {  	[spmem:s21] =	stream.linear.scatter [tilespmem:s0], [sflag:$0x5], $0x2800, $0x38;
	[tilespmem:$0x1EA00] =	vst v63  }
0x44: {  	_ =	swait.ge [sflag:s1], $0x2800  }
0x45: {  	[sflag:s1] =	ssyncset.done $0x0  }
0x46: {  	[sflag:s1] =	ssyncadd.s32 $0xFFFFD800  }
0x47: {  	[spmem:s22] =	stream.linear.scatter [tilespmem:s0], [sflag:$0x5], $0x2800, $0x38;
	[tilespmem:$0x1EA00] =	vst v63  }
0x48: {  	_ =	swait.ge [sflag:s1], $0x2800  }
0x49: {  	[sflag:s1] =	ssyncset.done $0x0  }
0x4a: {  	[sflag:s1] =	ssyncadd.s32 $0xFFFFD800  }
0x4b: {  	[spmem:s23] =	stream.linear.scatter [tilespmem:s0], [sflag:$0x5], $0x2800, $0x38;
	[tilespmem:$0x1EA00] =	vst v63  }
0x4c: {  	_ =	swait.ge [sflag:s1], $0x2800  }
0x4d: {  	[sflag:s1] =	ssyncset.done $0x0  }
0x4e: {  	[sflag:s1] =	ssyncadd.s32 $0xFFFFD800  }
0x4f: {  	[spmem:s24] =	stream.linear.scatter [tilespmem:s0], [sflag:$0x5], $0x2800, $0x38;
	[tilespmem:$0x1EA00] =	vst v63  }
0x50: {  	_ =	swait.ge [sflag:s1], $0x2800  }
0x51: {  	[sflag:s1] =	ssyncset.done $0x0  }
0x52: {  	[sflag:s1] =	ssyncadd.s32 $0xFFFFD800  }
0x53: {  	[spmem:s25] =	stream.linear.scatter [tilespmem:s0], [sflag:$0x5], $0x2800, $0x38;
	[tilespmem:$0x1EA00] =	vst v63  }
0x54: {  	_ =	swait.ge [sflag:s1], $0x2800  }
0x55: {  	[sflag:s1] =	ssyncset.done $0x0  }
0x56: {  	[sflag:s1] =	ssyncadd.s32 $0xFFFFD800  }
0x57: {  	[spmem:s26] =	stream.linear.scatter [tilespmem:s0], [sflag:$0x5], $0x2800, $0x38;
	[tilespmem:$0x1EA00] =	vst v63  }
0x58: {  	_ =	swait.ge [sflag:s1], $0x2800  }
0x59: {  	[sflag:s1] =	ssyncset.done $0x0  }
0x5a: {  	s13 =	simm.s32 $0x200;
	s14 =	simm.s32 $0x0;
	[sflag:s1] =	ssyncadd.s32 $0xFFFFD800  }
.LBB2_4:
0x5b: {  	p0 =	sne.s32 s13, $0x9E00;
	[tilespmem:s14+$0x8200] =	vst v1;
	s14 =	smov.u32 s13;
	s13 =	sadd.s32 $0x200, s13  }
.Ltmp1:
0x5c: {  	(pc) =	sbr.rel @p0 .LBB2_4-.Ltmp1, $2  }
0x5d: {  	_ =	sdelay $0x2  }
0x5e: {  	s14 =	sshra.s32 s14, $0x2  }
0x5f: {  	[tilespmem:s14+$0x8200] =	vst v1  }
0x60: {  	[bflag:$0x0] =	sbarrier.arrive $0xFFFF  }
0x61: {  	s13 =	simm.s32 $0x0;
	s28 =	rddreg [dreg:$0x5]  }
0x62: {  	[tilespmem:s13], [sflag:$0x5] =	stream.linear.gather [hbm4b:s28+s13], $0x80, $0x38;
	[tilespmem:$0x1EA00] =	vst v63  }
0x63: {  	_ =	swait.ge [sflag:s1], $0x80  }
0x64: {  	[sflag:s1] =	ssyncset.done $0x0  }
0x65: {  	[sflag:s1] =	ssyncadd.s32 $0xFFFFFF80  }
0x66: {  	[tilespmem:s3], [sflag:$0x1] =	stream.indirect.gather [hbm4b:s16+s2], $0x80, s13, s2, $0xb8;
	[tilespmem:$0x1EA00] =	vst v63  }
0x67: {  	s28 =	rddreg [dreg:$0x6]  }
0x68: {  	[tilespmem:s2], [sflag:$0x5] =	stream.linear.gather [hbm4b:s28+s13], $0x80, $0x38;
	[tilespmem:$0x1EA00] =	vst v63  }
0x69: {  	_ =	swait.ge [sflag:s1], $0x80  }
0x6a: {  	[sflag:s1] =	ssyncset.done $0x0  }
0x6b: {  	[sflag:s1] =	ssyncadd.s32 $0xFFFFFF80  }
0x6c: {  	[tilespmem:s4], [sflag:$0x2] =	stream.indirect.gather [hbm4b:s16+s2], $0x80, s2, s2, $0xb8;
	[tilespmem:$0x1EA00] =	vst v63  }
0x6d: {  	_ =	swait.ge [sflag:s5], $0x4000  }
0x6e: {  	[sflag:s5] =	ssyncset.done $0x0  }
0x6f: {  	s28 =	rddreg [dreg:$0x7];
	[sflag:s5] =	ssyncadd.s32 $0xFFFFC000  }
0x70: {  	[hbm4b:s28+s13] =	stream.linear.scatter [tilespmem:s3], [sflag:$0x5], $0x4000, $0x38;
	[tilespmem:$0x1EA00] =	vst v63  }
0x71: {  	_ =	swait.ge [sflag:s1], $0x4000  }
0x72: {  	[sflag:s1] =	ssyncset.done $0x0  }
0x73: {  	s28 =	rddreg [dreg:$0x8];
	[sflag:s1] =	ssyncadd.s32 $0xFFFFC000  }
0x74: {  	[tilespmem:s13], [sflag:$0x5] =	stream.linear.gather [hbm4b:s28+s13], $0x80, $0x38;
	[tilespmem:$0x1EA00] =	vst v63  }
0x75: {  	_ =	swait.ge [sflag:s1], $0x80  }
0x76: {  	[sflag:s1] =	ssyncset.done $0x0  }
0x77: {  	[sflag:s1] =	ssyncadd.s32 $0xFFFFFF80  }
0x78: {  	[tilespmem:s3], [sflag:$0x1] =	stream.indirect.gather [hbm4b:s16+s2], $0x80, s13, s2, $0xb8;
	[tilespmem:$0x1EA00] =	vst v63  }
0x79: {  	_ =	swait.ge [sflag:s6], $0x4000  }
0x7a: {  	[sflag:s6] =	ssyncset.done $0x0  }
0x7b: {  	s28 =	rddreg [dreg:$0x9];
	[sflag:s6] =	ssyncadd.s32 $0xFFFFC000  }
0x7c: {  	[hbm4b:s28+s13] =	stream.linear.scatter [tilespmem:s4], [sflag:$0x5], $0x4000, $0x38;
	[tilespmem:$0x1EA00] =	vst v63  }
0x7d: {  	_ =	swait.ge [sflag:s1], $0x4000  }
0x7e: {  	[sflag:s1] =	ssyncset.done $0x0  }
0x7f: {  	[sflag:s1] =	ssyncadd.s32 $0xFFFFC000  }
0x80: {  	_ =	swait.ge [sflag:s5], $0x4000  }
0x81: {  	[sflag:s5] =	ssyncset.done $0x0  }
0x82: {  	s28 =	rddreg [dreg:$0xa];
	[sflag:s5] =	ssyncadd.s32 $0xFFFFC000  }
0x83: {  	[hbm4b:s28+s13] =	stream.linear.scatter [tilespmem:s3], [sflag:$0x5], $0x4000, $0x38;
	[tilespmem:$0x1EA00] =	vst v63  }
0x84: {  	_ =	swait.ge [sflag:s1], $0x4000  }
0x85: {  	[sflag:s1] =	ssyncset.done $0x0  }
0x86: {  	[sflag:s1] =	ssyncadd.s32 $0xFFFFC000  }
0x87: {  	[tilespmem:s7], [sflag:$0x5] =	stream.linear.gather [hbm4b:s29+s13], $0x80, $0x38;
	[tilespmem:$0x1EA00] =	vst v63  }
0x88: {  	_ =	swait.ge [sflag:s1], $0x80  }
0x89: {  	[sflag:s1] =	ssyncset.done $0x0  }
0x8a: {  	[sflag:s1] =	ssyncadd.s32 $0xFFFFFF80  }
0x8b: {  	[spmem:s18] =	stream.indirect.scatter.add.f32 [tilespmem:s0], [sflag:$0x3], $0x80, s7, s8, $0xb8;
	[tilespmem:$0x1EA00] =	vst v63  }
0x8c: {  	_ = 	snop  }
0x8d: {  	[tilespmem:s9], [sflag:$0x5] =	stream.linear.gather [hbm4b:s30+s13], $0x80, $0x38;
	[tilespmem:$0x1EA00] =	vst v63  }
0x8e: {  	_ =	swait.ge [sflag:s1], $0x80  }
0x8f: {  	[sflag:s1] =	ssyncset.done $0x0  }
0x90: {  	[sflag:s1] =	ssyncadd.s32 $0xFFFFFF80  }
0x91: {  	[spmem:s18] =	stream.indirect.scatter.add.f32 [tilespmem:s0], [sflag:$0x4], $0x80, s9, s8, $0xb8;
	[tilespmem:$0x1EA00] =	vst v63  }
0x92: {  	_ =	swait.ge [sflag:s10], $0x2800  }
0x93: {  	[sflag:s10] =	ssyncset.done $0x0  }
0x94: {  	s14 =	sadd.s32 $0x0, s17;
	[sflag:s10] =	ssyncadd.s32 $0xFFFFD800  }
0x95: {  	[tilespmem:s7], [sflag:$0x5] =	stream.linear.gather [hbm4b:s14+s15], $0x80, $0x38;
	[tilespmem:$0x1EA00] =	vst v63  }
0x96: {  	_ =	swait.ge [sflag:s1], $0x80  }
0x97: {  	[sflag:s1] =	ssyncset.done $0x0  }
0x98: {  	[sflag:s1] =	ssyncadd.s32 $0xFFFFFF80  }
0x99: {  	[spmem:s18] =	stream.indirect.scatter.add.f32 [tilespmem:s0], [sflag:$0x3], $0x80, s7, s8, $0xb8;
	[tilespmem:$0x1EA00] =	vst v63  }
0x9a: {  	_ =	swait.ge [sflag:s11], $0x2800  }
0x9b: {  	[sflag:s11] =	ssyncset.done $0x0  }
0x9c: {  	s28 =	sadd.s32 $0x0, s31;
	[sflag:s11] =	ssyncadd.s32 $0xFFFFD800  }
0x9d: {  	[tilespmem:s9], [sflag:$0x5] =	stream.linear.gather [hbm4b:s28+s15], $0x80, $0x38;
	[tilespmem:$0x1EA00] =	vst v63  }
0x9e: {  	_ =	swait.ge [sflag:s1], $0x80  }
0x9f: {  	[sflag:s1] =	ssyncset.done $0x0  }
0xa0: {  	s13 =	simm.s32 $0x80;
	[sflag:s1] =	ssyncadd.s32 $0xFFFFFF80  }
.LBB2_6:
0xa1: {  	[spmem:s18] =	stream.indirect.scatter.add.f32 [tilespmem:s0], [sflag:$0x4], $0x80, s9, s8, $0xb8;
	[tilespmem:$0x1EA00] =	vst v63  }
0xa2: {  	s14 =	smov.u32 s13  }
0xa3: {  	p0 =	sne.s32 s13, $0x1E80;
	s13 =	sadd.s32 $0x80, s13;
	_ =	swait.ge [sflag:s10], $0x2800  }
0xa4: {  	[sflag:s10] =	ssyncset.done $0x0  }
0xa5: {  	s28 =	sadd.s32 s14, s17;
	[sflag:s10] =	ssyncadd.s32 $0xFFFFD800  }
0xa6: {  	[tilespmem:s7], [sflag:$0x5] =	stream.linear.gather [hbm4b:s28+s15], $0x80, $0x38;
	[tilespmem:$0x1EA00] =	vst v63  }
0xa7: {  	_ =	swait.ge [sflag:s1], $0x80  }
0xa8: {  	[sflag:s1] =	ssyncset.done $0x0  }
0xa9: {  	[sflag:s1] =	ssyncadd.s32 $0xFFFFFF80  }
0xaa: {  	[spmem:s18] =	stream.indirect.scatter.add.f32 [tilespmem:s0], [sflag:$0x3], $0x80, s7, s8, $0xb8;
	[tilespmem:$0x1EA00] =	vst v63  }
0xab: {  	_ =	swait.ge [sflag:s11], $0x2800  }
0xac: {  	[sflag:s11] =	ssyncset.done $0x0  }
.Ltmp2:
0xad: {  	s14 =	sadd.s32 s14, s31;
	[sflag:s11] =	ssyncadd.s32 $0xFFFFD800;
	(pc) =	sbr.rel @p0 .LBB2_6-.Ltmp2, $4  }
0xae: {  	[tilespmem:s9], [sflag:$0x5] =	stream.linear.gather [hbm4b:s14+s15], $0x80, $0x38;
	[tilespmem:$0x1EA00] =	vst v63  }
0xaf: {  	_ =	swait.ge [sflag:s1], $0x80  }
0xb0: {  	[sflag:s1] =	ssyncset.done $0x0  }
0xb1: {  	[sflag:s1] =	ssyncadd.s32 $0xFFFFFF80  }
0xb2: {  	[spmem:s18] =	stream.indirect.scatter.add.f32 [tilespmem:s0], [sflag:$0x4], $0x80, s9, s8, $0xb8;
	[tilespmem:$0x1EA00] =	vst v63  }
0xb3: {  	_ =	swait.ge [sflag:s10], $0x2800  }
0xb4: {  	[sflag:s10] =	ssyncset.done $0x0  }
0xb5: {  	[sflag:s10] =	ssyncadd.s32 $0xFFFFD800  }
0xb6: {  	_ =	swait.ge [sflag:s11], $0x2800  }
0xb7: {  	[sflag:s11] =	ssyncset.done $0x0  }
0xb8: {  	s13 =	stileid.u32;
	[sflag:s11] =	ssyncadd.s32 $0xFFFFD800  }
0xb9: {  	s13 =	sshll.u32 s13, $0x6;
	[bflag:$0x0] =	sbarrier.arrive $0xFFFF  }
0xba: {  	s14 =	sshrl.u32 s19, $0x3;
	s13 =	sor.u32 $0x1C05, s13;
	s28 =	rddreg [dreg:$0xb]  }
0xbb: {  	[hbm:s28], [sflag:s13] =	dma.local [spmem:s14], $0x500  }
0xbc: {  	_ =	swait.ge [sflag:s1], $0x500  }
0xbd: {  	[sflag:s1] =	ssyncset.done $0x0  }
0xbe: {  	s14 =	sshrl.u32 s20, $0x3;
	s28 =	rddreg [dreg:$0xc];
	[sflag:s1] =	ssyncadd.s32 $0xFFFFFB00  }
0xbf: {  	[hbm:s28], [sflag:s13] =	dma.local [spmem:s14], $0x500  }
0xc0: {  	_ =	swait.ge [sflag:s1], $0x500  }
0xc1: {  	[sflag:s1] =	ssyncset.done $0x0  }
0xc2: {  	s14 =	sshrl.u32 s21, $0x3;
	s28 =	rddreg [dreg:$0xd];
	[sflag:s1] =	ssyncadd.s32 $0xFFFFFB00  }
0xc3: {  	[hbm:s28], [sflag:s13] =	dma.local [spmem:s14], $0x500  }
0xc4: {  	_ =	swait.ge [sflag:s1], $0x500  }
0xc5: {  	[sflag:s1] =	ssyncset.done $0x0  }
0xc6: {  	s14 =	sshrl.u32 s22, $0x3;
	s28 =	rddreg [dreg:$0xe];
	[sflag:s1] =	ssyncadd.s32 $0xFFFFFB00  }
0xc7: {  	[hbm:s28], [sflag:s13] =	dma.local [spmem:s14], $0x500  }
0xc8: {  	_ =	swait.ge [sflag:s1], $0x500  }
0xc9: {  	[sflag:s1] =	ssyncset.done $0x0  }
0xca: {  	s14 =	sshrl.u32 s23, $0x3;
	s28 =	rddreg [dreg:$0xf];
	[sflag:s1] =	ssyncadd.s32 $0xFFFFFB00  }
0xcb: {  	[hbm:s28], [sflag:s13] =	dma.local [spmem:s14], $0x500  }
0xcc: {  	_ =	swait.ge [sflag:s1], $0x500  }
0xcd: {  	[sflag:s1] =	ssyncset.done $0x0  }
0xce: {  	s14 =	sshrl.u32 s24, $0x3;
	s28 =	rddreg [dreg:$0x10];
	[sflag:s1] =	ssyncadd.s32 $0xFFFFFB00  }
0xcf: {  	[hbm:s28], [sflag:s13] =	dma.local [spmem:s14], $0x500  }
0xd0: {  	_ =	swait.ge [sflag:s1], $0x500  }
0xd1: {  	[sflag:s1] =	ssyncset.done $0x0  }
0xd2: {  	s14 =	sshrl.u32 s25, $0x3;
	s28 =	rddreg [dreg:$0x11];
	[sflag:s1] =	ssyncadd.s32 $0xFFFFFB00  }
0xd3: {  	[hbm:s28], [sflag:s13] =	dma.local [spmem:s14], $0x500  }
0xd4: {  	_ =	swait.ge [sflag:s1], $0x500  }
0xd5: {  	[sflag:s1] =	ssyncset.done $0x0  }
0xd6: {  	s14 =	sshrl.u32 s26, $0x3;
	s28 =	rddreg [dreg:$0x12];
	[sflag:s1] =	ssyncadd.s32 $0xFFFFFB00  }
0xd7: {  	[hbm:s28], [sflag:s13] =	dma.local [spmem:s14], $0x500  }
0xd8: {  	_ =	swait.ge [sflag:s1], $0x500  }
0xd9: {  	s12 =	sadd.s32 $0x1, s12;
	s28 =	rddreg [dreg:$0x13]  }
0xda: {  	p0 =	sne.s32 s12, s28  }
.Ltmp3:
0xdb: {  	_ = 	snop;
	(pc) =	sbr.rel @p0 .LBB2_1-.Ltmp3, $3  }
0xdc: {  	_ =	sdelay $0x1  }
0xdd: {  	[sflag:s1] =	ssyncset.done $0x0  }
0xde: {  	[sflag:s1] =	ssyncadd.s32 $0xFFFFFB00  }
0xdf: {  	_ =	sfence.sel $0x180000  }
0xe0: {  	[bflag:$0x0] =	sbarrier.arrive $0xFFFF  }
0xe1: {  	_ =	strace $0x90000047  }
0xe2: {  	s0 =	stileid.u32;
	[bflag:$0x2] =	sbarrier.arrive $0xFFFF  }
0xe3: {  	p0 =	sne.s32 s0, $0x0;
	s0 =	rddreg [dreg:$0x4]  }
0xe4: {  	s0 =	sadd.s32 @!p0 $0x100000, s0  }
0xe5: {  	[sflag:s0] =	ssyncadd.tile.s32 @!p0 $0x1;
	_ =	shalt  }
.Lfunc_end2:
_tile_overlayer_lowered:
.L_overlay_start_2:
0xe6: {  	(tag) =	ssettag $0x2  }
0xe7: {  	s0 =	rddreg [dreg:$0x0];
	s2 =	stileid.u32  }
0xe8: {  	s1 =	rddreg [dreg:$0x1];
	p0 =	sne.s32 s2, $0x0  }
0xe9: {  	s3 =	rddreg [dreg:$0x2];
	[bflag:$0x3] =	sbarrier.arrive $0xFFFF;
	s2 =	simm.s32 @!p0 $0x1C05  }
0xea: {  	[timem:s3], [sflag:s2] =	dma.local @!p0 [hbm:s0], s1  }
0xeb: {  	s0 =	simm.s32 @!p0 $0x5  }
0xec: {  	_ =	swait.ge @!p0 [sflag:s0], s1  }
0xed: {  	s1 =	ssub.s32 @!p0 $0x0, s1;
	[sflag:s0] =	ssyncset.done @!p0 $0x0  }
0xee: {  	[sflag:s0] =	ssyncadd.s32 @!p0 s1  }
0xef: {  	[bflag:$0x3] =	sbarrier.arrive $0xFFFF  }
0xf0: {  	_ =	shalt  }

</sc_bundles>
